<compile_context>
chip_gen: v7x
topology: tpu7x:2x2x1
jax: 0.10.2.dev20260603
libtpu: 0.0.44.dev20260713+nightly
codegen_flags: <defaults>
</compile_context>

<pallas_src>
import functools

import jax
import jax.numpy as jnp
from jax import lax
from jax.experimental import pallas as pl
from jax.experimental.pallas import tpu as pltpu
from jax.experimental.pallas import tpu_sc as plsc

NC, NS, L = 2, 16, 16
NW = NC * NS
BSZ, SEQ, D = 4, 8192, 1024
POS_PER_W = SEQ // NW
CHUNK = 32
NCHUNK = POS_PER_W // CHUNK
NITEM = NCHUNK * BSZ


def _body(ids_hbm, w_hbm, pe_hbm, out_hbm, pos_hbm,
          idx_v, pe_v, tok0, tok1, pos_v, gsem0, gsem1, ssem0, ssem1):
  toks = (tok0, tok1)
  gsems = (gsem0, gsem1)
  ssems = (ssem0, ssem1)
  wid = lax.axis_index("s") * NC + lax.axis_index("c")
  p0 = wid * POS_PER_W

  @pl.loop(0, POS_PER_W // L)
  def _(i):
    pos_v[pl.ds(i * L, L)] = p0 + i * L + lax.iota(jnp.int32, L)

  for b in range(BSZ):
    pltpu.sync_copy(pos_v, pos_hbm.at[pl.ds(b * SEQ + p0, POS_PER_W)])

  for b in range(BSZ):
    pltpu.sync_copy(ids_hbm.at[pl.ds(b * SEQ + p0, POS_PER_W)],
                    idx_v.at[pl.ds(b * POS_PER_W, POS_PER_W)])

  def item_idx(t):
    k, b = divmod(t, BSZ)
    return b * POS_PER_W + k * CHUNK

  def out_off(t):
    k, b = divmod(t, BSZ)
    return b * SEQ + p0 + k * CHUNK

  def start_gather(t):
    s = t % 2
    pltpu.async_copy(w_hbm.at[idx_v.at[pl.ds(item_idx(t), CHUNK)]],
                     toks[s], gsems[s])

  pltpu.sync_copy(pe_hbm.at[pl.ds(p0, CHUNK), :], pe_v)
  start_gather(0)

  for t in range(NITEM):
    s = t % 2
    if t + 1 < NITEM:
      if t + 1 >= 2:
        pltpu.make_async_copy(toks[(t + 1) % 2],
                              out_hbm.at[pl.ds(out_off(t - 1), CHUNK), :],
                              ssems[(t + 1) % 2]).wait()
      start_gather(t + 1)
    pltpu.make_async_copy(w_hbm.at[idx_v.at[pl.ds(item_idx(t), CHUNK)]],
                          toks[s], gsems[s]).wait()

    tok = toks[s]

    @pl.loop(0, CHUNK)
    def _(r):
      @pl.loop(0, D // L)
      def _(j):
        sl = pl.ds(j * L, L)
        tok[r, sl] = tok[r, sl] + pe_v[r, sl]

    pltpu.async_copy(tok, out_hbm.at[pl.ds(out_off(t), CHUNK), :], ssems[s])

    if t + 1 < NITEM and (t + 1) % BSZ == 0:
      pltpu.sync_copy(pe_hbm.at[pl.ds(p0 + ((t + 1) // BSZ) * CHUNK, CHUNK), :],
                      pe_v)

  pltpu.make_async_copy(toks[(NITEM - 2) % 2],
                        out_hbm.at[pl.ds(out_off(NITEM - 2), CHUNK), :],
                        ssems[(NITEM - 2) % 2]).wait()
  pltpu.make_async_copy(toks[(NITEM - 1) % 2],
                        out_hbm.at[pl.ds(out_off(NITEM - 1), CHUNK), :],
                        ssems[(NITEM - 1) % 2]).wait()


@jax.jit
def _run(ids_flat, W, pe):
  mesh = plsc.VectorSubcoreMesh(core_axis_name="c", subcore_axis_name="s",
                                num_cores=NC, num_subcores=NS)
  out_type = (jax.ShapeDtypeStruct((BSZ * SEQ, D), jnp.float32),
              jax.ShapeDtypeStruct((BSZ * SEQ,), jnp.int32))
  scratch = [
      pltpu.VMEM((BSZ * POS_PER_W,), jnp.int32),
      pltpu.VMEM((CHUNK, D), jnp.float32),
      pltpu.VMEM((CHUNK, D), jnp.float32),
      pltpu.VMEM((CHUNK, D), jnp.float32),
      pltpu.VMEM((POS_PER_W,), jnp.int32),
      pltpu.SemaphoreType.DMA,
      pltpu.SemaphoreType.DMA,
      pltpu.SemaphoreType.DMA,
      pltpu.SemaphoreType.DMA,
  ]
  return pl.kernel(_body, out_type=out_type, mesh=mesh,
                   scratch_types=scratch)(ids_flat, W, pe)


def kernel(input_ids, W, pe):
  ids_flat = input_ids.reshape(-1).astype(jnp.int32)
  x, pos = _run(ids_flat, W, pe)
  return (x.reshape(BSZ, SEQ, D),
          pos.reshape(BSZ, SEQ).astype(input_ids.dtype))

# --- scband reference (transcript-rebuilt; emitter-appended) ---
"""Pipeline reference for scband-sinusoidal-embedding-46746424050217 (READ-ONLY COPY).

The authoritative reference and input builder live on the scoring server;
editing this copy changes nothing except your own understanding.
"""

import math
import jax, jax.numpy as jnp
import numpy as np

VOCAB_SIZE = 100000
HIDDEN_SIZE = 1024
MAX_SEQ_LEN = 8192


def _build_pe(max_seq_len, hidden_size):
    position = jnp.arange(0, max_seq_len, dtype=jnp.float32)[:, None]
    div_term = jnp.exp(jnp.arange(0, hidden_size, 2, dtype=jnp.float32) * (-math.log(10000.0) / hidden_size))
    pe = jnp.zeros((max_seq_len, hidden_size), dtype=jnp.float32)
    pe = pe.at[:, 0::2].set(jnp.sin(position * div_term))
    pe = pe.at[:, 1::2].set(jnp.cos(position * div_term))
    return pe


def setup_inputs(seed: int = 0) -> dict:
    key = jax.random.key(seed)
    k_ids, k_w = jax.random.split(key)
    input_ids = jax.random.randint(k_ids, (4, 8192), 0, VOCAB_SIZE, dtype=jnp.int64 if jax.config.jax_enable_x64 else jnp.int32)
    W = jax.random.normal(k_w, (VOCAB_SIZE, HIDDEN_SIZE), dtype=jnp.float32)
    pe = _build_pe(MAX_SEQ_LEN, HIDDEN_SIZE)
    return {"input_ids": input_ids, "W": W, "pe": pe}


def reference(input_ids, W, pe):
    bsz, seq_len = input_ids.shape
    pos = jnp.broadcast_to(jnp.arange(seq_len, dtype=input_ids.dtype)[None, :], (bsz, seq_len))
    tok = jnp.take(W, input_ids, axis=0)
    pos_enc = jnp.take(pe, pos, axis=0).astype(W.dtype)
    x = tok + pos_enc
    return (x, pos)

if __name__ == "__main__":
    import jax
    _d = setup_inputs()
    print(jax.jit(kernel)(*tuple(_d.values())))

</pallas_src>

<mosaic_0001>
#map = affine_map<(d0, d1) -> (0)>
#map1 = affine_map<(d0, d1) -> (0, 0)>
module attributes {stable_mosaic.version = 14 : i64} {
  func.func @_body(%arg0: i32, %arg1: i32, %arg2: memref<32768xi32, #tpu.memory_space<hbm>>, %arg3: memref<100000x1024xf32, #tpu.memory_space<hbm>>, %arg4: memref<8192x1024xf32, #tpu.memory_space<hbm>>, %arg5: memref<32768x1024xf32, #tpu.memory_space<hbm>>, %arg6: memref<32768xi32, #tpu.memory_space<hbm>>, %arg7: memref<1024xi32, #tpu.memory_space<vmem>>, %arg8: memref<32x1024xf32, #tpu.memory_space<vmem>>, %arg9: memref<32x1024xf32, #tpu.memory_space<vmem>>, %arg10: memref<32x1024xf32, #tpu.memory_space<vmem>>, %arg11: memref<256xi32, #tpu.memory_space<vmem>>, %arg12: memref<!tpu.dma_semaphore, #tpu.memory_space<semaphore_mem>>, %arg13: memref<!tpu.dma_semaphore, #tpu.memory_space<semaphore_mem>>, %arg14: memref<!tpu.dma_semaphore, #tpu.memory_space<semaphore_mem>>, %arg15: memref<!tpu.dma_semaphore, #tpu.memory_space<semaphore_mem>>) attributes {dimension_semantics = [#tpu.dimension_semantics<core_parallel>, #tpu.dimension_semantics<subcore_parallel>], iteration_bounds = array<i64: 2, 16>, scalar_prefetch = 0 : i64, scratch_operands = 9 : i64, tpu.core_type = #tpu.core_type<sc_vector_subcore>, window_params = [{transform_indices = #map}, {transform_indices = #map1}, {transform_indices = #map1}, {transform_indices = #map1}, {transform_indices = #map}]} {
    %mul3A = arith.constant 2 : i32
    %mul3A_0 = arith.muli %arg1, %mul3A : i32
    %add3A = arith.addi %mul3A_0, %arg0 : i32
    %mul3A_1 = arith.constant 256 : i32
    %mul3A_2 = arith.muli %add3A, %mul3A_1 : i32
    %scan3A = arith.constant 0 : i32
    %scan3A_3 = arith.constant 16 : i32
    %scan3A_4 = arith.addi %scan3A, %scan3A_3 : i32
    %scan3A_5 = arith.constant 1 : i32
    scf.for %scan3A_1027 = %scan3A to %scan3A_4 step %scan3A_5  : i32 {
      %mul3A_1028 = arith.constant 1 : i32
      %mul3A_1029 = arith.muli %scan3A_1027, %mul3A_1028 : i32
      %add3A_1030 = arith.constant 0 : i32
      %add3A_1031 = arith.addi %add3A_1030, %mul3A_1029 : i32
      %mul3A_1032 = arith.constant 16 : i32
      %mul3A_1033 = arith.muli %add3A_1031, %mul3A_1032 : i32
      %add3A_1034 = arith.addi %mul3A_2, %mul3A_1033 : i32
      %iota3A = tpu.iota {dimensions = array<i32: 0>} : vector<16xi32>
      %add3A_1035 = vector.broadcast %add3A_1034 : i32 to vector<16xi32>
      %add3A_1036 = arith.addi %add3A_1035, %iota3A : vector<16xi32>
      %mul3A_1037 = arith.constant 16 : i32
      %mul3A_1038 = arith.muli %add3A_1031, %mul3A_1037 : i32
      %swap3A = arith.index_cast %mul3A_1038 : i32 to index
      %swap3A_1039 = tpu.vector_load %arg11[%swap3A] {strides = array<i32>} : memref<256xi32, #tpu.memory_space<vmem>>, vector<16xi32>,
      %swap3A_1040 = vector.shape_cast %swap3A_1039 : vector<16xi32> to vector<16xi32>
      %swap3A_1041 = vector.shape_cast %add3A_1036 : vector<16xi32> to vector<16xi32>
      tpu.vector_store %arg11[%swap3A], %swap3A_1041 {strides = array<i32>} : memref<256xi32, #tpu.memory_space<vmem>>, vector<16xi32>,
    }
    %scan3A_6 = arith.constant 16 : i32
    %add3A_7 = arith.constant 0 : i32
    %add3A_8 = arith.addi %add3A_7, %mul3A_2 : i32
    "tpu.region"() ({
      %run_scoped3A = tpu.sem_alloc : memref<!tpu.dma_semaphore, #tpu.memory_space<semaphore_mem>>
      %dma_start3A_1027 = tpu.memref_slice %arg6[%add3A_8] : memref<32768xi32, #tpu.memory_space<hbm>> -> memref<256xi32, #tpu.memory_space<hbm>>
      %dma_start3A_1028 = tpu.memref_slice %arg6[%add3A_8] : memref<32768xi32, #tpu.memory_space<hbm>> -> memref<256xi32, #tpu.memory_space<hbm>>
      tpu.enqueue_dma source(%arg11 : memref<256xi32, #tpu.memory_space<vmem>>) target(%dma_start3A_1028 : memref<256xi32, #tpu.memory_space<hbm>>) target_semaphore(%run_scoped3A : memref<!tpu.dma_semaphore, #tpu.memory_space<semaphore_mem>>)
      %dma_wait3A_1029 = tpu.memref_slice %arg6[%add3A_8] : memref<32768xi32, #tpu.memory_space<hbm>> -> memref<256xi32, #tpu.memory_space<hbm>>
      %dma_wait3A_1030 = tpu.memref_slice %arg6[%add3A_8] : memref<32768xi32, #tpu.memory_space<hbm>> -> memref<256xi32, #tpu.memory_space<hbm>>
      tpu.wait_dma2 semaphore(%run_scoped3A : memref<!tpu.dma_semaphore, #tpu.memory_space<semaphore_mem>>) src(%arg11 : memref<256xi32, #tpu.memory_space<vmem>>) dst(%dma_wait3A_1030 : memref<256xi32, #tpu.memory_space<hbm>>)
      tpu.yield
    }) : () -> ()
    %add3A_9 = arith.constant 8192 : i32
    %add3A_10 = arith.addi %add3A_9, %mul3A_2 : i32
    "tpu.region"() ({
      %run_scoped3A = tpu.sem_alloc : memref<!tpu.dma_semaphore, #tpu.memory_space<semaphore_mem>>
      %dma_start3A_1027 = tpu.memref_slice %arg6[%add3A_10] : memref<32768xi32, #tpu.memory_space<hbm>> -> memref<256xi32, #tpu.memory_space<hbm>>
      %dma_start3A_1028 = tpu.memref_slice %arg6[%add3A_10] : memref<32768xi32, #tpu.memory_space<hbm>> -> memref<256xi32, #tpu.memory_space<hbm>>
      tpu.enqueue_dma source(%arg11 : memref<256xi32, #tpu.memory_space<vmem>>) target(%dma_start3A_1028 : memref<256xi32, #tpu.memory_space<hbm>>) target_semaphore(%run_scoped3A : memref<!tpu.dma_semaphore, #tpu.memory_space<semaphore_mem>>)
      %dma_wait3A_1029 = tpu.memref_slice %arg6[%add3A_10] : memref<32768xi32, #tpu.memory_space<hbm>> -> memref<256xi32, #tpu.memory_space<hbm>>
      %dma_wait3A_1030 = tpu.memref_slice %arg6[%add3A_10] : memref<32768xi32, #tpu.memory_space<hbm>> -> memref<256xi32, #tpu.memory_space<hbm>>
      tpu.wait_dma2 semaphore(%run_scoped3A : memref<!tpu.dma_semaphore, #tpu.memory_space<semaphore_mem>>) src(%arg11 : memref<256xi32, #tpu.memory_space<vmem>>) dst(%dma_wait3A_1030 : memref<256xi32, #tpu.memory_space<hbm>>)
      tpu.yield
    }) : () -> ()
    %add3A_11 = arith.constant 16384 : i32
    %add3A_12 = arith.addi %add3A_11, %mul3A_2 : i32
    "tpu.region"() ({
      %run_scoped3A = tpu.sem_alloc : memref<!tpu.dma_semaphore, #tpu.memory_space<semaphore_mem>>
      %dma_start3A_1027 = tpu.memref_slice %arg6[%add3A_12] : memref<32768xi32, #tpu.memory_space<hbm>> -> memref<256xi32, #tpu.memory_space<hbm>>
      %dma_start3A_1028 = tpu.memref_slice %arg6[%add3A_12] : memref<32768xi32, #tpu.memory_space<hbm>> -> memref<256xi32, #tpu.memory_space<hbm>>
      tpu.enqueue_dma source(%arg11 : memref<256xi32, #tpu.memory_space<vmem>>) target(%dma_start3A_1028 : memref<256xi32, #tpu.memory_space<hbm>>) target_semaphore(%run_scoped3A : memref<!tpu.dma_semaphore, #tpu.memory_space<semaphore_mem>>)
      %dma_wait3A_1029 = tpu.memref_slice %arg6[%add3A_12] : memref<32768xi32, #tpu.memory_space<hbm>> -> memref<256xi32, #tpu.memory_space<hbm>>
      %dma_wait3A_1030 = tpu.memref_slice %arg6[%add3A_12] : memref<32768xi32, #tpu.memory_space<hbm>> -> memref<256xi32, #tpu.memory_space<hbm>>
      tpu.wait_dma2 semaphore(%run_scoped3A : memref<!tpu.dma_semaphore, #tpu.memory_space<semaphore_mem>>) src(%arg11 : memref<256xi32, #tpu.memory_space<vmem>>) dst(%dma_wait3A_1030 : memref<256xi32, #tpu.memory_space<hbm>>)
      tpu.yield
    }) : () -> ()
    %add3A_13 = arith.constant 24576 : i32
    %add3A_14 = arith.addi %add3A_13, %mul3A_2 : i32
    "tpu.region"() ({
      %run_scoped3A = tpu.sem_alloc : memref<!tpu.dma_semaphore, #tpu.memory_space<semaphore_mem>>
      %dma_start3A_1027 = tpu.memref_slice %arg6[%add3A_14] : memref<32768xi32, #tpu.memory_space<hbm>> -> memref<256xi32, #tpu.memory_space<hbm>>
      %dma_start3A_1028 = tpu.memref_slice %arg6[%add3A_14] : memref<32768xi32, #tpu.memory_space<hbm>> -> memref<256xi32, #tpu.memory_space<hbm>>
      tpu.enqueue_dma source(%arg11 : memref<256xi32, #tpu.memory_space<vmem>>) target(%dma_start3A_1028 : memref<256xi32, #tpu.memory_space<hbm>>) target_semaphore(%run_scoped3A : memref<!tpu.dma_semaphore, #tpu.memory_space<semaphore_mem>>)
      %dma_wait3A_1029 = tpu.memref_slice %arg6[%add3A_14] : memref<32768xi32, #tpu.memory_space<hbm>> -> memref<256xi32, #tpu.memory_space<hbm>>
      %dma_wait3A_1030 = tpu.memref_slice %arg6[%add3A_14] : memref<32768xi32, #tpu.memory_space<hbm>> -> memref<256xi32, #tpu.memory_space<hbm>>
      tpu.wait_dma2 semaphore(%run_scoped3A : memref<!tpu.dma_semaphore, #tpu.memory_space<semaphore_mem>>) src(%arg11 : memref<256xi32, #tpu.memory_space<vmem>>) dst(%dma_wait3A_1030 : memref<256xi32, #tpu.memory_space<hbm>>)
      tpu.yield
    }) : () -> ()
    %add3A_15 = arith.constant 0 : i32
    %add3A_16 = arith.addi %add3A_15, %mul3A_2 : i32
    "tpu.region"() ({
      %run_scoped3A = tpu.sem_alloc : memref<!tpu.dma_semaphore, #tpu.memory_space<semaphore_mem>>
      %dma_start3A_1027 = arith.constant 0 : i32
      %dma_start3A_1028 = tpu.memref_slice %arg7[%dma_start3A_1027] : memref<1024xi32, #tpu.memory_space<vmem>> -> memref<256xi32, #tpu.memory_space<vmem>>
      %dma_start3A_1029 = tpu.memref_slice %arg2[%add3A_16] : memref<32768xi32, #tpu.memory_space<hbm>> -> memref<256xi32, #tpu.memory_space<hbm>>
      %dma_start3A_1030 = arith.constant 0 : i32
      %dma_start3A_1031 = tpu.memref_slice %arg7[%dma_start3A_1030] : memref<1024xi32, #tpu.memory_space<vmem>> -> memref<256xi32, #tpu.memory_space<vmem>>
      %dma_start3A_1032 = tpu.memref_slice %arg2[%add3A_16] : memref<32768xi32, #tpu.memory_space<hbm>> -> memref<256xi32, #tpu.memory_space<hbm>>
      tpu.enqueue_dma source(%dma_start3A_1032 : memref<256xi32, #tpu.memory_space<hbm>>) target(%dma_start3A_1031 : memref<256xi32, #tpu.memory_space<vmem>>) target_semaphore(%run_scoped3A : memref<!tpu.dma_semaphore, #tpu.memory_space<semaphore_mem>>)
      %dma_wait3A_1033 = arith.constant 0 : i32
      %dma_wait3A_1034 = tpu.memref_slice %arg7[%dma_wait3A_1033] : memref<1024xi32, #tpu.memory_space<vmem>> -> memref<256xi32, #tpu.memory_space<vmem>>
      %dma_wait3A_1035 = tpu.memref_slice %arg2[%add3A_16] : memref<32768xi32, #tpu.memory_space<hbm>> -> memref<256xi32, #tpu.memory_space<hbm>>
      %dma_wait3A_1036 = arith.constant 0 : i32
      %dma_wait3A_1037 = tpu.memref_slice %arg7[%dma_wait3A_1036] : memref<1024xi32, #tpu.memory_space<vmem>> -> memref<256xi32, #tpu.memory_space<vmem>>
      %dma_wait3A_1038 = tpu.memref_slice %arg2[%add3A_16] : memref<32768xi32, #tpu.memory_space<hbm>> -> memref<256xi32, #tpu.memory_space<hbm>>
      tpu.wait_dma2 semaphore(%run_scoped3A : memref<!tpu.dma_semaphore, #tpu.memory_space<semaphore_mem>>) src(%dma_wait3A_1038 : memref<256xi32, #tpu.memory_space<hbm>>) dst(%dma_wait3A_1037 : memref<256xi32, #tpu.memory_space<vmem>>)
      tpu.yield
    }) : () -> ()
    %add3A_17 = arith.constant 8192 : i32
    %add3A_18 = arith.addi %add3A_17, %mul3A_2 : i32
    "tpu.region"() ({
      %run_scoped3A = tpu.sem_alloc : memref<!tpu.dma_semaphore, #tpu.memory_space<semaphore_mem>>
      %dma_start3A_1027 = arith.constant 256 : i32
      %dma_start3A_1028 = tpu.memref_slice %arg7[%dma_start3A_1027] : memref<1024xi32, #tpu.memory_space<vmem>> -> memref<256xi32, #tpu.memory_space<vmem>>
      %dma_start3A_1029 = tpu.memref_slice %arg2[%add3A_18] : memref<32768xi32, #tpu.memory_space<hbm>> -> memref<256xi32, #tpu.memory_space<hbm>>
      %dma_start3A_1030 = arith.constant 256 : i32
      %dma_start3A_1031 = tpu.memref_slice %arg7[%dma_start3A_1030] : memref<1024xi32, #tpu.memory_space<vmem>> -> memref<256xi32, #tpu.memory_space<vmem>>
      %dma_start3A_1032 = tpu.memref_slice %arg2[%add3A_18] : memref<32768xi32, #tpu.memory_space<hbm>> -> memref<256xi32, #tpu.memory_space<hbm>>
      tpu.enqueue_dma source(%dma_start3A_1032 : memref<256xi32, #tpu.memory_space<hbm>>) target(%dma_start3A_1031 : memref<256xi32, #tpu.memory_space<vmem>>) target_semaphore(%run_scoped3A : memref<!tpu.dma_semaphore, #tpu.memory_space<semaphore_mem>>)
      %dma_wait3A_1033 = arith.constant 256 : i32
      %dma_wait3A_1034 = tpu.memref_slice %arg7[%dma_wait3A_1033] : memref<1024xi32, #tpu.memory_space<vmem>> -> memref<256xi32, #tpu.memory_space<vmem>>
      %dma_wait3A_1035 = tpu.memref_slice %arg2[%add3A_18] : memref<32768xi32, #tpu.memory_space<hbm>> -> memref<256xi32, #tpu.memory_space<hbm>>
      %dma_wait3A_1036 = arith.constant 256 : i32
      %dma_wait3A_1037 = tpu.memref_slice %arg7[%dma_wait3A_1036] : memref<1024xi32, #tpu.memory_space<vmem>> -> memref<256xi32, #tpu.memory_space<vmem>>
      %dma_wait3A_1038 = tpu.memref_slice %arg2[%add3A_18] : memref<32768xi32, #tpu.memory_space<hbm>> -> memref<256xi32, #tpu.memory_space<hbm>>
      tpu.wait_dma2 semaphore(%run_scoped3A : memref<!tpu.dma_semaphore, #tpu.memory_space<semaphore_mem>>) src(%dma_wait3A_1038 : memref<256xi32, #tpu.memory_space<hbm>>) dst(%dma_wait3A_1037 : memref<256xi32, #tpu.memory_space<vmem>>)
      tpu.yield
    }) : () -> ()
    %add3A_19 = arith.constant 16384 : i32
    %add3A_20 = arith.addi %add3A_19, %mul3A_2 : i32
    "tpu.region"() ({
      %run_scoped3A = tpu.sem_alloc : memref<!tpu.dma_semaphore, #tpu.memory_space<semaphore_mem>>
      %dma_start3A_1027 = arith.constant 512 : i32
      %dma_start3A_1028 = tpu.memref_slice %arg7[%dma_start3A_1027] : memref<1024xi32, #tpu.memory_space<vmem>> -> memref<256xi32, #tpu.memory_space<vmem>>
      %dma_start3A_1029 = tpu.memref_slice %arg2[%add3A_20] : memref<32768xi32, #tpu.memory_space<hbm>> -> memref<256xi32, #tpu.memory_space<hbm>>
      %dma_start3A_1030 = arith.constant 512 : i32
      %dma_start3A_1031 = tpu.memref_slice %arg7[%dma_start3A_1030] : memref<1024xi32, #tpu.memory_space<vmem>> -> memref<256xi32, #tpu.memory_space<vmem>>
      %dma_start3A_1032 = tpu.memref_slice %arg2[%add3A_20] : memref<32768xi32, #tpu.memory_space<hbm>> -> memref<256xi32, #tpu.memory_space<hbm>>
      tpu.enqueue_dma source(%dma_start3A_1032 : memref<256xi32, #tpu.memory_space<hbm>>) target(%dma_start3A_1031 : memref<256xi32, #tpu.memory_space<vmem>>) target_semaphore(%run_scoped3A : memref<!tpu.dma_semaphore, #tpu.memory_space<semaphore_mem>>)
      %dma_wait3A_1033 = arith.constant 512 : i32
      %dma_wait3A_1034 = tpu.memref_slice %arg7[%dma_wait3A_1033] : memref<1024xi32, #tpu.memory_space<vmem>> -> memref<256xi32, #tpu.memory_space<vmem>>
      %dma_wait3A_1035 = tpu.memref_slice %arg2[%add3A_20] : memref<32768xi32, #tpu.memory_space<hbm>> -> memref<256xi32, #tpu.memory_space<hbm>>
      %dma_wait3A_1036 = arith.constant 512 : i32
      %dma_wait3A_1037 = tpu.memref_slice %arg7[%dma_wait3A_1036] : memref<1024xi32, #tpu.memory_space<vmem>> -> memref<256xi32, #tpu.memory_space<vmem>>
      %dma_wait3A_1038 = tpu.memref_slice %arg2[%add3A_20] : memref<32768xi32, #tpu.memory_space<hbm>> -> memref<256xi32, #tpu.memory_space<hbm>>
      tpu.wait_dma2 semaphore(%run_scoped3A : memref<!tpu.dma_semaphore, #tpu.memory_space<semaphore_mem>>) src(%dma_wait3A_1038 : memref<256xi32, #tpu.memory_space<hbm>>) dst(%dma_wait3A_1037 : memref<256xi32, #tpu.memory_space<vmem>>)
      tpu.yield
    }) : () -> ()
    %add3A_21 = arith.constant 24576 : i32
    %add3A_22 = arith.addi %add3A_21, %mul3A_2 : i32
    "tpu.region"() ({
      %run_scoped3A = tpu.sem_alloc : memref<!tpu.dma_semaphore, #tpu.memory_space<semaphore_mem>>
      %dma_start3A_1027 = arith.constant 768 : i32
      %dma_start3A_1028 = tpu.memref_slice %arg7[%dma_start3A_1027] : memref<1024xi32, #tpu.memory_space<vmem>> -> memref<256xi32, #tpu.memory_space<vmem>>
      %dma_start3A_1029 = tpu.memref_slice %arg2[%add3A_22] : memref<32768xi32, #tpu.memory_space<hbm>> -> memref<256xi32, #tpu.memory_space<hbm>>
      %dma_start3A_1030 = arith.constant 768 : i32
      %dma_start3A_1031 = tpu.memref_slice %arg7[%dma_start3A_1030] : memref<1024xi32, #tpu.memory_space<vmem>> -> memref<256xi32, #tpu.memory_space<vmem>>
      %dma_start3A_1032 = tpu.memref_slice %arg2[%add3A_22] : memref<32768xi32, #tpu.memory_space<hbm>> -> memref<256xi32, #tpu.memory_space<hbm>>
      tpu.enqueue_dma source(%dma_start3A_1032 : memref<256xi32, #tpu.memory_space<hbm>>) target(%dma_start3A_1031 : memref<256xi32, #tpu.memory_space<vmem>>) target_semaphore(%run_scoped3A : memref<!tpu.dma_semaphore, #tpu.memory_space<semaphore_mem>>)
      %dma_wait3A_1033 = arith.constant 768 : i32
      %dma_wait3A_1034 = tpu.memref_slice %arg7[%dma_wait3A_1033] : memref<1024xi32, #tpu.memory_space<vmem>> -> memref<256xi32, #tpu.memory_space<vmem>>
      %dma_wait3A_1035 = tpu.memref_slice %arg2[%add3A_22] : memref<32768xi32, #tpu.memory_space<hbm>> -> memref<256xi32, #tpu.memory_space<hbm>>
      %dma_wait3A_1036 = arith.constant 768 : i32
      %dma_wait3A_1037 = tpu.memref_slice %arg7[%dma_wait3A_1036] : memref<1024xi32, #tpu.memory_space<vmem>> -> memref<256xi32, #tpu.memory_space<vmem>>
      %dma_wait3A_1038 = tpu.memref_slice %arg2[%add3A_22] : memref<32768xi32, #tpu.memory_space<hbm>> -> memref<256xi32, #tpu.memory_space<hbm>>
      tpu.wait_dma2 semaphore(%run_scoped3A : memref<!tpu.dma_semaphore, #tpu.memory_space<semaphore_mem>>) src(%dma_wait3A_1038 : memref<256xi32, #tpu.memory_space<hbm>>) dst(%dma_wait3A_1037 : memref<256xi32, #tpu.memory_space<vmem>>)
      tpu.yield
    }) : () -> ()
    "tpu.region"() ({
      %run_scoped3A = tpu.sem_alloc : memref<!tpu.dma_semaphore, #tpu.memory_space<semaphore_mem>>
      %dma_start3A_1027 = arith.constant 0 : i32
      %dma_start3A_1028 = tpu.memref_slice %arg4[%mul3A_2, %dma_start3A_1027] : memref<8192x1024xf32, #tpu.memory_space<hbm>> -> memref<32x1024xf32, #tpu.memory_space<hbm>>
      %dma_start3A_1029 = arith.constant 0 : i32
      %dma_start3A_1030 = tpu.memref_slice %arg4[%mul3A_2, %dma_start3A_1029] : memref<8192x1024xf32, #tpu.memory_space<hbm>> -> memref<32x1024xf32, #tpu.memory_space<hbm>>
      tpu.enqueue_dma source(%dma_start3A_1030 : memref<32x1024xf32, #tpu.memory_space<hbm>>) target(%arg8 : memref<32x1024xf32, #tpu.memory_space<vmem>>) target_semaphore(%run_scoped3A : memref<!tpu.dma_semaphore, #tpu.memory_space<semaphore_mem>>)
      %dma_wait3A_1031 = arith.constant 0 : i32
      %dma_wait3A_1032 = tpu.memref_slice %arg4[%mul3A_2, %dma_wait3A_1031] : memref<8192x1024xf32, #tpu.memory_space<hbm>> -> memref<32x1024xf32, #tpu.memory_space<hbm>>
      %dma_wait3A_1033 = arith.constant 0 : i32
      %dma_wait3A_1034 = tpu.memref_slice %arg4[%mul3A_2, %dma_wait3A_1033] : memref<8192x1024xf32, #tpu.memory_space<hbm>> -> memref<32x1024xf32, #tpu.memory_space<hbm>>
      tpu.wait_dma2 semaphore(%run_scoped3A : memref<!tpu.dma_semaphore, #tpu.memory_space<semaphore_mem>>) src(%dma_wait3A_1034 : memref<32x1024xf32, #tpu.memory_space<hbm>>) dst(%arg8 : memref<32x1024xf32, #tpu.memory_space<vmem>>)
      tpu.yield
    }) : () -> ()
    %dma_start3A = arith.constant 0 : i32
    %dma_start3A_23 = tpu.memref_slice %arg7[%dma_start3A] : memref<1024xi32, #tpu.memory_space<vmem>> -> memref<32xi32, #tpu.memory_space<vmem>>
    %dma_start3A_24 = arith.constant 0 : i32
    %dma_start3A_25 = arith.constant 0 : i32
    %dma_start3A_26 = tpu.memref_slice %arg3[%dma_start3A_24, %dma_start3A_25] : memref<100000x1024xf32, #tpu.memory_space<hbm>> -> memref<100000x1024xf32, #tpu.memory_space<hbm>>
    tpu.enqueue_indirect_dma source(%dma_start3A_26 : memref<100000x1024xf32, #tpu.memory_space<hbm>>) target(%arg9 : memref<32x1024xf32, #tpu.memory_space<vmem>>) offsets(%dma_start3A_23 : memref<32xi32, #tpu.memory_space<vmem>>) semaphore(%arg12 : memref<!tpu.dma_semaphore, #tpu.memory_space<semaphore_mem>>)
    %dma_start3A_27 = arith.constant 256 : i32
    %dma_start3A_28 = tpu.memref_slice %arg7[%dma_start3A_27] : memref<1024xi32, #tpu.memory_space<vmem>> -> memref<32xi32, #tpu.memory_space<vmem>>
    %dma_start3A_29 = arith.constant 0 : i32
    %dma_start3A_30 = arith.constant 0 : i32
    %dma_start3A_31 = tpu.memref_slice %arg3[%dma_start3A_29, %dma_start3A_30] : memref<100000x1024xf32, #tpu.memory_space<hbm>> -> memref<100000x1024xf32, #tpu.memory_space<hbm>>
    tpu.enqueue_indirect_dma source(%dma_start3A_31 : memref<100000x1024xf32, #tpu.memory_space<hbm>>) target(%arg10 : memref<32x1024xf32, #tpu.memory_space<vmem>>) offsets(%dma_start3A_28 : memref<32xi32, #tpu.memory_space<vmem>>) semaphore(%arg13 : memref<!tpu.dma_semaphore, #tpu.memory_space<semaphore_mem>>)
    %dma_wait3A = arith.constant 0 : i32
    %dma_wait3A_32 = tpu.memref_slice %arg7[%dma_wait3A] : memref<1024xi32, #tpu.memory_space<vmem>> -> memref<32xi32, #tpu.memory_space<vmem>>
    %dma_wait3A_33 = arith.constant 0 : i32
    %dma_wait3A_34 = arith.constant 0 : i32
    %dma_wait3A_35 = tpu.memref_slice %arg3[%dma_wait3A_33, %dma_wait3A_34] : memref<100000x1024xf32, #tpu.memory_space<hbm>> -> memref<100000x1024xf32, #tpu.memory_space<hbm>>
    tpu.wait_indirect_dma semaphore(%arg12 : memref<!tpu.dma_semaphore, #tpu.memory_space<semaphore_mem>>) src(%dma_wait3A_35 : memref<100000x1024xf32, #tpu.memory_space<hbm>>) dst(%arg9 : memref<32x1024xf32, #tpu.memory_space<vmem>>)
    %scan3A_36 = arith.constant 0 : i32
    %scan3A_37 = arith.constant 32 : i32
    %scan3A_38 = arith.addi %scan3A_36, %scan3A_37 : i32
    %scan3A_39 = arith.constant 1 : i32
    scf.for %scan3A_1027 = %scan3A_36 to %scan3A_38 step %scan3A_39  : i32 {
      %mul3A_1028 = arith.constant 1 : i32
      %mul3A_1029 = arith.muli %scan3A_1027, %mul3A_1028 : i32
      %add3A_1030 = arith.constant 0 : i32
      %add3A_1031 = arith.addi %add3A_1030, %mul3A_1029 : i32
      %scan3A_1032 = arith.constant 0 : i32
      %scan3A_1033 = arith.constant 64 : i32
      %scan3A_1034 = arith.addi %scan3A_1032, %scan3A_1033 : i32
      %scan3A_1035 = arith.constant 1 : i32
      scf.for %scan3A_1037 = %scan3A_1032 to %scan3A_1034 step %scan3A_1035  : i32 {
        %mul3A_1038 = arith.constant 1 : i32
        %mul3A_1039 = arith.muli %scan3A_1037, %mul3A_1038 : i32
        %add3A_1040 = arith.constant 0 : i32
        %add3A_1041 = arith.addi %add3A_1040, %mul3A_1039 : i32
        %mul3A_1042 = arith.constant 16 : i32
        %mul3A_1043 = arith.muli %add3A_1041, %mul3A_1042 : i32
        %get3A = arith.index_cast %add3A_1031 : i32 to index
        %get3A_1044 = arith.index_cast %mul3A_1043 : i32 to index
        %get3A_1045 = tpu.vector_load %arg9[%get3A, %get3A_1044] {strides = array<i32>} : memref<32x1024xf32, #tpu.memory_space<vmem>>, vector<1x16xf32>,
        %get3A_1046 = vector.shape_cast %get3A_1045 : vector<1x16xf32> to vector<16xf32>
        %get3A_1047 = arith.index_cast %add3A_1031 : i32 to index
        %get3A_1048 = arith.index_cast %mul3A_1043 : i32 to index
        %get3A_1049 = tpu.vector_load %arg8[%get3A_1047, %get3A_1048] {strides = array<i32>} : memref<32x1024xf32, #tpu.memory_space<vmem>>, vector<1x16xf32>,
        %get3A_1050 = vector.shape_cast %get3A_1049 : vector<1x16xf32> to vector<16xf32>
        %add3A_1051 = arith.addf %get3A_1046, %get3A_1050 : vector<16xf32>
        %swap3A = arith.index_cast %add3A_1031 : i32 to index
        %swap3A_1052 = arith.index_cast %mul3A_1043 : i32 to index
        %swap3A_1053 = tpu.vector_load %arg9[%swap3A, %swap3A_1052] {strides = array<i32>} : memref<32x1024xf32, #tpu.memory_space<vmem>>, vector<1x16xf32>,
        %swap3A_1054 = vector.shape_cast %swap3A_1053 : vector<1x16xf32> to vector<16xf32>
        %swap3A_1055 = vector.shape_cast %add3A_1051 : vector<16xf32> to vector<1x16xf32>
        tpu.vector_store %arg9[%swap3A, %swap3A_1052], %swap3A_1055 {strides = array<i32>} : memref<32x1024xf32, #tpu.memory_space<vmem>>, vector<1x16xf32>,
      }
      %scan3A_1036 = arith.constant 64 : i32
    }
    %scan3A_40 = arith.constant 32 : i32
    %add3A_41 = arith.constant 0 : i32
    %add3A_42 = arith.addi %add3A_41, %mul3A_2 : i32
    %add3A_43 = arith.constant 0 : i32
    %add3A_44 = arith.addi %add3A_42, %add3A_43 : i32
    %dma_start3A_45 = arith.constant 0 : i32
    %dma_start3A_46 = tpu.memref_slice %arg5[%add3A_44, %dma_start3A_45] : memref<32768x1024xf32, #tpu.memory_space<hbm>> -> memref<32x1024xf32, #tpu.memory_space<hbm>>
    %dma_start3A_47 = arith.constant 0 : i32
    %dma_start3A_48 = tpu.memref_slice %arg5[%add3A_44, %dma_start3A_47] : memref<32768x1024xf32, #tpu.memory_space<hbm>> -> memref<32x1024xf32, #tpu.memory_space<hbm>>
    tpu.enqueue_dma source(%arg9 : memref<32x1024xf32, #tpu.memory_space<vmem>>) target(%dma_start3A_48 : memref<32x1024xf32, #tpu.memory_space<hbm>>) target_semaphore(%arg14 : memref<!tpu.dma_semaphore, #tpu.memory_space<semaphore_mem>>)
    %add3A_49 = arith.constant 0 : i32
    %add3A_50 = arith.addi %add3A_49, %mul3A_2 : i32
    %add3A_51 = arith.constant 0 : i32
    %add3A_52 = arith.addi %add3A_50, %add3A_51 : i32
    %dma_wait3A_53 = arith.constant 0 : i32
    %dma_wait3A_54 = tpu.memref_slice %arg5[%add3A_52, %dma_wait3A_53] : memref<32768x1024xf32, #tpu.memory_space<hbm>> -> memref<32x1024xf32, #tpu.memory_space<hbm>>
    %dma_wait3A_55 = arith.constant 0 : i32
    %dma_wait3A_56 = tpu.memref_slice %arg5[%add3A_52, %dma_wait3A_55] : memref<32768x1024xf32, #tpu.memory_space<hbm>> -> memref<32x1024xf32, #tpu.memory_space<hbm>>
    tpu.wait_dma2 semaphore(%arg14 : memref<!tpu.dma_semaphore, #tpu.memory_space<semaphore_mem>>) src(%arg9 : memref<32x1024xf32, #tpu.memory_space<vmem>>) dst(%dma_wait3A_56 : memref<32x1024xf32, #tpu.memory_space<hbm>>)
    %dma_start3A_57 = arith.constant 512 : i32
    %dma_start3A_58 = tpu.memref_slice %arg7[%dma_start3A_57] : memref<1024xi32, #tpu.memory_space<vmem>> -> memref<32xi32, #tpu.memory_space<vmem>>
    %dma_start3A_59 = arith.constant 0 : i32
    %dma_start3A_60 = arith.constant 0 : i32
    %dma_start3A_61 = tpu.memref_slice %arg3[%dma_start3A_59, %dma_start3A_60] : memref<100000x1024xf32, #tpu.memory_space<hbm>> -> memref<100000x1024xf32, #tpu.memory_space<hbm>>
    tpu.enqueue_indirect_dma source(%dma_start3A_61 : memref<100000x1024xf32, #tpu.memory_space<hbm>>) target(%arg9 : memref<32x1024xf32, #tpu.memory_space<vmem>>) offsets(%dma_start3A_58 : memref<32xi32, #tpu.memory_space<vmem>>) semaphore(%arg12 : memref<!tpu.dma_semaphore, #tpu.memory_space<semaphore_mem>>)
    %dma_wait3A_62 = arith.constant 256 : i32
    %dma_wait3A_63 = tpu.memref_slice %arg7[%dma_wait3A_62] : memref<1024xi32, #tpu.memory_space<vmem>> -> memref<32xi32, #tpu.memory_space<vmem>>
    %dma_wait3A_64 = arith.constant 0 : i32
    %dma_wait3A_65 = arith.constant 0 : i32
    %dma_wait3A_66 = tpu.memref_slice %arg3[%dma_wait3A_64, %dma_wait3A_65] : memref<100000x1024xf32, #tpu.memory_space<hbm>> -> memref<100000x1024xf32, #tpu.memory_space<hbm>>
    tpu.wait_indirect_dma semaphore(%arg13 : memref<!tpu.dma_semaphore, #tpu.memory_space<semaphore_mem>>) src(%dma_wait3A_66 : memref<100000x1024xf32, #tpu.memory_space<hbm>>) dst(%arg10 : memref<32x1024xf32, #tpu.memory_space<vmem>>)
    %scan3A_67 = arith.constant 0 : i32
    %scan3A_68 = arith.constant 32 : i32
    %scan3A_69 = arith.addi %scan3A_67, %scan3A_68 : i32
    %scan3A_70 = arith.constant 1 : i32
    scf.for %scan3A_1027 = %scan3A_67 to %scan3A_69 step %scan3A_70  : i32 {
      %mul3A_1028 = arith.constant 1 : i32
      %mul3A_1029 = arith.muli %scan3A_1027, %mul3A_1028 : i32
      %add3A_1030 = arith.constant 0 : i32
      %add3A_1031 = arith.addi %add3A_1030, %mul3A_1029 : i32
      %scan3A_1032 = arith.constant 0 : i32
      %scan3A_1033 = arith.constant 64 : i32
      %scan3A_1034 = arith.addi %scan3A_1032, %scan3A_1033 : i32
      %scan3A_1035 = arith.constant 1 : i32
      scf.for %scan3A_1037 = %scan3A_1032 to %scan3A_1034 step %scan3A_1035  : i32 {
        %mul3A_1038 = arith.constant 1 : i32
        %mul3A_1039 = arith.muli %scan3A_1037, %mul3A_1038 : i32
        %add3A_1040 = arith.constant 0 : i32
        %add3A_1041 = arith.addi %add3A_1040, %mul3A_1039 : i32
        %mul3A_1042 = arith.constant 16 : i32
        %mul3A_1043 = arith.muli %add3A_1041, %mul3A_1042 : i32
        %get3A = arith.index_cast %add3A_1031 : i32 to index
        %get3A_1044 = arith.index_cast %mul3A_1043 : i32 to index
        %get3A_1045 = tpu.vector_load %arg10[%get3A, %get3A_1044] {strides = array<i32>} : memref<32x1024xf32, #tpu.memory_space<vmem>>, vector<1x16xf32>,
        %get3A_1046 = vector.shape_cast %get3A_1045 : vector<1x16xf32> to vector<16xf32>
        %get3A_1047 = arith.index_cast %add3A_1031 : i32 to index
        %get3A_1048 = arith.index_cast %mul3A_1043 : i32 to index
        %get3A_1049 = tpu.vector_load %arg8[%get3A_1047, %get3A_1048] {strides = array<i32>} : memref<32x1024xf32, #tpu.memory_space<vmem>>, vector<1x16xf32>,
        %get3A_1050 = vector.shape_cast %get3A_1049 : vector<1x16xf32> to vector<16xf32>
        %add3A_1051 = arith.addf %get3A_1046, %get3A_1050 : vector<16xf32>
        %swap3A = arith.index_cast %add3A_1031 : i32 to index
        %swap3A_1052 = arith.index_cast %mul3A_1043 : i32 to index
        %swap3A_1053 = tpu.vector_load %arg10[%swap3A, %swap3A_1052] {strides = array<i32>} : memref<32x1024xf32, #tpu.memory_space<vmem>>, vector<1x16xf32>,
        %swap3A_1054 = vector.shape_cast %swap3A_1053 : vector<1x16xf32> to vector<16xf32>
        %swap3A_1055 = vector.shape_cast %add3A_1051 : vector<16xf32> to vector<1x16xf32>
        tpu.vector_store %arg10[%swap3A, %swap3A_1052], %swap3A_1055 {strides = array<i32>} : memref<32x1024xf32, #tpu.memory_space<vmem>>, vector<1x16xf32>,
      }
      %scan3A_1036 = arith.constant 64 : i32
    }
    %scan3A_71 = arith.constant 32 : i32
    %add3A_72 = arith.constant 8192 : i32
    %add3A_73 = arith.addi %add3A_72, %mul3A_2 : i32
    %add3A_74 = arith.constant 0 : i32
    %add3A_75 = arith.addi %add3A_73, %add3A_74 : i32
    %dma_start3A_76 = arith.constant 0 : i32
    %dma_start3A_77 = tpu.memref_slice %arg5[%add3A_75, %dma_start3A_76] : memref<32768x1024xf32, #tpu.memory_space<hbm>> -> memref<32x1024xf32, #tpu.memory_space<hbm>>
    %dma_start3A_78 = arith.constant 0 : i32
    %dma_start3A_79 = tpu.memref_slice %arg5[%add3A_75, %dma_start3A_78] : memref<32768x1024xf32, #tpu.memory_space<hbm>> -> memref<32x1024xf32, #tpu.memory_space<hbm>>
    tpu.enqueue_dma source(%arg10 : memref<32x1024xf32, #tpu.memory_space<vmem>>) target(%dma_start3A_79 : memref<32x1024xf32, #tpu.memory_space<hbm>>) target_semaphore(%arg15 : memref<!tpu.dma_semaphore, #tpu.memory_space<semaphore_mem>>)
    %add3A_80 = arith.constant 8192 : i32
    %add3A_81 = arith.addi %add3A_80, %mul3A_2 : i32
    %add3A_82 = arith.constant 0 : i32
    %add3A_83 = arith.addi %add3A_81, %add3A_82 : i32
    %dma_wait3A_84 = arith.constant 0 : i32
    %dma_wait3A_85 = tpu.memref_slice %arg5[%add3A_83, %dma_wait3A_84] : memref<32768x1024xf32, #tpu.memory_space<hbm>> -> memref<32x1024xf32, #tpu.memory_space<hbm>>
    %dma_wait3A_86 = arith.constant 0 : i32
    %dma_wait3A_87 = tpu.memref_slice %arg5[%add3A_83, %dma_wait3A_86] : memref<32768x1024xf32, #tpu.memory_space<hbm>> -> memref<32x1024xf32, #tpu.memory_space<hbm>>
    tpu.wait_dma2 semaphore(%arg15 : memref<!tpu.dma_semaphore, #tpu.memory_space<semaphore_mem>>) src(%arg10 : memref<32x1024xf32, #tpu.memory_space<vmem>>) dst(%dma_wait3A_87 : memref<32x1024xf32, #tpu.memory_space<hbm>>)
    %dma_start3A_88 = arith.constant 768 : i32
    %dma_start3A_89 = tpu.memref_slice %arg7[%dma_start3A_88] : memref<1024xi32, #tpu.memory_space<vmem>> -> memref<32xi32, #tpu.memory_space<vmem>>
    %dma_start3A_90 = arith.constant 0 : i32
    %dma_start3A_91 = arith.constant 0 : i32
    %dma_start3A_92 = tpu.memref_slice %arg3[%dma_start3A_90, %dma_start3A_91] : memref<100000x1024xf32, #tpu.memory_space<hbm>> -> memref<100000x1024xf32, #tpu.memory_space<hbm>>
    tpu.enqueue_indirect_dma source(%dma_start3A_92 : memref<100000x1024xf32, #tpu.memory_space<hbm>>) target(%arg10 : memref<32x1024xf32, #tpu.memory_space<vmem>>) offsets(%dma_start3A_89 : memref<32xi32, #tpu.memory_space<vmem>>) semaphore(%arg13 : memref<!tpu.dma_semaphore, #tpu.memory_space<semaphore_mem>>)
    %dma_wait3A_93 = arith.constant 512 : i32
    %dma_wait3A_94 = tpu.memref_slice %arg7[%dma_wait3A_93] : memref<1024xi32, #tpu.memory_space<vmem>> -> memref<32xi32, #tpu.memory_space<vmem>>
    %dma_wait3A_95 = arith.constant 0 : i32
    %dma_wait3A_96 = arith.constant 0 : i32
    %dma_wait3A_97 = tpu.memref_slice %arg3[%dma_wait3A_95, %dma_wait3A_96] : memref<100000x1024xf32, #tpu.memory_space<hbm>> -> memref<100000x1024xf32, #tpu.memory_space<hbm>>
    tpu.wait_indirect_dma semaphore(%arg12 : memref<!tpu.dma_semaphore, #tpu.memory_space<semaphore_mem>>) src(%dma_wait3A_97 : memref<100000x1024xf32, #tpu.memory_space<hbm>>) dst(%arg9 : memref<32x1024xf32, #tpu.memory_space<vmem>>)
    %scan3A_98 = arith.constant 0 : i32
    %scan3A_99 = arith.constant 32 : i32
    %scan3A_100 = arith.addi %scan3A_98, %scan3A_99 : i32
    %scan3A_101 = arith.constant 1 : i32
    scf.for %scan3A_1027 = %scan3A_98 to %scan3A_100 step %scan3A_101  : i32 {
      %mul3A_1028 = arith.constant 1 : i32
      %mul3A_1029 = arith.muli %scan3A_1027, %mul3A_1028 : i32
      %add3A_1030 = arith.constant 0 : i32
      %add3A_1031 = arith.addi %add3A_1030, %mul3A_1029 : i32
      %scan3A_1032 = arith.constant 0 : i32
      %scan3A_1033 = arith.constant 64 : i32
      %scan3A_1034 = arith.addi %scan3A_1032, %scan3A_1033 : i32
      %scan3A_1035 = arith.constant 1 : i32
      scf.for %scan3A_1037 = %scan3A_1032 to %scan3A_1034 step %scan3A_1035  : i32 {
        %mul3A_1038 = arith.constant 1 : i32
        %mul3A_1039 = arith.muli %scan3A_1037, %mul3A_1038 : i32
        %add3A_1040 = arith.constant 0 : i32
        %add3A_1041 = arith.addi %add3A_1040, %mul3A_1039 : i32
        %mul3A_1042 = arith.constant 16 : i32
        %mul3A_1043 = arith.muli %add3A_1041, %mul3A_1042 : i32
        %get3A = arith.index_cast %add3A_1031 : i32 to index
        %get3A_1044 = arith.index_cast %mul3A_1043 : i32 to index
        %get3A_1045 = tpu.vector_load %arg9[%get3A, %get3A_1044] {strides = array<i32>} : memref<32x1024xf32, #tpu.memory_space<vmem>>, vector<1x16xf32>,
        %get3A_1046 = vector.shape_cast %get3A_1045 : vector<1x16xf32> to vector<16xf32>
        %get3A_1047 = arith.index_cast %add3A_1031 : i32 to index
        %get3A_1048 = arith.index_cast %mul3A_1043 : i32 to index
        %get3A_1049 = tpu.vector_load %arg8[%get3A_1047, %get3A_1048] {strides = array<i32>} : memref<32x1024xf32, #tpu.memory_space<vmem>>, vector<1x16xf32>,
        %get3A_1050 = vector.shape_cast %get3A_1049 : vector<1x16xf32> to vector<16xf32>
        %add3A_1051 = arith.addf %get3A_1046, %get3A_1050 : vector<16xf32>
        %swap3A = arith.index_cast %add3A_1031 : i32 to index
        %swap3A_1052 = arith.index_cast %mul3A_1043 : i32 to index
        %swap3A_1053 = tpu.vector_load %arg9[%swap3A, %swap3A_1052] {strides = array<i32>} : memref<32x1024xf32, #tpu.memory_space<vmem>>, vector<1x16xf32>,
        %swap3A_1054 = vector.shape_cast %swap3A_1053 : vector<1x16xf32> to vector<16xf32>
        %swap3A_1055 = vector.shape_cast %add3A_1051 : vector<16xf32> to vector<1x16xf32>
        tpu.vector_store %arg9[%swap3A, %swap3A_1052], %swap3A_1055 {strides = array<i32>} : memref<32x1024xf32, #tpu.memory_space<vmem>>, vector<1x16xf32>,
      }
      %scan3A_1036 = arith.constant 64 : i32
    }
    %scan3A_102 = arith.constant 32 : i32
    %add3A_103 = arith.constant 16384 : i32
    %add3A_104 = arith.addi %add3A_103, %mul3A_2 : i32
    %add3A_105 = arith.constant 0 : i32
    %add3A_106 = arith.addi %add3A_104, %add3A_105 : i32
    %dma_start3A_107 = arith.constant 0 : i32
    %dma_start3A_108 = tpu.memref_slice %arg5[%add3A_106, %dma_start3A_107] : memref<32768x1024xf32, #tpu.memory_space<hbm>> -> memref<32x1024xf32, #tpu.memory_space<hbm>>
    %dma_start3A_109 = arith.constant 0 : i32
    %dma_start3A_110 = tpu.memref_slice %arg5[%add3A_106, %dma_start3A_109] : memref<32768x1024xf32, #tpu.memory_space<hbm>> -> memref<32x1024xf32, #tpu.memory_space<hbm>>
    tpu.enqueue_dma source(%arg9 : memref<32x1024xf32, #tpu.memory_space<vmem>>) target(%dma_start3A_110 : memref<32x1024xf32, #tpu.memory_space<hbm>>) target_semaphore(%arg14 : memref<!tpu.dma_semaphore, #tpu.memory_space<semaphore_mem>>)
    %add3A_111 = arith.constant 16384 : i32
    %add3A_112 = arith.addi %add3A_111, %mul3A_2 : i32
    %add3A_113 = arith.constant 0 : i32
    %add3A_114 = arith.addi %add3A_112, %add3A_113 : i32
    %dma_wait3A_115 = arith.constant 0 : i32
    %dma_wait3A_116 = tpu.memref_slice %arg5[%add3A_114, %dma_wait3A_115] : memref<32768x1024xf32, #tpu.memory_space<hbm>> -> memref<32x1024xf32, #tpu.memory_space<hbm>>
    %dma_wait3A_117 = arith.constant 0 : i32
    %dma_wait3A_118 = tpu.memref_slice %arg5[%add3A_114, %dma_wait3A_117] : memref<32768x1024xf32, #tpu.memory_space<hbm>> -> memref<32x1024xf32, #tpu.memory_space<hbm>>
    tpu.wait_dma2 semaphore(%arg14 : memref<!tpu.dma_semaphore, #tpu.memory_space<semaphore_mem>>) src(%arg9 : memref<32x1024xf32, #tpu.memory_space<vmem>>) dst(%dma_wait3A_118 : memref<32x1024xf32, #tpu.memory_space<hbm>>)
    %dma_start3A_119 = arith.constant 32 : i32
    %dma_start3A_120 = tpu.memref_slice %arg7[%dma_start3A_119] : memref<1024xi32, #tpu.memory_space<vmem>> -> memref<32xi32, #tpu.memory_space<vmem>>
    %dma_start3A_121 = arith.constant 0 : i32
    %dma_start3A_122 = arith.constant 0 : i32
    %dma_start3A_123 = tpu.memref_slice %arg3[%dma_start3A_121, %dma_start3A_122] : memref<100000x1024xf32, #tpu.memory_space<hbm>> -> memref<100000x1024xf32, #tpu.memory_space<hbm>>
    tpu.enqueue_indirect_dma source(%dma_start3A_123 : memref<100000x1024xf32, #tpu.memory_space<hbm>>) target(%arg9 : memref<32x1024xf32, #tpu.memory_space<vmem>>) offsets(%dma_start3A_120 : memref<32xi32, #tpu.memory_space<vmem>>) semaphore(%arg12 : memref<!tpu.dma_semaphore, #tpu.memory_space<semaphore_mem>>)
    %dma_wait3A_124 = arith.constant 768 : i32
    %dma_wait3A_125 = tpu.memref_slice %arg7[%dma_wait3A_124] : memref<1024xi32, #tpu.memory_space<vmem>> -> memref<32xi32, #tpu.memory_space<vmem>>
    %dma_wait3A_126 = arith.constant 0 : i32
    %dma_wait3A_127 = arith.constant 0 : i32
    %dma_wait3A_128 = tpu.memref_slice %arg3[%dma_wait3A_126, %dma_wait3A_127] : memref<100000x1024xf32, #tpu.memory_space<hbm>> -> memref<100000x1024xf32, #tpu.memory_space<hbm>>
    tpu.wait_indirect_dma semaphore(%arg13 : memref<!tpu.dma_semaphore, #tpu.memory_space<semaphore_mem>>) src(%dma_wait3A_128 : memref<100000x1024xf32, #tpu.memory_space<hbm>>) dst(%arg10 : memref<32x1024xf32, #tpu.memory_space<vmem>>)
    %scan3A_129 = arith.constant 0 : i32
    %scan3A_130 = arith.constant 32 : i32
    %scan3A_131 = arith.addi %scan3A_129, %scan3A_130 : i32
    %scan3A_132 = arith.constant 1 : i32
    scf.for %scan3A_1027 = %scan3A_129 to %scan3A_131 step %scan3A_132  : i32 {
      %mul3A_1028 = arith.constant 1 : i32
      %mul3A_1029 = arith.muli %scan3A_1027, %mul3A_1028 : i32
      %add3A_1030 = arith.constant 0 : i32
      %add3A_1031 = arith.addi %add3A_1030, %mul3A_1029 : i32
      %scan3A_1032 = arith.constant 0 : i32
      %scan3A_1033 = arith.constant 64 : i32
      %scan3A_1034 = arith.addi %scan3A_1032, %scan3A_1033 : i32
      %scan3A_1035 = arith.constant 1 : i32
      scf.for %scan3A_1037 = %scan3A_1032 to %scan3A_1034 step %scan3A_1035  : i32 {
        %mul3A_1038 = arith.constant 1 : i32
        %mul3A_1039 = arith.muli %scan3A_1037, %mul3A_1038 : i32
        %add3A_1040 = arith.constant 0 : i32
        %add3A_1041 = arith.addi %add3A_1040, %mul3A_1039 : i32
        %mul3A_1042 = arith.constant 16 : i32
        %mul3A_1043 = arith.muli %add3A_1041, %mul3A_1042 : i32
        %get3A = arith.index_cast %add3A_1031 : i32 to index
        %get3A_1044 = arith.index_cast %mul3A_1043 : i32 to index
        %get3A_1045 = tpu.vector_load %arg10[%get3A, %get3A_1044] {strides = array<i32>} : memref<32x1024xf32, #tpu.memory_space<vmem>>, vector<1x16xf32>,
        %get3A_1046 = vector.shape_cast %get3A_1045 : vector<1x16xf32> to vector<16xf32>
        %get3A_1047 = arith.index_cast %add3A_1031 : i32 to index
        %get3A_1048 = arith.index_cast %mul3A_1043 : i32 to index
        %get3A_1049 = tpu.vector_load %arg8[%get3A_1047, %get3A_1048] {strides = array<i32>} : memref<32x1024xf32, #tpu.memory_space<vmem>>, vector<1x16xf32>,
        %get3A_1050 = vector.shape_cast %get3A_1049 : vector<1x16xf32> to vector<16xf32>
        %add3A_1051 = arith.addf %get3A_1046, %get3A_1050 : vector<16xf32>
        %swap3A = arith.index_cast %add3A_1031 : i32 to index
        %swap3A_1052 = arith.index_cast %mul3A_1043 : i32 to index
        %swap3A_1053 = tpu.vector_load %arg10[%swap3A, %swap3A_1052] {strides = array<i32>} : memref<32x1024xf32, #tpu.memory_space<vmem>>, vector<1x16xf32>,
        %swap3A_1054 = vector.shape_cast %swap3A_1053 : vector<1x16xf32> to vector<16xf32>
        %swap3A_1055 = vector.shape_cast %add3A_1051 : vector<16xf32> to vector<1x16xf32>
        tpu.vector_store %arg10[%swap3A, %swap3A_1052], %swap3A_1055 {strides = array<i32>} : memref<32x1024xf32, #tpu.memory_space<vmem>>, vector<1x16xf32>,
      }
      %scan3A_1036 = arith.constant 64 : i32
    }
    %scan3A_133 = arith.constant 32 : i32
    %add3A_134 = arith.constant 24576 : i32
    %add3A_135 = arith.addi %add3A_134, %mul3A_2 : i32
    %add3A_136 = arith.constant 0 : i32
    %add3A_137 = arith.addi %add3A_135, %add3A_136 : i32
    %dma_start3A_138 = arith.constant 0 : i32
    %dma_start3A_139 = tpu.memref_slice %arg5[%add3A_137, %dma_start3A_138] : memref<32768x1024xf32, #tpu.memory_space<hbm>> -> memref<32x1024xf32, #tpu.memory_space<hbm>>
    %dma_start3A_140 = arith.constant 0 : i32
    %dma_start3A_141 = tpu.memref_slice %arg5[%add3A_137, %dma_start3A_140] : memref<32768x1024xf32, #tpu.memory_space<hbm>> -> memref<32x1024xf32, #tpu.memory_space<hbm>>
    tpu.enqueue_dma source(%arg10 : memref<32x1024xf32, #tpu.memory_space<vmem>>) target(%dma_start3A_141 : memref<32x1024xf32, #tpu.memory_space<hbm>>) target_semaphore(%arg15 : memref<!tpu.dma_semaphore, #tpu.memory_space<semaphore_mem>>)
    %add3A_142 = arith.constant 32 : i32
    %add3A_143 = arith.addi %mul3A_2, %add3A_142 : i32
    "tpu.region"() ({
      %run_scoped3A = tpu.sem_alloc : memref<!tpu.dma_semaphore, #tpu.memory_space<semaphore_mem>>
      %dma_start3A_1027 = arith.constant 0 : i32
      %dma_start3A_1028 = tpu.memref_slice %arg4[%add3A_143, %dma_start3A_1027] : memref<8192x1024xf32, #tpu.memory_space<hbm>> -> memref<32x1024xf32, #tpu.memory_space<hbm>>
      %dma_start3A_1029 = arith.constant 0 : i32
      %dma_start3A_1030 = tpu.memref_slice %arg4[%add3A_143, %dma_start3A_1029] : memref<8192x1024xf32, #tpu.memory_space<hbm>> -> memref<32x1024xf32, #tpu.memory_space<hbm>>
      tpu.enqueue_dma source(%dma_start3A_1030 : memref<32x1024xf32, #tpu.memory_space<hbm>>) target(%arg8 : memref<32x1024xf32, #tpu.memory_space<vmem>>) target_semaphore(%run_scoped3A : memref<!tpu.dma_semaphore, #tpu.memory_space<semaphore_mem>>)
      %dma_wait3A_1031 = arith.constant 0 : i32
      %dma_wait3A_1032 = tpu.memref_slice %arg4[%add3A_143, %dma_wait3A_1031] : memref<8192x1024xf32, #tpu.memory_space<hbm>> -> memref<32x1024xf32, #tpu.memory_space<hbm>>
      %dma_wait3A_1033 = arith.constant 0 : i32
      %dma_wait3A_1034 = tpu.memref_slice %arg4[%add3A_143, %dma_wait3A_1033] : memref<8192x1024xf32, #tpu.memory_space<hbm>> -> memref<32x1024xf32, #tpu.memory_space<hbm>>
      tpu.wait_dma2 semaphore(%run_scoped3A : memref<!tpu.dma_semaphore, #tpu.memory_space<semaphore_mem>>) src(%dma_wait3A_1034 : memref<32x1024xf32, #tpu.memory_space<hbm>>) dst(%arg8 : memref<32x1024xf32, #tpu.memory_space<vmem>>)
      tpu.yield
    }) : () -> ()
    %add3A_144 = arith.constant 24576 : i32
    %add3A_145 = arith.addi %add3A_144, %mul3A_2 : i32
    %add3A_146 = arith.constant 0 : i32
    %add3A_147 = arith.addi %add3A_145, %add3A_146 : i32
    %dma_wait3A_148 = arith.constant 0 : i32
    %dma_wait3A_149 = tpu.memref_slice %arg5[%add3A_147, %dma_wait3A_148] : memref<32768x1024xf32, #tpu.memory_space<hbm>> -> memref<32x1024xf32, #tpu.memory_space<hbm>>
    %dma_wait3A_150 = arith.constant 0 : i32
    %dma_wait3A_151 = tpu.memref_slice %arg5[%add3A_147, %dma_wait3A_150] : memref<32768x1024xf32, #tpu.memory_space<hbm>> -> memref<32x1024xf32, #tpu.memory_space<hbm>>
    tpu.wait_dma2 semaphore(%arg15 : memref<!tpu.dma_semaphore, #tpu.memory_space<semaphore_mem>>) src(%arg10 : memref<32x1024xf32, #tpu.memory_space<vmem>>) dst(%dma_wait3A_151 : memref<32x1024xf32, #tpu.memory_space<hbm>>)
    %dma_start3A_152 = arith.constant 288 : i32
    %dma_start3A_153 = tpu.memref_slice %arg7[%dma_start3A_152] : memref<1024xi32, #tpu.memory_space<vmem>> -> memref<32xi32, #tpu.memory_space<vmem>>
    %dma_start3A_154 = arith.constant 0 : i32
    %dma_start3A_155 = arith.constant 0 : i32
    %dma_start3A_156 = tpu.memref_slice %arg3[%dma_start3A_154, %dma_start3A_155] : memref<100000x1024xf32, #tpu.memory_space<hbm>> -> memref<100000x1024xf32, #tpu.memory_space<hbm>>
    tpu.enqueue_indirect_dma source(%dma_start3A_156 : memref<100000x1024xf32, #tpu.memory_space<hbm>>) target(%arg10 : memref<32x1024xf32, #tpu.memory_space<vmem>>) offsets(%dma_start3A_153 : memref<32xi32, #tpu.memory_space<vmem>>) semaphore(%arg13 : memref<!tpu.dma_semaphore, #tpu.memory_space<semaphore_mem>>)
    %dma_wait3A_157 = arith.constant 32 : i32
    %dma_wait3A_158 = tpu.memref_slice %arg7[%dma_wait3A_157] : memref<1024xi32, #tpu.memory_space<vmem>> -> memref<32xi32, #tpu.memory_space<vmem>>
    %dma_wait3A_159 = arith.constant 0 : i32
    %dma_wait3A_160 = arith.constant 0 : i32
    %dma_wait3A_161 = tpu.memref_slice %arg3[%dma_wait3A_159, %dma_wait3A_160] : memref<100000x1024xf32, #tpu.memory_space<hbm>> -> memref<100000x1024xf32, #tpu.memory_space<hbm>>
    tpu.wait_indirect_dma semaphore(%arg12 : memref<!tpu.dma_semaphore, #tpu.memory_space<semaphore_mem>>) src(%dma_wait3A_161 : memref<100000x1024xf32, #tpu.memory_space<hbm>>) dst(%arg9 : memref<32x1024xf32, #tpu.memory_space<vmem>>)
    %scan3A_162 = arith.constant 0 : i32
    %scan3A_163 = arith.constant 32 : i32
    %scan3A_164 = arith.addi %scan3A_162, %scan3A_163 : i32
    %scan3A_165 = arith.constant 1 : i32
    scf.for %scan3A_1027 = %scan3A_162 to %scan3A_164 step %scan3A_165  : i32 {
      %mul3A_1028 = arith.constant 1 : i32
      %mul3A_1029 = arith.muli %scan3A_1027, %mul3A_1028 : i32
      %add3A_1030 = arith.constant 0 : i32
      %add3A_1031 = arith.addi %add3A_1030, %mul3A_1029 : i32
      %scan3A_1032 = arith.constant 0 : i32
      %scan3A_1033 = arith.constant 64 : i32
      %scan3A_1034 = arith.addi %scan3A_1032, %scan3A_1033 : i32
      %scan3A_1035 = arith.constant 1 : i32
      scf.for %scan3A_1037 = %scan3A_1032 to %scan3A_1034 step %scan3A_1035  : i32 {
        %mul3A_1038 = arith.constant 1 : i32
        %mul3A_1039 = arith.muli %scan3A_1037, %mul3A_1038 : i32
        %add3A_1040 = arith.constant 0 : i32
        %add3A_1041 = arith.addi %add3A_1040, %mul3A_1039 : i32
        %mul3A_1042 = arith.constant 16 : i32
        %mul3A_1043 = arith.muli %add3A_1041, %mul3A_1042 : i32
        %get3A = arith.index_cast %add3A_1031 : i32 to index
        %get3A_1044 = arith.index_cast %mul3A_1043 : i32 to index
        %get3A_1045 = tpu.vector_load %arg9[%get3A, %get3A_1044] {strides = array<i32>} : memref<32x1024xf32, #tpu.memory_space<vmem>>, vector<1x16xf32>,
        %get3A_1046 = vector.shape_cast %get3A_1045 : vector<1x16xf32> to vector<16xf32>
        %get3A_1047 = arith.index_cast %add3A_1031 : i32 to index
        %get3A_1048 = arith.index_cast %mul3A_1043 : i32 to index
        %get3A_1049 = tpu.vector_load %arg8[%get3A_1047, %get3A_1048] {strides = array<i32>} : memref<32x1024xf32, #tpu.memory_space<vmem>>, vector<1x16xf32>,
        %get3A_1050 = vector.shape_cast %get3A_1049 : vector<1x16xf32> to vector<16xf32>
        %add3A_1051 = arith.addf %get3A_1046, %get3A_1050 : vector<16xf32>
        %swap3A = arith.index_cast %add3A_1031 : i32 to index
        %swap3A_1052 = arith.index_cast %mul3A_1043 : i32 to index
        %swap3A_1053 = tpu.vector_load %arg9[%swap3A, %swap3A_1052] {strides = array<i32>} : memref<32x1024xf32, #tpu.memory_space<vmem>>, vector<1x16xf32>,
        %swap3A_1054 = vector.shape_cast %swap3A_1053 : vector<1x16xf32> to vector<16xf32>
        %swap3A_1055 = vector.shape_cast %add3A_1051 : vector<16xf32> to vector<1x16xf32>
        tpu.vector_store %arg9[%swap3A, %swap3A_1052], %swap3A_1055 {strides = array<i32>} : memref<32x1024xf32, #tpu.memory_space<vmem>>, vector<1x16xf32>,
      }
      %scan3A_1036 = arith.constant 64 : i32
    }
    %scan3A_166 = arith.constant 32 : i32
    %add3A_167 = arith.constant 0 : i32
    %add3A_168 = arith.addi %add3A_167, %mul3A_2 : i32
    %add3A_169 = arith.constant 32 : i32
    %add3A_170 = arith.addi %add3A_168, %add3A_169 : i32
    %dma_start3A_171 = arith.constant 0 : i32
    %dma_start3A_172 = tpu.memref_slice %arg5[%add3A_170, %dma_start3A_171] : memref<32768x1024xf32, #tpu.memory_space<hbm>> -> memref<32x1024xf32, #tpu.memory_space<hbm>>
    %dma_start3A_173 = arith.constant 0 : i32
    %dma_start3A_174 = tpu.memref_slice %arg5[%add3A_170, %dma_start3A_173] : memref<32768x1024xf32, #tpu.memory_space<hbm>> -> memref<32x1024xf32, #tpu.memory_space<hbm>>
    tpu.enqueue_dma source(%arg9 : memref<32x1024xf32, #tpu.memory_space<vmem>>) target(%dma_start3A_174 : memref<32x1024xf32, #tpu.memory_space<hbm>>) target_semaphore(%arg14 : memref<!tpu.dma_semaphore, #tpu.memory_space<semaphore_mem>>)
    %add3A_175 = arith.constant 0 : i32
    %add3A_176 = arith.addi %add3A_175, %mul3A_2 : i32
    %add3A_177 = arith.constant 32 : i32
    %add3A_178 = arith.addi %add3A_176, %add3A_177 : i32
    %dma_wait3A_179 = arith.constant 0 : i32
    %dma_wait3A_180 = tpu.memref_slice %arg5[%add3A_178, %dma_wait3A_179] : memref<32768x1024xf32, #tpu.memory_space<hbm>> -> memref<32x1024xf32, #tpu.memory_space<hbm>>
    %dma_wait3A_181 = arith.constant 0 : i32
    %dma_wait3A_182 = tpu.memref_slice %arg5[%add3A_178, %dma_wait3A_181] : memref<32768x1024xf32, #tpu.memory_space<hbm>> -> memref<32x1024xf32, #tpu.memory_space<hbm>>
    tpu.wait_dma2 semaphore(%arg14 : memref<!tpu.dma_semaphore, #tpu.memory_space<semaphore_mem>>) src(%arg9 : memref<32x1024xf32, #tpu.memory_space<vmem>>) dst(%dma_wait3A_182 : memref<32x1024xf32, #tpu.memory_space<hbm>>)
    %dma_start3A_183 = arith.constant 544 : i32
    %dma_start3A_184 = tpu.memref_slice %arg7[%dma_start3A_183] : memref<1024xi32, #tpu.memory_space<vmem>> -> memref<32xi32, #tpu.memory_space<vmem>>
    %dma_start3A_185 = arith.constant 0 : i32
    %dma_start3A_186 = arith.constant 0 : i32
    %dma_start3A_187 = tpu.memref_slice %arg3[%dma_start3A_185, %dma_start3A_186] : memref<100000x1024xf32, #tpu.memory_space<hbm>> -> memref<100000x1024xf32, #tpu.memory_space<hbm>>
    tpu.enqueue_indirect_dma source(%dma_start3A_187 : memref<100000x1024xf32, #tpu.memory_space<hbm>>) target(%arg9 : memref<32x1024xf32, #tpu.memory_space<vmem>>) offsets(%dma_start3A_184 : memref<32xi32, #tpu.memory_space<vmem>>) semaphore(%arg12 : memref<!tpu.dma_semaphore, #tpu.memory_space<semaphore_mem>>)
    %dma_wait3A_188 = arith.constant 288 : i32
    %dma_wait3A_189 = tpu.memref_slice %arg7[%dma_wait3A_188] : memref<1024xi32, #tpu.memory_space<vmem>> -> memref<32xi32, #tpu.memory_space<vmem>>
    %dma_wait3A_190 = arith.constant 0 : i32
    %dma_wait3A_191 = arith.constant 0 : i32
    %dma_wait3A_192 = tpu.memref_slice %arg3[%dma_wait3A_190, %dma_wait3A_191] : memref<100000x1024xf32, #tpu.memory_space<hbm>> -> memref<100000x1024xf32, #tpu.memory_space<hbm>>
    tpu.wait_indirect_dma semaphore(%arg13 : memref<!tpu.dma_semaphore, #tpu.memory_space<semaphore_mem>>) src(%dma_wait3A_192 : memref<100000x1024xf32, #tpu.memory_space<hbm>>) dst(%arg10 : memref<32x1024xf32, #tpu.memory_space<vmem>>)
    %scan3A_193 = arith.constant 0 : i32
    %scan3A_194 = arith.constant 32 : i32
    %scan3A_195 = arith.addi %scan3A_193, %scan3A_194 : i32
    %scan3A_196 = arith.constant 1 : i32
    scf.for %scan3A_1027 = %scan3A_193 to %scan3A_195 step %scan3A_196  : i32 {
      %mul3A_1028 = arith.constant 1 : i32
      %mul3A_1029 = arith.muli %scan3A_1027, %mul3A_1028 : i32
      %add3A_1030 = arith.constant 0 : i32
      %add3A_1031 = arith.addi %add3A_1030, %mul3A_1029 : i32
      %scan3A_1032 = arith.constant 0 : i32
      %scan3A_1033 = arith.constant 64 : i32
      %scan3A_1034 = arith.addi %scan3A_1032, %scan3A_1033 : i32
      %scan3A_1035 = arith.constant 1 : i32
      scf.for %scan3A_1037 = %scan3A_1032 to %scan3A_1034 step %scan3A_1035  : i32 {
        %mul3A_1038 = arith.constant 1 : i32
        %mul3A_1039 = arith.muli %scan3A_1037, %mul3A_1038 : i32
        %add3A_1040 = arith.constant 0 : i32
        %add3A_1041 = arith.addi %add3A_1040, %mul3A_1039 : i32
        %mul3A_1042 = arith.constant 16 : i32
        %mul3A_1043 = arith.muli %add3A_1041, %mul3A_1042 : i32
        %get3A = arith.index_cast %add3A_1031 : i32 to index
        %get3A_1044 = arith.index_cast %mul3A_1043 : i32 to index
        %get3A_1045 = tpu.vector_load %arg10[%get3A, %get3A_1044] {strides = array<i32>} : memref<32x1024xf32, #tpu.memory_space<vmem>>, vector<1x16xf32>,
        %get3A_1046 = vector.shape_cast %get3A_1045 : vector<1x16xf32> to vector<16xf32>
        %get3A_1047 = arith.index_cast %add3A_1031 : i32 to index
        %get3A_1048 = arith.index_cast %mul3A_1043 : i32 to index
        %get3A_1049 = tpu.vector_load %arg8[%get3A_1047, %get3A_1048] {strides = array<i32>} : memref<32x1024xf32, #tpu.memory_space<vmem>>, vector<1x16xf32>,
        %get3A_1050 = vector.shape_cast %get3A_1049 : vector<1x16xf32> to vector<16xf32>
        %add3A_1051 = arith.addf %get3A_1046, %get3A_1050 : vector<16xf32>
        %swap3A = arith.index_cast %add3A_1031 : i32 to index
        %swap3A_1052 = arith.index_cast %mul3A_1043 : i32 to index
        %swap3A_1053 = tpu.vector_load %arg10[%swap3A, %swap3A_1052] {strides = array<i32>} : memref<32x1024xf32, #tpu.memory_space<vmem>>, vector<1x16xf32>,
        %swap3A_1054 = vector.shape_cast %swap3A_1053 : vector<1x16xf32> to vector<16xf32>
        %swap3A_1055 = vector.shape_cast %add3A_1051 : vector<16xf32> to vector<1x16xf32>
        tpu.vector_store %arg10[%swap3A, %swap3A_1052], %swap3A_1055 {strides = array<i32>} : memref<32x1024xf32, #tpu.memory_space<vmem>>, vector<1x16xf32>,
      }
      %scan3A_1036 = arith.constant 64 : i32
    }
    %scan3A_197 = arith.constant 32 : i32
    %add3A_198 = arith.constant 8192 : i32
    %add3A_199 = arith.addi %add3A_198, %mul3A_2 : i32
    %add3A_200 = arith.constant 32 : i32
    %add3A_201 = arith.addi %add3A_199, %add3A_200 : i32
    %dma_start3A_202 = arith.constant 0 : i32
    %dma_start3A_203 = tpu.memref_slice %arg5[%add3A_201, %dma_start3A_202] : memref<32768x1024xf32, #tpu.memory_space<hbm>> -> memref<32x1024xf32, #tpu.memory_space<hbm>>
    %dma_start3A_204 = arith.constant 0 : i32
    %dma_start3A_205 = tpu.memref_slice %arg5[%add3A_201, %dma_start3A_204] : memref<32768x1024xf32, #tpu.memory_space<hbm>> -> memref<32x1024xf32, #tpu.memory_space<hbm>>
    tpu.enqueue_dma source(%arg10 : memref<32x1024xf32, #tpu.memory_space<vmem>>) target(%dma_start3A_205 : memref<32x1024xf32, #tpu.memory_space<hbm>>) target_semaphore(%arg15 : memref<!tpu.dma_semaphore, #tpu.memory_space<semaphore_mem>>)
    %add3A_206 = arith.constant 8192 : i32
    %add3A_207 = arith.addi %add3A_206, %mul3A_2 : i32
    %add3A_208 = arith.constant 32 : i32
    %add3A_209 = arith.addi %add3A_207, %add3A_208 : i32
    %dma_wait3A_210 = arith.constant 0 : i32
    %dma_wait3A_211 = tpu.memref_slice %arg5[%add3A_209, %dma_wait3A_210] : memref<32768x1024xf32, #tpu.memory_space<hbm>> -> memref<32x1024xf32, #tpu.memory_space<hbm>>
    %dma_wait3A_212 = arith.constant 0 : i32
    %dma_wait3A_213 = tpu.memref_slice %arg5[%add3A_209, %dma_wait3A_212] : memref<32768x1024xf32, #tpu.memory_space<hbm>> -> memref<32x1024xf32, #tpu.memory_space<hbm>>
    tpu.wait_dma2 semaphore(%arg15 : memref<!tpu.dma_semaphore, #tpu.memory_space<semaphore_mem>>) src(%arg10 : memref<32x1024xf32, #tpu.memory_space<vmem>>) dst(%dma_wait3A_213 : memref<32x1024xf32, #tpu.memory_space<hbm>>)
    %dma_start3A_214 = arith.constant 800 : i32
    %dma_start3A_215 = tpu.memref_slice %arg7[%dma_start3A_214] : memref<1024xi32, #tpu.memory_space<vmem>> -> memref<32xi32, #tpu.memory_space<vmem>>
    %dma_start3A_216 = arith.constant 0 : i32
    %dma_start3A_217 = arith.constant 0 : i32
    %dma_start3A_218 = tpu.memref_slice %arg3[%dma_start3A_216, %dma_start3A_217] : memref<100000x1024xf32, #tpu.memory_space<hbm>> -> memref<100000x1024xf32, #tpu.memory_space<hbm>>
    tpu.enqueue_indirect_dma source(%dma_start3A_218 : memref<100000x1024xf32, #tpu.memory_space<hbm>>) target(%arg10 : memref<32x1024xf32, #tpu.memory_space<vmem>>) offsets(%dma_start3A_215 : memref<32xi32, #tpu.memory_space<vmem>>) semaphore(%arg13 : memref<!tpu.dma_semaphore, #tpu.memory_space<semaphore_mem>>)
    %dma_wait3A_219 = arith.constant 544 : i32
    %dma_wait3A_220 = tpu.memref_slice %arg7[%dma_wait3A_219] : memref<1024xi32, #tpu.memory_space<vmem>> -> memref<32xi32, #tpu.memory_space<vmem>>
    %dma_wait3A_221 = arith.constant 0 : i32
    %dma_wait3A_222 = arith.constant 0 : i32
    %dma_wait3A_223 = tpu.memref_slice %arg3[%dma_wait3A_221, %dma_wait3A_222] : memref<100000x1024xf32, #tpu.memory_space<hbm>> -> memref<100000x1024xf32, #tpu.memory_space<hbm>>
    tpu.wait_indirect_dma semaphore(%arg12 : memref<!tpu.dma_semaphore, #tpu.memory_space<semaphore_mem>>) src(%dma_wait3A_223 : memref<100000x1024xf32, #tpu.memory_space<hbm>>) dst(%arg9 : memref<32x1024xf32, #tpu.memory_space<vmem>>)
    %scan3A_224 = arith.constant 0 : i32
    %scan3A_225 = arith.constant 32 : i32
    %scan3A_226 = arith.addi %scan3A_224, %scan3A_225 : i32
    %scan3A_227 = arith.constant 1 : i32
    scf.for %scan3A_1027 = %scan3A_224 to %scan3A_226 step %scan3A_227  : i32 {
      %mul3A_1028 = arith.constant 1 : i32
      %mul3A_1029 = arith.muli %scan3A_1027, %mul3A_1028 : i32
      %add3A_1030 = arith.constant 0 : i32
      %add3A_1031 = arith.addi %add3A_1030, %mul3A_1029 : i32
      %scan3A_1032 = arith.constant 0 : i32
      %scan3A_1033 = arith.constant 64 : i32
      %scan3A_1034 = arith.addi %scan3A_1032, %scan3A_1033 : i32
      %scan3A_1035 = arith.constant 1 : i32
      scf.for %scan3A_1037 = %scan3A_1032 to %scan3A_1034 step %scan3A_1035  : i32 {
        %mul3A_1038 = arith.constant 1 : i32
        %mul3A_1039 = arith.muli %scan3A_1037, %mul3A_1038 : i32
        %add3A_1040 = arith.constant 0 : i32
        %add3A_1041 = arith.addi %add3A_1040, %mul3A_1039 : i32
        %mul3A_1042 = arith.constant 16 : i32
        %mul3A_1043 = arith.muli %add3A_1041, %mul3A_1042 : i32
        %get3A = arith.index_cast %add3A_1031 : i32 to index
        %get3A_1044 = arith.index_cast %mul3A_1043 : i32 to index
        %get3A_1045 = tpu.vector_load %arg9[%get3A, %get3A_1044] {strides = array<i32>} : memref<32x1024xf32, #tpu.memory_space<vmem>>, vector<1x16xf32>,
        %get3A_1046 = vector.shape_cast %get3A_1045 : vector<1x16xf32> to vector<16xf32>
        %get3A_1047 = arith.index_cast %add3A_1031 : i32 to index
        %get3A_1048 = arith.index_cast %mul3A_1043 : i32 to index
        %get3A_1049 = tpu.vector_load %arg8[%get3A_1047, %get3A_1048] {strides = array<i32>} : memref<32x1024xf32, #tpu.memory_space<vmem>>, vector<1x16xf32>,
        %get3A_1050 = vector.shape_cast %get3A_1049 : vector<1x16xf32> to vector<16xf32>
        %add3A_1051 = arith.addf %get3A_1046, %get3A_1050 : vector<16xf32>
        %swap3A = arith.index_cast %add3A_1031 : i32 to index
        %swap3A_1052 = arith.index_cast %mul3A_1043 : i32 to index
        %swap3A_1053 = tpu.vector_load %arg9[%swap3A, %swap3A_1052] {strides = array<i32>} : memref<32x1024xf32, #tpu.memory_space<vmem>>, vector<1x16xf32>,
        %swap3A_1054 = vector.shape_cast %swap3A_1053 : vector<1x16xf32> to vector<16xf32>
        %swap3A_1055 = vector.shape_cast %add3A_1051 : vector<16xf32> to vector<1x16xf32>
        tpu.vector_store %arg9[%swap3A, %swap3A_1052], %swap3A_1055 {strides = array<i32>} : memref<32x1024xf32, #tpu.memory_space<vmem>>, vector<1x16xf32>,
      }
      %scan3A_1036 = arith.constant 64 : i32
    }
    %scan3A_228 = arith.constant 32 : i32
    %add3A_229 = arith.constant 16384 : i32
    %add3A_230 = arith.addi %add3A_229, %mul3A_2 : i32
    %add3A_231 = arith.constant 32 : i32
    %add3A_232 = arith.addi %add3A_230, %add3A_231 : i32
    %dma_start3A_233 = arith.constant 0 : i32
    %dma_start3A_234 = tpu.memref_slice %arg5[%add3A_232, %dma_start3A_233] : memref<32768x1024xf32, #tpu.memory_space<hbm>> -> memref<32x1024xf32, #tpu.memory_space<hbm>>
    %dma_start3A_235 = arith.constant 0 : i32
    %dma_start3A_236 = tpu.memref_slice %arg5[%add3A_232, %dma_start3A_235] : memref<32768x1024xf32, #tpu.memory_space<hbm>> -> memref<32x1024xf32, #tpu.memory_space<hbm>>
    tpu.enqueue_dma source(%arg9 : memref<32x1024xf32, #tpu.memory_space<vmem>>) target(%dma_start3A_236 : memref<32x1024xf32, #tpu.memory_space<hbm>>) target_semaphore(%arg14 : memref<!tpu.dma_semaphore, #tpu.memory_space<semaphore_mem>>)
    %add3A_237 = arith.constant 16384 : i32
    %add3A_238 = arith.addi %add3A_237, %mul3A_2 : i32
    %add3A_239 = arith.constant 32 : i32
    %add3A_240 = arith.addi %add3A_238, %add3A_239 : i32
    %dma_wait3A_241 = arith.constant 0 : i32
    %dma_wait3A_242 = tpu.memref_slice %arg5[%add3A_240, %dma_wait3A_241] : memref<32768x1024xf32, #tpu.memory_space<hbm>> -> memref<32x1024xf32, #tpu.memory_space<hbm>>
    %dma_wait3A_243 = arith.constant 0 : i32
    %dma_wait3A_244 = tpu.memref_slice %arg5[%add3A_240, %dma_wait3A_243] : memref<32768x1024xf32, #tpu.memory_space<hbm>> -> memref<32x1024xf32, #tpu.memory_space<hbm>>
    tpu.wait_dma2 semaphore(%arg14 : memref<!tpu.dma_semaphore, #tpu.memory_space<semaphore_mem>>) src(%arg9 : memref<32x1024xf32, #tpu.memory_space<vmem>>) dst(%dma_wait3A_244 : memref<32x1024xf32, #tpu.memory_space<hbm>>)
    %dma_start3A_245 = arith.constant 64 : i32
    %dma_start3A_246 = tpu.memref_slice %arg7[%dma_start3A_245] : memref<1024xi32, #tpu.memory_space<vmem>> -> memref<32xi32, #tpu.memory_space<vmem>>
    %dma_start3A_247 = arith.constant 0 : i32
    %dma_start3A_248 = arith.constant 0 : i32
    %dma_start3A_249 = tpu.memref_slice %arg3[%dma_start3A_247, %dma_start3A_248] : memref<100000x1024xf32, #tpu.memory_space<hbm>> -> memref<100000x1024xf32, #tpu.memory_space<hbm>>
    tpu.enqueue_indirect_dma source(%dma_start3A_249 : memref<100000x1024xf32, #tpu.memory_space<hbm>>) target(%arg9 : memref<32x1024xf32, #tpu.memory_space<vmem>>) offsets(%dma_start3A_246 : memref<32xi32, #tpu.memory_space<vmem>>) semaphore(%arg12 : memref<!tpu.dma_semaphore, #tpu.memory_space<semaphore_mem>>)
    %dma_wait3A_250 = arith.constant 800 : i32
    %dma_wait3A_251 = tpu.memref_slice %arg7[%dma_wait3A_250] : memref<1024xi32, #tpu.memory_space<vmem>> -> memref<32xi32, #tpu.memory_space<vmem>>
    %dma_wait3A_252 = arith.constant 0 : i32
    %dma_wait3A_253 = arith.constant 0 : i32
    %dma_wait3A_254 = tpu.memref_slice %arg3[%dma_wait3A_252, %dma_wait3A_253] : memref<100000x1024xf32, #tpu.memory_space<hbm>> -> memref<100000x1024xf32, #tpu.memory_space<hbm>>
    tpu.wait_indirect_dma semaphore(%arg13 : memref<!tpu.dma_semaphore, #tpu.memory_space<semaphore_mem>>) src(%dma_wait3A_254 : memref<100000x1024xf32, #tpu.memory_space<hbm>>) dst(%arg10 : memref<32x1024xf32, #tpu.memory_space<vmem>>)
    %scan3A_255 = arith.constant 0 : i32
    %scan3A_256 = arith.constant 32 : i32
    %scan3A_257 = arith.addi %scan3A_255, %scan3A_256 : i32
    %scan3A_258 = arith.constant 1 : i32
    scf.for %scan3A_1027 = %scan3A_255 to %scan3A_257 step %scan3A_258  : i32 {
      %mul3A_1028 = arith.constant 1 : i32
      %mul3A_1029 = arith.muli %scan3A_1027, %mul3A_1028 : i32
      %add3A_1030 = arith.constant 0 : i32
      %add3A_1031 = arith.addi %add3A_1030, %mul3A_1029 : i32
      %scan3A_1032 = arith.constant 0 : i32
      %scan3A_1033 = arith.constant 64 : i32
      %scan3A_1034 = arith.addi %scan3A_1032, %scan3A_1033 : i32
      %scan3A_1035 = arith.constant 1 : i32
      scf.for %scan3A_1037 = %scan3A_1032 to %scan3A_1034 step %scan3A_1035  : i32 {
        %mul3A_1038 = arith.constant 1 : i32
        %mul3A_1039 = arith.muli %scan3A_1037, %mul3A_1038 : i32
        %add3A_1040 = arith.constant 0 : i32
        %add3A_1041 = arith.addi %add3A_1040, %mul3A_1039 : i32
        %mul3A_1042 = arith.constant 16 : i32
        %mul3A_1043 = arith.muli %add3A_1041, %mul3A_1042 : i32
        %get3A = arith.index_cast %add3A_1031 : i32 to index
        %get3A_1044 = arith.index_cast %mul3A_1043 : i32 to index
        %get3A_1045 = tpu.vector_load %arg10[%get3A, %get3A_1044] {strides = array<i32>} : memref<32x1024xf32, #tpu.memory_space<vmem>>, vector<1x16xf32>,
        %get3A_1046 = vector.shape_cast %get3A_1045 : vector<1x16xf32> to vector<16xf32>
        %get3A_1047 = arith.index_cast %add3A_1031 : i32 to index
        %get3A_1048 = arith.index_cast %mul3A_1043 : i32 to index
        %get3A_1049 = tpu.vector_load %arg8[%get3A_1047, %get3A_1048] {strides = array<i32>} : memref<32x1024xf32, #tpu.memory_space<vmem>>, vector<1x16xf32>,
        %get3A_1050 = vector.shape_cast %get3A_1049 : vector<1x16xf32> to vector<16xf32>
        %add3A_1051 = arith.addf %get3A_1046, %get3A_1050 : vector<16xf32>
        %swap3A = arith.index_cast %add3A_1031 : i32 to index
        %swap3A_1052 = arith.index_cast %mul3A_1043 : i32 to index
        %swap3A_1053 = tpu.vector_load %arg10[%swap3A, %swap3A_1052] {strides = array<i32>} : memref<32x1024xf32, #tpu.memory_space<vmem>>, vector<1x16xf32>,
        %swap3A_1054 = vector.shape_cast %swap3A_1053 : vector<1x16xf32> to vector<16xf32>
        %swap3A_1055 = vector.shape_cast %add3A_1051 : vector<16xf32> to vector<1x16xf32>
        tpu.vector_store %arg10[%swap3A, %swap3A_1052], %swap3A_1055 {strides = array<i32>} : memref<32x1024xf32, #tpu.memory_space<vmem>>, vector<1x16xf32>,
      }
      %scan3A_1036 = arith.constant 64 : i32
    }
    %scan3A_259 = arith.constant 32 : i32
    %add3A_260 = arith.constant 24576 : i32
    %add3A_261 = arith.addi %add3A_260, %mul3A_2 : i32
    %add3A_262 = arith.constant 32 : i32
    %add3A_263 = arith.addi %add3A_261, %add3A_262 : i32
    %dma_start3A_264 = arith.constant 0 : i32
    %dma_start3A_265 = tpu.memref_slice %arg5[%add3A_263, %dma_start3A_264] : memref<32768x1024xf32, #tpu.memory_space<hbm>> -> memref<32x1024xf32, #tpu.memory_space<hbm>>
    %dma_start3A_266 = arith.constant 0 : i32
    %dma_start3A_267 = tpu.memref_slice %arg5[%add3A_263, %dma_start3A_266] : memref<32768x1024xf32, #tpu.memory_space<hbm>> -> memref<32x1024xf32, #tpu.memory_space<hbm>>
    tpu.enqueue_dma source(%arg10 : memref<32x1024xf32, #tpu.memory_space<vmem>>) target(%dma_start3A_267 : memref<32x1024xf32, #tpu.memory_space<hbm>>) target_semaphore(%arg15 : memref<!tpu.dma_semaphore, #tpu.memory_space<semaphore_mem>>)
    %add3A_268 = arith.constant 64 : i32
    %add3A_269 = arith.addi %mul3A_2, %add3A_268 : i32
    "tpu.region"() ({
      %run_scoped3A = tpu.sem_alloc : memref<!tpu.dma_semaphore, #tpu.memory_space<semaphore_mem>>
      %dma_start3A_1027 = arith.constant 0 : i32
      %dma_start3A_1028 = tpu.memref_slice %arg4[%add3A_269, %dma_start3A_1027] : memref<8192x1024xf32, #tpu.memory_space<hbm>> -> memref<32x1024xf32, #tpu.memory_space<hbm>>
      %dma_start3A_1029 = arith.constant 0 : i32
      %dma_start3A_1030 = tpu.memref_slice %arg4[%add3A_269, %dma_start3A_1029] : memref<8192x1024xf32, #tpu.memory_space<hbm>> -> memref<32x1024xf32, #tpu.memory_space<hbm>>
      tpu.enqueue_dma source(%dma_start3A_1030 : memref<32x1024xf32, #tpu.memory_space<hbm>>) target(%arg8 : memref<32x1024xf32, #tpu.memory_space<vmem>>) target_semaphore(%run_scoped3A : memref<!tpu.dma_semaphore, #tpu.memory_space<semaphore_mem>>)
      %dma_wait3A_1031 = arith.constant 0 : i32
      %dma_wait3A_1032 = tpu.memref_slice %arg4[%add3A_269, %dma_wait3A_1031] : memref<8192x1024xf32, #tpu.memory_space<hbm>> -> memref<32x1024xf32, #tpu.memory_space<hbm>>
      %dma_wait3A_1033 = arith.constant 0 : i32
      %dma_wait3A_1034 = tpu.memref_slice %arg4[%add3A_269, %dma_wait3A_1033] : memref<8192x1024xf32, #tpu.memory_space<hbm>> -> memref<32x1024xf32, #tpu.memory_space<hbm>>
      tpu.wait_dma2 semaphore(%run_scoped3A : memref<!tpu.dma_semaphore, #tpu.memory_space<semaphore_mem>>) src(%dma_wait3A_1034 : memref<32x1024xf32, #tpu.memory_space<hbm>>) dst(%arg8 : memref<32x1024xf32, #tpu.memory_space<vmem>>)
      tpu.yield
    }) : () -> ()
    %add3A_270 = arith.constant 24576 : i32
    %add3A_271 = arith.addi %add3A_270, %mul3A_2 : i32
    %add3A_272 = arith.constant 32 : i32
    %add3A_273 = arith.addi %add3A_271, %add3A_272 : i32
    %dma_wait3A_274 = arith.constant 0 : i32
    %dma_wait3A_275 = tpu.memref_slice %arg5[%add3A_273, %dma_wait3A_274] : memref<32768x1024xf32, #tpu.memory_space<hbm>> -> memref<32x1024xf32, #tpu.memory_space<hbm>>
    %dma_wait3A_276 = arith.constant 0 : i32
    %dma_wait3A_277 = tpu.memref_slice %arg5[%add3A_273, %dma_wait3A_276] : memref<32768x1024xf32, #tpu.memory_space<hbm>> -> memref<32x1024xf32, #tpu.memory_space<hbm>>
    tpu.wait_dma2 semaphore(%arg15 : memref<!tpu.dma_semaphore, #tpu.memory_space<semaphore_mem>>) src(%arg10 : memref<32x1024xf32, #tpu.memory_space<vmem>>) dst(%dma_wait3A_277 : memref<32x1024xf32, #tpu.memory_space<hbm>>)
    %dma_start3A_278 = arith.constant 320 : i32
    %dma_start3A_279 = tpu.memref_slice %arg7[%dma_start3A_278] : memref<1024xi32, #tpu.memory_space<vmem>> -> memref<32xi32, #tpu.memory_space<vmem>>
    %dma_start3A_280 = arith.constant 0 : i32
    %dma_start3A_281 = arith.constant 0 : i32
    %dma_start3A_282 = tpu.memref_slice %arg3[%dma_start3A_280, %dma_start3A_281] : memref<100000x1024xf32, #tpu.memory_space<hbm>> -> memref<100000x1024xf32, #tpu.memory_space<hbm>>
    tpu.enqueue_indirect_dma source(%dma_start3A_282 : memref<100000x1024xf32, #tpu.memory_space<hbm>>) target(%arg10 : memref<32x1024xf32, #tpu.memory_space<vmem>>) offsets(%dma_start3A_279 : memref<32xi32, #tpu.memory_space<vmem>>) semaphore(%arg13 : memref<!tpu.dma_semaphore, #tpu.memory_space<semaphore_mem>>)
    %dma_wait3A_283 = arith.constant 64 : i32
    %dma_wait3A_284 = tpu.memref_slice %arg7[%dma_wait3A_283] : memref<1024xi32, #tpu.memory_space<vmem>> -> memref<32xi32, #tpu.memory_space<vmem>>
    %dma_wait3A_285 = arith.constant 0 : i32
    %dma_wait3A_286 = arith.constant 0 : i32
    %dma_wait3A_287 = tpu.memref_slice %arg3[%dma_wait3A_285, %dma_wait3A_286] : memref<100000x1024xf32, #tpu.memory_space<hbm>> -> memref<100000x1024xf32, #tpu.memory_space<hbm>>
    tpu.wait_indirect_dma semaphore(%arg12 : memref<!tpu.dma_semaphore, #tpu.memory_space<semaphore_mem>>) src(%dma_wait3A_287 : memref<100000x1024xf32, #tpu.memory_space<hbm>>) dst(%arg9 : memref<32x1024xf32, #tpu.memory_space<vmem>>)
    %scan3A_288 = arith.constant 0 : i32
    %scan3A_289 = arith.constant 32 : i32
    %scan3A_290 = arith.addi %scan3A_288, %scan3A_289 : i32
    %scan3A_291 = arith.constant 1 : i32
    scf.for %scan3A_1027 = %scan3A_288 to %scan3A_290 step %scan3A_291  : i32 {
      %mul3A_1028 = arith.constant 1 : i32
      %mul3A_1029 = arith.muli %scan3A_1027, %mul3A_1028 : i32
      %add3A_1030 = arith.constant 0 : i32
      %add3A_1031 = arith.addi %add3A_1030, %mul3A_1029 : i32
      %scan3A_1032 = arith.constant 0 : i32
      %scan3A_1033 = arith.constant 64 : i32
      %scan3A_1034 = arith.addi %scan3A_1032, %scan3A_1033 : i32
      %scan3A_1035 = arith.constant 1 : i32
      scf.for %scan3A_1037 = %scan3A_1032 to %scan3A_1034 step %scan3A_1035  : i32 {
        %mul3A_1038 = arith.constant 1 : i32
        %mul3A_1039 = arith.muli %scan3A_1037, %mul3A_1038 : i32
        %add3A_1040 = arith.constant 0 : i32
        %add3A_1041 = arith.addi %add3A_1040, %mul3A_1039 : i32
        %mul3A_1042 = arith.constant 16 : i32
        %mul3A_1043 = arith.muli %add3A_1041, %mul3A_1042 : i32
        %get3A = arith.index_cast %add3A_1031 : i32 to index
        %get3A_1044 = arith.index_cast %mul3A_1043 : i32 to index
        %get3A_1045 = tpu.vector_load %arg9[%get3A, %get3A_1044] {strides = array<i32>} : memref<32x1024xf32, #tpu.memory_space<vmem>>, vector<1x16xf32>,
        %get3A_1046 = vector.shape_cast %get3A_1045 : vector<1x16xf32> to vector<16xf32>
        %get3A_1047 = arith.index_cast %add3A_1031 : i32 to index
        %get3A_1048 = arith.index_cast %mul3A_1043 : i32 to index
        %get3A_1049 = tpu.vector_load %arg8[%get3A_1047, %get3A_1048] {strides = array<i32>} : memref<32x1024xf32, #tpu.memory_space<vmem>>, vector<1x16xf32>,
        %get3A_1050 = vector.shape_cast %get3A_1049 : vector<1x16xf32> to vector<16xf32>
        %add3A_1051 = arith.addf %get3A_1046, %get3A_1050 : vector<16xf32>
        %swap3A = arith.index_cast %add3A_1031 : i32 to index
        %swap3A_1052 = arith.index_cast %mul3A_1043 : i32 to index
        %swap3A_1053 = tpu.vector_load %arg9[%swap3A, %swap3A_1052] {strides = array<i32>} : memref<32x1024xf32, #tpu.memory_space<vmem>>, vector<1x16xf32>,
        %swap3A_1054 = vector.shape_cast %swap3A_1053 : vector<1x16xf32> to vector<16xf32>
        %swap3A_1055 = vector.shape_cast %add3A_1051 : vector<16xf32> to vector<1x16xf32>
        tpu.vector_store %arg9[%swap3A, %swap3A_1052], %swap3A_1055 {strides = array<i32>} : memref<32x1024xf32, #tpu.memory_space<vmem>>, vector<1x16xf32>,
      }
      %scan3A_1036 = arith.constant 64 : i32
    }
    %scan3A_292 = arith.constant 32 : i32
    %add3A_293 = arith.constant 0 : i32
    %add3A_294 = arith.addi %add3A_293, %mul3A_2 : i32
    %add3A_295 = arith.constant 64 : i32
    %add3A_296 = arith.addi %add3A_294, %add3A_295 : i32
    %dma_start3A_297 = arith.constant 0 : i32
    %dma_start3A_298 = tpu.memref_slice %arg5[%add3A_296, %dma_start3A_297] : memref<32768x1024xf32, #tpu.memory_space<hbm>> -> memref<32x1024xf32, #tpu.memory_space<hbm>>
    %dma_start3A_299 = arith.constant 0 : i32
    %dma_start3A_300 = tpu.memref_slice %arg5[%add3A_296, %dma_start3A_299] : memref<32768x1024xf32, #tpu.memory_space<hbm>> -> memref<32x1024xf32, #tpu.memory_space<hbm>>
    tpu.enqueue_dma source(%arg9 : memref<32x1024xf32, #tpu.memory_space<vmem>>) target(%dma_start3A_300 : memref<32x1024xf32, #tpu.memory_space<hbm>>) target_semaphore(%arg14 : memref<!tpu.dma_semaphore, #tpu.memory_space<semaphore_mem>>)
    %add3A_301 = arith.constant 0 : i32
    %add3A_302 = arith.addi %add3A_301, %mul3A_2 : i32
    %add3A_303 = arith.constant 64 : i32
    %add3A_304 = arith.addi %add3A_302, %add3A_303 : i32
    %dma_wait3A_305 = arith.constant 0 : i32
    %dma_wait3A_306 = tpu.memref_slice %arg5[%add3A_304, %dma_wait3A_305] : memref<32768x1024xf32, #tpu.memory_space<hbm>> -> memref<32x1024xf32, #tpu.memory_space<hbm>>
    %dma_wait3A_307 = arith.constant 0 : i32
    %dma_wait3A_308 = tpu.memref_slice %arg5[%add3A_304, %dma_wait3A_307] : memref<32768x1024xf32, #tpu.memory_space<hbm>> -> memref<32x1024xf32, #tpu.memory_space<hbm>>
    tpu.wait_dma2 semaphore(%arg14 : memref<!tpu.dma_semaphore, #tpu.memory_space<semaphore_mem>>) src(%arg9 : memref<32x1024xf32, #tpu.memory_space<vmem>>) dst(%dma_wait3A_308 : memref<32x1024xf32, #tpu.memory_space<hbm>>)
    %dma_start3A_309 = arith.constant 576 : i32
    %dma_start3A_310 = tpu.memref_slice %arg7[%dma_start3A_309] : memref<1024xi32, #tpu.memory_space<vmem>> -> memref<32xi32, #tpu.memory_space<vmem>>
    %dma_start3A_311 = arith.constant 0 : i32
    %dma_start3A_312 = arith.constant 0 : i32
    %dma_start3A_313 = tpu.memref_slice %arg3[%dma_start3A_311, %dma_start3A_312] : memref<100000x1024xf32, #tpu.memory_space<hbm>> -> memref<100000x1024xf32, #tpu.memory_space<hbm>>
    tpu.enqueue_indirect_dma source(%dma_start3A_313 : memref<100000x1024xf32, #tpu.memory_space<hbm>>) target(%arg9 : memref<32x1024xf32, #tpu.memory_space<vmem>>) offsets(%dma_start3A_310 : memref<32xi32, #tpu.memory_space<vmem>>) semaphore(%arg12 : memref<!tpu.dma_semaphore, #tpu.memory_space<semaphore_mem>>)
    %dma_wait3A_314 = arith.constant 320 : i32
    %dma_wait3A_315 = tpu.memref_slice %arg7[%dma_wait3A_314] : memref<1024xi32, #tpu.memory_space<vmem>> -> memref<32xi32, #tpu.memory_space<vmem>>
    %dma_wait3A_316 = arith.constant 0 : i32
    %dma_wait3A_317 = arith.constant 0 : i32
    %dma_wait3A_318 = tpu.memref_slice %arg3[%dma_wait3A_316, %dma_wait3A_317] : memref<100000x1024xf32, #tpu.memory_space<hbm>> -> memref<100000x1024xf32, #tpu.memory_space<hbm>>
    tpu.wait_indirect_dma semaphore(%arg13 : memref<!tpu.dma_semaphore, #tpu.memory_space<semaphore_mem>>) src(%dma_wait3A_318 : memref<100000x1024xf32, #tpu.memory_space<hbm>>) dst(%arg10 : memref<32x1024xf32, #tpu.memory_space<vmem>>)
    %scan3A_319 = arith.constant 0 : i32
    %scan3A_320 = arith.constant 32 : i32
    %scan3A_321 = arith.addi %scan3A_319, %scan3A_320 : i32
    %scan3A_322 = arith.constant 1 : i32
    scf.for %scan3A_1027 = %scan3A_319 to %scan3A_321 step %scan3A_322  : i32 {
      %mul3A_1028 = arith.constant 1 : i32
      %mul3A_1029 = arith.muli %scan3A_1027, %mul3A_1028 : i32
      %add3A_1030 = arith.constant 0 : i32
      %add3A_1031 = arith.addi %add3A_1030, %mul3A_1029 : i32
      %scan3A_1032 = arith.constant 0 : i32
      %scan3A_1033 = arith.constant 64 : i32
      %scan3A_1034 = arith.addi %scan3A_1032, %scan3A_1033 : i32
      %scan3A_1035 = arith.constant 1 : i32
      scf.for %scan3A_1037 = %scan3A_1032 to %scan3A_1034 step %scan3A_1035  : i32 {
        %mul3A_1038 = arith.constant 1 : i32
        %mul3A_1039 = arith.muli %scan3A_1037, %mul3A_1038 : i32
        %add3A_1040 = arith.constant 0 : i32
        %add3A_1041 = arith.addi %add3A_1040, %mul3A_1039 : i32
        %mul3A_1042 = arith.constant 16 : i32
        %mul3A_1043 = arith.muli %add3A_1041, %mul3A_1042 : i32
        %get3A = arith.index_cast %add3A_1031 : i32 to index
        %get3A_1044 = arith.index_cast %mul3A_1043 : i32 to index
        %get3A_1045 = tpu.vector_load %arg10[%get3A, %get3A_1044] {strides = array<i32>} : memref<32x1024xf32, #tpu.memory_space<vmem>>, vector<1x16xf32>,
        %get3A_1046 = vector.shape_cast %get3A_1045 : vector<1x16xf32> to vector<16xf32>
        %get3A_1047 = arith.index_cast %add3A_1031 : i32 to index
        %get3A_1048 = arith.index_cast %mul3A_1043 : i32 to index
        %get3A_1049 = tpu.vector_load %arg8[%get3A_1047, %get3A_1048] {strides = array<i32>} : memref<32x1024xf32, #tpu.memory_space<vmem>>, vector<1x16xf32>,
        %get3A_1050 = vector.shape_cast %get3A_1049 : vector<1x16xf32> to vector<16xf32>
        %add3A_1051 = arith.addf %get3A_1046, %get3A_1050 : vector<16xf32>
        %swap3A = arith.index_cast %add3A_1031 : i32 to index
        %swap3A_1052 = arith.index_cast %mul3A_1043 : i32 to index
        %swap3A_1053 = tpu.vector_load %arg10[%swap3A, %swap3A_1052] {strides = array<i32>} : memref<32x1024xf32, #tpu.memory_space<vmem>>, vector<1x16xf32>,
        %swap3A_1054 = vector.shape_cast %swap3A_1053 : vector<1x16xf32> to vector<16xf32>
        %swap3A_1055 = vector.shape_cast %add3A_1051 : vector<16xf32> to vector<1x16xf32>
        tpu.vector_store %arg10[%swap3A, %swap3A_1052], %swap3A_1055 {strides = array<i32>} : memref<32x1024xf32, #tpu.memory_space<vmem>>, vector<1x16xf32>,
      }
      %scan3A_1036 = arith.constant 64 : i32
    }
    %scan3A_323 = arith.constant 32 : i32
    %add3A_324 = arith.constant 8192 : i32
    %add3A_325 = arith.addi %add3A_324, %mul3A_2 : i32
    %add3A_326 = arith.constant 64 : i32
    %add3A_327 = arith.addi %add3A_325, %add3A_326 : i32
    %dma_start3A_328 = arith.constant 0 : i32
    %dma_start3A_329 = tpu.memref_slice %arg5[%add3A_327, %dma_start3A_328] : memref<32768x1024xf32, #tpu.memory_space<hbm>> -> memref<32x1024xf32, #tpu.memory_space<hbm>>
    %dma_start3A_330 = arith.constant 0 : i32
    %dma_start3A_331 = tpu.memref_slice %arg5[%add3A_327, %dma_start3A_330] : memref<32768x1024xf32, #tpu.memory_space<hbm>> -> memref<32x1024xf32, #tpu.memory_space<hbm>>
    tpu.enqueue_dma source(%arg10 : memref<32x1024xf32, #tpu.memory_space<vmem>>) target(%dma_start3A_331 : memref<32x1024xf32, #tpu.memory_space<hbm>>) target_semaphore(%arg15 : memref<!tpu.dma_semaphore, #tpu.memory_space<semaphore_mem>>)
    %add3A_332 = arith.constant 8192 : i32
    %add3A_333 = arith.addi %add3A_332, %mul3A_2 : i32
    %add3A_334 = arith.constant 64 : i32
    %add3A_335 = arith.addi %add3A_333, %add3A_334 : i32
    %dma_wait3A_336 = arith.constant 0 : i32
    %dma_wait3A_337 = tpu.memref_slice %arg5[%add3A_335, %dma_wait3A_336] : memref<32768x1024xf32, #tpu.memory_space<hbm>> -> memref<32x1024xf32, #tpu.memory_space<hbm>>
    %dma_wait3A_338 = arith.constant 0 : i32
    %dma_wait3A_339 = tpu.memref_slice %arg5[%add3A_335, %dma_wait3A_338] : memref<32768x1024xf32, #tpu.memory_space<hbm>> -> memref<32x1024xf32, #tpu.memory_space<hbm>>
    tpu.wait_dma2 semaphore(%arg15 : memref<!tpu.dma_semaphore, #tpu.memory_space<semaphore_mem>>) src(%arg10 : memref<32x1024xf32, #tpu.memory_space<vmem>>) dst(%dma_wait3A_339 : memref<32x1024xf32, #tpu.memory_space<hbm>>)
    %dma_start3A_340 = arith.constant 832 : i32
    %dma_start3A_341 = tpu.memref_slice %arg7[%dma_start3A_340] : memref<1024xi32, #tpu.memory_space<vmem>> -> memref<32xi32, #tpu.memory_space<vmem>>
    %dma_start3A_342 = arith.constant 0 : i32
    %dma_start3A_343 = arith.constant 0 : i32
    %dma_start3A_344 = tpu.memref_slice %arg3[%dma_start3A_342, %dma_start3A_343] : memref<100000x1024xf32, #tpu.memory_space<hbm>> -> memref<100000x1024xf32, #tpu.memory_space<hbm>>
    tpu.enqueue_indirect_dma source(%dma_start3A_344 : memref<100000x1024xf32, #tpu.memory_space<hbm>>) target(%arg10 : memref<32x1024xf32, #tpu.memory_space<vmem>>) offsets(%dma_start3A_341 : memref<32xi32, #tpu.memory_space<vmem>>) semaphore(%arg13 : memref<!tpu.dma_semaphore, #tpu.memory_space<semaphore_mem>>)
    %dma_wait3A_345 = arith.constant 576 : i32
    %dma_wait3A_346 = tpu.memref_slice %arg7[%dma_wait3A_345] : memref<1024xi32, #tpu.memory_space<vmem>> -> memref<32xi32, #tpu.memory_space<vmem>>
    %dma_wait3A_347 = arith.constant 0 : i32
    %dma_wait3A_348 = arith.constant 0 : i32
    %dma_wait3A_349 = tpu.memref_slice %arg3[%dma_wait3A_347, %dma_wait3A_348] : memref<100000x1024xf32, #tpu.memory_space<hbm>> -> memref<100000x1024xf32, #tpu.memory_space<hbm>>
    tpu.wait_indirect_dma semaphore(%arg12 : memref<!tpu.dma_semaphore, #tpu.memory_space<semaphore_mem>>) src(%dma_wait3A_349 : memref<100000x1024xf32, #tpu.memory_space<hbm>>) dst(%arg9 : memref<32x1024xf32, #tpu.memory_space<vmem>>)
    %scan3A_350 = arith.constant 0 : i32
    %scan3A_351 = arith.constant 32 : i32
    %scan3A_352 = arith.addi %scan3A_350, %scan3A_351 : i32
    %scan3A_353 = arith.constant 1 : i32
    scf.for %scan3A_1027 = %scan3A_350 to %scan3A_352 step %scan3A_353  : i32 {
      %mul3A_1028 = arith.constant 1 : i32
      %mul3A_1029 = arith.muli %scan3A_1027, %mul3A_1028 : i32
      %add3A_1030 = arith.constant 0 : i32
      %add3A_1031 = arith.addi %add3A_1030, %mul3A_1029 : i32
      %scan3A_1032 = arith.constant 0 : i32
      %scan3A_1033 = arith.constant 64 : i32
      %scan3A_1034 = arith.addi %scan3A_1032, %scan3A_1033 : i32
      %scan3A_1035 = arith.constant 1 : i32
      scf.for %scan3A_1037 = %scan3A_1032 to %scan3A_1034 step %scan3A_1035  : i32 {
        %mul3A_1038 = arith.constant 1 : i32
        %mul3A_1039 = arith.muli %scan3A_1037, %mul3A_1038 : i32
        %add3A_1040 = arith.constant 0 : i32
        %add3A_1041 = arith.addi %add3A_1040, %mul3A_1039 : i32
        %mul3A_1042 = arith.constant 16 : i32
        %mul3A_1043 = arith.muli %add3A_1041, %mul3A_1042 : i32
        %get3A = arith.index_cast %add3A_1031 : i32 to index
        %get3A_1044 = arith.index_cast %mul3A_1043 : i32 to index
        %get3A_1045 = tpu.vector_load %arg9[%get3A, %get3A_1044] {strides = array<i32>} : memref<32x1024xf32, #tpu.memory_space<vmem>>, vector<1x16xf32>,
        %get3A_1046 = vector.shape_cast %get3A_1045 : vector<1x16xf32> to vector<16xf32>
        %get3A_1047 = arith.index_cast %add3A_1031 : i32 to index
        %get3A_1048 = arith.index_cast %mul3A_1043 : i32 to index
        %get3A_1049 = tpu.vector_load %arg8[%get3A_1047, %get3A_1048] {strides = array<i32>} : memref<32x1024xf32, #tpu.memory_space<vmem>>, vector<1x16xf32>,
        %get3A_1050 = vector.shape_cast %get3A_1049 : vector<1x16xf32> to vector<16xf32>
        %add3A_1051 = arith.addf %get3A_1046, %get3A_1050 : vector<16xf32>
        %swap3A = arith.index_cast %add3A_1031 : i32 to index
        %swap3A_1052 = arith.index_cast %mul3A_1043 : i32 to index
        %swap3A_1053 = tpu.vector_load %arg9[%swap3A, %swap3A_1052] {strides = array<i32>} : memref<32x1024xf32, #tpu.memory_space<vmem>>, vector<1x16xf32>,
        %swap3A_1054 = vector.shape_cast %swap3A_1053 : vector<1x16xf32> to vector<16xf32>
        %swap3A_1055 = vector.shape_cast %add3A_1051 : vector<16xf32> to vector<1x16xf32>
        tpu.vector_store %arg9[%swap3A, %swap3A_1052], %swap3A_1055 {strides = array<i32>} : memref<32x1024xf32, #tpu.memory_space<vmem>>, vector<1x16xf32>,
      }
      %scan3A_1036 = arith.constant 64 : i32
    }
    %scan3A_354 = arith.constant 32 : i32
    %add3A_355 = arith.constant 16384 : i32
    %add3A_356 = arith.addi %add3A_355, %mul3A_2 : i32
    %add3A_357 = arith.constant 64 : i32
    %add3A_358 = arith.addi %add3A_356, %add3A_357 : i32
    %dma_start3A_359 = arith.constant 0 : i32
    %dma_start3A_360 = tpu.memref_slice %arg5[%add3A_358, %dma_start3A_359] : memref<32768x1024xf32, #tpu.memory_space<hbm>> -> memref<32x1024xf32, #tpu.memory_space<hbm>>
    %dma_start3A_361 = arith.constant 0 : i32
    %dma_start3A_362 = tpu.memref_slice %arg5[%add3A_358, %dma_start3A_361] : memref<32768x1024xf32, #tpu.memory_space<hbm>> -> memref<32x1024xf32, #tpu.memory_space<hbm>>
    tpu.enqueue_dma source(%arg9 : memref<32x1024xf32, #tpu.memory_space<vmem>>) target(%dma_start3A_362 : memref<32x1024xf32, #tpu.memory_space<hbm>>) target_semaphore(%arg14 : memref<!tpu.dma_semaphore, #tpu.memory_space<semaphore_mem>>)
    %add3A_363 = arith.constant 16384 : i32
    %add3A_364 = arith.addi %add3A_363, %mul3A_2 : i32
    %add3A_365 = arith.constant 64 : i32
    %add3A_366 = arith.addi %add3A_364, %add3A_365 : i32
    %dma_wait3A_367 = arith.constant 0 : i32
    %dma_wait3A_368 = tpu.memref_slice %arg5[%add3A_366, %dma_wait3A_367] : memref<32768x1024xf32, #tpu.memory_space<hbm>> -> memref<32x1024xf32, #tpu.memory_space<hbm>>
    %dma_wait3A_369 = arith.constant 0 : i32
    %dma_wait3A_370 = tpu.memref_slice %arg5[%add3A_366, %dma_wait3A_369] : memref<32768x1024xf32, #tpu.memory_space<hbm>> -> memref<32x1024xf32, #tpu.memory_space<hbm>>
    tpu.wait_dma2 semaphore(%arg14 : memref<!tpu.dma_semaphore, #tpu.memory_space<semaphore_mem>>) src(%arg9 : memref<32x1024xf32, #tpu.memory_space<vmem>>) dst(%dma_wait3A_370 : memref<32x1024xf32, #tpu.memory_space<hbm>>)
    %dma_start3A_371 = arith.constant 96 : i32
    %dma_start3A_372 = tpu.memref_slice %arg7[%dma_start3A_371] : memref<1024xi32, #tpu.memory_space<vmem>> -> memref<32xi32, #tpu.memory_space<vmem>>
    %dma_start3A_373 = arith.constant 0 : i32
    %dma_start3A_374 = arith.constant 0 : i32
    %dma_start3A_375 = tpu.memref_slice %arg3[%dma_start3A_373, %dma_start3A_374] : memref<100000x1024xf32, #tpu.memory_space<hbm>> -> memref<100000x1024xf32, #tpu.memory_space<hbm>>
    tpu.enqueue_indirect_dma source(%dma_start3A_375 : memref<100000x1024xf32, #tpu.memory_space<hbm>>) target(%arg9 : memref<32x1024xf32, #tpu.memory_space<vmem>>) offsets(%dma_start3A_372 : memref<32xi32, #tpu.memory_space<vmem>>) semaphore(%arg12 : memref<!tpu.dma_semaphore, #tpu.memory_space<semaphore_mem>>)
    %dma_wait3A_376 = arith.constant 832 : i32
    %dma_wait3A_377 = tpu.memref_slice %arg7[%dma_wait3A_376] : memref<1024xi32, #tpu.memory_space<vmem>> -> memref<32xi32, #tpu.memory_space<vmem>>
    %dma_wait3A_378 = arith.constant 0 : i32
    %dma_wait3A_379 = arith.constant 0 : i32
    %dma_wait3A_380 = tpu.memref_slice %arg3[%dma_wait3A_378, %dma_wait3A_379] : memref<100000x1024xf32, #tpu.memory_space<hbm>> -> memref<100000x1024xf32, #tpu.memory_space<hbm>>
    tpu.wait_indirect_dma semaphore(%arg13 : memref<!tpu.dma_semaphore, #tpu.memory_space<semaphore_mem>>) src(%dma_wait3A_380 : memref<100000x1024xf32, #tpu.memory_space<hbm>>) dst(%arg10 : memref<32x1024xf32, #tpu.memory_space<vmem>>)
    %scan3A_381 = arith.constant 0 : i32
    %scan3A_382 = arith.constant 32 : i32
    %scan3A_383 = arith.addi %scan3A_381, %scan3A_382 : i32
    %scan3A_384 = arith.constant 1 : i32
    scf.for %scan3A_1027 = %scan3A_381 to %scan3A_383 step %scan3A_384  : i32 {
      %mul3A_1028 = arith.constant 1 : i32
      %mul3A_1029 = arith.muli %scan3A_1027, %mul3A_1028 : i32
      %add3A_1030 = arith.constant 0 : i32
      %add3A_1031 = arith.addi %add3A_1030, %mul3A_1029 : i32
      %scan3A_1032 = arith.constant 0 : i32
      %scan3A_1033 = arith.constant 64 : i32
      %scan3A_1034 = arith.addi %scan3A_1032, %scan3A_1033 : i32
      %scan3A_1035 = arith.constant 1 : i32
      scf.for %scan3A_1037 = %scan3A_1032 to %scan3A_1034 step %scan3A_1035  : i32 {
        %mul3A_1038 = arith.constant 1 : i32
        %mul3A_1039 = arith.muli %scan3A_1037, %mul3A_1038 : i32
        %add3A_1040 = arith.constant 0 : i32
        %add3A_1041 = arith.addi %add3A_1040, %mul3A_1039 : i32
        %mul3A_1042 = arith.constant 16 : i32
        %mul3A_1043 = arith.muli %add3A_1041, %mul3A_1042 : i32
        %get3A = arith.index_cast %add3A_1031 : i32 to index
        %get3A_1044 = arith.index_cast %mul3A_1043 : i32 to index
        %get3A_1045 = tpu.vector_load %arg10[%get3A, %get3A_1044] {strides = array<i32>} : memref<32x1024xf32, #tpu.memory_space<vmem>>, vector<1x16xf32>,
        %get3A_1046 = vector.shape_cast %get3A_1045 : vector<1x16xf32> to vector<16xf32>
        %get3A_1047 = arith.index_cast %add3A_1031 : i32 to index
        %get3A_1048 = arith.index_cast %mul3A_1043 : i32 to index
        %get3A_1049 = tpu.vector_load %arg8[%get3A_1047, %get3A_1048] {strides = array<i32>} : memref<32x1024xf32, #tpu.memory_space<vmem>>, vector<1x16xf32>,
        %get3A_1050 = vector.shape_cast %get3A_1049 : vector<1x16xf32> to vector<16xf32>
        %add3A_1051 = arith.addf %get3A_1046, %get3A_1050 : vector<16xf32>
        %swap3A = arith.index_cast %add3A_1031 : i32 to index
        %swap3A_1052 = arith.index_cast %mul3A_1043 : i32 to index
        %swap3A_1053 = tpu.vector_load %arg10[%swap3A, %swap3A_1052] {strides = array<i32>} : memref<32x1024xf32, #tpu.memory_space<vmem>>, vector<1x16xf32>,
        %swap3A_1054 = vector.shape_cast %swap3A_1053 : vector<1x16xf32> to vector<16xf32>
        %swap3A_1055 = vector.shape_cast %add3A_1051 : vector<16xf32> to vector<1x16xf32>
        tpu.vector_store %arg10[%swap3A, %swap3A_1052], %swap3A_1055 {strides = array<i32>} : memref<32x1024xf32, #tpu.memory_space<vmem>>, vector<1x16xf32>,
      }
      %scan3A_1036 = arith.constant 64 : i32
    }
    %scan3A_385 = arith.constant 32 : i32
    %add3A_386 = arith.constant 24576 : i32
    %add3A_387 = arith.addi %add3A_386, %mul3A_2 : i32
    %add3A_388 = arith.constant 64 : i32
    %add3A_389 = arith.addi %add3A_387, %add3A_388 : i32
    %dma_start3A_390 = arith.constant 0 : i32
    %dma_start3A_391 = tpu.memref_slice %arg5[%add3A_389, %dma_start3A_390] : memref<32768x1024xf32, #tpu.memory_space<hbm>> -> memref<32x1024xf32, #tpu.memory_space<hbm>>
    %dma_start3A_392 = arith.constant 0 : i32
    %dma_start3A_393 = tpu.memref_slice %arg5[%add3A_389, %dma_start3A_392] : memref<32768x1024xf32, #tpu.memory_space<hbm>> -> memref<32x1024xf32, #tpu.memory_space<hbm>>
    tpu.enqueue_dma source(%arg10 : memref<32x1024xf32, #tpu.memory_space<vmem>>) target(%dma_start3A_393 : memref<32x1024xf32, #tpu.memory_space<hbm>>) target_semaphore(%arg15 : memref<!tpu.dma_semaphore, #tpu.memory_space<semaphore_mem>>)
    %add3A_394 = arith.constant 96 : i32
    %add3A_395 = arith.addi %mul3A_2, %add3A_394 : i32
    "tpu.region"() ({
      %run_scoped3A = tpu.sem_alloc : memref<!tpu.dma_semaphore, #tpu.memory_space<semaphore_mem>>
      %dma_start3A_1027 = arith.constant 0 : i32
      %dma_start3A_1028 = tpu.memref_slice %arg4[%add3A_395, %dma_start3A_1027] : memref<8192x1024xf32, #tpu.memory_space<hbm>> -> memref<32x1024xf32, #tpu.memory_space<hbm>>
      %dma_start3A_1029 = arith.constant 0 : i32
      %dma_start3A_1030 = tpu.memref_slice %arg4[%add3A_395, %dma_start3A_1029] : memref<8192x1024xf32, #tpu.memory_space<hbm>> -> memref<32x1024xf32, #tpu.memory_space<hbm>>
      tpu.enqueue_dma source(%dma_start3A_1030 : memref<32x1024xf32, #tpu.memory_space<hbm>>) target(%arg8 : memref<32x1024xf32, #tpu.memory_space<vmem>>) target_semaphore(%run_scoped3A : memref<!tpu.dma_semaphore, #tpu.memory_space<semaphore_mem>>)
      %dma_wait3A_1031 = arith.constant 0 : i32
      %dma_wait3A_1032 = tpu.memref_slice %arg4[%add3A_395, %dma_wait3A_1031] : memref<8192x1024xf32, #tpu.memory_space<hbm>> -> memref<32x1024xf32, #tpu.memory_space<hbm>>
      %dma_wait3A_1033 = arith.constant 0 : i32
      %dma_wait3A_1034 = tpu.memref_slice %arg4[%add3A_395, %dma_wait3A_1033] : memref<8192x1024xf32, #tpu.memory_space<hbm>> -> memref<32x1024xf32, #tpu.memory_space<hbm>>
      tpu.wait_dma2 semaphore(%run_scoped3A : memref<!tpu.dma_semaphore, #tpu.memory_space<semaphore_mem>>) src(%dma_wait3A_1034 : memref<32x1024xf32, #tpu.memory_space<hbm>>) dst(%arg8 : memref<32x1024xf32, #tpu.memory_space<vmem>>)
      tpu.yield
    }) : () -> ()
    %add3A_396 = arith.constant 24576 : i32
    %add3A_397 = arith.addi %add3A_396, %mul3A_2 : i32
    %add3A_398 = arith.constant 64 : i32
    %add3A_399 = arith.addi %add3A_397, %add3A_398 : i32
    %dma_wait3A_400 = arith.constant 0 : i32
    %dma_wait3A_401 = tpu.memref_slice %arg5[%add3A_399, %dma_wait3A_400] : memref<32768x1024xf32, #tpu.memory_space<hbm>> -> memref<32x1024xf32, #tpu.memory_space<hbm>>
    %dma_wait3A_402 = arith.constant 0 : i32
    %dma_wait3A_403 = tpu.memref_slice %arg5[%add3A_399, %dma_wait3A_402] : memref<32768x1024xf32, #tpu.memory_space<hbm>> -> memref<32x1024xf32, #tpu.memory_space<hbm>>
    tpu.wait_dma2 semaphore(%arg15 : memref<!tpu.dma_semaphore, #tpu.memory_space<semaphore_mem>>) src(%arg10 : memref<32x1024xf32, #tpu.memory_space<vmem>>) dst(%dma_wait3A_403 : memref<32x1024xf32, #tpu.memory_space<hbm>>)
    %dma_start3A_404 = arith.constant 352 : i32
    %dma_start3A_405 = tpu.memref_slice %arg7[%dma_start3A_404] : memref<1024xi32, #tpu.memory_space<vmem>> -> memref<32xi32, #tpu.memory_space<vmem>>
    %dma_start3A_406 = arith.constant 0 : i32
    %dma_start3A_407 = arith.constant 0 : i32
    %dma_start3A_408 = tpu.memref_slice %arg3[%dma_start3A_406, %dma_start3A_407] : memref<100000x1024xf32, #tpu.memory_space<hbm>> -> memref<100000x1024xf32, #tpu.memory_space<hbm>>
    tpu.enqueue_indirect_dma source(%dma_start3A_408 : memref<100000x1024xf32, #tpu.memory_space<hbm>>) target(%arg10 : memref<32x1024xf32, #tpu.memory_space<vmem>>) offsets(%dma_start3A_405 : memref<32xi32, #tpu.memory_space<vmem>>) semaphore(%arg13 : memref<!tpu.dma_semaphore, #tpu.memory_space<semaphore_mem>>)
    %dma_wait3A_409 = arith.constant 96 : i32
    %dma_wait3A_410 = tpu.memref_slice %arg7[%dma_wait3A_409] : memref<1024xi32, #tpu.memory_space<vmem>> -> memref<32xi32, #tpu.memory_space<vmem>>
    %dma_wait3A_411 = arith.constant 0 : i32
    %dma_wait3A_412 = arith.constant 0 : i32
    %dma_wait3A_413 = tpu.memref_slice %arg3[%dma_wait3A_411, %dma_wait3A_412] : memref<100000x1024xf32, #tpu.memory_space<hbm>> -> memref<100000x1024xf32, #tpu.memory_space<hbm>>
    tpu.wait_indirect_dma semaphore(%arg12 : memref<!tpu.dma_semaphore, #tpu.memory_space<semaphore_mem>>) src(%dma_wait3A_413 : memref<100000x1024xf32, #tpu.memory_space<hbm>>) dst(%arg9 : memref<32x1024xf32, #tpu.memory_space<vmem>>)
    %scan3A_414 = arith.constant 0 : i32
    %scan3A_415 = arith.constant 32 : i32
    %scan3A_416 = arith.addi %scan3A_414, %scan3A_415 : i32
    %scan3A_417 = arith.constant 1 : i32
    scf.for %scan3A_1027 = %scan3A_414 to %scan3A_416 step %scan3A_417  : i32 {
      %mul3A_1028 = arith.constant 1 : i32
      %mul3A_1029 = arith.muli %scan3A_1027, %mul3A_1028 : i32
      %add3A_1030 = arith.constant 0 : i32
      %add3A_1031 = arith.addi %add3A_1030, %mul3A_1029 : i32
      %scan3A_1032 = arith.constant 0 : i32
      %scan3A_1033 = arith.constant 64 : i32
      %scan3A_1034 = arith.addi %scan3A_1032, %scan3A_1033 : i32
      %scan3A_1035 = arith.constant 1 : i32
      scf.for %scan3A_1037 = %scan3A_1032 to %scan3A_1034 step %scan3A_1035  : i32 {
        %mul3A_1038 = arith.constant 1 : i32
        %mul3A_1039 = arith.muli %scan3A_1037, %mul3A_1038 : i32
        %add3A_1040 = arith.constant 0 : i32
        %add3A_1041 = arith.addi %add3A_1040, %mul3A_1039 : i32
        %mul3A_1042 = arith.constant 16 : i32
        %mul3A_1043 = arith.muli %add3A_1041, %mul3A_1042 : i32
        %get3A = arith.index_cast %add3A_1031 : i32 to index
        %get3A_1044 = arith.index_cast %mul3A_1043 : i32 to index
        %get3A_1045 = tpu.vector_load %arg9[%get3A, %get3A_1044] {strides = array<i32>} : memref<32x1024xf32, #tpu.memory_space<vmem>>, vector<1x16xf32>,
        %get3A_1046 = vector.shape_cast %get3A_1045 : vector<1x16xf32> to vector<16xf32>
        %get3A_1047 = arith.index_cast %add3A_1031 : i32 to index
        %get3A_1048 = arith.index_cast %mul3A_1043 : i32 to index
        %get3A_1049 = tpu.vector_load %arg8[%get3A_1047, %get3A_1048] {strides = array<i32>} : memref<32x1024xf32, #tpu.memory_space<vmem>>, vector<1x16xf32>,
        %get3A_1050 = vector.shape_cast %get3A_1049 : vector<1x16xf32> to vector<16xf32>
        %add3A_1051 = arith.addf %get3A_1046, %get3A_1050 : vector<16xf32>
        %swap3A = arith.index_cast %add3A_1031 : i32 to index
        %swap3A_1052 = arith.index_cast %mul3A_1043 : i32 to index
        %swap3A_1053 = tpu.vector_load %arg9[%swap3A, %swap3A_1052] {strides = array<i32>} : memref<32x1024xf32, #tpu.memory_space<vmem>>, vector<1x16xf32>,
        %swap3A_1054 = vector.shape_cast %swap3A_1053 : vector<1x16xf32> to vector<16xf32>
        %swap3A_1055 = vector.shape_cast %add3A_1051 : vector<16xf32> to vector<1x16xf32>
        tpu.vector_store %arg9[%swap3A, %swap3A_1052], %swap3A_1055 {strides = array<i32>} : memref<32x1024xf32, #tpu.memory_space<vmem>>, vector<1x16xf32>,
      }
      %scan3A_1036 = arith.constant 64 : i32
    }
    %scan3A_418 = arith.constant 32 : i32
    %add3A_419 = arith.constant 0 : i32
    %add3A_420 = arith.addi %add3A_419, %mul3A_2 : i32
    %add3A_421 = arith.constant 96 : i32
    %add3A_422 = arith.addi %add3A_420, %add3A_421 : i32
    %dma_start3A_423 = arith.constant 0 : i32
    %dma_start3A_424 = tpu.memref_slice %arg5[%add3A_422, %dma_start3A_423] : memref<32768x1024xf32, #tpu.memory_space<hbm>> -> memref<32x1024xf32, #tpu.memory_space<hbm>>
    %dma_start3A_425 = arith.constant 0 : i32
    %dma_start3A_426 = tpu.memref_slice %arg5[%add3A_422, %dma_start3A_425] : memref<32768x1024xf32, #tpu.memory_space<hbm>> -> memref<32x1024xf32, #tpu.memory_space<hbm>>
    tpu.enqueue_dma source(%arg9 : memref<32x1024xf32, #tpu.memory_space<vmem>>) target(%dma_start3A_426 : memref<32x1024xf32, #tpu.memory_space<hbm>>) target_semaphore(%arg14 : memref<!tpu.dma_semaphore, #tpu.memory_space<semaphore_mem>>)
    %add3A_427 = arith.constant 0 : i32
    %add3A_428 = arith.addi %add3A_427, %mul3A_2 : i32
    %add3A_429 = arith.constant 96 : i32
    %add3A_430 = arith.addi %add3A_428, %add3A_429 : i32
    %dma_wait3A_431 = arith.constant 0 : i32
    %dma_wait3A_432 = tpu.memref_slice %arg5[%add3A_430, %dma_wait3A_431] : memref<32768x1024xf32, #tpu.memory_space<hbm>> -> memref<32x1024xf32, #tpu.memory_space<hbm>>
    %dma_wait3A_433 = arith.constant 0 : i32
    %dma_wait3A_434 = tpu.memref_slice %arg5[%add3A_430, %dma_wait3A_433] : memref<32768x1024xf32, #tpu.memory_space<hbm>> -> memref<32x1024xf32, #tpu.memory_space<hbm>>
    tpu.wait_dma2 semaphore(%arg14 : memref<!tpu.dma_semaphore, #tpu.memory_space<semaphore_mem>>) src(%arg9 : memref<32x1024xf32, #tpu.memory_space<vmem>>) dst(%dma_wait3A_434 : memref<32x1024xf32, #tpu.memory_space<hbm>>)
    %dma_start3A_435 = arith.constant 608 : i32
    %dma_start3A_436 = tpu.memref_slice %arg7[%dma_start3A_435] : memref<1024xi32, #tpu.memory_space<vmem>> -> memref<32xi32, #tpu.memory_space<vmem>>
    %dma_start3A_437 = arith.constant 0 : i32
    %dma_start3A_438 = arith.constant 0 : i32
    %dma_start3A_439 = tpu.memref_slice %arg3[%dma_start3A_437, %dma_start3A_438] : memref<100000x1024xf32, #tpu.memory_space<hbm>> -> memref<100000x1024xf32, #tpu.memory_space<hbm>>
    tpu.enqueue_indirect_dma source(%dma_start3A_439 : memref<100000x1024xf32, #tpu.memory_space<hbm>>) target(%arg9 : memref<32x1024xf32, #tpu.memory_space<vmem>>) offsets(%dma_start3A_436 : memref<32xi32, #tpu.memory_space<vmem>>) semaphore(%arg12 : memref<!tpu.dma_semaphore, #tpu.memory_space<semaphore_mem>>)
    %dma_wait3A_440 = arith.constant 352 : i32
    %dma_wait3A_441 = tpu.memref_slice %arg7[%dma_wait3A_440] : memref<1024xi32, #tpu.memory_space<vmem>> -> memref<32xi32, #tpu.memory_space<vmem>>
    %dma_wait3A_442 = arith.constant 0 : i32
    %dma_wait3A_443 = arith.constant 0 : i32
    %dma_wait3A_444 = tpu.memref_slice %arg3[%dma_wait3A_442, %dma_wait3A_443] : memref<100000x1024xf32, #tpu.memory_space<hbm>> -> memref<100000x1024xf32, #tpu.memory_space<hbm>>
    tpu.wait_indirect_dma semaphore(%arg13 : memref<!tpu.dma_semaphore, #tpu.memory_space<semaphore_mem>>) src(%dma_wait3A_444 : memref<100000x1024xf32, #tpu.memory_space<hbm>>) dst(%arg10 : memref<32x1024xf32, #tpu.memory_space<vmem>>)
    %scan3A_445 = arith.constant 0 : i32
    %scan3A_446 = arith.constant 32 : i32
    %scan3A_447 = arith.addi %scan3A_445, %scan3A_446 : i32
    %scan3A_448 = arith.constant 1 : i32
    scf.for %scan3A_1027 = %scan3A_445 to %scan3A_447 step %scan3A_448  : i32 {
      %mul3A_1028 = arith.constant 1 : i32
      %mul3A_1029 = arith.muli %scan3A_1027, %mul3A_1028 : i32
      %add3A_1030 = arith.constant 0 : i32
      %add3A_1031 = arith.addi %add3A_1030, %mul3A_1029 : i32
      %scan3A_1032 = arith.constant 0 : i32
      %scan3A_1033 = arith.constant 64 : i32
      %scan3A_1034 = arith.addi %scan3A_1032, %scan3A_1033 : i32
      %scan3A_1035 = arith.constant 1 : i32
      scf.for %scan3A_1037 = %scan3A_1032 to %scan3A_1034 step %scan3A_1035  : i32 {
        %mul3A_1038 = arith.constant 1 : i32
        %mul3A_1039 = arith.muli %scan3A_1037, %mul3A_1038 : i32
        %add3A_1040 = arith.constant 0 : i32
        %add3A_1041 = arith.addi %add3A_1040, %mul3A_1039 : i32
        %mul3A_1042 = arith.constant 16 : i32
        %mul3A_1043 = arith.muli %add3A_1041, %mul3A_1042 : i32
        %get3A = arith.index_cast %add3A_1031 : i32 to index
        %get3A_1044 = arith.index_cast %mul3A_1043 : i32 to index
        %get3A_1045 = tpu.vector_load %arg10[%get3A, %get3A_1044] {strides = array<i32>} : memref<32x1024xf32, #tpu.memory_space<vmem>>, vector<1x16xf32>,
        %get3A_1046 = vector.shape_cast %get3A_1045 : vector<1x16xf32> to vector<16xf32>
        %get3A_1047 = arith.index_cast %add3A_1031 : i32 to index
        %get3A_1048 = arith.index_cast %mul3A_1043 : i32 to index
        %get3A_1049 = tpu.vector_load %arg8[%get3A_1047, %get3A_1048] {strides = array<i32>} : memref<32x1024xf32, #tpu.memory_space<vmem>>, vector<1x16xf32>,
        %get3A_1050 = vector.shape_cast %get3A_1049 : vector<1x16xf32> to vector<16xf32>
        %add3A_1051 = arith.addf %get3A_1046, %get3A_1050 : vector<16xf32>
        %swap3A = arith.index_cast %add3A_1031 : i32 to index
        %swap3A_1052 = arith.index_cast %mul3A_1043 : i32 to index
        %swap3A_1053 = tpu.vector_load %arg10[%swap3A, %swap3A_1052] {strides = array<i32>} : memref<32x1024xf32, #tpu.memory_space<vmem>>, vector<1x16xf32>,
        %swap3A_1054 = vector.shape_cast %swap3A_1053 : vector<1x16xf32> to vector<16xf32>
        %swap3A_1055 = vector.shape_cast %add3A_1051 : vector<16xf32> to vector<1x16xf32>
        tpu.vector_store %arg10[%swap3A, %swap3A_1052], %swap3A_1055 {strides = array<i32>} : memref<32x1024xf32, #tpu.memory_space<vmem>>, vector<1x16xf32>,
      }
      %scan3A_1036 = arith.constant 64 : i32
    }
    %scan3A_449 = arith.constant 32 : i32
    %add3A_450 = arith.constant 8192 : i32
    %add3A_451 = arith.addi %add3A_450, %mul3A_2 : i32
    %add3A_452 = arith.constant 96 : i32
    %add3A_453 = arith.addi %add3A_451, %add3A_452 : i32
    %dma_start3A_454 = arith.constant 0 : i32
    %dma_start3A_455 = tpu.memref_slice %arg5[%add3A_453, %dma_start3A_454] : memref<32768x1024xf32, #tpu.memory_space<hbm>> -> memref<32x1024xf32, #tpu.memory_space<hbm>>
    %dma_start3A_456 = arith.constant 0 : i32
    %dma_start3A_457 = tpu.memref_slice %arg5[%add3A_453, %dma_start3A_456] : memref<32768x1024xf32, #tpu.memory_space<hbm>> -> memref<32x1024xf32, #tpu.memory_space<hbm>>
    tpu.enqueue_dma source(%arg10 : memref<32x1024xf32, #tpu.memory_space<vmem>>) target(%dma_start3A_457 : memref<32x1024xf32, #tpu.memory_space<hbm>>) target_semaphore(%arg15 : memref<!tpu.dma_semaphore, #tpu.memory_space<semaphore_mem>>)
    %add3A_458 = arith.constant 8192 : i32
    %add3A_459 = arith.addi %add3A_458, %mul3A_2 : i32
    %add3A_460 = arith.constant 96 : i32
    %add3A_461 = arith.addi %add3A_459, %add3A_460 : i32
    %dma_wait3A_462 = arith.constant 0 : i32
    %dma_wait3A_463 = tpu.memref_slice %arg5[%add3A_461, %dma_wait3A_462] : memref<32768x1024xf32, #tpu.memory_space<hbm>> -> memref<32x1024xf32, #tpu.memory_space<hbm>>
    %dma_wait3A_464 = arith.constant 0 : i32
    %dma_wait3A_465 = tpu.memref_slice %arg5[%add3A_461, %dma_wait3A_464] : memref<32768x1024xf32, #tpu.memory_space<hbm>> -> memref<32x1024xf32, #tpu.memory_space<hbm>>
    tpu.wait_dma2 semaphore(%arg15 : memref<!tpu.dma_semaphore, #tpu.memory_space<semaphore_mem>>) src(%arg10 : memref<32x1024xf32, #tpu.memory_space<vmem>>) dst(%dma_wait3A_465 : memref<32x1024xf32, #tpu.memory_space<hbm>>)
    %dma_start3A_466 = arith.constant 864 : i32
    %dma_start3A_467 = tpu.memref_slice %arg7[%dma_start3A_466] : memref<1024xi32, #tpu.memory_space<vmem>> -> memref<32xi32, #tpu.memory_space<vmem>>
    %dma_start3A_468 = arith.constant 0 : i32
    %dma_start3A_469 = arith.constant 0 : i32
    %dma_start3A_470 = tpu.memref_slice %arg3[%dma_start3A_468, %dma_start3A_469] : memref<100000x1024xf32, #tpu.memory_space<hbm>> -> memref<100000x1024xf32, #tpu.memory_space<hbm>>
    tpu.enqueue_indirect_dma source(%dma_start3A_470 : memref<100000x1024xf32, #tpu.memory_space<hbm>>) target(%arg10 : memref<32x1024xf32, #tpu.memory_space<vmem>>) offsets(%dma_start3A_467 : memref<32xi32, #tpu.memory_space<vmem>>) semaphore(%arg13 : memref<!tpu.dma_semaphore, #tpu.memory_space<semaphore_mem>>)
    %dma_wait3A_471 = arith.constant 608 : i32
    %dma_wait3A_472 = tpu.memref_slice %arg7[%dma_wait3A_471] : memref<1024xi32, #tpu.memory_space<vmem>> -> memref<32xi32, #tpu.memory_space<vmem>>
    %dma_wait3A_473 = arith.constant 0 : i32
    %dma_wait3A_474 = arith.constant 0 : i32
    %dma_wait3A_475 = tpu.memref_slice %arg3[%dma_wait3A_473, %dma_wait3A_474] : memref<100000x1024xf32, #tpu.memory_space<hbm>> -> memref<100000x1024xf32, #tpu.memory_space<hbm>>
    tpu.wait_indirect_dma semaphore(%arg12 : memref<!tpu.dma_semaphore, #tpu.memory_space<semaphore_mem>>) src(%dma_wait3A_475 : memref<100000x1024xf32, #tpu.memory_space<hbm>>) dst(%arg9 : memref<32x1024xf32, #tpu.memory_space<vmem>>)
    %scan3A_476 = arith.constant 0 : i32
    %scan3A_477 = arith.constant 32 : i32
    %scan3A_478 = arith.addi %scan3A_476, %scan3A_477 : i32
    %scan3A_479 = arith.constant 1 : i32
    scf.for %scan3A_1027 = %scan3A_476 to %scan3A_478 step %scan3A_479  : i32 {
      %mul3A_1028 = arith.constant 1 : i32
      %mul3A_1029 = arith.muli %scan3A_1027, %mul3A_1028 : i32
      %add3A_1030 = arith.constant 0 : i32
      %add3A_1031 = arith.addi %add3A_1030, %mul3A_1029 : i32
      %scan3A_1032 = arith.constant 0 : i32
      %scan3A_1033 = arith.constant 64 : i32
      %scan3A_1034 = arith.addi %scan3A_1032, %scan3A_1033 : i32
      %scan3A_1035 = arith.constant 1 : i32
      scf.for %scan3A_1037 = %scan3A_1032 to %scan3A_1034 step %scan3A_1035  : i32 {
        %mul3A_1038 = arith.constant 1 : i32
        %mul3A_1039 = arith.muli %scan3A_1037, %mul3A_1038 : i32
        %add3A_1040 = arith.constant 0 : i32
        %add3A_1041 = arith.addi %add3A_1040, %mul3A_1039 : i32
        %mul3A_1042 = arith.constant 16 : i32
        %mul3A_1043 = arith.muli %add3A_1041, %mul3A_1042 : i32
        %get3A = arith.index_cast %add3A_1031 : i32 to index
        %get3A_1044 = arith.index_cast %mul3A_1043 : i32 to index
        %get3A_1045 = tpu.vector_load %arg9[%get3A, %get3A_1044] {strides = array<i32>} : memref<32x1024xf32, #tpu.memory_space<vmem>>, vector<1x16xf32>,
        %get3A_1046 = vector.shape_cast %get3A_1045 : vector<1x16xf32> to vector<16xf32>
        %get3A_1047 = arith.index_cast %add3A_1031 : i32 to index
        %get3A_1048 = arith.index_cast %mul3A_1043 : i32 to index
        %get3A_1049 = tpu.vector_load %arg8[%get3A_1047, %get3A_1048] {strides = array<i32>} : memref<32x1024xf32, #tpu.memory_space<vmem>>, vector<1x16xf32>,
        %get3A_1050 = vector.shape_cast %get3A_1049 : vector<1x16xf32> to vector<16xf32>
        %add3A_1051 = arith.addf %get3A_1046, %get3A_1050 : vector<16xf32>
        %swap3A = arith.index_cast %add3A_1031 : i32 to index
        %swap3A_1052 = arith.index_cast %mul3A_1043 : i32 to index
        %swap3A_1053 = tpu.vector_load %arg9[%swap3A, %swap3A_1052] {strides = array<i32>} : memref<32x1024xf32, #tpu.memory_space<vmem>>, vector<1x16xf32>,
        %swap3A_1054 = vector.shape_cast %swap3A_1053 : vector<1x16xf32> to vector<16xf32>
        %swap3A_1055 = vector.shape_cast %add3A_1051 : vector<16xf32> to vector<1x16xf32>
        tpu.vector_store %arg9[%swap3A, %swap3A_1052], %swap3A_1055 {strides = array<i32>} : memref<32x1024xf32, #tpu.memory_space<vmem>>, vector<1x16xf32>,
      }
      %scan3A_1036 = arith.constant 64 : i32
    }
    %scan3A_480 = arith.constant 32 : i32
    %add3A_481 = arith.constant 16384 : i32
    %add3A_482 = arith.addi %add3A_481, %mul3A_2 : i32
    %add3A_483 = arith.constant 96 : i32
    %add3A_484 = arith.addi %add3A_482, %add3A_483 : i32
    %dma_start3A_485 = arith.constant 0 : i32
    %dma_start3A_486 = tpu.memref_slice %arg5[%add3A_484, %dma_start3A_485] : memref<32768x1024xf32, #tpu.memory_space<hbm>> -> memref<32x1024xf32, #tpu.memory_space<hbm>>
    %dma_start3A_487 = arith.constant 0 : i32
    %dma_start3A_488 = tpu.memref_slice %arg5[%add3A_484, %dma_start3A_487] : memref<32768x1024xf32, #tpu.memory_space<hbm>> -> memref<32x1024xf32, #tpu.memory_space<hbm>>
    tpu.enqueue_dma source(%arg9 : memref<32x1024xf32, #tpu.memory_space<vmem>>) target(%dma_start3A_488 : memref<32x1024xf32, #tpu.memory_space<hbm>>) target_semaphore(%arg14 : memref<!tpu.dma_semaphore, #tpu.memory_space<semaphore_mem>>)
    %add3A_489 = arith.constant 16384 : i32
    %add3A_490 = arith.addi %add3A_489, %mul3A_2 : i32
    %add3A_491 = arith.constant 96 : i32
    %add3A_492 = arith.addi %add3A_490, %add3A_491 : i32
    %dma_wait3A_493 = arith.constant 0 : i32
    %dma_wait3A_494 = tpu.memref_slice %arg5[%add3A_492, %dma_wait3A_493] : memref<32768x1024xf32, #tpu.memory_space<hbm>> -> memref<32x1024xf32, #tpu.memory_space<hbm>>
    %dma_wait3A_495 = arith.constant 0 : i32
    %dma_wait3A_496 = tpu.memref_slice %arg5[%add3A_492, %dma_wait3A_495] : memref<32768x1024xf32, #tpu.memory_space<hbm>> -> memref<32x1024xf32, #tpu.memory_space<hbm>>
    tpu.wait_dma2 semaphore(%arg14 : memref<!tpu.dma_semaphore, #tpu.memory_space<semaphore_mem>>) src(%arg9 : memref<32x1024xf32, #tpu.memory_space<vmem>>) dst(%dma_wait3A_496 : memref<32x1024xf32, #tpu.memory_space<hbm>>)
    %dma_start3A_497 = arith.constant 128 : i32
    %dma_start3A_498 = tpu.memref_slice %arg7[%dma_start3A_497] : memref<1024xi32, #tpu.memory_space<vmem>> -> memref<32xi32, #tpu.memory_space<vmem>>
    %dma_start3A_499 = arith.constant 0 : i32
    %dma_start3A_500 = arith.constant 0 : i32
    %dma_start3A_501 = tpu.memref_slice %arg3[%dma_start3A_499, %dma_start3A_500] : memref<100000x1024xf32, #tpu.memory_space<hbm>> -> memref<100000x1024xf32, #tpu.memory_space<hbm>>
    tpu.enqueue_indirect_dma source(%dma_start3A_501 : memref<100000x1024xf32, #tpu.memory_space<hbm>>) target(%arg9 : memref<32x1024xf32, #tpu.memory_space<vmem>>) offsets(%dma_start3A_498 : memref<32xi32, #tpu.memory_space<vmem>>) semaphore(%arg12 : memref<!tpu.dma_semaphore, #tpu.memory_space<semaphore_mem>>)
    %dma_wait3A_502 = arith.constant 864 : i32
    %dma_wait3A_503 = tpu.memref_slice %arg7[%dma_wait3A_502] : memref<1024xi32, #tpu.memory_space<vmem>> -> memref<32xi32, #tpu.memory_space<vmem>>
    %dma_wait3A_504 = arith.constant 0 : i32
    %dma_wait3A_505 = arith.constant 0 : i32
    %dma_wait3A_506 = tpu.memref_slice %arg3[%dma_wait3A_504, %dma_wait3A_505] : memref<100000x1024xf32, #tpu.memory_space<hbm>> -> memref<100000x1024xf32, #tpu.memory_space<hbm>>
    tpu.wait_indirect_dma semaphore(%arg13 : memref<!tpu.dma_semaphore, #tpu.memory_space<semaphore_mem>>) src(%dma_wait3A_506 : memref<100000x1024xf32, #tpu.memory_space<hbm>>) dst(%arg10 : memref<32x1024xf32, #tpu.memory_space<vmem>>)
    %scan3A_507 = arith.constant 0 : i32
    %scan3A_508 = arith.constant 32 : i32
    %scan3A_509 = arith.addi %scan3A_507, %scan3A_508 : i32
    %scan3A_510 = arith.constant 1 : i32
    scf.for %scan3A_1027 = %scan3A_507 to %scan3A_509 step %scan3A_510  : i32 {
      %mul3A_1028 = arith.constant 1 : i32
      %mul3A_1029 = arith.muli %scan3A_1027, %mul3A_1028 : i32
      %add3A_1030 = arith.constant 0 : i32
      %add3A_1031 = arith.addi %add3A_1030, %mul3A_1029 : i32
      %scan3A_1032 = arith.constant 0 : i32
      %scan3A_1033 = arith.constant 64 : i32
      %scan3A_1034 = arith.addi %scan3A_1032, %scan3A_1033 : i32
      %scan3A_1035 = arith.constant 1 : i32
      scf.for %scan3A_1037 = %scan3A_1032 to %scan3A_1034 step %scan3A_1035  : i32 {
        %mul3A_1038 = arith.constant 1 : i32
        %mul3A_1039 = arith.muli %scan3A_1037, %mul3A_1038 : i32
        %add3A_1040 = arith.constant 0 : i32
        %add3A_1041 = arith.addi %add3A_1040, %mul3A_1039 : i32
        %mul3A_1042 = arith.constant 16 : i32
        %mul3A_1043 = arith.muli %add3A_1041, %mul3A_1042 : i32
        %get3A = arith.index_cast %add3A_1031 : i32 to index
        %get3A_1044 = arith.index_cast %mul3A_1043 : i32 to index
        %get3A_1045 = tpu.vector_load %arg10[%get3A, %get3A_1044] {strides = array<i32>} : memref<32x1024xf32, #tpu.memory_space<vmem>>, vector<1x16xf32>,
        %get3A_1046 = vector.shape_cast %get3A_1045 : vector<1x16xf32> to vector<16xf32>
        %get3A_1047 = arith.index_cast %add3A_1031 : i32 to index
        %get3A_1048 = arith.index_cast %mul3A_1043 : i32 to index
        %get3A_1049 = tpu.vector_load %arg8[%get3A_1047, %get3A_1048] {strides = array<i32>} : memref<32x1024xf32, #tpu.memory_space<vmem>>, vector<1x16xf32>,
        %get3A_1050 = vector.shape_cast %get3A_1049 : vector<1x16xf32> to vector<16xf32>
        %add3A_1051 = arith.addf %get3A_1046, %get3A_1050 : vector<16xf32>
        %swap3A = arith.index_cast %add3A_1031 : i32 to index
        %swap3A_1052 = arith.index_cast %mul3A_1043 : i32 to index
        %swap3A_1053 = tpu.vector_load %arg10[%swap3A, %swap3A_1052] {strides = array<i32>} : memref<32x1024xf32, #tpu.memory_space<vmem>>, vector<1x16xf32>,
        %swap3A_1054 = vector.shape_cast %swap3A_1053 : vector<1x16xf32> to vector<16xf32>
        %swap3A_1055 = vector.shape_cast %add3A_1051 : vector<16xf32> to vector<1x16xf32>
        tpu.vector_store %arg10[%swap3A, %swap3A_1052], %swap3A_1055 {strides = array<i32>} : memref<32x1024xf32, #tpu.memory_space<vmem>>, vector<1x16xf32>,
      }
      %scan3A_1036 = arith.constant 64 : i32
    }
    %scan3A_511 = arith.constant 32 : i32
    %add3A_512 = arith.constant 24576 : i32
    %add3A_513 = arith.addi %add3A_512, %mul3A_2 : i32
    %add3A_514 = arith.constant 96 : i32
    %add3A_515 = arith.addi %add3A_513, %add3A_514 : i32
    %dma_start3A_516 = arith.constant 0 : i32
    %dma_start3A_517 = tpu.memref_slice %arg5[%add3A_515, %dma_start3A_516] : memref<32768x1024xf32, #tpu.memory_space<hbm>> -> memref<32x1024xf32, #tpu.memory_space<hbm>>
    %dma_start3A_518 = arith.constant 0 : i32
    %dma_start3A_519 = tpu.memref_slice %arg5[%add3A_515, %dma_start3A_518] : memref<32768x1024xf32, #tpu.memory_space<hbm>> -> memref<32x1024xf32, #tpu.memory_space<hbm>>
    tpu.enqueue_dma source(%arg10 : memref<32x1024xf32, #tpu.memory_space<vmem>>) target(%dma_start3A_519 : memref<32x1024xf32, #tpu.memory_space<hbm>>) target_semaphore(%arg15 : memref<!tpu.dma_semaphore, #tpu.memory_space<semaphore_mem>>)
    %add3A_520 = arith.constant 128 : i32
    %add3A_521 = arith.addi %mul3A_2, %add3A_520 : i32
    "tpu.region"() ({
      %run_scoped3A = tpu.sem_alloc : memref<!tpu.dma_semaphore, #tpu.memory_space<semaphore_mem>>
      %dma_start3A_1027 = arith.constant 0 : i32
      %dma_start3A_1028 = tpu.memref_slice %arg4[%add3A_521, %dma_start3A_1027] : memref<8192x1024xf32, #tpu.memory_space<hbm>> -> memref<32x1024xf32, #tpu.memory_space<hbm>>
      %dma_start3A_1029 = arith.constant 0 : i32
      %dma_start3A_1030 = tpu.memref_slice %arg4[%add3A_521, %dma_start3A_1029] : memref<8192x1024xf32, #tpu.memory_space<hbm>> -> memref<32x1024xf32, #tpu.memory_space<hbm>>
      tpu.enqueue_dma source(%dma_start3A_1030 : memref<32x1024xf32, #tpu.memory_space<hbm>>) target(%arg8 : memref<32x1024xf32, #tpu.memory_space<vmem>>) target_semaphore(%run_scoped3A : memref<!tpu.dma_semaphore, #tpu.memory_space<semaphore_mem>>)
      %dma_wait3A_1031 = arith.constant 0 : i32
      %dma_wait3A_1032 = tpu.memref_slice %arg4[%add3A_521, %dma_wait3A_1031] : memref<8192x1024xf32, #tpu.memory_space<hbm>> -> memref<32x1024xf32, #tpu.memory_space<hbm>>
      %dma_wait3A_1033 = arith.constant 0 : i32
      %dma_wait3A_1034 = tpu.memref_slice %arg4[%add3A_521, %dma_wait3A_1033] : memref<8192x1024xf32, #tpu.memory_space<hbm>> -> memref<32x1024xf32, #tpu.memory_space<hbm>>
      tpu.wait_dma2 semaphore(%run_scoped3A : memref<!tpu.dma_semaphore, #tpu.memory_space<semaphore_mem>>) src(%dma_wait3A_1034 : memref<32x1024xf32, #tpu.memory_space<hbm>>) dst(%arg8 : memref<32x1024xf32, #tpu.memory_space<vmem>>)
      tpu.yield
    }) : () -> ()
    %add3A_522 = arith.constant 24576 : i32
    %add3A_523 = arith.addi %add3A_522, %mul3A_2 : i32
    %add3A_524 = arith.constant 96 : i32
    %add3A_525 = arith.addi %add3A_523, %add3A_524 : i32
    %dma_wait3A_526 = arith.constant 0 : i32
    %dma_wait3A_527 = tpu.memref_slice %arg5[%add3A_525, %dma_wait3A_526] : memref<32768x1024xf32, #tpu.memory_space<hbm>> -> memref<32x1024xf32, #tpu.memory_space<hbm>>
    %dma_wait3A_528 = arith.constant 0 : i32
    %dma_wait3A_529 = tpu.memref_slice %arg5[%add3A_525, %dma_wait3A_528] : memref<32768x1024xf32, #tpu.memory_space<hbm>> -> memref<32x1024xf32, #tpu.memory_space<hbm>>
    tpu.wait_dma2 semaphore(%arg15 : memref<!tpu.dma_semaphore, #tpu.memory_space<semaphore_mem>>) src(%arg10 : memref<32x1024xf32, #tpu.memory_space<vmem>>) dst(%dma_wait3A_529 : memref<32x1024xf32, #tpu.memory_space<hbm>>)
    %dma_start3A_530 = arith.constant 384 : i32
    %dma_start3A_531 = tpu.memref_slice %arg7[%dma_start3A_530] : memref<1024xi32, #tpu.memory_space<vmem>> -> memref<32xi32, #tpu.memory_space<vmem>>
    %dma_start3A_532 = arith.constant 0 : i32
    %dma_start3A_533 = arith.constant 0 : i32
    %dma_start3A_534 = tpu.memref_slice %arg3[%dma_start3A_532, %dma_start3A_533] : memref<100000x1024xf32, #tpu.memory_space<hbm>> -> memref<100000x1024xf32, #tpu.memory_space<hbm>>
    tpu.enqueue_indirect_dma source(%dma_start3A_534 : memref<100000x1024xf32, #tpu.memory_space<hbm>>) target(%arg10 : memref<32x1024xf32, #tpu.memory_space<vmem>>) offsets(%dma_start3A_531 : memref<32xi32, #tpu.memory_space<vmem>>) semaphore(%arg13 : memref<!tpu.dma_semaphore, #tpu.memory_space<semaphore_mem>>)
    %dma_wait3A_535 = arith.constant 128 : i32
    %dma_wait3A_536 = tpu.memref_slice %arg7[%dma_wait3A_535] : memref<1024xi32, #tpu.memory_space<vmem>> -> memref<32xi32, #tpu.memory_space<vmem>>
    %dma_wait3A_537 = arith.constant 0 : i32
    %dma_wait3A_538 = arith.constant 0 : i32
    %dma_wait3A_539 = tpu.memref_slice %arg3[%dma_wait3A_537, %dma_wait3A_538] : memref<100000x1024xf32, #tpu.memory_space<hbm>> -> memref<100000x1024xf32, #tpu.memory_space<hbm>>
    tpu.wait_indirect_dma semaphore(%arg12 : memref<!tpu.dma_semaphore, #tpu.memory_space<semaphore_mem>>) src(%dma_wait3A_539 : memref<100000x1024xf32, #tpu.memory_space<hbm>>) dst(%arg9 : memref<32x1024xf32, #tpu.memory_space<vmem>>)
    %scan3A_540 = arith.constant 0 : i32
    %scan3A_541 = arith.constant 32 : i32
    %scan3A_542 = arith.addi %scan3A_540, %scan3A_541 : i32
    %scan3A_543 = arith.constant 1 : i32
    scf.for %scan3A_1027 = %scan3A_540 to %scan3A_542 step %scan3A_543  : i32 {
      %mul3A_1028 = arith.constant 1 : i32
      %mul3A_1029 = arith.muli %scan3A_1027, %mul3A_1028 : i32
      %add3A_1030 = arith.constant 0 : i32
      %add3A_1031 = arith.addi %add3A_1030, %mul3A_1029 : i32
      %scan3A_1032 = arith.constant 0 : i32
      %scan3A_1033 = arith.constant 64 : i32
      %scan3A_1034 = arith.addi %scan3A_1032, %scan3A_1033 : i32
      %scan3A_1035 = arith.constant 1 : i32
      scf.for %scan3A_1037 = %scan3A_1032 to %scan3A_1034 step %scan3A_1035  : i32 {
        %mul3A_1038 = arith.constant 1 : i32
        %mul3A_1039 = arith.muli %scan3A_1037, %mul3A_1038 : i32
        %add3A_1040 = arith.constant 0 : i32
        %add3A_1041 = arith.addi %add3A_1040, %mul3A_1039 : i32
        %mul3A_1042 = arith.constant 16 : i32
        %mul3A_1043 = arith.muli %add3A_1041, %mul3A_1042 : i32
        %get3A = arith.index_cast %add3A_1031 : i32 to index
        %get3A_1044 = arith.index_cast %mul3A_1043 : i32 to index
        %get3A_1045 = tpu.vector_load %arg9[%get3A, %get3A_1044] {strides = array<i32>} : memref<32x1024xf32, #tpu.memory_space<vmem>>, vector<1x16xf32>,
        %get3A_1046 = vector.shape_cast %get3A_1045 : vector<1x16xf32> to vector<16xf32>
        %get3A_1047 = arith.index_cast %add3A_1031 : i32 to index
        %get3A_1048 = arith.index_cast %mul3A_1043 : i32 to index
        %get3A_1049 = tpu.vector_load %arg8[%get3A_1047, %get3A_1048] {strides = array<i32>} : memref<32x1024xf32, #tpu.memory_space<vmem>>, vector<1x16xf32>,
        %get3A_1050 = vector.shape_cast %get3A_1049 : vector<1x16xf32> to vector<16xf32>
        %add3A_1051 = arith.addf %get3A_1046, %get3A_1050 : vector<16xf32>
        %swap3A = arith.index_cast %add3A_1031 : i32 to index
        %swap3A_1052 = arith.index_cast %mul3A_1043 : i32 to index
        %swap3A_1053 = tpu.vector_load %arg9[%swap3A, %swap3A_1052] {strides = array<i32>} : memref<32x1024xf32, #tpu.memory_space<vmem>>, vector<1x16xf32>,
        %swap3A_1054 = vector.shape_cast %swap3A_1053 : vector<1x16xf32> to vector<16xf32>
        %swap3A_1055 = vector.shape_cast %add3A_1051 : vector<16xf32> to vector<1x16xf32>
        tpu.vector_store %arg9[%swap3A, %swap3A_1052], %swap3A_1055 {strides = array<i32>} : memref<32x1024xf32, #tpu.memory_space<vmem>>, vector<1x16xf32>,
      }
      %scan3A_1036 = arith.constant 64 : i32
    }
    %scan3A_544 = arith.constant 32 : i32
    %add3A_545 = arith.constant 0 : i32
    %add3A_546 = arith.addi %add3A_545, %mul3A_2 : i32
    %add3A_547 = arith.constant 128 : i32
    %add3A_548 = arith.addi %add3A_546, %add3A_547 : i32
    %dma_start3A_549 = arith.constant 0 : i32
    %dma_start3A_550 = tpu.memref_slice %arg5[%add3A_548, %dma_start3A_549] : memref<32768x1024xf32, #tpu.memory_space<hbm>> -> memref<32x1024xf32, #tpu.memory_space<hbm>>
    %dma_start3A_551 = arith.constant 0 : i32
    %dma_start3A_552 = tpu.memref_slice %arg5[%add3A_548, %dma_start3A_551] : memref<32768x1024xf32, #tpu.memory_space<hbm>> -> memref<32x1024xf32, #tpu.memory_space<hbm>>
    tpu.enqueue_dma source(%arg9 : memref<32x1024xf32, #tpu.memory_space<vmem>>) target(%dma_start3A_552 : memref<32x1024xf32, #tpu.memory_space<hbm>>) target_semaphore(%arg14 : memref<!tpu.dma_semaphore, #tpu.memory_space<semaphore_mem>>)
    %add3A_553 = arith.constant 0 : i32
    %add3A_554 = arith.addi %add3A_553, %mul3A_2 : i32
    %add3A_555 = arith.constant 128 : i32
    %add3A_556 = arith.addi %add3A_554, %add3A_555 : i32
    %dma_wait3A_557 = arith.constant 0 : i32
    %dma_wait3A_558 = tpu.memref_slice %arg5[%add3A_556, %dma_wait3A_557] : memref<32768x1024xf32, #tpu.memory_space<hbm>> -> memref<32x1024xf32, #tpu.memory_space<hbm>>
    %dma_wait3A_559 = arith.constant 0 : i32
    %dma_wait3A_560 = tpu.memref_slice %arg5[%add3A_556, %dma_wait3A_559] : memref<32768x1024xf32, #tpu.memory_space<hbm>> -> memref<32x1024xf32, #tpu.memory_space<hbm>>
    tpu.wait_dma2 semaphore(%arg14 : memref<!tpu.dma_semaphore, #tpu.memory_space<semaphore_mem>>) src(%arg9 : memref<32x1024xf32, #tpu.memory_space<vmem>>) dst(%dma_wait3A_560 : memref<32x1024xf32, #tpu.memory_space<hbm>>)
    %dma_start3A_561 = arith.constant 640 : i32
    %dma_start3A_562 = tpu.memref_slice %arg7[%dma_start3A_561] : memref<1024xi32, #tpu.memory_space<vmem>> -> memref<32xi32, #tpu.memory_space<vmem>>
    %dma_start3A_563 = arith.constant 0 : i32
    %dma_start3A_564 = arith.constant 0 : i32
    %dma_start3A_565 = tpu.memref_slice %arg3[%dma_start3A_563, %dma_start3A_564] : memref<100000x1024xf32, #tpu.memory_space<hbm>> -> memref<100000x1024xf32, #tpu.memory_space<hbm>>
    tpu.enqueue_indirect_dma source(%dma_start3A_565 : memref<100000x1024xf32, #tpu.memory_space<hbm>>) target(%arg9 : memref<32x1024xf32, #tpu.memory_space<vmem>>) offsets(%dma_start3A_562 : memref<32xi32, #tpu.memory_space<vmem>>) semaphore(%arg12 : memref<!tpu.dma_semaphore, #tpu.memory_space<semaphore_mem>>)
    %dma_wait3A_566 = arith.constant 384 : i32
    %dma_wait3A_567 = tpu.memref_slice %arg7[%dma_wait3A_566] : memref<1024xi32, #tpu.memory_space<vmem>> -> memref<32xi32, #tpu.memory_space<vmem>>
    %dma_wait3A_568 = arith.constant 0 : i32
    %dma_wait3A_569 = arith.constant 0 : i32
    %dma_wait3A_570 = tpu.memref_slice %arg3[%dma_wait3A_568, %dma_wait3A_569] : memref<100000x1024xf32, #tpu.memory_space<hbm>> -> memref<100000x1024xf32, #tpu.memory_space<hbm>>
    tpu.wait_indirect_dma semaphore(%arg13 : memref<!tpu.dma_semaphore, #tpu.memory_space<semaphore_mem>>) src(%dma_wait3A_570 : memref<100000x1024xf32, #tpu.memory_space<hbm>>) dst(%arg10 : memref<32x1024xf32, #tpu.memory_space<vmem>>)
    %scan3A_571 = arith.constant 0 : i32
    %scan3A_572 = arith.constant 32 : i32
    %scan3A_573 = arith.addi %scan3A_571, %scan3A_572 : i32
    %scan3A_574 = arith.constant 1 : i32
    scf.for %scan3A_1027 = %scan3A_571 to %scan3A_573 step %scan3A_574  : i32 {
      %mul3A_1028 = arith.constant 1 : i32
      %mul3A_1029 = arith.muli %scan3A_1027, %mul3A_1028 : i32
      %add3A_1030 = arith.constant 0 : i32
      %add3A_1031 = arith.addi %add3A_1030, %mul3A_1029 : i32
      %scan3A_1032 = arith.constant 0 : i32
      %scan3A_1033 = arith.constant 64 : i32
      %scan3A_1034 = arith.addi %scan3A_1032, %scan3A_1033 : i32
      %scan3A_1035 = arith.constant 1 : i32
      scf.for %scan3A_1037 = %scan3A_1032 to %scan3A_1034 step %scan3A_1035  : i32 {
        %mul3A_1038 = arith.constant 1 : i32
        %mul3A_1039 = arith.muli %scan3A_1037, %mul3A_1038 : i32
        %add3A_1040 = arith.constant 0 : i32
        %add3A_1041 = arith.addi %add3A_1040, %mul3A_1039 : i32
        %mul3A_1042 = arith.constant 16 : i32
        %mul3A_1043 = arith.muli %add3A_1041, %mul3A_1042 : i32
        %get3A = arith.index_cast %add3A_1031 : i32 to index
        %get3A_1044 = arith.index_cast %mul3A_1043 : i32 to index
        %get3A_1045 = tpu.vector_load %arg10[%get3A, %get3A_1044] {strides = array<i32>} : memref<32x1024xf32, #tpu.memory_space<vmem>>, vector<1x16xf32>,
        %get3A_1046 = vector.shape_cast %get3A_1045 : vector<1x16xf32> to vector<16xf32>
        %get3A_1047 = arith.index_cast %add3A_1031 : i32 to index
        %get3A_1048 = arith.index_cast %mul3A_1043 : i32 to index
        %get3A_1049 = tpu.vector_load %arg8[%get3A_1047, %get3A_1048] {strides = array<i32>} : memref<32x1024xf32, #tpu.memory_space<vmem>>, vector<1x16xf32>,
        %get3A_1050 = vector.shape_cast %get3A_1049 : vector<1x16xf32> to vector<16xf32>
        %add3A_1051 = arith.addf %get3A_1046, %get3A_1050 : vector<16xf32>
        %swap3A = arith.index_cast %add3A_1031 : i32 to index
        %swap3A_1052 = arith.index_cast %mul3A_1043 : i32 to index
        %swap3A_1053 = tpu.vector_load %arg10[%swap3A, %swap3A_1052] {strides = array<i32>} : memref<32x1024xf32, #tpu.memory_space<vmem>>, vector<1x16xf32>,
        %swap3A_1054 = vector.shape_cast %swap3A_1053 : vector<1x16xf32> to vector<16xf32>
        %swap3A_1055 = vector.shape_cast %add3A_1051 : vector<16xf32> to vector<1x16xf32>
        tpu.vector_store %arg10[%swap3A, %swap3A_1052], %swap3A_1055 {strides = array<i32>} : memref<32x1024xf32, #tpu.memory_space<vmem>>, vector<1x16xf32>,
      }
      %scan3A_1036 = arith.constant 64 : i32
    }
    %scan3A_575 = arith.constant 32 : i32
    %add3A_576 = arith.constant 8192 : i32
    %add3A_577 = arith.addi %add3A_576, %mul3A_2 : i32
    %add3A_578 = arith.constant 128 : i32
    %add3A_579 = arith.addi %add3A_577, %add3A_578 : i32
    %dma_start3A_580 = arith.constant 0 : i32
    %dma_start3A_581 = tpu.memref_slice %arg5[%add3A_579, %dma_start3A_580] : memref<32768x1024xf32, #tpu.memory_space<hbm>> -> memref<32x1024xf32, #tpu.memory_space<hbm>>
    %dma_start3A_582 = arith.constant 0 : i32
    %dma_start3A_583 = tpu.memref_slice %arg5[%add3A_579, %dma_start3A_582] : memref<32768x1024xf32, #tpu.memory_space<hbm>> -> memref<32x1024xf32, #tpu.memory_space<hbm>>
    tpu.enqueue_dma source(%arg10 : memref<32x1024xf32, #tpu.memory_space<vmem>>) target(%dma_start3A_583 : memref<32x1024xf32, #tpu.memory_space<hbm>>) target_semaphore(%arg15 : memref<!tpu.dma_semaphore, #tpu.memory_space<semaphore_mem>>)
    %add3A_584 = arith.constant 8192 : i32
    %add3A_585 = arith.addi %add3A_584, %mul3A_2 : i32
    %add3A_586 = arith.constant 128 : i32
    %add3A_587 = arith.addi %add3A_585, %add3A_586 : i32
    %dma_wait3A_588 = arith.constant 0 : i32
    %dma_wait3A_589 = tpu.memref_slice %arg5[%add3A_587, %dma_wait3A_588] : memref<32768x1024xf32, #tpu.memory_space<hbm>> -> memref<32x1024xf32, #tpu.memory_space<hbm>>
    %dma_wait3A_590 = arith.constant 0 : i32
    %dma_wait3A_591 = tpu.memref_slice %arg5[%add3A_587, %dma_wait3A_590] : memref<32768x1024xf32, #tpu.memory_space<hbm>> -> memref<32x1024xf32, #tpu.memory_space<hbm>>
    tpu.wait_dma2 semaphore(%arg15 : memref<!tpu.dma_semaphore, #tpu.memory_space<semaphore_mem>>) src(%arg10 : memref<32x1024xf32, #tpu.memory_space<vmem>>) dst(%dma_wait3A_591 : memref<32x1024xf32, #tpu.memory_space<hbm>>)
    %dma_start3A_592 = arith.constant 896 : i32
    %dma_start3A_593 = tpu.memref_slice %arg7[%dma_start3A_592] : memref<1024xi32, #tpu.memory_space<vmem>> -> memref<32xi32, #tpu.memory_space<vmem>>
    %dma_start3A_594 = arith.constant 0 : i32
    %dma_start3A_595 = arith.constant 0 : i32
    %dma_start3A_596 = tpu.memref_slice %arg3[%dma_start3A_594, %dma_start3A_595] : memref<100000x1024xf32, #tpu.memory_space<hbm>> -> memref<100000x1024xf32, #tpu.memory_space<hbm>>
    tpu.enqueue_indirect_dma source(%dma_start3A_596 : memref<100000x1024xf32, #tpu.memory_space<hbm>>) target(%arg10 : memref<32x1024xf32, #tpu.memory_space<vmem>>) offsets(%dma_start3A_593 : memref<32xi32, #tpu.memory_space<vmem>>) semaphore(%arg13 : memref<!tpu.dma_semaphore, #tpu.memory_space<semaphore_mem>>)
    %dma_wait3A_597 = arith.constant 640 : i32
    %dma_wait3A_598 = tpu.memref_slice %arg7[%dma_wait3A_597] : memref<1024xi32, #tpu.memory_space<vmem>> -> memref<32xi32, #tpu.memory_space<vmem>>
    %dma_wait3A_599 = arith.constant 0 : i32
    %dma_wait3A_600 = arith.constant 0 : i32
    %dma_wait3A_601 = tpu.memref_slice %arg3[%dma_wait3A_599, %dma_wait3A_600] : memref<100000x1024xf32, #tpu.memory_space<hbm>> -> memref<100000x1024xf32, #tpu.memory_space<hbm>>
    tpu.wait_indirect_dma semaphore(%arg12 : memref<!tpu.dma_semaphore, #tpu.memory_space<semaphore_mem>>) src(%dma_wait3A_601 : memref<100000x1024xf32, #tpu.memory_space<hbm>>) dst(%arg9 : memref<32x1024xf32, #tpu.memory_space<vmem>>)
    %scan3A_602 = arith.constant 0 : i32
    %scan3A_603 = arith.constant 32 : i32
    %scan3A_604 = arith.addi %scan3A_602, %scan3A_603 : i32
    %scan3A_605 = arith.constant 1 : i32
    scf.for %scan3A_1027 = %scan3A_602 to %scan3A_604 step %scan3A_605  : i32 {
      %mul3A_1028 = arith.constant 1 : i32
      %mul3A_1029 = arith.muli %scan3A_1027, %mul3A_1028 : i32
      %add3A_1030 = arith.constant 0 : i32
      %add3A_1031 = arith.addi %add3A_1030, %mul3A_1029 : i32
      %scan3A_1032 = arith.constant 0 : i32
      %scan3A_1033 = arith.constant 64 : i32
      %scan3A_1034 = arith.addi %scan3A_1032, %scan3A_1033 : i32
      %scan3A_1035 = arith.constant 1 : i32
      scf.for %scan3A_1037 = %scan3A_1032 to %scan3A_1034 step %scan3A_1035  : i32 {
        %mul3A_1038 = arith.constant 1 : i32
        %mul3A_1039 = arith.muli %scan3A_1037, %mul3A_1038 : i32
        %add3A_1040 = arith.constant 0 : i32
        %add3A_1041 = arith.addi %add3A_1040, %mul3A_1039 : i32
        %mul3A_1042 = arith.constant 16 : i32
        %mul3A_1043 = arith.muli %add3A_1041, %mul3A_1042 : i32
        %get3A = arith.index_cast %add3A_1031 : i32 to index
        %get3A_1044 = arith.index_cast %mul3A_1043 : i32 to index
        %get3A_1045 = tpu.vector_load %arg9[%get3A, %get3A_1044] {strides = array<i32>} : memref<32x1024xf32, #tpu.memory_space<vmem>>, vector<1x16xf32>,
        %get3A_1046 = vector.shape_cast %get3A_1045 : vector<1x16xf32> to vector<16xf32>
        %get3A_1047 = arith.index_cast %add3A_1031 : i32 to index
        %get3A_1048 = arith.index_cast %mul3A_1043 : i32 to index
        %get3A_1049 = tpu.vector_load %arg8[%get3A_1047, %get3A_1048] {strides = array<i32>} : memref<32x1024xf32, #tpu.memory_space<vmem>>, vector<1x16xf32>,
        %get3A_1050 = vector.shape_cast %get3A_1049 : vector<1x16xf32> to vector<16xf32>
        %add3A_1051 = arith.addf %get3A_1046, %get3A_1050 : vector<16xf32>
        %swap3A = arith.index_cast %add3A_1031 : i32 to index
        %swap3A_1052 = arith.index_cast %mul3A_1043 : i32 to index
        %swap3A_1053 = tpu.vector_load %arg9[%swap3A, %swap3A_1052] {strides = array<i32>} : memref<32x1024xf32, #tpu.memory_space<vmem>>, vector<1x16xf32>,
        %swap3A_1054 = vector.shape_cast %swap3A_1053 : vector<1x16xf32> to vector<16xf32>
        %swap3A_1055 = vector.shape_cast %add3A_1051 : vector<16xf32> to vector<1x16xf32>
        tpu.vector_store %arg9[%swap3A, %swap3A_1052], %swap3A_1055 {strides = array<i32>} : memref<32x1024xf32, #tpu.memory_space<vmem>>, vector<1x16xf32>,
      }
      %scan3A_1036 = arith.constant 64 : i32
    }
    %scan3A_606 = arith.constant 32 : i32
    %add3A_607 = arith.constant 16384 : i32
    %add3A_608 = arith.addi %add3A_607, %mul3A_2 : i32
    %add3A_609 = arith.constant 128 : i32
    %add3A_610 = arith.addi %add3A_608, %add3A_609 : i32
    %dma_start3A_611 = arith.constant 0 : i32
    %dma_start3A_612 = tpu.memref_slice %arg5[%add3A_610, %dma_start3A_611] : memref<32768x1024xf32, #tpu.memory_space<hbm>> -> memref<32x1024xf32, #tpu.memory_space<hbm>>
    %dma_start3A_613 = arith.constant 0 : i32
    %dma_start3A_614 = tpu.memref_slice %arg5[%add3A_610, %dma_start3A_613] : memref<32768x1024xf32, #tpu.memory_space<hbm>> -> memref<32x1024xf32, #tpu.memory_space<hbm>>
    tpu.enqueue_dma source(%arg9 : memref<32x1024xf32, #tpu.memory_space<vmem>>) target(%dma_start3A_614 : memref<32x1024xf32, #tpu.memory_space<hbm>>) target_semaphore(%arg14 : memref<!tpu.dma_semaphore, #tpu.memory_space<semaphore_mem>>)
    %add3A_615 = arith.constant 16384 : i32
    %add3A_616 = arith.addi %add3A_615, %mul3A_2 : i32
    %add3A_617 = arith.constant 128 : i32
    %add3A_618 = arith.addi %add3A_616, %add3A_617 : i32
    %dma_wait3A_619 = arith.constant 0 : i32
    %dma_wait3A_620 = tpu.memref_slice %arg5[%add3A_618, %dma_wait3A_619] : memref<32768x1024xf32, #tpu.memory_space<hbm>> -> memref<32x1024xf32, #tpu.memory_space<hbm>>
    %dma_wait3A_621 = arith.constant 0 : i32
    %dma_wait3A_622 = tpu.memref_slice %arg5[%add3A_618, %dma_wait3A_621] : memref<32768x1024xf32, #tpu.memory_space<hbm>> -> memref<32x1024xf32, #tpu.memory_space<hbm>>
    tpu.wait_dma2 semaphore(%arg14 : memref<!tpu.dma_semaphore, #tpu.memory_space<semaphore_mem>>) src(%arg9 : memref<32x1024xf32, #tpu.memory_space<vmem>>) dst(%dma_wait3A_622 : memref<32x1024xf32, #tpu.memory_space<hbm>>)
    %dma_start3A_623 = arith.constant 160 : i32
    %dma_start3A_624 = tpu.memref_slice %arg7[%dma_start3A_623] : memref<1024xi32, #tpu.memory_space<vmem>> -> memref<32xi32, #tpu.memory_space<vmem>>
    %dma_start3A_625 = arith.constant 0 : i32
    %dma_start3A_626 = arith.constant 0 : i32
    %dma_start3A_627 = tpu.memref_slice %arg3[%dma_start3A_625, %dma_start3A_626] : memref<100000x1024xf32, #tpu.memory_space<hbm>> -> memref<100000x1024xf32, #tpu.memory_space<hbm>>
    tpu.enqueue_indirect_dma source(%dma_start3A_627 : memref<100000x1024xf32, #tpu.memory_space<hbm>>) target(%arg9 : memref<32x1024xf32, #tpu.memory_space<vmem>>) offsets(%dma_start3A_624 : memref<32xi32, #tpu.memory_space<vmem>>) semaphore(%arg12 : memref<!tpu.dma_semaphore, #tpu.memory_space<semaphore_mem>>)
    %dma_wait3A_628 = arith.constant 896 : i32
    %dma_wait3A_629 = tpu.memref_slice %arg7[%dma_wait3A_628] : memref<1024xi32, #tpu.memory_space<vmem>> -> memref<32xi32, #tpu.memory_space<vmem>>
    %dma_wait3A_630 = arith.constant 0 : i32
    %dma_wait3A_631 = arith.constant 0 : i32
    %dma_wait3A_632 = tpu.memref_slice %arg3[%dma_wait3A_630, %dma_wait3A_631] : memref<100000x1024xf32, #tpu.memory_space<hbm>> -> memref<100000x1024xf32, #tpu.memory_space<hbm>>
    tpu.wait_indirect_dma semaphore(%arg13 : memref<!tpu.dma_semaphore, #tpu.memory_space<semaphore_mem>>) src(%dma_wait3A_632 : memref<100000x1024xf32, #tpu.memory_space<hbm>>) dst(%arg10 : memref<32x1024xf32, #tpu.memory_space<vmem>>)
    %scan3A_633 = arith.constant 0 : i32
    %scan3A_634 = arith.constant 32 : i32
    %scan3A_635 = arith.addi %scan3A_633, %scan3A_634 : i32
    %scan3A_636 = arith.constant 1 : i32
    scf.for %scan3A_1027 = %scan3A_633 to %scan3A_635 step %scan3A_636  : i32 {
      %mul3A_1028 = arith.constant 1 : i32
      %mul3A_1029 = arith.muli %scan3A_1027, %mul3A_1028 : i32
      %add3A_1030 = arith.constant 0 : i32
      %add3A_1031 = arith.addi %add3A_1030, %mul3A_1029 : i32
      %scan3A_1032 = arith.constant 0 : i32
      %scan3A_1033 = arith.constant 64 : i32
      %scan3A_1034 = arith.addi %scan3A_1032, %scan3A_1033 : i32
      %scan3A_1035 = arith.constant 1 : i32
      scf.for %scan3A_1037 = %scan3A_1032 to %scan3A_1034 step %scan3A_1035  : i32 {
        %mul3A_1038 = arith.constant 1 : i32
        %mul3A_1039 = arith.muli %scan3A_1037, %mul3A_1038 : i32
        %add3A_1040 = arith.constant 0 : i32
        %add3A_1041 = arith.addi %add3A_1040, %mul3A_1039 : i32
        %mul3A_1042 = arith.constant 16 : i32
        %mul3A_1043 = arith.muli %add3A_1041, %mul3A_1042 : i32
        %get3A = arith.index_cast %add3A_1031 : i32 to index
        %get3A_1044 = arith.index_cast %mul3A_1043 : i32 to index
        %get3A_1045 = tpu.vector_load %arg10[%get3A, %get3A_1044] {strides = array<i32>} : memref<32x1024xf32, #tpu.memory_space<vmem>>, vector<1x16xf32>,
        %get3A_1046 = vector.shape_cast %get3A_1045 : vector<1x16xf32> to vector<16xf32>
        %get3A_1047 = arith.index_cast %add3A_1031 : i32 to index
        %get3A_1048 = arith.index_cast %mul3A_1043 : i32 to index
        %get3A_1049 = tpu.vector_load %arg8[%get3A_1047, %get3A_1048] {strides = array<i32>} : memref<32x1024xf32, #tpu.memory_space<vmem>>, vector<1x16xf32>,
        %get3A_1050 = vector.shape_cast %get3A_1049 : vector<1x16xf32> to vector<16xf32>
        %add3A_1051 = arith.addf %get3A_1046, %get3A_1050 : vector<16xf32>
        %swap3A = arith.index_cast %add3A_1031 : i32 to index
        %swap3A_1052 = arith.index_cast %mul3A_1043 : i32 to index
        %swap3A_1053 = tpu.vector_load %arg10[%swap3A, %swap3A_1052] {strides = array<i32>} : memref<32x1024xf32, #tpu.memory_space<vmem>>, vector<1x16xf32>,
        %swap3A_1054 = vector.shape_cast %swap3A_1053 : vector<1x16xf32> to vector<16xf32>
        %swap3A_1055 = vector.shape_cast %add3A_1051 : vector<16xf32> to vector<1x16xf32>
        tpu.vector_store %arg10[%swap3A, %swap3A_1052], %swap3A_1055 {strides = array<i32>} : memref<32x1024xf32, #tpu.memory_space<vmem>>, vector<1x16xf32>,
      }
      %scan3A_1036 = arith.constant 64 : i32
    }
    %scan3A_637 = arith.constant 32 : i32
    %add3A_638 = arith.constant 24576 : i32
    %add3A_639 = arith.addi %add3A_638, %mul3A_2 : i32
    %add3A_640 = arith.constant 128 : i32
    %add3A_641 = arith.addi %add3A_639, %add3A_640 : i32
    %dma_start3A_642 = arith.constant 0 : i32
    %dma_start3A_643 = tpu.memref_slice %arg5[%add3A_641, %dma_start3A_642] : memref<32768x1024xf32, #tpu.memory_space<hbm>> -> memref<32x1024xf32, #tpu.memory_space<hbm>>
    %dma_start3A_644 = arith.constant 0 : i32
    %dma_start3A_645 = tpu.memref_slice %arg5[%add3A_641, %dma_start3A_644] : memref<32768x1024xf32, #tpu.memory_space<hbm>> -> memref<32x1024xf32, #tpu.memory_space<hbm>>
    tpu.enqueue_dma source(%arg10 : memref<32x1024xf32, #tpu.memory_space<vmem>>) target(%dma_start3A_645 : memref<32x1024xf32, #tpu.memory_space<hbm>>) target_semaphore(%arg15 : memref<!tpu.dma_semaphore, #tpu.memory_space<semaphore_mem>>)
    %add3A_646 = arith.constant 160 : i32
    %add3A_647 = arith.addi %mul3A_2, %add3A_646 : i32
    "tpu.region"() ({
      %run_scoped3A = tpu.sem_alloc : memref<!tpu.dma_semaphore, #tpu.memory_space<semaphore_mem>>
      %dma_start3A_1027 = arith.constant 0 : i32
      %dma_start3A_1028 = tpu.memref_slice %arg4[%add3A_647, %dma_start3A_1027] : memref<8192x1024xf32, #tpu.memory_space<hbm>> -> memref<32x1024xf32, #tpu.memory_space<hbm>>
      %dma_start3A_1029 = arith.constant 0 : i32
      %dma_start3A_1030 = tpu.memref_slice %arg4[%add3A_647, %dma_start3A_1029] : memref<8192x1024xf32, #tpu.memory_space<hbm>> -> memref<32x1024xf32, #tpu.memory_space<hbm>>
      tpu.enqueue_dma source(%dma_start3A_1030 : memref<32x1024xf32, #tpu.memory_space<hbm>>) target(%arg8 : memref<32x1024xf32, #tpu.memory_space<vmem>>) target_semaphore(%run_scoped3A : memref<!tpu.dma_semaphore, #tpu.memory_space<semaphore_mem>>)
      %dma_wait3A_1031 = arith.constant 0 : i32
      %dma_wait3A_1032 = tpu.memref_slice %arg4[%add3A_647, %dma_wait3A_1031] : memref<8192x1024xf32, #tpu.memory_space<hbm>> -> memref<32x1024xf32, #tpu.memory_space<hbm>>
      %dma_wait3A_1033 = arith.constant 0 : i32
      %dma_wait3A_1034 = tpu.memref_slice %arg4[%add3A_647, %dma_wait3A_1033] : memref<8192x1024xf32, #tpu.memory_space<hbm>> -> memref<32x1024xf32, #tpu.memory_space<hbm>>
      tpu.wait_dma2 semaphore(%run_scoped3A : memref<!tpu.dma_semaphore, #tpu.memory_space<semaphore_mem>>) src(%dma_wait3A_1034 : memref<32x1024xf32, #tpu.memory_space<hbm>>) dst(%arg8 : memref<32x1024xf32, #tpu.memory_space<vmem>>)
      tpu.yield
    }) : () -> ()
    %add3A_648 = arith.constant 24576 : i32
    %add3A_649 = arith.addi %add3A_648, %mul3A_2 : i32
    %add3A_650 = arith.constant 128 : i32
    %add3A_651 = arith.addi %add3A_649, %add3A_650 : i32
    %dma_wait3A_652 = arith.constant 0 : i32
    %dma_wait3A_653 = tpu.memref_slice %arg5[%add3A_651, %dma_wait3A_652] : memref<32768x1024xf32, #tpu.memory_space<hbm>> -> memref<32x1024xf32, #tpu.memory_space<hbm>>
    %dma_wait3A_654 = arith.constant 0 : i32
    %dma_wait3A_655 = tpu.memref_slice %arg5[%add3A_651, %dma_wait3A_654] : memref<32768x1024xf32, #tpu.memory_space<hbm>> -> memref<32x1024xf32, #tpu.memory_space<hbm>>
    tpu.wait_dma2 semaphore(%arg15 : memref<!tpu.dma_semaphore, #tpu.memory_space<semaphore_mem>>) src(%arg10 : memref<32x1024xf32, #tpu.memory_space<vmem>>) dst(%dma_wait3A_655 : memref<32x1024xf32, #tpu.memory_space<hbm>>)
    %dma_start3A_656 = arith.constant 416 : i32
    %dma_start3A_657 = tpu.memref_slice %arg7[%dma_start3A_656] : memref<1024xi32, #tpu.memory_space<vmem>> -> memref<32xi32, #tpu.memory_space<vmem>>
    %dma_start3A_658 = arith.constant 0 : i32
    %dma_start3A_659 = arith.constant 0 : i32
    %dma_start3A_660 = tpu.memref_slice %arg3[%dma_start3A_658, %dma_start3A_659] : memref<100000x1024xf32, #tpu.memory_space<hbm>> -> memref<100000x1024xf32, #tpu.memory_space<hbm>>
    tpu.enqueue_indirect_dma source(%dma_start3A_660 : memref<100000x1024xf32, #tpu.memory_space<hbm>>) target(%arg10 : memref<32x1024xf32, #tpu.memory_space<vmem>>) offsets(%dma_start3A_657 : memref<32xi32, #tpu.memory_space<vmem>>) semaphore(%arg13 : memref<!tpu.dma_semaphore, #tpu.memory_space<semaphore_mem>>)
    %dma_wait3A_661 = arith.constant 160 : i32
    %dma_wait3A_662 = tpu.memref_slice %arg7[%dma_wait3A_661] : memref<1024xi32, #tpu.memory_space<vmem>> -> memref<32xi32, #tpu.memory_space<vmem>>
    %dma_wait3A_663 = arith.constant 0 : i32
    %dma_wait3A_664 = arith.constant 0 : i32
    %dma_wait3A_665 = tpu.memref_slice %arg3[%dma_wait3A_663, %dma_wait3A_664] : memref<100000x1024xf32, #tpu.memory_space<hbm>> -> memref<100000x1024xf32, #tpu.memory_space<hbm>>
    tpu.wait_indirect_dma semaphore(%arg12 : memref<!tpu.dma_semaphore, #tpu.memory_space<semaphore_mem>>) src(%dma_wait3A_665 : memref<100000x1024xf32, #tpu.memory_space<hbm>>) dst(%arg9 : memref<32x1024xf32, #tpu.memory_space<vmem>>)
    %scan3A_666 = arith.constant 0 : i32
    %scan3A_667 = arith.constant 32 : i32
    %scan3A_668 = arith.addi %scan3A_666, %scan3A_667 : i32
    %scan3A_669 = arith.constant 1 : i32
    scf.for %scan3A_1027 = %scan3A_666 to %scan3A_668 step %scan3A_669  : i32 {
      %mul3A_1028 = arith.constant 1 : i32
      %mul3A_1029 = arith.muli %scan3A_1027, %mul3A_1028 : i32
      %add3A_1030 = arith.constant 0 : i32
      %add3A_1031 = arith.addi %add3A_1030, %mul3A_1029 : i32
      %scan3A_1032 = arith.constant 0 : i32
      %scan3A_1033 = arith.constant 64 : i32
      %scan3A_1034 = arith.addi %scan3A_1032, %scan3A_1033 : i32
      %scan3A_1035 = arith.constant 1 : i32
      scf.for %scan3A_1037 = %scan3A_1032 to %scan3A_1034 step %scan3A_1035  : i32 {
        %mul3A_1038 = arith.constant 1 : i32
        %mul3A_1039 = arith.muli %scan3A_1037, %mul3A_1038 : i32
        %add3A_1040 = arith.constant 0 : i32
        %add3A_1041 = arith.addi %add3A_1040, %mul3A_1039 : i32
        %mul3A_1042 = arith.constant 16 : i32
        %mul3A_1043 = arith.muli %add3A_1041, %mul3A_1042 : i32
        %get3A = arith.index_cast %add3A_1031 : i32 to index
        %get3A_1044 = arith.index_cast %mul3A_1043 : i32 to index
        %get3A_1045 = tpu.vector_load %arg9[%get3A, %get3A_1044] {strides = array<i32>} : memref<32x1024xf32, #tpu.memory_space<vmem>>, vector<1x16xf32>,
        %get3A_1046 = vector.shape_cast %get3A_1045 : vector<1x16xf32> to vector<16xf32>
        %get3A_1047 = arith.index_cast %add3A_1031 : i32 to index
        %get3A_1048 = arith.index_cast %mul3A_1043 : i32 to index
        %get3A_1049 = tpu.vector_load %arg8[%get3A_1047, %get3A_1048] {strides = array<i32>} : memref<32x1024xf32, #tpu.memory_space<vmem>>, vector<1x16xf32>,
        %get3A_1050 = vector.shape_cast %get3A_1049 : vector<1x16xf32> to vector<16xf32>
        %add3A_1051 = arith.addf %get3A_1046, %get3A_1050 : vector<16xf32>
        %swap3A = arith.index_cast %add3A_1031 : i32 to index
        %swap3A_1052 = arith.index_cast %mul3A_1043 : i32 to index
        %swap3A_1053 = tpu.vector_load %arg9[%swap3A, %swap3A_1052] {strides = array<i32>} : memref<32x1024xf32, #tpu.memory_space<vmem>>, vector<1x16xf32>,
        %swap3A_1054 = vector.shape_cast %swap3A_1053 : vector<1x16xf32> to vector<16xf32>
        %swap3A_1055 = vector.shape_cast %add3A_1051 : vector<16xf32> to vector<1x16xf32>
        tpu.vector_store %arg9[%swap3A, %swap3A_1052], %swap3A_1055 {strides = array<i32>} : memref<32x1024xf32, #tpu.memory_space<vmem>>, vector<1x16xf32>,
      }
      %scan3A_1036 = arith.constant 64 : i32
    }
    %scan3A_670 = arith.constant 32 : i32
    %add3A_671 = arith.constant 0 : i32
    %add3A_672 = arith.addi %add3A_671, %mul3A_2 : i32
    %add3A_673 = arith.constant 160 : i32
    %add3A_674 = arith.addi %add3A_672, %add3A_673 : i32
    %dma_start3A_675 = arith.constant 0 : i32
    %dma_start3A_676 = tpu.memref_slice %arg5[%add3A_674, %dma_start3A_675] : memref<32768x1024xf32, #tpu.memory_space<hbm>> -> memref<32x1024xf32, #tpu.memory_space<hbm>>
    %dma_start3A_677 = arith.constant 0 : i32
    %dma_start3A_678 = tpu.memref_slice %arg5[%add3A_674, %dma_start3A_677] : memref<32768x1024xf32, #tpu.memory_space<hbm>> -> memref<32x1024xf32, #tpu.memory_space<hbm>>
    tpu.enqueue_dma source(%arg9 : memref<32x1024xf32, #tpu.memory_space<vmem>>) target(%dma_start3A_678 : memref<32x1024xf32, #tpu.memory_space<hbm>>) target_semaphore(%arg14 : memref<!tpu.dma_semaphore, #tpu.memory_space<semaphore_mem>>)
    %add3A_679 = arith.constant 0 : i32
    %add3A_680 = arith.addi %add3A_679, %mul3A_2 : i32
    %add3A_681 = arith.constant 160 : i32
    %add3A_682 = arith.addi %add3A_680, %add3A_681 : i32
    %dma_wait3A_683 = arith.constant 0 : i32
    %dma_wait3A_684 = tpu.memref_slice %arg5[%add3A_682, %dma_wait3A_683] : memref<32768x1024xf32, #tpu.memory_space<hbm>> -> memref<32x1024xf32, #tpu.memory_space<hbm>>
    %dma_wait3A_685 = arith.constant 0 : i32
    %dma_wait3A_686 = tpu.memref_slice %arg5[%add3A_682, %dma_wait3A_685] : memref<32768x1024xf32, #tpu.memory_space<hbm>> -> memref<32x1024xf32, #tpu.memory_space<hbm>>
    tpu.wait_dma2 semaphore(%arg14 : memref<!tpu.dma_semaphore, #tpu.memory_space<semaphore_mem>>) src(%arg9 : memref<32x1024xf32, #tpu.memory_space<vmem>>) dst(%dma_wait3A_686 : memref<32x1024xf32, #tpu.memory_space<hbm>>)
    %dma_start3A_687 = arith.constant 672 : i32
    %dma_start3A_688 = tpu.memref_slice %arg7[%dma_start3A_687] : memref<1024xi32, #tpu.memory_space<vmem>> -> memref<32xi32, #tpu.memory_space<vmem>>
    %dma_start3A_689 = arith.constant 0 : i32
    %dma_start3A_690 = arith.constant 0 : i32
    %dma_start3A_691 = tpu.memref_slice %arg3[%dma_start3A_689, %dma_start3A_690] : memref<100000x1024xf32, #tpu.memory_space<hbm>> -> memref<100000x1024xf32, #tpu.memory_space<hbm>>
    tpu.enqueue_indirect_dma source(%dma_start3A_691 : memref<100000x1024xf32, #tpu.memory_space<hbm>>) target(%arg9 : memref<32x1024xf32, #tpu.memory_space<vmem>>) offsets(%dma_start3A_688 : memref<32xi32, #tpu.memory_space<vmem>>) semaphore(%arg12 : memref<!tpu.dma_semaphore, #tpu.memory_space<semaphore_mem>>)
    %dma_wait3A_692 = arith.constant 416 : i32
    %dma_wait3A_693 = tpu.memref_slice %arg7[%dma_wait3A_692] : memref<1024xi32, #tpu.memory_space<vmem>> -> memref<32xi32, #tpu.memory_space<vmem>>
    %dma_wait3A_694 = arith.constant 0 : i32
    %dma_wait3A_695 = arith.constant 0 : i32
    %dma_wait3A_696 = tpu.memref_slice %arg3[%dma_wait3A_694, %dma_wait3A_695] : memref<100000x1024xf32, #tpu.memory_space<hbm>> -> memref<100000x1024xf32, #tpu.memory_space<hbm>>
    tpu.wait_indirect_dma semaphore(%arg13 : memref<!tpu.dma_semaphore, #tpu.memory_space<semaphore_mem>>) src(%dma_wait3A_696 : memref<100000x1024xf32, #tpu.memory_space<hbm>>) dst(%arg10 : memref<32x1024xf32, #tpu.memory_space<vmem>>)
    %scan3A_697 = arith.constant 0 : i32
    %scan3A_698 = arith.constant 32 : i32
    %scan3A_699 = arith.addi %scan3A_697, %scan3A_698 : i32
    %scan3A_700 = arith.constant 1 : i32
    scf.for %scan3A_1027 = %scan3A_697 to %scan3A_699 step %scan3A_700  : i32 {
      %mul3A_1028 = arith.constant 1 : i32
      %mul3A_1029 = arith.muli %scan3A_1027, %mul3A_1028 : i32
      %add3A_1030 = arith.constant 0 : i32
      %add3A_1031 = arith.addi %add3A_1030, %mul3A_1029 : i32
      %scan3A_1032 = arith.constant 0 : i32
      %scan3A_1033 = arith.constant 64 : i32
      %scan3A_1034 = arith.addi %scan3A_1032, %scan3A_1033 : i32
      %scan3A_1035 = arith.constant 1 : i32
      scf.for %scan3A_1037 = %scan3A_1032 to %scan3A_1034 step %scan3A_1035  : i32 {
        %mul3A_1038 = arith.constant 1 : i32
        %mul3A_1039 = arith.muli %scan3A_1037, %mul3A_1038 : i32
        %add3A_1040 = arith.constant 0 : i32
        %add3A_1041 = arith.addi %add3A_1040, %mul3A_1039 : i32
        %mul3A_1042 = arith.constant 16 : i32
        %mul3A_1043 = arith.muli %add3A_1041, %mul3A_1042 : i32
        %get3A = arith.index_cast %add3A_1031 : i32 to index
        %get3A_1044 = arith.index_cast %mul3A_1043 : i32 to index
        %get3A_1045 = tpu.vector_load %arg10[%get3A, %get3A_1044] {strides = array<i32>} : memref<32x1024xf32, #tpu.memory_space<vmem>>, vector<1x16xf32>,
        %get3A_1046 = vector.shape_cast %get3A_1045 : vector<1x16xf32> to vector<16xf32>
        %get3A_1047 = arith.index_cast %add3A_1031 : i32 to index
        %get3A_1048 = arith.index_cast %mul3A_1043 : i32 to index
        %get3A_1049 = tpu.vector_load %arg8[%get3A_1047, %get3A_1048] {strides = array<i32>} : memref<32x1024xf32, #tpu.memory_space<vmem>>, vector<1x16xf32>,
        %get3A_1050 = vector.shape_cast %get3A_1049 : vector<1x16xf32> to vector<16xf32>
        %add3A_1051 = arith.addf %get3A_1046, %get3A_1050 : vector<16xf32>
        %swap3A = arith.index_cast %add3A_1031 : i32 to index
        %swap3A_1052 = arith.index_cast %mul3A_1043 : i32 to index
        %swap3A_1053 = tpu.vector_load %arg10[%swap3A, %swap3A_1052] {strides = array<i32>} : memref<32x1024xf32, #tpu.memory_space<vmem>>, vector<1x16xf32>,
        %swap3A_1054 = vector.shape_cast %swap3A_1053 : vector<1x16xf32> to vector<16xf32>
        %swap3A_1055 = vector.shape_cast %add3A_1051 : vector<16xf32> to vector<1x16xf32>
        tpu.vector_store %arg10[%swap3A, %swap3A_1052], %swap3A_1055 {strides = array<i32>} : memref<32x1024xf32, #tpu.memory_space<vmem>>, vector<1x16xf32>,
      }
      %scan3A_1036 = arith.constant 64 : i32
    }
    %scan3A_701 = arith.constant 32 : i32
    %add3A_702 = arith.constant 8192 : i32
    %add3A_703 = arith.addi %add3A_702, %mul3A_2 : i32
    %add3A_704 = arith.constant 160 : i32
    %add3A_705 = arith.addi %add3A_703, %add3A_704 : i32
    %dma_start3A_706 = arith.constant 0 : i32
    %dma_start3A_707 = tpu.memref_slice %arg5[%add3A_705, %dma_start3A_706] : memref<32768x1024xf32, #tpu.memory_space<hbm>> -> memref<32x1024xf32, #tpu.memory_space<hbm>>
    %dma_start3A_708 = arith.constant 0 : i32
    %dma_start3A_709 = tpu.memref_slice %arg5[%add3A_705, %dma_start3A_708] : memref<32768x1024xf32, #tpu.memory_space<hbm>> -> memref<32x1024xf32, #tpu.memory_space<hbm>>
    tpu.enqueue_dma source(%arg10 : memref<32x1024xf32, #tpu.memory_space<vmem>>) target(%dma_start3A_709 : memref<32x1024xf32, #tpu.memory_space<hbm>>) target_semaphore(%arg15 : memref<!tpu.dma_semaphore, #tpu.memory_space<semaphore_mem>>)
    %add3A_710 = arith.constant 8192 : i32
    %add3A_711 = arith.addi %add3A_710, %mul3A_2 : i32
    %add3A_712 = arith.constant 160 : i32
    %add3A_713 = arith.addi %add3A_711, %add3A_712 : i32
    %dma_wait3A_714 = arith.constant 0 : i32
    %dma_wait3A_715 = tpu.memref_slice %arg5[%add3A_713, %dma_wait3A_714] : memref<32768x1024xf32, #tpu.memory_space<hbm>> -> memref<32x1024xf32, #tpu.memory_space<hbm>>
    %dma_wait3A_716 = arith.constant 0 : i32
    %dma_wait3A_717 = tpu.memref_slice %arg5[%add3A_713, %dma_wait3A_716] : memref<32768x1024xf32, #tpu.memory_space<hbm>> -> memref<32x1024xf32, #tpu.memory_space<hbm>>
    tpu.wait_dma2 semaphore(%arg15 : memref<!tpu.dma_semaphore, #tpu.memory_space<semaphore_mem>>) src(%arg10 : memref<32x1024xf32, #tpu.memory_space<vmem>>) dst(%dma_wait3A_717 : memref<32x1024xf32, #tpu.memory_space<hbm>>)
    %dma_start3A_718 = arith.constant 928 : i32
    %dma_start3A_719 = tpu.memref_slice %arg7[%dma_start3A_718] : memref<1024xi32, #tpu.memory_space<vmem>> -> memref<32xi32, #tpu.memory_space<vmem>>
    %dma_start3A_720 = arith.constant 0 : i32
    %dma_start3A_721 = arith.constant 0 : i32
    %dma_start3A_722 = tpu.memref_slice %arg3[%dma_start3A_720, %dma_start3A_721] : memref<100000x1024xf32, #tpu.memory_space<hbm>> -> memref<100000x1024xf32, #tpu.memory_space<hbm>>
    tpu.enqueue_indirect_dma source(%dma_start3A_722 : memref<100000x1024xf32, #tpu.memory_space<hbm>>) target(%arg10 : memref<32x1024xf32, #tpu.memory_space<vmem>>) offsets(%dma_start3A_719 : memref<32xi32, #tpu.memory_space<vmem>>) semaphore(%arg13 : memref<!tpu.dma_semaphore, #tpu.memory_space<semaphore_mem>>)
    %dma_wait3A_723 = arith.constant 672 : i32
    %dma_wait3A_724 = tpu.memref_slice %arg7[%dma_wait3A_723] : memref<1024xi32, #tpu.memory_space<vmem>> -> memref<32xi32, #tpu.memory_space<vmem>>
    %dma_wait3A_725 = arith.constant 0 : i32
    %dma_wait3A_726 = arith.constant 0 : i32
    %dma_wait3A_727 = tpu.memref_slice %arg3[%dma_wait3A_725, %dma_wait3A_726] : memref<100000x1024xf32, #tpu.memory_space<hbm>> -> memref<100000x1024xf32, #tpu.memory_space<hbm>>
    tpu.wait_indirect_dma semaphore(%arg12 : memref<!tpu.dma_semaphore, #tpu.memory_space<semaphore_mem>>) src(%dma_wait3A_727 : memref<100000x1024xf32, #tpu.memory_space<hbm>>) dst(%arg9 : memref<32x1024xf32, #tpu.memory_space<vmem>>)
    %scan3A_728 = arith.constant 0 : i32
    %scan3A_729 = arith.constant 32 : i32
    %scan3A_730 = arith.addi %scan3A_728, %scan3A_729 : i32
    %scan3A_731 = arith.constant 1 : i32
    scf.for %scan3A_1027 = %scan3A_728 to %scan3A_730 step %scan3A_731  : i32 {
      %mul3A_1028 = arith.constant 1 : i32
      %mul3A_1029 = arith.muli %scan3A_1027, %mul3A_1028 : i32
      %add3A_1030 = arith.constant 0 : i32
      %add3A_1031 = arith.addi %add3A_1030, %mul3A_1029 : i32
      %scan3A_1032 = arith.constant 0 : i32
      %scan3A_1033 = arith.constant 64 : i32
      %scan3A_1034 = arith.addi %scan3A_1032, %scan3A_1033 : i32
      %scan3A_1035 = arith.constant 1 : i32
      scf.for %scan3A_1037 = %scan3A_1032 to %scan3A_1034 step %scan3A_1035  : i32 {
        %mul3A_1038 = arith.constant 1 : i32
        %mul3A_1039 = arith.muli %scan3A_1037, %mul3A_1038 : i32
        %add3A_1040 = arith.constant 0 : i32
        %add3A_1041 = arith.addi %add3A_1040, %mul3A_1039 : i32
        %mul3A_1042 = arith.constant 16 : i32
        %mul3A_1043 = arith.muli %add3A_1041, %mul3A_1042 : i32
        %get3A = arith.index_cast %add3A_1031 : i32 to index
        %get3A_1044 = arith.index_cast %mul3A_1043 : i32 to index
        %get3A_1045 = tpu.vector_load %arg9[%get3A, %get3A_1044] {strides = array<i32>} : memref<32x1024xf32, #tpu.memory_space<vmem>>, vector<1x16xf32>,
        %get3A_1046 = vector.shape_cast %get3A_1045 : vector<1x16xf32> to vector<16xf32>
        %get3A_1047 = arith.index_cast %add3A_1031 : i32 to index
        %get3A_1048 = arith.index_cast %mul3A_1043 : i32 to index
        %get3A_1049 = tpu.vector_load %arg8[%get3A_1047, %get3A_1048] {strides = array<i32>} : memref<32x1024xf32, #tpu.memory_space<vmem>>, vector<1x16xf32>,
        %get3A_1050 = vector.shape_cast %get3A_1049 : vector<1x16xf32> to vector<16xf32>
        %add3A_1051 = arith.addf %get3A_1046, %get3A_1050 : vector<16xf32>
        %swap3A = arith.index_cast %add3A_1031 : i32 to index
        %swap3A_1052 = arith.index_cast %mul3A_1043 : i32 to index
        %swap3A_1053 = tpu.vector_load %arg9[%swap3A, %swap3A_1052] {strides = array<i32>} : memref<32x1024xf32, #tpu.memory_space<vmem>>, vector<1x16xf32>,
        %swap3A_1054 = vector.shape_cast %swap3A_1053 : vector<1x16xf32> to vector<16xf32>
        %swap3A_1055 = vector.shape_cast %add3A_1051 : vector<16xf32> to vector<1x16xf32>
        tpu.vector_store %arg9[%swap3A, %swap3A_1052], %swap3A_1055 {strides = array<i32>} : memref<32x1024xf32, #tpu.memory_space<vmem>>, vector<1x16xf32>,
      }
      %scan3A_1036 = arith.constant 64 : i32
    }
    %scan3A_732 = arith.constant 32 : i32
    %add3A_733 = arith.constant 16384 : i32
    %add3A_734 = arith.addi %add3A_733, %mul3A_2 : i32
    %add3A_735 = arith.constant 160 : i32
    %add3A_736 = arith.addi %add3A_734, %add3A_735 : i32
    %dma_start3A_737 = arith.constant 0 : i32
    %dma_start3A_738 = tpu.memref_slice %arg5[%add3A_736, %dma_start3A_737] : memref<32768x1024xf32, #tpu.memory_space<hbm>> -> memref<32x1024xf32, #tpu.memory_space<hbm>>
    %dma_start3A_739 = arith.constant 0 : i32
    %dma_start3A_740 = tpu.memref_slice %arg5[%add3A_736, %dma_start3A_739] : memref<32768x1024xf32, #tpu.memory_space<hbm>> -> memref<32x1024xf32, #tpu.memory_space<hbm>>
    tpu.enqueue_dma source(%arg9 : memref<32x1024xf32, #tpu.memory_space<vmem>>) target(%dma_start3A_740 : memref<32x1024xf32, #tpu.memory_space<hbm>>) target_semaphore(%arg14 : memref<!tpu.dma_semaphore, #tpu.memory_space<semaphore_mem>>)
    %add3A_741 = arith.constant 16384 : i32
    %add3A_742 = arith.addi %add3A_741, %mul3A_2 : i32
    %add3A_743 = arith.constant 160 : i32
    %add3A_744 = arith.addi %add3A_742, %add3A_743 : i32
    %dma_wait3A_745 = arith.constant 0 : i32
    %dma_wait3A_746 = tpu.memref_slice %arg5[%add3A_744, %dma_wait3A_745] : memref<32768x1024xf32, #tpu.memory_space<hbm>> -> memref<32x1024xf32, #tpu.memory_space<hbm>>
    %dma_wait3A_747 = arith.constant 0 : i32
    %dma_wait3A_748 = tpu.memref_slice %arg5[%add3A_744, %dma_wait3A_747] : memref<32768x1024xf32, #tpu.memory_space<hbm>> -> memref<32x1024xf32, #tpu.memory_space<hbm>>
    tpu.wait_dma2 semaphore(%arg14 : memref<!tpu.dma_semaphore, #tpu.memory_space<semaphore_mem>>) src(%arg9 : memref<32x1024xf32, #tpu.memory_space<vmem>>) dst(%dma_wait3A_748 : memref<32x1024xf32, #tpu.memory_space<hbm>>)
    %dma_start3A_749 = arith.constant 192 : i32
    %dma_start3A_750 = tpu.memref_slice %arg7[%dma_start3A_749] : memref<1024xi32, #tpu.memory_space<vmem>> -> memref<32xi32, #tpu.memory_space<vmem>>
    %dma_start3A_751 = arith.constant 0 : i32
    %dma_start3A_752 = arith.constant 0 : i32
    %dma_start3A_753 = tpu.memref_slice %arg3[%dma_start3A_751, %dma_start3A_752] : memref<100000x1024xf32, #tpu.memory_space<hbm>> -> memref<100000x1024xf32, #tpu.memory_space<hbm>>
    tpu.enqueue_indirect_dma source(%dma_start3A_753 : memref<100000x1024xf32, #tpu.memory_space<hbm>>) target(%arg9 : memref<32x1024xf32, #tpu.memory_space<vmem>>) offsets(%dma_start3A_750 : memref<32xi32, #tpu.memory_space<vmem>>) semaphore(%arg12 : memref<!tpu.dma_semaphore, #tpu.memory_space<semaphore_mem>>)
    %dma_wait3A_754 = arith.constant 928 : i32
    %dma_wait3A_755 = tpu.memref_slice %arg7[%dma_wait3A_754] : memref<1024xi32, #tpu.memory_space<vmem>> -> memref<32xi32, #tpu.memory_space<vmem>>
    %dma_wait3A_756 = arith.constant 0 : i32
    %dma_wait3A_757 = arith.constant 0 : i32
    %dma_wait3A_758 = tpu.memref_slice %arg3[%dma_wait3A_756, %dma_wait3A_757] : memref<100000x1024xf32, #tpu.memory_space<hbm>> -> memref<100000x1024xf32, #tpu.memory_space<hbm>>
    tpu.wait_indirect_dma semaphore(%arg13 : memref<!tpu.dma_semaphore, #tpu.memory_space<semaphore_mem>>) src(%dma_wait3A_758 : memref<100000x1024xf32, #tpu.memory_space<hbm>>) dst(%arg10 : memref<32x1024xf32, #tpu.memory_space<vmem>>)
    %scan3A_759 = arith.constant 0 : i32
    %scan3A_760 = arith.constant 32 : i32
    %scan3A_761 = arith.addi %scan3A_759, %scan3A_760 : i32
    %scan3A_762 = arith.constant 1 : i32
    scf.for %scan3A_1027 = %scan3A_759 to %scan3A_761 step %scan3A_762  : i32 {
      %mul3A_1028 = arith.constant 1 : i32
      %mul3A_1029 = arith.muli %scan3A_1027, %mul3A_1028 : i32
      %add3A_1030 = arith.constant 0 : i32
      %add3A_1031 = arith.addi %add3A_1030, %mul3A_1029 : i32
      %scan3A_1032 = arith.constant 0 : i32
      %scan3A_1033 = arith.constant 64 : i32
      %scan3A_1034 = arith.addi %scan3A_1032, %scan3A_1033 : i32
      %scan3A_1035 = arith.constant 1 : i32
      scf.for %scan3A_1037 = %scan3A_1032 to %scan3A_1034 step %scan3A_1035  : i32 {
        %mul3A_1038 = arith.constant 1 : i32
        %mul3A_1039 = arith.muli %scan3A_1037, %mul3A_1038 : i32
        %add3A_1040 = arith.constant 0 : i32
        %add3A_1041 = arith.addi %add3A_1040, %mul3A_1039 : i32
        %mul3A_1042 = arith.constant 16 : i32
        %mul3A_1043 = arith.muli %add3A_1041, %mul3A_1042 : i32
        %get3A = arith.index_cast %add3A_1031 : i32 to index
        %get3A_1044 = arith.index_cast %mul3A_1043 : i32 to index
        %get3A_1045 = tpu.vector_load %arg10[%get3A, %get3A_1044] {strides = array<i32>} : memref<32x1024xf32, #tpu.memory_space<vmem>>, vector<1x16xf32>,
        %get3A_1046 = vector.shape_cast %get3A_1045 : vector<1x16xf32> to vector<16xf32>
        %get3A_1047 = arith.index_cast %add3A_1031 : i32 to index
        %get3A_1048 = arith.index_cast %mul3A_1043 : i32 to index
        %get3A_1049 = tpu.vector_load %arg8[%get3A_1047, %get3A_1048] {strides = array<i32>} : memref<32x1024xf32, #tpu.memory_space<vmem>>, vector<1x16xf32>,
        %get3A_1050 = vector.shape_cast %get3A_1049 : vector<1x16xf32> to vector<16xf32>
        %add3A_1051 = arith.addf %get3A_1046, %get3A_1050 : vector<16xf32>
        %swap3A = arith.index_cast %add3A_1031 : i32 to index
        %swap3A_1052 = arith.index_cast %mul3A_1043 : i32 to index
        %swap3A_1053 = tpu.vector_load %arg10[%swap3A, %swap3A_1052] {strides = array<i32>} : memref<32x1024xf32, #tpu.memory_space<vmem>>, vector<1x16xf32>,
        %swap3A_1054 = vector.shape_cast %swap3A_1053 : vector<1x16xf32> to vector<16xf32>
        %swap3A_1055 = vector.shape_cast %add3A_1051 : vector<16xf32> to vector<1x16xf32>
        tpu.vector_store %arg10[%swap3A, %swap3A_1052], %swap3A_1055 {strides = array<i32>} : memref<32x1024xf32, #tpu.memory_space<vmem>>, vector<1x16xf32>,
      }
      %scan3A_1036 = arith.constant 64 : i32
    }
    %scan3A_763 = arith.constant 32 : i32
    %add3A_764 = arith.constant 24576 : i32
    %add3A_765 = arith.addi %add3A_764, %mul3A_2 : i32
    %add3A_766 = arith.constant 160 : i32
    %add3A_767 = arith.addi %add3A_765, %add3A_766 : i32
    %dma_start3A_768 = arith.constant 0 : i32
    %dma_start3A_769 = tpu.memref_slice %arg5[%add3A_767, %dma_start3A_768] : memref<32768x1024xf32, #tpu.memory_space<hbm>> -> memref<32x1024xf32, #tpu.memory_space<hbm>>
    %dma_start3A_770 = arith.constant 0 : i32
    %dma_start3A_771 = tpu.memref_slice %arg5[%add3A_767, %dma_start3A_770] : memref<32768x1024xf32, #tpu.memory_space<hbm>> -> memref<32x1024xf32, #tpu.memory_space<hbm>>
    tpu.enqueue_dma source(%arg10 : memref<32x1024xf32, #tpu.memory_space<vmem>>) target(%dma_start3A_771 : memref<32x1024xf32, #tpu.memory_space<hbm>>) target_semaphore(%arg15 : memref<!tpu.dma_semaphore, #tpu.memory_space<semaphore_mem>>)
    %add3A_772 = arith.constant 192 : i32
    %add3A_773 = arith.addi %mul3A_2, %add3A_772 : i32
    "tpu.region"() ({
      %run_scoped3A = tpu.sem_alloc : memref<!tpu.dma_semaphore, #tpu.memory_space<semaphore_mem>>
      %dma_start3A_1027 = arith.constant 0 : i32
      %dma_start3A_1028 = tpu.memref_slice %arg4[%add3A_773, %dma_start3A_1027] : memref<8192x1024xf32, #tpu.memory_space<hbm>> -> memref<32x1024xf32, #tpu.memory_space<hbm>>
      %dma_start3A_1029 = arith.constant 0 : i32
      %dma_start3A_1030 = tpu.memref_slice %arg4[%add3A_773, %dma_start3A_1029] : memref<8192x1024xf32, #tpu.memory_space<hbm>> -> memref<32x1024xf32, #tpu.memory_space<hbm>>
      tpu.enqueue_dma source(%dma_start3A_1030 : memref<32x1024xf32, #tpu.memory_space<hbm>>) target(%arg8 : memref<32x1024xf32, #tpu.memory_space<vmem>>) target_semaphore(%run_scoped3A : memref<!tpu.dma_semaphore, #tpu.memory_space<semaphore_mem>>)
      %dma_wait3A_1031 = arith.constant 0 : i32
      %dma_wait3A_1032 = tpu.memref_slice %arg4[%add3A_773, %dma_wait3A_1031] : memref<8192x1024xf32, #tpu.memory_space<hbm>> -> memref<32x1024xf32, #tpu.memory_space<hbm>>
      %dma_wait3A_1033 = arith.constant 0 : i32
      %dma_wait3A_1034 = tpu.memref_slice %arg4[%add3A_773, %dma_wait3A_1033] : memref<8192x1024xf32, #tpu.memory_space<hbm>> -> memref<32x1024xf32, #tpu.memory_space<hbm>>
      tpu.wait_dma2 semaphore(%run_scoped3A : memref<!tpu.dma_semaphore, #tpu.memory_space<semaphore_mem>>) src(%dma_wait3A_1034 : memref<32x1024xf32, #tpu.memory_space<hbm>>) dst(%arg8 : memref<32x1024xf32, #tpu.memory_space<vmem>>)
      tpu.yield
    }) : () -> ()
    %add3A_774 = arith.constant 24576 : i32
    %add3A_775 = arith.addi %add3A_774, %mul3A_2 : i32
    %add3A_776 = arith.constant 160 : i32
    %add3A_777 = arith.addi %add3A_775, %add3A_776 : i32
    %dma_wait3A_778 = arith.constant 0 : i32
    %dma_wait3A_779 = tpu.memref_slice %arg5[%add3A_777, %dma_wait3A_778] : memref<32768x1024xf32, #tpu.memory_space<hbm>> -> memref<32x1024xf32, #tpu.memory_space<hbm>>
    %dma_wait3A_780 = arith.constant 0 : i32
    %dma_wait3A_781 = tpu.memref_slice %arg5[%add3A_777, %dma_wait3A_780] : memref<32768x1024xf32, #tpu.memory_space<hbm>> -> memref<32x1024xf32, #tpu.memory_space<hbm>>
    tpu.wait_dma2 semaphore(%arg15 : memref<!tpu.dma_semaphore, #tpu.memory_space<semaphore_mem>>) src(%arg10 : memref<32x1024xf32, #tpu.memory_space<vmem>>) dst(%dma_wait3A_781 : memref<32x1024xf32, #tpu.memory_space<hbm>>)
    %dma_start3A_782 = arith.constant 448 : i32
    %dma_start3A_783 = tpu.memref_slice %arg7[%dma_start3A_782] : memref<1024xi32, #tpu.memory_space<vmem>> -> memref<32xi32, #tpu.memory_space<vmem>>
    %dma_start3A_784 = arith.constant 0 : i32
    %dma_start3A_785 = arith.constant 0 : i32
    %dma_start3A_786 = tpu.memref_slice %arg3[%dma_start3A_784, %dma_start3A_785] : memref<100000x1024xf32, #tpu.memory_space<hbm>> -> memref<100000x1024xf32, #tpu.memory_space<hbm>>
    tpu.enqueue_indirect_dma source(%dma_start3A_786 : memref<100000x1024xf32, #tpu.memory_space<hbm>>) target(%arg10 : memref<32x1024xf32, #tpu.memory_space<vmem>>) offsets(%dma_start3A_783 : memref<32xi32, #tpu.memory_space<vmem>>) semaphore(%arg13 : memref<!tpu.dma_semaphore, #tpu.memory_space<semaphore_mem>>)
    %dma_wait3A_787 = arith.constant 192 : i32
    %dma_wait3A_788 = tpu.memref_slice %arg7[%dma_wait3A_787] : memref<1024xi32, #tpu.memory_space<vmem>> -> memref<32xi32, #tpu.memory_space<vmem>>
    %dma_wait3A_789 = arith.constant 0 : i32
    %dma_wait3A_790 = arith.constant 0 : i32
    %dma_wait3A_791 = tpu.memref_slice %arg3[%dma_wait3A_789, %dma_wait3A_790] : memref<100000x1024xf32, #tpu.memory_space<hbm>> -> memref<100000x1024xf32, #tpu.memory_space<hbm>>
    tpu.wait_indirect_dma semaphore(%arg12 : memref<!tpu.dma_semaphore, #tpu.memory_space<semaphore_mem>>) src(%dma_wait3A_791 : memref<100000x1024xf32, #tpu.memory_space<hbm>>) dst(%arg9 : memref<32x1024xf32, #tpu.memory_space<vmem>>)
    %scan3A_792 = arith.constant 0 : i32
    %scan3A_793 = arith.constant 32 : i32
    %scan3A_794 = arith.addi %scan3A_792, %scan3A_793 : i32
    %scan3A_795 = arith.constant 1 : i32
    scf.for %scan3A_1027 = %scan3A_792 to %scan3A_794 step %scan3A_795  : i32 {
      %mul3A_1028 = arith.constant 1 : i32
      %mul3A_1029 = arith.muli %scan3A_1027, %mul3A_1028 : i32
      %add3A_1030 = arith.constant 0 : i32
      %add3A_1031 = arith.addi %add3A_1030, %mul3A_1029 : i32
      %scan3A_1032 = arith.constant 0 : i32
      %scan3A_1033 = arith.constant 64 : i32
      %scan3A_1034 = arith.addi %scan3A_1032, %scan3A_1033 : i32
      %scan3A_1035 = arith.constant 1 : i32
      scf.for %scan3A_1037 = %scan3A_1032 to %scan3A_1034 step %scan3A_1035  : i32 {
        %mul3A_1038 = arith.constant 1 : i32
        %mul3A_1039 = arith.muli %scan3A_1037, %mul3A_1038 : i32
        %add3A_1040 = arith.constant 0 : i32
        %add3A_1041 = arith.addi %add3A_1040, %mul3A_1039 : i32
        %mul3A_1042 = arith.constant 16 : i32
        %mul3A_1043 = arith.muli %add3A_1041, %mul3A_1042 : i32
        %get3A = arith.index_cast %add3A_1031 : i32 to index
        %get3A_1044 = arith.index_cast %mul3A_1043 : i32 to index
        %get3A_1045 = tpu.vector_load %arg9[%get3A, %get3A_1044] {strides = array<i32>} : memref<32x1024xf32, #tpu.memory_space<vmem>>, vector<1x16xf32>,
        %get3A_1046 = vector.shape_cast %get3A_1045 : vector<1x16xf32> to vector<16xf32>
        %get3A_1047 = arith.index_cast %add3A_1031 : i32 to index
        %get3A_1048 = arith.index_cast %mul3A_1043 : i32 to index
        %get3A_1049 = tpu.vector_load %arg8[%get3A_1047, %get3A_1048] {strides = array<i32>} : memref<32x1024xf32, #tpu.memory_space<vmem>>, vector<1x16xf32>,
        %get3A_1050 = vector.shape_cast %get3A_1049 : vector<1x16xf32> to vector<16xf32>
        %add3A_1051 = arith.addf %get3A_1046, %get3A_1050 : vector<16xf32>
        %swap3A = arith.index_cast %add3A_1031 : i32 to index
        %swap3A_1052 = arith.index_cast %mul3A_1043 : i32 to index
        %swap3A_1053 = tpu.vector_load %arg9[%swap3A, %swap3A_1052] {strides = array<i32>} : memref<32x1024xf32, #tpu.memory_space<vmem>>, vector<1x16xf32>,
        %swap3A_1054 = vector.shape_cast %swap3A_1053 : vector<1x16xf32> to vector<16xf32>
        %swap3A_1055 = vector.shape_cast %add3A_1051 : vector<16xf32> to vector<1x16xf32>
        tpu.vector_store %arg9[%swap3A, %swap3A_1052], %swap3A_1055 {strides = array<i32>} : memref<32x1024xf32, #tpu.memory_space<vmem>>, vector<1x16xf32>,
      }
      %scan3A_1036 = arith.constant 64 : i32
    }
    %scan3A_796 = arith.constant 32 : i32
    %add3A_797 = arith.constant 0 : i32
    %add3A_798 = arith.addi %add3A_797, %mul3A_2 : i32
    %add3A_799 = arith.constant 192 : i32
    %add3A_800 = arith.addi %add3A_798, %add3A_799 : i32
    %dma_start3A_801 = arith.constant 0 : i32
    %dma_start3A_802 = tpu.memref_slice %arg5[%add3A_800, %dma_start3A_801] : memref<32768x1024xf32, #tpu.memory_space<hbm>> -> memref<32x1024xf32, #tpu.memory_space<hbm>>
    %dma_start3A_803 = arith.constant 0 : i32
    %dma_start3A_804 = tpu.memref_slice %arg5[%add3A_800, %dma_start3A_803] : memref<32768x1024xf32, #tpu.memory_space<hbm>> -> memref<32x1024xf32, #tpu.memory_space<hbm>>
    tpu.enqueue_dma source(%arg9 : memref<32x1024xf32, #tpu.memory_space<vmem>>) target(%dma_start3A_804 : memref<32x1024xf32, #tpu.memory_space<hbm>>) target_semaphore(%arg14 : memref<!tpu.dma_semaphore, #tpu.memory_space<semaphore_mem>>)
    %add3A_805 = arith.constant 0 : i32
    %add3A_806 = arith.addi %add3A_805, %mul3A_2 : i32
    %add3A_807 = arith.constant 192 : i32
    %add3A_808 = arith.addi %add3A_806, %add3A_807 : i32
    %dma_wait3A_809 = arith.constant 0 : i32
    %dma_wait3A_810 = tpu.memref_slice %arg5[%add3A_808, %dma_wait3A_809] : memref<32768x1024xf32, #tpu.memory_space<hbm>> -> memref<32x1024xf32, #tpu.memory_space<hbm>>
    %dma_wait3A_811 = arith.constant 0 : i32
    %dma_wait3A_812 = tpu.memref_slice %arg5[%add3A_808, %dma_wait3A_811] : memref<32768x1024xf32, #tpu.memory_space<hbm>> -> memref<32x1024xf32, #tpu.memory_space<hbm>>
    tpu.wait_dma2 semaphore(%arg14 : memref<!tpu.dma_semaphore, #tpu.memory_space<semaphore_mem>>) src(%arg9 : memref<32x1024xf32, #tpu.memory_space<vmem>>) dst(%dma_wait3A_812 : memref<32x1024xf32, #tpu.memory_space<hbm>>)
    %dma_start3A_813 = arith.constant 704 : i32
    %dma_start3A_814 = tpu.memref_slice %arg7[%dma_start3A_813] : memref<1024xi32, #tpu.memory_space<vmem>> -> memref<32xi32, #tpu.memory_space<vmem>>
    %dma_start3A_815 = arith.constant 0 : i32
    %dma_start3A_816 = arith.constant 0 : i32
    %dma_start3A_817 = tpu.memref_slice %arg3[%dma_start3A_815, %dma_start3A_816] : memref<100000x1024xf32, #tpu.memory_space<hbm>> -> memref<100000x1024xf32, #tpu.memory_space<hbm>>
    tpu.enqueue_indirect_dma source(%dma_start3A_817 : memref<100000x1024xf32, #tpu.memory_space<hbm>>) target(%arg9 : memref<32x1024xf32, #tpu.memory_space<vmem>>) offsets(%dma_start3A_814 : memref<32xi32, #tpu.memory_space<vmem>>) semaphore(%arg12 : memref<!tpu.dma_semaphore, #tpu.memory_space<semaphore_mem>>)
    %dma_wait3A_818 = arith.constant 448 : i32
    %dma_wait3A_819 = tpu.memref_slice %arg7[%dma_wait3A_818] : memref<1024xi32, #tpu.memory_space<vmem>> -> memref<32xi32, #tpu.memory_space<vmem>>
    %dma_wait3A_820 = arith.constant 0 : i32
    %dma_wait3A_821 = arith.constant 0 : i32
    %dma_wait3A_822 = tpu.memref_slice %arg3[%dma_wait3A_820, %dma_wait3A_821] : memref<100000x1024xf32, #tpu.memory_space<hbm>> -> memref<100000x1024xf32, #tpu.memory_space<hbm>>
    tpu.wait_indirect_dma semaphore(%arg13 : memref<!tpu.dma_semaphore, #tpu.memory_space<semaphore_mem>>) src(%dma_wait3A_822 : memref<100000x1024xf32, #tpu.memory_space<hbm>>) dst(%arg10 : memref<32x1024xf32, #tpu.memory_space<vmem>>)
    %scan3A_823 = arith.constant 0 : i32
    %scan3A_824 = arith.constant 32 : i32
    %scan3A_825 = arith.addi %scan3A_823, %scan3A_824 : i32
    %scan3A_826 = arith.constant 1 : i32
    scf.for %scan3A_1027 = %scan3A_823 to %scan3A_825 step %scan3A_826  : i32 {
      %mul3A_1028 = arith.constant 1 : i32
      %mul3A_1029 = arith.muli %scan3A_1027, %mul3A_1028 : i32
      %add3A_1030 = arith.constant 0 : i32
      %add3A_1031 = arith.addi %add3A_1030, %mul3A_1029 : i32
      %scan3A_1032 = arith.constant 0 : i32
      %scan3A_1033 = arith.constant 64 : i32
      %scan3A_1034 = arith.addi %scan3A_1032, %scan3A_1033 : i32
      %scan3A_1035 = arith.constant 1 : i32
      scf.for %scan3A_1037 = %scan3A_1032 to %scan3A_1034 step %scan3A_1035  : i32 {
        %mul3A_1038 = arith.constant 1 : i32
        %mul3A_1039 = arith.muli %scan3A_1037, %mul3A_1038 : i32
        %add3A_1040 = arith.constant 0 : i32
        %add3A_1041 = arith.addi %add3A_1040, %mul3A_1039 : i32
        %mul3A_1042 = arith.constant 16 : i32
        %mul3A_1043 = arith.muli %add3A_1041, %mul3A_1042 : i32
        %get3A = arith.index_cast %add3A_1031 : i32 to index
        %get3A_1044 = arith.index_cast %mul3A_1043 : i32 to index
        %get3A_1045 = tpu.vector_load %arg10[%get3A, %get3A_1044] {strides = array<i32>} : memref<32x1024xf32, #tpu.memory_space<vmem>>, vector<1x16xf32>,
        %get3A_1046 = vector.shape_cast %get3A_1045 : vector<1x16xf32> to vector<16xf32>
        %get3A_1047 = arith.index_cast %add3A_1031 : i32 to index
        %get3A_1048 = arith.index_cast %mul3A_1043 : i32 to index
        %get3A_1049 = tpu.vector_load %arg8[%get3A_1047, %get3A_1048] {strides = array<i32>} : memref<32x1024xf32, #tpu.memory_space<vmem>>, vector<1x16xf32>,
        %get3A_1050 = vector.shape_cast %get3A_1049 : vector<1x16xf32> to vector<16xf32>
        %add3A_1051 = arith.addf %get3A_1046, %get3A_1050 : vector<16xf32>
        %swap3A = arith.index_cast %add3A_1031 : i32 to index
        %swap3A_1052 = arith.index_cast %mul3A_1043 : i32 to index
        %swap3A_1053 = tpu.vector_load %arg10[%swap3A, %swap3A_1052] {strides = array<i32>} : memref<32x1024xf32, #tpu.memory_space<vmem>>, vector<1x16xf32>,
        %swap3A_1054 = vector.shape_cast %swap3A_1053 : vector<1x16xf32> to vector<16xf32>
        %swap3A_1055 = vector.shape_cast %add3A_1051 : vector<16xf32> to vector<1x16xf32>
        tpu.vector_store %arg10[%swap3A, %swap3A_1052], %swap3A_1055 {strides = array<i32>} : memref<32x1024xf32, #tpu.memory_space<vmem>>, vector<1x16xf32>,
      }
      %scan3A_1036 = arith.constant 64 : i32
    }
    %scan3A_827 = arith.constant 32 : i32
    %add3A_828 = arith.constant 8192 : i32
    %add3A_829 = arith.addi %add3A_828, %mul3A_2 : i32
    %add3A_830 = arith.constant 192 : i32
    %add3A_831 = arith.addi %add3A_829, %add3A_830 : i32
    %dma_start3A_832 = arith.constant 0 : i32
    %dma_start3A_833 = tpu.memref_slice %arg5[%add3A_831, %dma_start3A_832] : memref<32768x1024xf32, #tpu.memory_space<hbm>> -> memref<32x1024xf32, #tpu.memory_space<hbm>>
    %dma_start3A_834 = arith.constant 0 : i32
    %dma_start3A_835 = tpu.memref_slice %arg5[%add3A_831, %dma_start3A_834] : memref<32768x1024xf32, #tpu.memory_space<hbm>> -> memref<32x1024xf32, #tpu.memory_space<hbm>>
    tpu.enqueue_dma source(%arg10 : memref<32x1024xf32, #tpu.memory_space<vmem>>) target(%dma_start3A_835 : memref<32x1024xf32, #tpu.memory_space<hbm>>) target_semaphore(%arg15 : memref<!tpu.dma_semaphore, #tpu.memory_space<semaphore_mem>>)
    %add3A_836 = arith.constant 8192 : i32
    %add3A_837 = arith.addi %add3A_836, %mul3A_2 : i32
    %add3A_838 = arith.constant 192 : i32
    %add3A_839 = arith.addi %add3A_837, %add3A_838 : i32
    %dma_wait3A_840 = arith.constant 0 : i32
    %dma_wait3A_841 = tpu.memref_slice %arg5[%add3A_839, %dma_wait3A_840] : memref<32768x1024xf32, #tpu.memory_space<hbm>> -> memref<32x1024xf32, #tpu.memory_space<hbm>>
    %dma_wait3A_842 = arith.constant 0 : i32
    %dma_wait3A_843 = tpu.memref_slice %arg5[%add3A_839, %dma_wait3A_842] : memref<32768x1024xf32, #tpu.memory_space<hbm>> -> memref<32x1024xf32, #tpu.memory_space<hbm>>
    tpu.wait_dma2 semaphore(%arg15 : memref<!tpu.dma_semaphore, #tpu.memory_space<semaphore_mem>>) src(%arg10 : memref<32x1024xf32, #tpu.memory_space<vmem>>) dst(%dma_wait3A_843 : memref<32x1024xf32, #tpu.memory_space<hbm>>)
    %dma_start3A_844 = arith.constant 960 : i32
    %dma_start3A_845 = tpu.memref_slice %arg7[%dma_start3A_844] : memref<1024xi32, #tpu.memory_space<vmem>> -> memref<32xi32, #tpu.memory_space<vmem>>
    %dma_start3A_846 = arith.constant 0 : i32
    %dma_start3A_847 = arith.constant 0 : i32
    %dma_start3A_848 = tpu.memref_slice %arg3[%dma_start3A_846, %dma_start3A_847] : memref<100000x1024xf32, #tpu.memory_space<hbm>> -> memref<100000x1024xf32, #tpu.memory_space<hbm>>
    tpu.enqueue_indirect_dma source(%dma_start3A_848 : memref<100000x1024xf32, #tpu.memory_space<hbm>>) target(%arg10 : memref<32x1024xf32, #tpu.memory_space<vmem>>) offsets(%dma_start3A_845 : memref<32xi32, #tpu.memory_space<vmem>>) semaphore(%arg13 : memref<!tpu.dma_semaphore, #tpu.memory_space<semaphore_mem>>)
    %dma_wait3A_849 = arith.constant 704 : i32
    %dma_wait3A_850 = tpu.memref_slice %arg7[%dma_wait3A_849] : memref<1024xi32, #tpu.memory_space<vmem>> -> memref<32xi32, #tpu.memory_space<vmem>>
    %dma_wait3A_851 = arith.constant 0 : i32
    %dma_wait3A_852 = arith.constant 0 : i32
    %dma_wait3A_853 = tpu.memref_slice %arg3[%dma_wait3A_851, %dma_wait3A_852] : memref<100000x1024xf32, #tpu.memory_space<hbm>> -> memref<100000x1024xf32, #tpu.memory_space<hbm>>
    tpu.wait_indirect_dma semaphore(%arg12 : memref<!tpu.dma_semaphore, #tpu.memory_space<semaphore_mem>>) src(%dma_wait3A_853 : memref<100000x1024xf32, #tpu.memory_space<hbm>>) dst(%arg9 : memref<32x1024xf32, #tpu.memory_space<vmem>>)
    %scan3A_854 = arith.constant 0 : i32
    %scan3A_855 = arith.constant 32 : i32
    %scan3A_856 = arith.addi %scan3A_854, %scan3A_855 : i32
    %scan3A_857 = arith.constant 1 : i32
    scf.for %scan3A_1027 = %scan3A_854 to %scan3A_856 step %scan3A_857  : i32 {
      %mul3A_1028 = arith.constant 1 : i32
      %mul3A_1029 = arith.muli %scan3A_1027, %mul3A_1028 : i32
      %add3A_1030 = arith.constant 0 : i32
      %add3A_1031 = arith.addi %add3A_1030, %mul3A_1029 : i32
      %scan3A_1032 = arith.constant 0 : i32
      %scan3A_1033 = arith.constant 64 : i32
      %scan3A_1034 = arith.addi %scan3A_1032, %scan3A_1033 : i32
      %scan3A_1035 = arith.constant 1 : i32
      scf.for %scan3A_1037 = %scan3A_1032 to %scan3A_1034 step %scan3A_1035  : i32 {
        %mul3A_1038 = arith.constant 1 : i32
        %mul3A_1039 = arith.muli %scan3A_1037, %mul3A_1038 : i32
        %add3A_1040 = arith.constant 0 : i32
        %add3A_1041 = arith.addi %add3A_1040, %mul3A_1039 : i32
        %mul3A_1042 = arith.constant 16 : i32
        %mul3A_1043 = arith.muli %add3A_1041, %mul3A_1042 : i32
        %get3A = arith.index_cast %add3A_1031 : i32 to index
        %get3A_1044 = arith.index_cast %mul3A_1043 : i32 to index
        %get3A_1045 = tpu.vector_load %arg9[%get3A, %get3A_1044] {strides = array<i32>} : memref<32x1024xf32, #tpu.memory_space<vmem>>, vector<1x16xf32>,
        %get3A_1046 = vector.shape_cast %get3A_1045 : vector<1x16xf32> to vector<16xf32>
        %get3A_1047 = arith.index_cast %add3A_1031 : i32 to index
        %get3A_1048 = arith.index_cast %mul3A_1043 : i32 to index
        %get3A_1049 = tpu.vector_load %arg8[%get3A_1047, %get3A_1048] {strides = array<i32>} : memref<32x1024xf32, #tpu.memory_space<vmem>>, vector<1x16xf32>,
        %get3A_1050 = vector.shape_cast %get3A_1049 : vector<1x16xf32> to vector<16xf32>
        %add3A_1051 = arith.addf %get3A_1046, %get3A_1050 : vector<16xf32>
        %swap3A = arith.index_cast %add3A_1031 : i32 to index
        %swap3A_1052 = arith.index_cast %mul3A_1043 : i32 to index
        %swap3A_1053 = tpu.vector_load %arg9[%swap3A, %swap3A_1052] {strides = array<i32>} : memref<32x1024xf32, #tpu.memory_space<vmem>>, vector<1x16xf32>,
        %swap3A_1054 = vector.shape_cast %swap3A_1053 : vector<1x16xf32> to vector<16xf32>
        %swap3A_1055 = vector.shape_cast %add3A_1051 : vector<16xf32> to vector<1x16xf32>
        tpu.vector_store %arg9[%swap3A, %swap3A_1052], %swap3A_1055 {strides = array<i32>} : memref<32x1024xf32, #tpu.memory_space<vmem>>, vector<1x16xf32>,
      }
      %scan3A_1036 = arith.constant 64 : i32
    }
    %scan3A_858 = arith.constant 32 : i32
    %add3A_859 = arith.constant 16384 : i32
    %add3A_860 = arith.addi %add3A_859, %mul3A_2 : i32
    %add3A_861 = arith.constant 192 : i32
    %add3A_862 = arith.addi %add3A_860, %add3A_861 : i32
    %dma_start3A_863 = arith.constant 0 : i32
    %dma_start3A_864 = tpu.memref_slice %arg5[%add3A_862, %dma_start3A_863] : memref<32768x1024xf32, #tpu.memory_space<hbm>> -> memref<32x1024xf32, #tpu.memory_space<hbm>>
    %dma_start3A_865 = arith.constant 0 : i32
    %dma_start3A_866 = tpu.memref_slice %arg5[%add3A_862, %dma_start3A_865] : memref<32768x1024xf32, #tpu.memory_space<hbm>> -> memref<32x1024xf32, #tpu.memory_space<hbm>>
    tpu.enqueue_dma source(%arg9 : memref<32x1024xf32, #tpu.memory_space<vmem>>) target(%dma_start3A_866 : memref<32x1024xf32, #tpu.memory_space<hbm>>) target_semaphore(%arg14 : memref<!tpu.dma_semaphore, #tpu.memory_space<semaphore_mem>>)
    %add3A_867 = arith.constant 16384 : i32
    %add3A_868 = arith.addi %add3A_867, %mul3A_2 : i32
    %add3A_869 = arith.constant 192 : i32
    %add3A_870 = arith.addi %add3A_868, %add3A_869 : i32
    %dma_wait3A_871 = arith.constant 0 : i32
    %dma_wait3A_872 = tpu.memref_slice %arg5[%add3A_870, %dma_wait3A_871] : memref<32768x1024xf32, #tpu.memory_space<hbm>> -> memref<32x1024xf32, #tpu.memory_space<hbm>>
    %dma_wait3A_873 = arith.constant 0 : i32
    %dma_wait3A_874 = tpu.memref_slice %arg5[%add3A_870, %dma_wait3A_873] : memref<32768x1024xf32, #tpu.memory_space<hbm>> -> memref<32x1024xf32, #tpu.memory_space<hbm>>
    tpu.wait_dma2 semaphore(%arg14 : memref<!tpu.dma_semaphore, #tpu.memory_space<semaphore_mem>>) src(%arg9 : memref<32x1024xf32, #tpu.memory_space<vmem>>) dst(%dma_wait3A_874 : memref<32x1024xf32, #tpu.memory_space<hbm>>)
    %dma_start3A_875 = arith.constant 224 : i32
    %dma_start3A_876 = tpu.memref_slice %arg7[%dma_start3A_875] : memref<1024xi32, #tpu.memory_space<vmem>> -> memref<32xi32, #tpu.memory_space<vmem>>
    %dma_start3A_877 = arith.constant 0 : i32
    %dma_start3A_878 = arith.constant 0 : i32
    %dma_start3A_879 = tpu.memref_slice %arg3[%dma_start3A_877, %dma_start3A_878] : memref<100000x1024xf32, #tpu.memory_space<hbm>> -> memref<100000x1024xf32, #tpu.memory_space<hbm>>
    tpu.enqueue_indirect_dma source(%dma_start3A_879 : memref<100000x1024xf32, #tpu.memory_space<hbm>>) target(%arg9 : memref<32x1024xf32, #tpu.memory_space<vmem>>) offsets(%dma_start3A_876 : memref<32xi32, #tpu.memory_space<vmem>>) semaphore(%arg12 : memref<!tpu.dma_semaphore, #tpu.memory_space<semaphore_mem>>)
    %dma_wait3A_880 = arith.constant 960 : i32
    %dma_wait3A_881 = tpu.memref_slice %arg7[%dma_wait3A_880] : memref<1024xi32, #tpu.memory_space<vmem>> -> memref<32xi32, #tpu.memory_space<vmem>>
    %dma_wait3A_882 = arith.constant 0 : i32
    %dma_wait3A_883 = arith.constant 0 : i32
    %dma_wait3A_884 = tpu.memref_slice %arg3[%dma_wait3A_882, %dma_wait3A_883] : memref<100000x1024xf32, #tpu.memory_space<hbm>> -> memref<100000x1024xf32, #tpu.memory_space<hbm>>
    tpu.wait_indirect_dma semaphore(%arg13 : memref<!tpu.dma_semaphore, #tpu.memory_space<semaphore_mem>>) src(%dma_wait3A_884 : memref<100000x1024xf32, #tpu.memory_space<hbm>>) dst(%arg10 : memref<32x1024xf32, #tpu.memory_space<vmem>>)
    %scan3A_885 = arith.constant 0 : i32
    %scan3A_886 = arith.constant 32 : i32
    %scan3A_887 = arith.addi %scan3A_885, %scan3A_886 : i32
    %scan3A_888 = arith.constant 1 : i32
    scf.for %scan3A_1027 = %scan3A_885 to %scan3A_887 step %scan3A_888  : i32 {
      %mul3A_1028 = arith.constant 1 : i32
      %mul3A_1029 = arith.muli %scan3A_1027, %mul3A_1028 : i32
      %add3A_1030 = arith.constant 0 : i32
      %add3A_1031 = arith.addi %add3A_1030, %mul3A_1029 : i32
      %scan3A_1032 = arith.constant 0 : i32
      %scan3A_1033 = arith.constant 64 : i32
      %scan3A_1034 = arith.addi %scan3A_1032, %scan3A_1033 : i32
      %scan3A_1035 = arith.constant 1 : i32
      scf.for %scan3A_1037 = %scan3A_1032 to %scan3A_1034 step %scan3A_1035  : i32 {
        %mul3A_1038 = arith.constant 1 : i32
        %mul3A_1039 = arith.muli %scan3A_1037, %mul3A_1038 : i32
        %add3A_1040 = arith.constant 0 : i32
        %add3A_1041 = arith.addi %add3A_1040, %mul3A_1039 : i32
        %mul3A_1042 = arith.constant 16 : i32
        %mul3A_1043 = arith.muli %add3A_1041, %mul3A_1042 : i32
        %get3A = arith.index_cast %add3A_1031 : i32 to index
        %get3A_1044 = arith.index_cast %mul3A_1043 : i32 to index
        %get3A_1045 = tpu.vector_load %arg10[%get3A, %get3A_1044] {strides = array<i32>} : memref<32x1024xf32, #tpu.memory_space<vmem>>, vector<1x16xf32>,
        %get3A_1046 = vector.shape_cast %get3A_1045 : vector<1x16xf32> to vector<16xf32>
        %get3A_1047 = arith.index_cast %add3A_1031 : i32 to index
        %get3A_1048 = arith.index_cast %mul3A_1043 : i32 to index
        %get3A_1049 = tpu.vector_load %arg8[%get3A_1047, %get3A_1048] {strides = array<i32>} : memref<32x1024xf32, #tpu.memory_space<vmem>>, vector<1x16xf32>,
        %get3A_1050 = vector.shape_cast %get3A_1049 : vector<1x16xf32> to vector<16xf32>
        %add3A_1051 = arith.addf %get3A_1046, %get3A_1050 : vector<16xf32>
        %swap3A = arith.index_cast %add3A_1031 : i32 to index
        %swap3A_1052 = arith.index_cast %mul3A_1043 : i32 to index
        %swap3A_1053 = tpu.vector_load %arg10[%swap3A, %swap3A_1052] {strides = array<i32>} : memref<32x1024xf32, #tpu.memory_space<vmem>>, vector<1x16xf32>,
        %swap3A_1054 = vector.shape_cast %swap3A_1053 : vector<1x16xf32> to vector<16xf32>
        %swap3A_1055 = vector.shape_cast %add3A_1051 : vector<16xf32> to vector<1x16xf32>
        tpu.vector_store %arg10[%swap3A, %swap3A_1052], %swap3A_1055 {strides = array<i32>} : memref<32x1024xf32, #tpu.memory_space<vmem>>, vector<1x16xf32>,
      }
      %scan3A_1036 = arith.constant 64 : i32
    }
    %scan3A_889 = arith.constant 32 : i32
    %add3A_890 = arith.constant 24576 : i32
    %add3A_891 = arith.addi %add3A_890, %mul3A_2 : i32
    %add3A_892 = arith.constant 192 : i32
    %add3A_893 = arith.addi %add3A_891, %add3A_892 : i32
    %dma_start3A_894 = arith.constant 0 : i32
    %dma_start3A_895 = tpu.memref_slice %arg5[%add3A_893, %dma_start3A_894] : memref<32768x1024xf32, #tpu.memory_space<hbm>> -> memref<32x1024xf32, #tpu.memory_space<hbm>>
    %dma_start3A_896 = arith.constant 0 : i32
    %dma_start3A_897 = tpu.memref_slice %arg5[%add3A_893, %dma_start3A_896] : memref<32768x1024xf32, #tpu.memory_space<hbm>> -> memref<32x1024xf32, #tpu.memory_space<hbm>>
    tpu.enqueue_dma source(%arg10 : memref<32x1024xf32, #tpu.memory_space<vmem>>) target(%dma_start3A_897 : memref<32x1024xf32, #tpu.memory_space<hbm>>) target_semaphore(%arg15 : memref<!tpu.dma_semaphore, #tpu.memory_space<semaphore_mem>>)
    %add3A_898 = arith.constant 224 : i32
    %add3A_899 = arith.addi %mul3A_2, %add3A_898 : i32
    "tpu.region"() ({
      %run_scoped3A = tpu.sem_alloc : memref<!tpu.dma_semaphore, #tpu.memory_space<semaphore_mem>>
      %dma_start3A_1027 = arith.constant 0 : i32
      %dma_start3A_1028 = tpu.memref_slice %arg4[%add3A_899, %dma_start3A_1027] : memref<8192x1024xf32, #tpu.memory_space<hbm>> -> memref<32x1024xf32, #tpu.memory_space<hbm>>
      %dma_start3A_1029 = arith.constant 0 : i32
      %dma_start3A_1030 = tpu.memref_slice %arg4[%add3A_899, %dma_start3A_1029] : memref<8192x1024xf32, #tpu.memory_space<hbm>> -> memref<32x1024xf32, #tpu.memory_space<hbm>>
      tpu.enqueue_dma source(%dma_start3A_1030 : memref<32x1024xf32, #tpu.memory_space<hbm>>) target(%arg8 : memref<32x1024xf32, #tpu.memory_space<vmem>>) target_semaphore(%run_scoped3A : memref<!tpu.dma_semaphore, #tpu.memory_space<semaphore_mem>>)
      %dma_wait3A_1031 = arith.constant 0 : i32
      %dma_wait3A_1032 = tpu.memref_slice %arg4[%add3A_899, %dma_wait3A_1031] : memref<8192x1024xf32, #tpu.memory_space<hbm>> -> memref<32x1024xf32, #tpu.memory_space<hbm>>
      %dma_wait3A_1033 = arith.constant 0 : i32
      %dma_wait3A_1034 = tpu.memref_slice %arg4[%add3A_899, %dma_wait3A_1033] : memref<8192x1024xf32, #tpu.memory_space<hbm>> -> memref<32x1024xf32, #tpu.memory_space<hbm>>
      tpu.wait_dma2 semaphore(%run_scoped3A : memref<!tpu.dma_semaphore, #tpu.memory_space<semaphore_mem>>) src(%dma_wait3A_1034 : memref<32x1024xf32, #tpu.memory_space<hbm>>) dst(%arg8 : memref<32x1024xf32, #tpu.memory_space<vmem>>)
      tpu.yield
    }) : () -> ()
    %add3A_900 = arith.constant 24576 : i32
    %add3A_901 = arith.addi %add3A_900, %mul3A_2 : i32
    %add3A_902 = arith.constant 192 : i32
    %add3A_903 = arith.addi %add3A_901, %add3A_902 : i32
    %dma_wait3A_904 = arith.constant 0 : i32
    %dma_wait3A_905 = tpu.memref_slice %arg5[%add3A_903, %dma_wait3A_904] : memref<32768x1024xf32, #tpu.memory_space<hbm>> -> memref<32x1024xf32, #tpu.memory_space<hbm>>
    %dma_wait3A_906 = arith.constant 0 : i32
    %dma_wait3A_907 = tpu.memref_slice %arg5[%add3A_903, %dma_wait3A_906] : memref<32768x1024xf32, #tpu.memory_space<hbm>> -> memref<32x1024xf32, #tpu.memory_space<hbm>>
    tpu.wait_dma2 semaphore(%arg15 : memref<!tpu.dma_semaphore, #tpu.memory_space<semaphore_mem>>) src(%arg10 : memref<32x1024xf32, #tpu.memory_space<vmem>>) dst(%dma_wait3A_907 : memref<32x1024xf32, #tpu.memory_space<hbm>>)
    %dma_start3A_908 = arith.constant 480 : i32
    %dma_start3A_909 = tpu.memref_slice %arg7[%dma_start3A_908] : memref<1024xi32, #tpu.memory_space<vmem>> -> memref<32xi32, #tpu.memory_space<vmem>>
    %dma_start3A_910 = arith.constant 0 : i32
    %dma_start3A_911 = arith.constant 0 : i32
    %dma_start3A_912 = tpu.memref_slice %arg3[%dma_start3A_910, %dma_start3A_911] : memref<100000x1024xf32, #tpu.memory_space<hbm>> -> memref<100000x1024xf32, #tpu.memory_space<hbm>>
    tpu.enqueue_indirect_dma source(%dma_start3A_912 : memref<100000x1024xf32, #tpu.memory_space<hbm>>) target(%arg10 : memref<32x1024xf32, #tpu.memory_space<vmem>>) offsets(%dma_start3A_909 : memref<32xi32, #tpu.memory_space<vmem>>) semaphore(%arg13 : memref<!tpu.dma_semaphore, #tpu.memory_space<semaphore_mem>>)
    %dma_wait3A_913 = arith.constant 224 : i32
    %dma_wait3A_914 = tpu.memref_slice %arg7[%dma_wait3A_913] : memref<1024xi32, #tpu.memory_space<vmem>> -> memref<32xi32, #tpu.memory_space<vmem>>
    %dma_wait3A_915 = arith.constant 0 : i32
    %dma_wait3A_916 = arith.constant 0 : i32
    %dma_wait3A_917 = tpu.memref_slice %arg3[%dma_wait3A_915, %dma_wait3A_916] : memref<100000x1024xf32, #tpu.memory_space<hbm>> -> memref<100000x1024xf32, #tpu.memory_space<hbm>>
    tpu.wait_indirect_dma semaphore(%arg12 : memref<!tpu.dma_semaphore, #tpu.memory_space<semaphore_mem>>) src(%dma_wait3A_917 : memref<100000x1024xf32, #tpu.memory_space<hbm>>) dst(%arg9 : memref<32x1024xf32, #tpu.memory_space<vmem>>)
    %scan3A_918 = arith.constant 0 : i32
    %scan3A_919 = arith.constant 32 : i32
    %scan3A_920 = arith.addi %scan3A_918, %scan3A_919 : i32
    %scan3A_921 = arith.constant 1 : i32
    scf.for %scan3A_1027 = %scan3A_918 to %scan3A_920 step %scan3A_921  : i32 {
      %mul3A_1028 = arith.constant 1 : i32
      %mul3A_1029 = arith.muli %scan3A_1027, %mul3A_1028 : i32
      %add3A_1030 = arith.constant 0 : i32
      %add3A_1031 = arith.addi %add3A_1030, %mul3A_1029 : i32
      %scan3A_1032 = arith.constant 0 : i32
      %scan3A_1033 = arith.constant 64 : i32
      %scan3A_1034 = arith.addi %scan3A_1032, %scan3A_1033 : i32
      %scan3A_1035 = arith.constant 1 : i32
      scf.for %scan3A_1037 = %scan3A_1032 to %scan3A_1034 step %scan3A_1035  : i32 {
        %mul3A_1038 = arith.constant 1 : i32
        %mul3A_1039 = arith.muli %scan3A_1037, %mul3A_1038 : i32
        %add3A_1040 = arith.constant 0 : i32
        %add3A_1041 = arith.addi %add3A_1040, %mul3A_1039 : i32
        %mul3A_1042 = arith.constant 16 : i32
        %mul3A_1043 = arith.muli %add3A_1041, %mul3A_1042 : i32
        %get3A = arith.index_cast %add3A_1031 : i32 to index
        %get3A_1044 = arith.index_cast %mul3A_1043 : i32 to index
        %get3A_1045 = tpu.vector_load %arg9[%get3A, %get3A_1044] {strides = array<i32>} : memref<32x1024xf32, #tpu.memory_space<vmem>>, vector<1x16xf32>,
        %get3A_1046 = vector.shape_cast %get3A_1045 : vector<1x16xf32> to vector<16xf32>
        %get3A_1047 = arith.index_cast %add3A_1031 : i32 to index
        %get3A_1048 = arith.index_cast %mul3A_1043 : i32 to index
        %get3A_1049 = tpu.vector_load %arg8[%get3A_1047, %get3A_1048] {strides = array<i32>} : memref<32x1024xf32, #tpu.memory_space<vmem>>, vector<1x16xf32>,
        %get3A_1050 = vector.shape_cast %get3A_1049 : vector<1x16xf32> to vector<16xf32>
        %add3A_1051 = arith.addf %get3A_1046, %get3A_1050 : vector<16xf32>
        %swap3A = arith.index_cast %add3A_1031 : i32 to index
        %swap3A_1052 = arith.index_cast %mul3A_1043 : i32 to index
        %swap3A_1053 = tpu.vector_load %arg9[%swap3A, %swap3A_1052] {strides = array<i32>} : memref<32x1024xf32, #tpu.memory_space<vmem>>, vector<1x16xf32>,
        %swap3A_1054 = vector.shape_cast %swap3A_1053 : vector<1x16xf32> to vector<16xf32>
        %swap3A_1055 = vector.shape_cast %add3A_1051 : vector<16xf32> to vector<1x16xf32>
        tpu.vector_store %arg9[%swap3A, %swap3A_1052], %swap3A_1055 {strides = array<i32>} : memref<32x1024xf32, #tpu.memory_space<vmem>>, vector<1x16xf32>,
      }
      %scan3A_1036 = arith.constant 64 : i32
    }
    %scan3A_922 = arith.constant 32 : i32
    %add3A_923 = arith.constant 0 : i32
    %add3A_924 = arith.addi %add3A_923, %mul3A_2 : i32
    %add3A_925 = arith.constant 224 : i32
    %add3A_926 = arith.addi %add3A_924, %add3A_925 : i32
    %dma_start3A_927 = arith.constant 0 : i32
    %dma_start3A_928 = tpu.memref_slice %arg5[%add3A_926, %dma_start3A_927] : memref<32768x1024xf32, #tpu.memory_space<hbm>> -> memref<32x1024xf32, #tpu.memory_space<hbm>>
    %dma_start3A_929 = arith.constant 0 : i32
    %dma_start3A_930 = tpu.memref_slice %arg5[%add3A_926, %dma_start3A_929] : memref<32768x1024xf32, #tpu.memory_space<hbm>> -> memref<32x1024xf32, #tpu.memory_space<hbm>>
    tpu.enqueue_dma source(%arg9 : memref<32x1024xf32, #tpu.memory_space<vmem>>) target(%dma_start3A_930 : memref<32x1024xf32, #tpu.memory_space<hbm>>) target_semaphore(%arg14 : memref<!tpu.dma_semaphore, #tpu.memory_space<semaphore_mem>>)
    %add3A_931 = arith.constant 0 : i32
    %add3A_932 = arith.addi %add3A_931, %mul3A_2 : i32
    %add3A_933 = arith.constant 224 : i32
    %add3A_934 = arith.addi %add3A_932, %add3A_933 : i32
    %dma_wait3A_935 = arith.constant 0 : i32
    %dma_wait3A_936 = tpu.memref_slice %arg5[%add3A_934, %dma_wait3A_935] : memref<32768x1024xf32, #tpu.memory_space<hbm>> -> memref<32x1024xf32, #tpu.memory_space<hbm>>
    %dma_wait3A_937 = arith.constant 0 : i32
    %dma_wait3A_938 = tpu.memref_slice %arg5[%add3A_934, %dma_wait3A_937] : memref<32768x1024xf32, #tpu.memory_space<hbm>> -> memref<32x1024xf32, #tpu.memory_space<hbm>>
    tpu.wait_dma2 semaphore(%arg14 : memref<!tpu.dma_semaphore, #tpu.memory_space<semaphore_mem>>) src(%arg9 : memref<32x1024xf32, #tpu.memory_space<vmem>>) dst(%dma_wait3A_938 : memref<32x1024xf32, #tpu.memory_space<hbm>>)
    %dma_start3A_939 = arith.constant 736 : i32
    %dma_start3A_940 = tpu.memref_slice %arg7[%dma_start3A_939] : memref<1024xi32, #tpu.memory_space<vmem>> -> memref<32xi32, #tpu.memory_space<vmem>>
    %dma_start3A_941 = arith.constant 0 : i32
    %dma_start3A_942 = arith.constant 0 : i32
    %dma_start3A_943 = tpu.memref_slice %arg3[%dma_start3A_941, %dma_start3A_942] : memref<100000x1024xf32, #tpu.memory_space<hbm>> -> memref<100000x1024xf32, #tpu.memory_space<hbm>>
    tpu.enqueue_indirect_dma source(%dma_start3A_943 : memref<100000x1024xf32, #tpu.memory_space<hbm>>) target(%arg9 : memref<32x1024xf32, #tpu.memory_space<vmem>>) offsets(%dma_start3A_940 : memref<32xi32, #tpu.memory_space<vmem>>) semaphore(%arg12 : memref<!tpu.dma_semaphore, #tpu.memory_space<semaphore_mem>>)
    %dma_wait3A_944 = arith.constant 480 : i32
    %dma_wait3A_945 = tpu.memref_slice %arg7[%dma_wait3A_944] : memref<1024xi32, #tpu.memory_space<vmem>> -> memref<32xi32, #tpu.memory_space<vmem>>
    %dma_wait3A_946 = arith.constant 0 : i32
    %dma_wait3A_947 = arith.constant 0 : i32
    %dma_wait3A_948 = tpu.memref_slice %arg3[%dma_wait3A_946, %dma_wait3A_947] : memref<100000x1024xf32, #tpu.memory_space<hbm>> -> memref<100000x1024xf32, #tpu.memory_space<hbm>>
    tpu.wait_indirect_dma semaphore(%arg13 : memref<!tpu.dma_semaphore, #tpu.memory_space<semaphore_mem>>) src(%dma_wait3A_948 : memref<100000x1024xf32, #tpu.memory_space<hbm>>) dst(%arg10 : memref<32x1024xf32, #tpu.memory_space<vmem>>)
    %scan3A_949 = arith.constant 0 : i32
    %scan3A_950 = arith.constant 32 : i32
    %scan3A_951 = arith.addi %scan3A_949, %scan3A_950 : i32
    %scan3A_952 = arith.constant 1 : i32
    scf.for %scan3A_1027 = %scan3A_949 to %scan3A_951 step %scan3A_952  : i32 {
      %mul3A_1028 = arith.constant 1 : i32
      %mul3A_1029 = arith.muli %scan3A_1027, %mul3A_1028 : i32
      %add3A_1030 = arith.constant 0 : i32
      %add3A_1031 = arith.addi %add3A_1030, %mul3A_1029 : i32
      %scan3A_1032 = arith.constant 0 : i32
      %scan3A_1033 = arith.constant 64 : i32
      %scan3A_1034 = arith.addi %scan3A_1032, %scan3A_1033 : i32
      %scan3A_1035 = arith.constant 1 : i32
      scf.for %scan3A_1037 = %scan3A_1032 to %scan3A_1034 step %scan3A_1035  : i32 {
        %mul3A_1038 = arith.constant 1 : i32
        %mul3A_1039 = arith.muli %scan3A_1037, %mul3A_1038 : i32
        %add3A_1040 = arith.constant 0 : i32
        %add3A_1041 = arith.addi %add3A_1040, %mul3A_1039 : i32
        %mul3A_1042 = arith.constant 16 : i32
        %mul3A_1043 = arith.muli %add3A_1041, %mul3A_1042 : i32
        %get3A = arith.index_cast %add3A_1031 : i32 to index
        %get3A_1044 = arith.index_cast %mul3A_1043 : i32 to index
        %get3A_1045 = tpu.vector_load %arg10[%get3A, %get3A_1044] {strides = array<i32>} : memref<32x1024xf32, #tpu.memory_space<vmem>>, vector<1x16xf32>,
        %get3A_1046 = vector.shape_cast %get3A_1045 : vector<1x16xf32> to vector<16xf32>
        %get3A_1047 = arith.index_cast %add3A_1031 : i32 to index
        %get3A_1048 = arith.index_cast %mul3A_1043 : i32 to index
        %get3A_1049 = tpu.vector_load %arg8[%get3A_1047, %get3A_1048] {strides = array<i32>} : memref<32x1024xf32, #tpu.memory_space<vmem>>, vector<1x16xf32>,
        %get3A_1050 = vector.shape_cast %get3A_1049 : vector<1x16xf32> to vector<16xf32>
        %add3A_1051 = arith.addf %get3A_1046, %get3A_1050 : vector<16xf32>
        %swap3A = arith.index_cast %add3A_1031 : i32 to index
        %swap3A_1052 = arith.index_cast %mul3A_1043 : i32 to index
        %swap3A_1053 = tpu.vector_load %arg10[%swap3A, %swap3A_1052] {strides = array<i32>} : memref<32x1024xf32, #tpu.memory_space<vmem>>, vector<1x16xf32>,
        %swap3A_1054 = vector.shape_cast %swap3A_1053 : vector<1x16xf32> to vector<16xf32>
        %swap3A_1055 = vector.shape_cast %add3A_1051 : vector<16xf32> to vector<1x16xf32>
        tpu.vector_store %arg10[%swap3A, %swap3A_1052], %swap3A_1055 {strides = array<i32>} : memref<32x1024xf32, #tpu.memory_space<vmem>>, vector<1x16xf32>,
      }
      %scan3A_1036 = arith.constant 64 : i32
    }
    %scan3A_953 = arith.constant 32 : i32
    %add3A_954 = arith.constant 8192 : i32
    %add3A_955 = arith.addi %add3A_954, %mul3A_2 : i32
    %add3A_956 = arith.constant 224 : i32
    %add3A_957 = arith.addi %add3A_955, %add3A_956 : i32
    %dma_start3A_958 = arith.constant 0 : i32
    %dma_start3A_959 = tpu.memref_slice %arg5[%add3A_957, %dma_start3A_958] : memref<32768x1024xf32, #tpu.memory_space<hbm>> -> memref<32x1024xf32, #tpu.memory_space<hbm>>
    %dma_start3A_960 = arith.constant 0 : i32
    %dma_start3A_961 = tpu.memref_slice %arg5[%add3A_957, %dma_start3A_960] : memref<32768x1024xf32, #tpu.memory_space<hbm>> -> memref<32x1024xf32, #tpu.memory_space<hbm>>
    tpu.enqueue_dma source(%arg10 : memref<32x1024xf32, #tpu.memory_space<vmem>>) target(%dma_start3A_961 : memref<32x1024xf32, #tpu.memory_space<hbm>>) target_semaphore(%arg15 : memref<!tpu.dma_semaphore, #tpu.memory_space<semaphore_mem>>)
    %add3A_962 = arith.constant 8192 : i32
    %add3A_963 = arith.addi %add3A_962, %mul3A_2 : i32
    %add3A_964 = arith.constant 224 : i32
    %add3A_965 = arith.addi %add3A_963, %add3A_964 : i32
    %dma_wait3A_966 = arith.constant 0 : i32
    %dma_wait3A_967 = tpu.memref_slice %arg5[%add3A_965, %dma_wait3A_966] : memref<32768x1024xf32, #tpu.memory_space<hbm>> -> memref<32x1024xf32, #tpu.memory_space<hbm>>
    %dma_wait3A_968 = arith.constant 0 : i32
    %dma_wait3A_969 = tpu.memref_slice %arg5[%add3A_965, %dma_wait3A_968] : memref<32768x1024xf32, #tpu.memory_space<hbm>> -> memref<32x1024xf32, #tpu.memory_space<hbm>>
    tpu.wait_dma2 semaphore(%arg15 : memref<!tpu.dma_semaphore, #tpu.memory_space<semaphore_mem>>) src(%arg10 : memref<32x1024xf32, #tpu.memory_space<vmem>>) dst(%dma_wait3A_969 : memref<32x1024xf32, #tpu.memory_space<hbm>>)
    %dma_start3A_970 = arith.constant 992 : i32
    %dma_start3A_971 = tpu.memref_slice %arg7[%dma_start3A_970] : memref<1024xi32, #tpu.memory_space<vmem>> -> memref<32xi32, #tpu.memory_space<vmem>>
    %dma_start3A_972 = arith.constant 0 : i32
    %dma_start3A_973 = arith.constant 0 : i32
    %dma_start3A_974 = tpu.memref_slice %arg3[%dma_start3A_972, %dma_start3A_973] : memref<100000x1024xf32, #tpu.memory_space<hbm>> -> memref<100000x1024xf32, #tpu.memory_space<hbm>>
    tpu.enqueue_indirect_dma source(%dma_start3A_974 : memref<100000x1024xf32, #tpu.memory_space<hbm>>) target(%arg10 : memref<32x1024xf32, #tpu.memory_space<vmem>>) offsets(%dma_start3A_971 : memref<32xi32, #tpu.memory_space<vmem>>) semaphore(%arg13 : memref<!tpu.dma_semaphore, #tpu.memory_space<semaphore_mem>>)
    %dma_wait3A_975 = arith.constant 736 : i32
    %dma_wait3A_976 = tpu.memref_slice %arg7[%dma_wait3A_975] : memref<1024xi32, #tpu.memory_space<vmem>> -> memref<32xi32, #tpu.memory_space<vmem>>
    %dma_wait3A_977 = arith.constant 0 : i32
    %dma_wait3A_978 = arith.constant 0 : i32
    %dma_wait3A_979 = tpu.memref_slice %arg3[%dma_wait3A_977, %dma_wait3A_978] : memref<100000x1024xf32, #tpu.memory_space<hbm>> -> memref<100000x1024xf32, #tpu.memory_space<hbm>>
    tpu.wait_indirect_dma semaphore(%arg12 : memref<!tpu.dma_semaphore, #tpu.memory_space<semaphore_mem>>) src(%dma_wait3A_979 : memref<100000x1024xf32, #tpu.memory_space<hbm>>) dst(%arg9 : memref<32x1024xf32, #tpu.memory_space<vmem>>)
    %scan3A_980 = arith.constant 0 : i32
    %scan3A_981 = arith.constant 32 : i32
    %scan3A_982 = arith.addi %scan3A_980, %scan3A_981 : i32
    %scan3A_983 = arith.constant 1 : i32
    scf.for %scan3A_1027 = %scan3A_980 to %scan3A_982 step %scan3A_983  : i32 {
      %mul3A_1028 = arith.constant 1 : i32
      %mul3A_1029 = arith.muli %scan3A_1027, %mul3A_1028 : i32
      %add3A_1030 = arith.constant 0 : i32
      %add3A_1031 = arith.addi %add3A_1030, %mul3A_1029 : i32
      %scan3A_1032 = arith.constant 0 : i32
      %scan3A_1033 = arith.constant 64 : i32
      %scan3A_1034 = arith.addi %scan3A_1032, %scan3A_1033 : i32
      %scan3A_1035 = arith.constant 1 : i32
      scf.for %scan3A_1037 = %scan3A_1032 to %scan3A_1034 step %scan3A_1035  : i32 {
        %mul3A_1038 = arith.constant 1 : i32
        %mul3A_1039 = arith.muli %scan3A_1037, %mul3A_1038 : i32
        %add3A_1040 = arith.constant 0 : i32
        %add3A_1041 = arith.addi %add3A_1040, %mul3A_1039 : i32
        %mul3A_1042 = arith.constant 16 : i32
        %mul3A_1043 = arith.muli %add3A_1041, %mul3A_1042 : i32
        %get3A = arith.index_cast %add3A_1031 : i32 to index
        %get3A_1044 = arith.index_cast %mul3A_1043 : i32 to index
        %get3A_1045 = tpu.vector_load %arg9[%get3A, %get3A_1044] {strides = array<i32>} : memref<32x1024xf32, #tpu.memory_space<vmem>>, vector<1x16xf32>,
        %get3A_1046 = vector.shape_cast %get3A_1045 : vector<1x16xf32> to vector<16xf32>
        %get3A_1047 = arith.index_cast %add3A_1031 : i32 to index
        %get3A_1048 = arith.index_cast %mul3A_1043 : i32 to index
        %get3A_1049 = tpu.vector_load %arg8[%get3A_1047, %get3A_1048] {strides = array<i32>} : memref<32x1024xf32, #tpu.memory_space<vmem>>, vector<1x16xf32>,
        %get3A_1050 = vector.shape_cast %get3A_1049 : vector<1x16xf32> to vector<16xf32>
        %add3A_1051 = arith.addf %get3A_1046, %get3A_1050 : vector<16xf32>
        %swap3A = arith.index_cast %add3A_1031 : i32 to index
        %swap3A_1052 = arith.index_cast %mul3A_1043 : i32 to index
        %swap3A_1053 = tpu.vector_load %arg9[%swap3A, %swap3A_1052] {strides = array<i32>} : memref<32x1024xf32, #tpu.memory_space<vmem>>, vector<1x16xf32>,
        %swap3A_1054 = vector.shape_cast %swap3A_1053 : vector<1x16xf32> to vector<16xf32>
        %swap3A_1055 = vector.shape_cast %add3A_1051 : vector<16xf32> to vector<1x16xf32>
        tpu.vector_store %arg9[%swap3A, %swap3A_1052], %swap3A_1055 {strides = array<i32>} : memref<32x1024xf32, #tpu.memory_space<vmem>>, vector<1x16xf32>,
      }
      %scan3A_1036 = arith.constant 64 : i32
    }
    %scan3A_984 = arith.constant 32 : i32
    %add3A_985 = arith.constant 16384 : i32
    %add3A_986 = arith.addi %add3A_985, %mul3A_2 : i32
    %add3A_987 = arith.constant 224 : i32
    %add3A_988 = arith.addi %add3A_986, %add3A_987 : i32
    %dma_start3A_989 = arith.constant 0 : i32
    %dma_start3A_990 = tpu.memref_slice %arg5[%add3A_988, %dma_start3A_989] : memref<32768x1024xf32, #tpu.memory_space<hbm>> -> memref<32x1024xf32, #tpu.memory_space<hbm>>
    %dma_start3A_991 = arith.constant 0 : i32
    %dma_start3A_992 = tpu.memref_slice %arg5[%add3A_988, %dma_start3A_991] : memref<32768x1024xf32, #tpu.memory_space<hbm>> -> memref<32x1024xf32, #tpu.memory_space<hbm>>
    tpu.enqueue_dma source(%arg9 : memref<32x1024xf32, #tpu.memory_space<vmem>>) target(%dma_start3A_992 : memref<32x1024xf32, #tpu.memory_space<hbm>>) target_semaphore(%arg14 : memref<!tpu.dma_semaphore, #tpu.memory_space<semaphore_mem>>)
    %dma_wait3A_993 = arith.constant 992 : i32
    %dma_wait3A_994 = tpu.memref_slice %arg7[%dma_wait3A_993] : memref<1024xi32, #tpu.memory_space<vmem>> -> memref<32xi32, #tpu.memory_space<vmem>>
    %dma_wait3A_995 = arith.constant 0 : i32
    %dma_wait3A_996 = arith.constant 0 : i32
    %dma_wait3A_997 = tpu.memref_slice %arg3[%dma_wait3A_995, %dma_wait3A_996] : memref<100000x1024xf32, #tpu.memory_space<hbm>> -> memref<100000x1024xf32, #tpu.memory_space<hbm>>
    tpu.wait_indirect_dma semaphore(%arg13 : memref<!tpu.dma_semaphore, #tpu.memory_space<semaphore_mem>>) src(%dma_wait3A_997 : memref<100000x1024xf32, #tpu.memory_space<hbm>>) dst(%arg10 : memref<32x1024xf32, #tpu.memory_space<vmem>>)
    %scan3A_998 = arith.constant 0 : i32
    %scan3A_999 = arith.constant 32 : i32
    %scan3A_1000 = arith.addi %scan3A_998, %scan3A_999 : i32
    %scan3A_1001 = arith.constant 1 : i32
    scf.for %scan3A_1027 = %scan3A_998 to %scan3A_1000 step %scan3A_1001  : i32 {
      %mul3A_1028 = arith.constant 1 : i32
      %mul3A_1029 = arith.muli %scan3A_1027, %mul3A_1028 : i32
      %add3A_1030 = arith.constant 0 : i32
      %add3A_1031 = arith.addi %add3A_1030, %mul3A_1029 : i32
      %scan3A_1032 = arith.constant 0 : i32
      %scan3A_1033 = arith.constant 64 : i32
      %scan3A_1034 = arith.addi %scan3A_1032, %scan3A_1033 : i32
      %scan3A_1035 = arith.constant 1 : i32
      scf.for %scan3A_1037 = %scan3A_1032 to %scan3A_1034 step %scan3A_1035  : i32 {
        %mul3A_1038 = arith.constant 1 : i32
        %mul3A_1039 = arith.muli %scan3A_1037, %mul3A_1038 : i32
        %add3A_1040 = arith.constant 0 : i32
        %add3A_1041 = arith.addi %add3A_1040, %mul3A_1039 : i32
        %mul3A_1042 = arith.constant 16 : i32
        %mul3A_1043 = arith.muli %add3A_1041, %mul3A_1042 : i32
        %get3A = arith.index_cast %add3A_1031 : i32 to index
        %get3A_1044 = arith.index_cast %mul3A_1043 : i32 to index
        %get3A_1045 = tpu.vector_load %arg10[%get3A, %get3A_1044] {strides = array<i32>} : memref<32x1024xf32, #tpu.memory_space<vmem>>, vector<1x16xf32>,
        %get3A_1046 = vector.shape_cast %get3A_1045 : vector<1x16xf32> to vector<16xf32>
        %get3A_1047 = arith.index_cast %add3A_1031 : i32 to index
        %get3A_1048 = arith.index_cast %mul3A_1043 : i32 to index
        %get3A_1049 = tpu.vector_load %arg8[%get3A_1047, %get3A_1048] {strides = array<i32>} : memref<32x1024xf32, #tpu.memory_space<vmem>>, vector<1x16xf32>,
        %get3A_1050 = vector.shape_cast %get3A_1049 : vector<1x16xf32> to vector<16xf32>
        %add3A_1051 = arith.addf %get3A_1046, %get3A_1050 : vector<16xf32>
        %swap3A = arith.index_cast %add3A_1031 : i32 to index
        %swap3A_1052 = arith.index_cast %mul3A_1043 : i32 to index
        %swap3A_1053 = tpu.vector_load %arg10[%swap3A, %swap3A_1052] {strides = array<i32>} : memref<32x1024xf32, #tpu.memory_space<vmem>>, vector<1x16xf32>,
        %swap3A_1054 = vector.shape_cast %swap3A_1053 : vector<1x16xf32> to vector<16xf32>
        %swap3A_1055 = vector.shape_cast %add3A_1051 : vector<16xf32> to vector<1x16xf32>
        tpu.vector_store %arg10[%swap3A, %swap3A_1052], %swap3A_1055 {strides = array<i32>} : memref<32x1024xf32, #tpu.memory_space<vmem>>, vector<1x16xf32>,
      }
      %scan3A_1036 = arith.constant 64 : i32
    }
    %scan3A_1002 = arith.constant 32 : i32
    %add3A_1003 = arith.constant 24576 : i32
    %add3A_1004 = arith.addi %add3A_1003, %mul3A_2 : i32
    %add3A_1005 = arith.constant 224 : i32
    %add3A_1006 = arith.addi %add3A_1004, %add3A_1005 : i32
    %dma_start3A_1007 = arith.constant 0 : i32
    %dma_start3A_1008 = tpu.memref_slice %arg5[%add3A_1006, %dma_start3A_1007] : memref<32768x1024xf32, #tpu.memory_space<hbm>> -> memref<32x1024xf32, #tpu.memory_space<hbm>>
    %dma_start3A_1009 = arith.constant 0 : i32
    %dma_start3A_1010 = tpu.memref_slice %arg5[%add3A_1006, %dma_start3A_1009] : memref<32768x1024xf32, #tpu.memory_space<hbm>> -> memref<32x1024xf32, #tpu.memory_space<hbm>>
    tpu.enqueue_dma source(%arg10 : memref<32x1024xf32, #tpu.memory_space<vmem>>) target(%dma_start3A_1010 : memref<32x1024xf32, #tpu.memory_space<hbm>>) target_semaphore(%arg15 : memref<!tpu.dma_semaphore, #tpu.memory_space<semaphore_mem>>)
    %add3A_1011 = arith.constant 16384 : i32
    %add3A_1012 = arith.addi %add3A_1011, %mul3A_2 : i32
    %add3A_1013 = arith.constant 224 : i32
    %add3A_1014 = arith.addi %add3A_1012, %add3A_1013 : i32
    %dma_wait3A_1015 = arith.constant 0 : i32
    %dma_wait3A_1016 = tpu.memref_slice %arg5[%add3A_1014, %dma_wait3A_1015] : memref<32768x1024xf32, #tpu.memory_space<hbm>> -> memref<32x1024xf32, #tpu.memory_space<hbm>>
    %dma_wait3A_1017 = arith.constant 0 : i32
    %dma_wait3A_1018 = tpu.memref_slice %arg5[%add3A_1014, %dma_wait3A_1017] : memref<32768x1024xf32, #tpu.memory_space<hbm>> -> memref<32x1024xf32, #tpu.memory_space<hbm>>
    tpu.wait_dma2 semaphore(%arg14 : memref<!tpu.dma_semaphore, #tpu.memory_space<semaphore_mem>>) src(%arg9 : memref<32x1024xf32, #tpu.memory_space<vmem>>) dst(%dma_wait3A_1018 : memref<32x1024xf32, #tpu.memory_space<hbm>>)
    %add3A_1019 = arith.constant 24576 : i32
    %add3A_1020 = arith.addi %add3A_1019, %mul3A_2 : i32
    %add3A_1021 = arith.constant 224 : i32
    %add3A_1022 = arith.addi %add3A_1020, %add3A_1021 : i32
    %dma_wait3A_1023 = arith.constant 0 : i32
    %dma_wait3A_1024 = tpu.memref_slice %arg5[%add3A_1022, %dma_wait3A_1023] : memref<32768x1024xf32, #tpu.memory_space<hbm>> -> memref<32x1024xf32, #tpu.memory_space<hbm>>
    %dma_wait3A_1025 = arith.constant 0 : i32
    %dma_wait3A_1026 = tpu.memref_slice %arg5[%add3A_1022, %dma_wait3A_1025] : memref<32768x1024xf32, #tpu.memory_space<hbm>> -> memref<32x1024xf32, #tpu.memory_space<hbm>>
    tpu.wait_dma2 semaphore(%arg15 : memref<!tpu.dma_semaphore, #tpu.memory_space<semaphore_mem>>) src(%arg10 : memref<32x1024xf32, #tpu.memory_space<vmem>>) dst(%dma_wait3A_1026 : memref<32x1024xf32, #tpu.memory_space<hbm>>)
    return
  }
}

</mosaic_0001>

<sc_bundles>
// kernel: _run.3.cloned.1.call-start
scs
__scs_entry_jumppad:
0x0: {  	(pc) =	sbr.rel $0x88, $3  }
0x1: {  	(tag) =	ssettag $0x0;
	lr =	simm.s32 $0x1  }
0x2: {  	[smem:$0x3F9E] =	sst lr;
	_ =	strace $0xD0000000  }
0x3: {  	_ = 	snop  }
0x4: {  	_ = 	snop  }
0x5: {  	_ = 	snop  }
0x6: {  	_ = 	snop  }
0x7: {  	_ = 	snop  }
__scs_overlays_trampoline_lowered:
0x8: {  	[smem:$0x3FAD] =	sst s0  }
0x9: {  	[smem:$0x3FAE] =	sst s1  }
0xa: {  	[smem:$0x3FAF] =	sst s2  }
0xb: {  	[smem:$0x3FB0] =	sst s3  }
0xc: {  	[smem:$0x3FB1] =	sst s4  }
0xd: {  	[smem:$0x3FB2] =	sst s5  }
0xe: {  	[smem:$0x3FB3] =	sst s6  }
0xf: {  	[smem:$0x3FB4] =	sst s7  }
0x10: {  	[smem:$0x3FB5] =	sst s8  }
0x11: {  	[smem:$0x3FB6] =	sst s9;
	s0 =	simm.s32 @!p0 $0x0  }
0x12: {  	s1 =	sld [smem:$0x3F9C];
	s0 =	simm.s32 @p0 $0x1  }
0x13: {  	[smem:$0x3FB7] =	sst s0;
	s0 =	simm.s32 @!p1 $0x0  }
0x14: {  	s2 =	sld [smem:$0x3F9B];
	s0 =	simm.s32 @p1 $0x1  }
0x15: {  	[smem:$0x3FB8] =	sst s0;
	s0 =	simm.s32 @!p2 $0x0  }
0x16: {  	s3 =	sld [smem:$0x3FDB];
	s0 =	simm.s32 @p2 $0x1  }
0x17: {  	s4 =	simm.s32 $0x1BF5;
	[smem:$0x3FBA] =	sst s0  }
0x18: {  	s0 =	sld [smem:$0x3F9D];
	_ =	swait.ge [sflag:s4], $0x0  }
0x19: {  	s7 =	sld [smem:$0x3F9E]  }
0x1a: {  	s8 =	sadd.s32 $0xFFFFE003, lr  }
0x1b: {  	s9 =	sadd.s32 $0xFFFFFEF7, lr;
	s5 =	simm.s32 $0xFFFFFFFF;
	p2 =	slt.u32 s8, $0xFFFFF086  }
0x1c: {  	p1 =	slt.u32 s9, $0xF7A;
	s5 =	simm.s32 @!p2 $0x0  }
0x1d: {  	s5 =	simm.s32 @p1 $0x1;
	p0 =	seq.s32 s7, s2  }
0x1e: {  	s7 =	smul.u32 @!p0 $0xF7A, s2;
	p2 =	seq.s32 @!p0 s5, $0x0  }
0x1f: {  	s9 =	smul.u32 $0xF7A, s1;
	s8 =	simm.s32 @!p0 $0x1BF5;
	p2 =	por !p2, p0  }
0x20: {  	[sflag:s8] =	ssyncset.s32 @!p0 $0xFFFFF086;
	s6 =	sadd.s32 @!p0 s3, s7;
	s7 =	simm.s32 @!p0 $0x108  }
0x21: {  	s3 =	sadd.s32 s3, s9;
	s6 =	sadd.s32 @!p0 $0x88, s6;
	s7 =	simm.s32 @p2 $0x1082  }
0x22: {  	[simem:s7], [sflag:s8] =	dma.local @!p0 [hbm:s6], $0xF7A  }
0x23: {  	s9 =	sor.u32 $0xD0000000, s2;
	s6 =	simm.s32 $0x108;
	_ =	swait.ge @!p0 [sflag:s8], $0x0  }
0x24: {  	s3 =	sadd.s32 $0x88, s3;
	s6 =	simm.s32 @!p1 $0x1082;
	[sflag:s4] =	ssyncset.s32 $0xFFFFF086  }
0x25: {  	[simem:s6], [sflag:s4] =	dma.local [hbm:s3], $0xF7A  }
0x26: {  	[smem:$0x3F9E] =	sst s1;
	(tag) =	ssettag s2;
	_ =	strace s9  }
0x27: {  	s1 =	sld [smem:$0x3FAE]  }
0x28: {  	s2 =	sld [smem:$0x3FAF]  }
0x29: {  	s4 =	sld [smem:$0x3FB1]  }
0x2a: {  	p0 =	seq.s32 s5, $0x0;
	s5 =	sld [smem:$0x3FB2]  }
0x2b: {  	s6 =	sld [smem:$0x3FB3]  }
0x2c: {  	s7 =	sld [smem:$0x3FB4]  }
0x2d: {  	s3 =	simm.s32 $0x108;
	s8 =	sld [smem:$0x3FB5]  }
0x2e: {  	s3 =	simm.s32 @!p0 $0x1082;
	s9 =	sld [smem:$0x3FB6]  }
0x2f: {  	lr =	sadd.s32 s0, s3;
	s0 =	sld [smem:$0x3FAD]  }
0x30: {  	s3 =	sld [smem:$0x3FB0]  }
0x31: {  	[smem:$0x3FB9] =	sst s10  }
0x32: {  	s10 =	sld [smem:$0x3FB7];
	_ =	sdelay $0x3  }
0x33: {  	p0 =	seq.s32 s10, $0x1;
	s10 =	sld [smem:$0x3FB9];
	_ =	sdelay $0x3  }
0x34: {  	[smem:$0x3FB9] =	sst s10  }
0x35: {  	s10 =	sld [smem:$0x3FB8];
	_ =	sdelay $0x3  }
0x36: {  	p1 =	seq.s32 s10, $0x1;
	s10 =	sld [smem:$0x3FB9];
	_ =	sdelay $0x3  }
0x37: {  	[smem:$0x3FB9] =	sst s10  }
0x38: {  	s10 =	sld [smem:$0x3FBA]  }
0x39: {  	_ = 	snop;
	(pc) =	sbr.ind lr, $3  }
0x3a: {  	_ = 	snop  }
0x3b: {  	_ = 	snop  }
0x3c: {  	p2 =	seq.s32 s10, $0x1;
	s10 =	sld [smem:$0x3FB9]  }
0x3d: {  	_ =	shalt  }
0x3e: {  	_ =	shalt  }
0x3f: {  	_ =	shalt  }
0x40: {  	_ =	shalt  }
0x41: {  	_ =	shalt  }
0x42: {  	_ =	shalt  }
0x43: {  	_ =	shalt  }
0x44: {  	_ =	shalt  }
0x45: {  	_ =	shalt  }
0x46: {  	_ =	shalt  }
0x47: {  	_ =	shalt  }
0x48: {  	_ =	shalt  }
0x49: {  	_ =	shalt  }
0x4a: {  	_ =	shalt  }
0x4b: {  	_ =	shalt  }
0x4c: {  	_ =	shalt  }
0x4d: {  	_ =	shalt  }
0x4e: {  	_ =	shalt  }
0x4f: {  	_ =	shalt  }
0x50: {  	_ =	shalt  }
0x51: {  	_ =	shalt  }
0x52: {  	_ =	shalt  }
0x53: {  	_ =	shalt  }
0x54: {  	_ =	shalt  }
0x55: {  	_ =	shalt  }
0x56: {  	_ =	shalt  }
0x57: {  	_ =	shalt  }
0x58: {  	_ =	shalt  }
0x59: {  	_ =	shalt  }
0x5a: {  	_ =	shalt  }
0x5b: {  	_ =	shalt  }
0x5c: {  	_ =	shalt  }
0x5d: {  	_ =	shalt  }
0x5e: {  	_ =	shalt  }
0x5f: {  	_ =	shalt  }
0x60: {  	_ =	shalt  }
0x61: {  	_ =	shalt  }
0x62: {  	_ =	shalt  }
0x63: {  	_ =	shalt  }
0x64: {  	_ =	shalt  }
0x65: {  	_ =	shalt  }
0x66: {  	_ =	shalt  }
0x67: {  	_ =	shalt  }
0x68: {  	_ =	shalt  }
0x69: {  	_ =	shalt  }
0x6a: {  	_ =	shalt  }
0x6b: {  	_ =	shalt  }
0x6c: {  	_ =	shalt  }
0x6d: {  	_ =	shalt  }
0x6e: {  	_ =	shalt  }
0x6f: {  	_ =	shalt  }
0x70: {  	_ =	shalt  }
0x71: {  	_ =	shalt  }
0x72: {  	_ =	shalt  }
0x73: {  	_ =	shalt  }
0x74: {  	_ =	shalt  }
0x75: {  	_ =	shalt  }
0x76: {  	_ =	shalt  }
0x77: {  	_ =	shalt  }
0x78: {  	_ =	shalt  }
0x79: {  	_ =	shalt  }
0x7a: {  	_ =	shalt  }
0x7b: {  	_ =	shalt  }
0x7c: {  	_ =	shalt  }
0x7d: {  	_ =	shalt  }
0x7e: {  	_ =	shalt  }
0x7f: {  	_ =	shalt  }
0x80: {  	_ =	shalt  }
0x81: {  	_ =	shalt  }
0x82: {  	_ =	shalt  }
0x83: {  	_ =	shalt  }
0x84: {  	_ =	shalt  }
0x85: {  	_ =	shalt  }
0x86: {  	_ =	shalt  }
0x87: {  	_ =	shalt  }
.Lfunc_end0:
.L_simem_size_0:
called_computation_lowered:
.L_overlay_start_0:
0x88: {  	s2 =	sld [smem:$0x3FD9]  }
0x89: {  	s3 =	sld [smem:$0x3FFE];
	_ =	sdelay $0x1  }
0x8a: {  	s1 =	srdreg.scid  }
0x8b: {  	s0 =	sand.u32 $0x1, s1  }
0x8c: {  	s15 =	sshll.u32 s0, $0xA;
	s2 =	sadd.s32 s3, s2  }
0x8d: {  	s2 =	sadd.s32 s2, s15  }
0x8e: {  	[smem:$0x3FC5] =	sst s2  }
0x8f: {  	_ = 	snop  }
0x90: {  	s2 =	sld [smem:$0x3FD0]  }
0x91: {  	s16 =	sld [smem:$0x3FC9]  }
0x92: {  	s4 =	sld [smem:$0x3FC8]  }
0x93: {  	s6 =	simm.s32 $0xA;
	s7 =	simm.s32 $0x10;
	s5 =	sld [smem:$0x3FC7]  }
0x94: {  	[smem:s7], [sflag:s6] =	dma.local [hbm:s2], $0x1  }
0x95: {  	_ =	swait.eq [sflag:s6], $0x1  }
0x96: {  	[sflag:s6] =	ssyncset.done $0x0  }
0x97: {  	s17 =	sld [smem:$0x10];
	[sflag:s6] =	ssyncadd.s32 $0xFFFFFFFF  }
0x98: {  	s18 =	sld [smem:$0x11];
	(tm) =	ssettm $0x1  }
0x99: {  	s19 =	sld [smem:$0x3FFB];
	_ =	sdelay $0x3  }
0x9a: {  	_ =	strace s19  }
0x9b: {  	s7 =	sld [smem:$0x3FFC];
	_ =	sdelay $0x3  }
0x9c: {  	_ =	strace s7  }
0x9d: {  	s7 =	sld [smem:$0x3FFD];
	_ =	sdelay $0x3  }
0x9e: {  	_ =	strace s7  }
0x9f: {  	_ =	strace $0x8FFFFFFF  }
0xa0: {  	s20 =	sld [smem:$0x3FDB];
	_ =	sdelay $0x1  }
0xa1: {  	s8 =	simm.s32 $_scs_section_size  }
0xa2: {  	s9 =	simm.s32 $_size__tile_overlayer_lowered;
	s10 =	simm.s32 $_tile_overlayer_lowered  }
0xa3: {  	s23 =	simm.s32 $0x1BFF;
	s22 =	sshll.u32 s10, $0x1;
	s7 =	sadd.s32 s8, s20  }
0xa4: {  	s11 =	simm.s32 $0x0;
	s21 =	sshll.u32 s9, $0x1;
	s9 =	sadd.s32 s22, s7  }
0xa5: {  	[timem:s11], [sflag:s23] =	dma.local [hbm:s9], s21  }
0xa6: {  	_ =	swait.ge [sflag:s23], s21  }
0xa7: {  	s8 =	ssub.s32 $0x0, s21;
	[sflag:s23] =	ssyncset.done $0x0  }
0xa8: {  	[sflag:s23] =	ssyncadd.s32 s8;
	_ =	sdelay $0x1  }
0xa9: {  	s24 =	simm.s32 $0x1B8B  }
0xaa: {  	_ =	swait.ge [sflag:s24], $0x1  }
0xab: {  	[sflag:s24] =	ssyncset.done $0x0  }
0xac: {  	s25 =	simm.s32 $0x1B8E;
	[sflag:s24] =	ssyncadd.s32 $0xFFFFFFFF  }
0xad: {  	s26 =	simm.s32 $execute0_lowered;
	[smem:$0x3FD2] =	sst s25  }
0xae: {  	s8 =	sshll.u32 s26, $0x1;
	_ =	strace $0x80000046;
	[dreg:$0x1] =	wrdreg $0xFFFFFFFF  }
0xaf: {  	s28 =	simm.s32 $_size_execute0_lowered;
	s7 =	sadd.s32 s7, s8;
	[dreg:$0x0] =	wrdreg $0x0  }
0xb0: {  	s8 =	sshll.u32 s28, $0x1;
	[dreg:$0x2] =	wrdreg s7  }
0xb1: {  	[dreg:$0x3] =	wrdreg s8  }
0xb2: {  	[dreg:$0x4] =	wrdreg $0xC0  }
0xb3: {  	_ =	task [dreg:s11], $0x5FFFF  }
0xb4: {  	[dreg:$0x1] =	wrdreg $0xFFFFFFFF  }
0xb5: {  	[dreg:$0x0] =	wrdreg $0x60  }
0xb6: {  	[dreg:$0x2] =	wrdreg s16  }
0xb7: {  	[dreg:$0x3] =	wrdreg s4  }
0xb8: {  	[dreg:$0x4] =	wrdreg s5  }
0xb9: {  	[dreg:$0x5] =	wrdreg s17  }
0xba: {  	[dreg:$0x6] =	wrdreg s18  }
0xbb: {  	[dreg:$0x7] =	wrdreg $0x9  }
0xbc: {  	_ =	task.clear_ibuf [dreg:s11], $0x8FFFF;
	_ =	strace $0x90000046  }
0xbd: {  	s29 =	simm.s32 $0x9;
	_ =	strace $0x80000048  }
0xbe: {  	_ =	swait.ge [sflag:s29], $0x1  }
0xbf: {  	[sflag:s29] =	ssyncadd.s32 $0xFFFFFFFF  }
0xc0: {  	_ =	strace $0x90000048  }
0xc1: {  	_ =	sfence  }
0xc2: {  	s30 =	sld [smem:$0x0];
	_ =	sdelay $0x2  }
0xc3: {  	s31 =	sshll.u32 s1, $0xD;
	s1 =	sshrl.u32 s1, $0x2  }
0xc4: {  	s3 =	sand.u32 $0x4000, s31;
	s1 =	sadd.s32 s1, s30  }
0xc5: {  	s0 =	sor.u32 s3, s0;
	s1 =	sshll.u32 s1, $0x11  }
0xc6: {  	s0 =	sor.u32 s1, s0  }
0xc7: {  	s0 =	sadd.s32 $0x8F2B, s0  }
0xc8: {  	[sflag:s0] =	ssyncadd.remote.s32 $0x1  }
0xc9: {  	_ =	sfence.sel $0xFFFF  }
0xca: {  	[dreg:$0x0] =	wrdreg $0xFFFFFFFF;
	(pc) =	sbr.abs _section_cstart, $3  }
0xcb: {  	[dreg:$0x1] =	wrdreg $0xFFFFFFFF  }
0xcc: {  	_ =	task.clear_ibuf [dreg:s11], $0x2FFFF;
	_ =	strace $0x9FFFFFFF  }
0xcd: {  	(tm) =	ssettm $0x7FFFFFFF  }
tec
execute0_lowered:
.L_overlay_start_1:
0x0: {  	(tag) =	ssettag $0x1  }
0x1: {  	s0 =	rddreg [dreg:$0x0]  }
0x2: {  	s1 =	srdreg.scid;
	s2 =	rddreg [dreg:$0x2]  }
0x3: {  	s4 =	stileid.u32;
	s3 =	rddreg [dreg:$0x3]  }
0x4: {  	s6 =	rddreg [dreg:$0x4];
	s7 =	simm.s32 $0x0;
	s1 =	sand.u32 $0x1, s1  }
0x5: {  	s30 =	rddreg [dreg:$0x1];
	s4 =	sshll.u32 s4, $0x9;
	s5 =	sshll.u32 s1, $0x8  }
0x6: {  	[smem:$0x7FF] =	sst s7;
	s12 =	sor.u32 s5, s4  }
0x7: {  	s5 =	sshrl.u32 s12, $0x3;
	s23 =	sor.u32 $0x2000, s12;
	s24 =	sor.u32 $0x4000, s12  }
0x8: {  	s8 =	sor.u32 $0x6000, s12;
	[dreg:$0x6] =	wrdreg s12;
	s22 =	sadd.s32 s6, s5  }
0x9: {  	s9 =	sshrl.u32 s23, $0x3;
	s5 =	sadd.s32 s0, s5;
	[dreg:$0x7] =	wrdreg s22  }
0xa: {  	s10 =	sshrl.u32 s24, $0x3;
	s13 =	sadd.s32 s6, s9;
	[dreg:$0xb] =	wrdreg s5  }
0xb: {  	s11 =	sshrl.u32 s8, $0x3;
	s25 =	sadd.s32 s6, s10;
	[dreg:$0x8] =	wrdreg s13  }
0xc: {  	s1 =	ssub.s32 $0x2, s1;
	s6 =	sadd.s32 s6, s11;
	[dreg:$0x9] =	wrdreg s25  }
0xd: {  	s4 =	sshll.u32 s23, $0x7;
	s26 =	sadd.s32 s0, s9;
	[dreg:$0xa] =	wrdreg s6  }
0xe: {  	s21 =	sshrl.u32 s1, $0x1;
	s4 =	sadd.s32 s3, s4;
	[dreg:$0xc] =	wrdreg s26  }
0xf: {  	s1 =	ssub.s32 s1, s21;
	s6 =	sadd.s32 s0, s10;
	[dreg:$0xf] =	wrdreg s4  }
0x10: {  	s9 =	sshll.u32 s12, $0x7;
	s0 =	sadd.s32 s0, s11;
	[dreg:$0xd] =	wrdreg s6  }
0x11: {  	s10 =	sshll.u32 s24, $0x7;
	s25 =	sadd.s32 s2, s9;
	[dreg:$0xe] =	wrdreg s0  }
0x12: {  	s11 =	sshll.u32 s8, $0x7;
	s4 =	sadd.s32 s3, s10;
	[dreg:$0x1e] =	wrdreg s25  }
0x13: {  	s13 =	sor.u32 $0x1000, s9;
	s12 =	sadd.s32 s3, s11;
	[dreg:$0x10] =	wrdreg s4  }
0x14: {  	s15 =	sor.u32 $0x2000, s9;
	s14 =	sadd.s32 s2, s13;
	[dreg:$0x11] =	wrdreg s12  }
0x15: {  	s17 =	sor.u32 $0x3000, s9;
	s16 =	sadd.s32 s2, s15;
	[dreg:$0x12] =	wrdreg s14  }
0x16: {  	s19 =	sor.u32 $0x4000, s9;
	s18 =	sadd.s32 s2, s17;
	[dreg:$0x14] =	wrdreg s16  }
0x17: {  	s21 =	sor.u32 $0x5000, s9;
	s20 =	sadd.s32 s2, s19;
	[dreg:$0x16] =	wrdreg s18  }
0x18: {  	s23 =	sor.u32 $0x6000, s9;
	s22 =	sadd.s32 s2, s21;
	[dreg:$0x18] =	wrdreg s20  }
0x19: {  	s24 =	sadd.s32 s2, s23;
	[dreg:$0x1a] =	wrdreg s22  }
0x1a: {  	s0 =	sor.u32 $0x7000, s9;
	s4 =	sadd.s32 s3, s13;
	[dreg:$0x1c] =	wrdreg s24  }
0x1b: {  	s2 =	sadd.s32 s2, s0;
	[dreg:$0x13] =	wrdreg s4  }
0x1c: {  	s0 =	sadd.s32 s3, s0;
	[smem:$0x7E6] =	sst s2  }
0x1d: {  	s4 =	sadd.s32 s3, s15;
	[smem:$0x7E7] =	sst s0  }
0x1e: {  	[dreg:$0x15] =	wrdreg s4;
	s4 =	sadd.s32 s3, s17  }
0x1f: {  	[dreg:$0x17] =	wrdreg s4;
	s4 =	sadd.s32 s3, s19  }
0x20: {  	[dreg:$0x19] =	wrdreg s4;
	s4 =	sadd.s32 s3, s21  }
0x21: {  	[dreg:$0x1b] =	wrdreg s4;
	s4 =	sadd.s32 s3, s23  }
0x22: {  	s26 =	sadd.s32 s3, s9;
	[dreg:$0x1d] =	wrdreg s4;
	s4 =	smax.u32 s1, $0x1  }
0x23: {  	s6 =	sadd.s32 $0x101000, s26;
	_ =	strace $0x80000047;
	[smem:$0x7E8] =	sst s4  }
0x24: {  	s7 =	sadd.s32 $0x201000, s26;
	[smem:$0x7E9] =	sst s6  }
0x25: {  	s8 =	sadd.s32 $0x301000, s26;
	[smem:$0x7EA] =	sst s7  }
0x26: {  	s9 =	sadd.s32 $0x102000, s26;
	[smem:$0x7EB] =	sst s8  }
0x27: {  	s10 =	sadd.s32 $0x202000, s26;
	[smem:$0x7EC] =	sst s9  }
0x28: {  	s11 =	sadd.s32 $0x302000, s26;
	[smem:$0x7ED] =	sst s10  }
0x29: {  	s12 =	sadd.s32 $0x103000, s26;
	[smem:$0x7EE] =	sst s11  }
0x2a: {  	s13 =	sadd.s32 $0x203000, s26;
	[smem:$0x7EF] =	sst s12  }
0x2b: {  	s14 =	sadd.s32 $0x303000, s26;
	[smem:$0x7F0] =	sst s13  }
0x2c: {  	s15 =	sadd.s32 $0x104000, s26;
	[smem:$0x7F1] =	sst s14  }
0x2d: {  	s16 =	sadd.s32 $0x204000, s26;
	[smem:$0x7F2] =	sst s15  }
0x2e: {  	s17 =	sadd.s32 $0x304000, s26;
	[smem:$0x7F3] =	sst s16  }
0x2f: {  	s18 =	sadd.s32 $0x105000, s26;
	[smem:$0x7F4] =	sst s17  }
0x30: {  	s19 =	sadd.s32 $0x205000, s26;
	[smem:$0x7F5] =	sst s18  }
0x31: {  	s31 =	simm.s32 $0x5;
	s20 =	sadd.s32 $0x305000, s26;
	[smem:$0x7F6] =	sst s19  }
0x32: {  	s29 =	simm.s32 $0x13400;
	s21 =	sadd.s32 $0x106000, s26;
	[smem:$0x7F7] =	sst s20  }
0x33: {  	s28 =	simm.s32 $0x13C00;
	s22 =	sadd.s32 $0x206000, s26;
	[smem:$0x7F8] =	sst s21  }
0x34: {  	s5 =	simm.s32 $0x15400;
	s23 =	sadd.s32 $0x306000, s26;
	[smem:$0x7F9] =	sst s22  }
0x35: {  	s25 =	sadd.s32 $0x207000, s26;
	s24 =	sadd.s32 $0x107000, s26;
	[smem:$0x7FA] =	sst s23  }
0x36: {  	s2 =	sadd.s32 $0x100, s30;
	s0 =	simm.s32 $0x8400;
	[smem:$0x7FB] =	sst s24  }
0x37: {  	s3 =	sadd.s32 $0x200, s30;
	s1 =	simm.s32 $0x14400;
	[smem:$0x7FC] =	sst s25  }
0x38: {  	s4 =	sadd.s32 $0x300, s30;
	[dreg:$0x1f] =	wrdreg s26;
	s26 =	sadd.s32 $0x307000, s26  }
0x39: {  	s20 =	simm.s32 $0x10400;
	s24 =	simm.s32 $0x12400;
	s25 =	simm.s32 $0x12C00  }
0x3a: {  	s6 =	simm.s32 $0x15C00;
	s7 =	simm.s32 $0x16400;
	s8 =	simm.s32 $0x16C00  }
0x3b: {  	v0 =	vlaneseq.u32;
	s9 =	simm.s32 $0x17400;
	s10 =	simm.s32 $0x17C00;
	s11 =	simm.s32 $0x1  }
0x3c: {  	vm0 =	vmmov $0xffff;
	v2 =	vshrl.u32 v0, $0x3;
	s12 =	simm.s32 $0x3;
	s13 =	simm.s32 $0x2;
	s14 =	simm.s32 $0x4  }
0x3d: {  	v1 =	vand.u32 $0x7, v0;
	v3 =	vor.u32 $0x8, v0;
	v2 =	vmul.u32 $0x8, v2;
	s16 =	simm.s32 $0x0;
	[smem:$0x7FD] =	sst s26;
	s26 =	simm.s32 $0x14C00  }
.LBB2_1:
0x3e: {  	[smem:$0x7E5] =	sst s16  }
0x3f: {  	s16 =	rddreg [dreg:$0x6]  }
0x40: {  	s15 =	simm.s32 $0x40;
	s17 =	simm.s32 $0x0;
	v4 =	vor.u32 s16, v0  }
.LBB2_2:
0x41: {  	p0 =	sne.s32 s15, $0x3C0  }
0x42: {  	[tilespmem:s17+$0x18400] =	vst v4;
	s16 =	sadd.s32 $0x10, s16;
	s17 =	smov.u32 s15;
	s15 =	sadd.s32 $0x40, s15  }
.Ltmp0:
0x43: {  	(pc) =	sbr.rel @p0 .LBB2_2-.Ltmp0, $2  }
0x44: {  	_ =	sdelay $0x2  }
0x45: {  	v4 =	vor.u32 s16, v0;
	s17 =	sshra.s32 s17, $0x2  }
0x46: {  	[tilespmem:s17+$0x18400] =	vst v4;
	s15 =	simm.s32 $0x0;
	s16 =	rddreg [dreg:$0x7];
	s22 =	simm.s32 $0x18400  }
0x47: {  	[hbm4b:s16+s15] =	stream.linear.scatter [tilespmem:s22], [sflag:$0x5], $0x100, $0x38;
	[tilespmem:$0x18500] =	vst v63  }
0x48: {  	_ =	swait.ge [sflag:s31], $0x100  }
0x49: {  	[sflag:s31] =	ssyncset.done $0x0  }
0x4a: {  	s23 =	rddreg [dreg:$0x8];
	[sflag:s31] =	ssyncadd.s32 $0xFFFFFF00  }
0x4b: {  	[hbm4b:s23+s15] =	stream.linear.scatter [tilespmem:s22], [sflag:$0x5], $0x100, $0x38;
	[tilespmem:$0x18500] =	vst v63  }
0x4c: {  	_ =	swait.ge [sflag:s31], $0x100  }
0x4d: {  	[sflag:s31] =	ssyncset.done $0x0  }
0x4e: {  	s18 =	rddreg [dreg:$0x9];
	[sflag:s31] =	ssyncadd.s32 $0xFFFFFF00  }
0x4f: {  	[hbm4b:s18+s15] =	stream.linear.scatter [tilespmem:s22], [sflag:$0x5], $0x100, $0x38;
	[tilespmem:$0x18500] =	vst v63  }
0x50: {  	_ =	swait.ge [sflag:s31], $0x100  }
0x51: {  	[sflag:s31] =	ssyncset.done $0x0  }
0x52: {  	s19 =	rddreg [dreg:$0xa];
	[sflag:s31] =	ssyncadd.s32 $0xFFFFFF00  }
0x53: {  	[hbm4b:s19+s15] =	stream.linear.scatter [tilespmem:s22], [sflag:$0x5], $0x100, $0x38;
	[tilespmem:$0x18500] =	vst v63  }
0x54: {  	_ =	swait.ge [sflag:s31], $0x100  }
0x55: {  	[sflag:s31] =	ssyncset.done $0x0  }
0x56: {  	s21 =	rddreg [dreg:$0xb];
	[sflag:s31] =	ssyncadd.s32 $0xFFFFFF00  }
0x57: {  	[tilespmem:s15], [sflag:$0x5] =	stream.linear.gather [hbm4b:s21+s15], $0x100, $0x38;
	[tilespmem:$0x18500] =	vst v63  }
0x58: {  	_ =	swait.ge [sflag:s31], $0x100  }
0x59: {  	[sflag:s31] =	ssyncset.done $0x0  }
0x5a: {  	s23 =	simm.s32 $0x100;
	s22 =	rddreg [dreg:$0xc];
	[sflag:s31] =	ssyncadd.s32 $0xFFFFFF00  }
0x5b: {  	[tilespmem:s23], [sflag:$0x5] =	stream.linear.gather [hbm4b:s22+s15], $0x100, $0x38;
	[tilespmem:$0x18500] =	vst v63  }
0x5c: {  	_ =	swait.ge [sflag:s31], $0x100  }
0x5d: {  	[sflag:s31] =	ssyncset.done $0x0  }
0x5e: {  	s18 =	simm.s32 $0x200;
	s17 =	rddreg [dreg:$0xd];
	[sflag:s31] =	ssyncadd.s32 $0xFFFFFF00  }
0x5f: {  	[tilespmem:s18], [sflag:$0x5] =	stream.linear.gather [hbm4b:s17+s15], $0x100, $0x38;
	[tilespmem:$0x18500] =	vst v63  }
0x60: {  	_ =	swait.ge [sflag:s31], $0x100  }
0x61: {  	[sflag:s31] =	ssyncset.done $0x0  }
0x62: {  	s21 =	simm.s32 $0x300;
	s19 =	rddreg [dreg:$0xe];
	[sflag:s31] =	ssyncadd.s32 $0xFFFFFF00  }
0x63: {  	[tilespmem:s21], [sflag:$0x5] =	stream.linear.gather [hbm4b:s19+s15], $0x100, $0x38;
	[tilespmem:$0x18500] =	vst v63  }
0x64: {  	_ =	swait.ge [sflag:s31], $0x100  }
0x65: {  	[sflag:s31] =	ssyncset.done $0x0  }
0x66: {  	s23 =	simm.s32 $0x400;
	s22 =	rddreg [dreg:$0x1e];
	[sflag:s31] =	ssyncadd.s32 $0xFFFFFF00  }
0x67: {  	[tilespmem:s23], [sflag:$0x5] =	stream.linear.gather [hbm4b:s22+s15], $0x8000, $0x38;
	[tilespmem:$0x18500] =	vst v63  }
0x68: {  	_ =	swait.ge [sflag:s31], $0x8000  }
0x69: {  	[sflag:s31] =	ssyncset.done $0x0  }
0x6a: {  	[sflag:s31] =	ssyncadd.s32 $0xFFFF8000  }
0x6b: {  	v4 =	vld [tilespmem:$0x0];
	_ =	sdelay $0x4  }
0x6c: {  	v5 =	vshll.u32 v4, $0x3  }
0x6d: {  	v4 =	vand.u32 $0x7, v4;
	v5 =	vand.u32 $0xFFFFFFC0, v5  }
0x6e: {  	v4 =	vor.u32 v4, v5  }
0x6f: {  	v5 =	vperm.xlane v4, v1;
	_ =	sdelay $0x1  }
0x70: {  	v5 =	vadd.s32 v2, v5;
	_ =	sdelay $0x4  }
0x71: {  	[tilespmem:s0], [sflag:$0x1] =	stream.indirect_vreg.gather [hbm4b:s30+s15], $0x80, v5, vm0, $0xb8;
	[tilespmem:$0x18500] =	vst v63  }
0x72: {  	s17 =	simm.s32 $0x8C00;
	v4 =	vperm.xlane v4, v3  }
0x73: {  	[tilespmem:s17], [sflag:$0x1] =	stream.indirect_vreg.gather [hbm4b:s2+s15], $0x80, v5, vm0, $0xb8;
	[tilespmem:$0x18500] =	vst v63  }
0x74: {  	s18 =	simm.s32 $0x9400;
	v4 =	vadd.s32 v2, v4  }
0x75: {  	[tilespmem:s18], [sflag:$0x1] =	stream.indirect_vreg.gather [hbm4b:s3+s15], $0x80, v5, vm0, $0xb8;
	[tilespmem:$0x18500] =	vst v63  }
0x76: {  	s19 =	simm.s32 $0x9C00  }
0x77: {  	[tilespmem:s19], [sflag:$0x1] =	stream.indirect_vreg.gather [hbm4b:s4+s15], $0x80, v5, vm0, $0xb8;
	[tilespmem:$0x18500] =	vst v63  }
0x78: {  	s21 =	simm.s32 $0xA400  }
0x79: {  	[tilespmem:s21], [sflag:$0x1] =	stream.indirect_vreg.gather [hbm4b:s30+s15], $0x80, v4, vm0, $0xb8;
	[tilespmem:$0x18500] =	vst v63  }
0x7a: {  	s22 =	simm.s32 $0xAC00  }
0x7b: {  	[tilespmem:s22], [sflag:$0x1] =	stream.indirect_vreg.gather [hbm4b:s2+s15], $0x80, v4, vm0, $0xb8;
	[tilespmem:$0x18500] =	vst v63  }
0x7c: {  	s23 =	simm.s32 $0xB400  }
0x7d: {  	[tilespmem:s23], [sflag:$0x1] =	stream.indirect_vreg.gather [hbm4b:s3+s15], $0x80, v4, vm0, $0xb8;
	[tilespmem:$0x18500] =	vst v63  }
0x7e: {  	s17 =	simm.s32 $0xBC00  }
0x7f: {  	[tilespmem:s17], [sflag:$0x1] =	stream.indirect_vreg.gather [hbm4b:s4+s15], $0x80, v4, vm0, $0xb8;
	[tilespmem:$0x18500] =	vst v63  }
0x80: {  	v4 =	vld [tilespmem:$0x10];
	_ =	sdelay $0x4  }
0x81: {  	v5 =	vshll.u32 v4, $0x3  }
0x82: {  	v4 =	vand.u32 $0x7, v4;
	v5 =	vand.u32 $0xFFFFFFC0, v5  }
0x83: {  	v4 =	vor.u32 v4, v5  }
0x84: {  	v5 =	vperm.xlane v4, v1;
	_ =	sdelay $0x1  }
0x85: {  	v5 =	vadd.s32 v2, v5;
	_ =	sdelay $0x3  }
0x86: {  	s18 =	simm.s32 $0xC400  }
0x87: {  	[tilespmem:s18], [sflag:$0x1] =	stream.indirect_vreg.gather [hbm4b:s30+s15], $0x80, v5, vm0, $0xb8;
	[tilespmem:$0x18500] =	vst v63  }
0x88: {  	s19 =	simm.s32 $0xCC00;
	v4 =	vperm.xlane v4, v3  }
0x89: {  	[tilespmem:s19], [sflag:$0x1] =	stream.indirect_vreg.gather [hbm4b:s2+s15], $0x80, v5, vm0, $0xb8;
	[tilespmem:$0x18500] =	vst v63  }
0x8a: {  	s21 =	simm.s32 $0xD400;
	v4 =	vadd.s32 v2, v4  }
0x8b: {  	[tilespmem:s21], [sflag:$0x1] =	stream.indirect_vreg.gather [hbm4b:s3+s15], $0x80, v5, vm0, $0xb8;
	[tilespmem:$0x18500] =	vst v63  }
0x8c: {  	s22 =	simm.s32 $0xDC00  }
0x8d: {  	[tilespmem:s22], [sflag:$0x1] =	stream.indirect_vreg.gather [hbm4b:s4+s15], $0x80, v5, vm0, $0xb8;
	[tilespmem:$0x18500] =	vst v63  }
0x8e: {  	s23 =	simm.s32 $0xE400  }
0x8f: {  	[tilespmem:s23], [sflag:$0x1] =	stream.indirect_vreg.gather [hbm4b:s30+s15], $0x80, v4, vm0, $0xb8;
	[tilespmem:$0x18500] =	vst v63  }
0x90: {  	s17 =	simm.s32 $0xEC00  }
0x91: {  	[tilespmem:s17], [sflag:$0x1] =	stream.indirect_vreg.gather [hbm4b:s2+s15], $0x80, v4, vm0, $0xb8;
	[tilespmem:$0x18500] =	vst v63  }
0x92: {  	s18 =	simm.s32 $0xF400  }
0x93: {  	[tilespmem:s18], [sflag:$0x1] =	stream.indirect_vreg.gather [hbm4b:s3+s15], $0x80, v4, vm0, $0xb8;
	[tilespmem:$0x18500] =	vst v63  }
0x94: {  	s19 =	simm.s32 $0xFC00  }
0x95: {  	[tilespmem:s19], [sflag:$0x1] =	stream.indirect_vreg.gather [hbm4b:s4+s15], $0x80, v4, vm0, $0xb8;
	[tilespmem:$0x18500] =	vst v63  }
0x96: {  	v4 =	vld [tilespmem:$0x100];
	_ =	sdelay $0x4  }
0x97: {  	v5 =	vshll.u32 v4, $0x3  }
0x98: {  	v4 =	vand.u32 $0x7, v4;
	v5 =	vand.u32 $0xFFFFFFC0, v5  }
0x99: {  	v4 =	vor.u32 v4, v5  }
0x9a: {  	v5 =	vperm.xlane v4, v1;
	_ =	sdelay $0x1  }
0x9b: {  	v5 =	vadd.s32 v2, v5;
	_ =	sdelay $0x4  }
0x9c: {  	[tilespmem:s20], [sflag:$0x2] =	stream.indirect_vreg.gather [hbm4b:s30+s15], $0x80, v5, vm0, $0xb8;
	[tilespmem:$0x18500] =	vst v63  }
0x9d: {  	s21 =	simm.s32 $0x10C00;
	v4 =	vperm.xlane v4, v3  }
0x9e: {  	[tilespmem:s21], [sflag:$0x2] =	stream.indirect_vreg.gather [hbm4b:s2+s15], $0x80, v5, vm0, $0xb8;
	[tilespmem:$0x18500] =	vst v63  }
0x9f: {  	s22 =	simm.s32 $0x11400;
	v4 =	vadd.s32 v2, v4  }
0xa0: {  	[tilespmem:s22], [sflag:$0x2] =	stream.indirect_vreg.gather [hbm4b:s3+s15], $0x80, v5, vm0, $0xb8;
	[tilespmem:$0x18500] =	vst v63  }
0xa1: {  	s23 =	simm.s32 $0x11C00  }
0xa2: {  	[tilespmem:s23], [sflag:$0x2] =	stream.indirect_vreg.gather [hbm4b:s4+s15], $0x80, v5, vm0, $0xb8;
	[tilespmem:$0x18500] =	vst v63  }
0xa3: {  	_ = 	snop  }
0xa4: {  	[tilespmem:s24], [sflag:$0x2] =	stream.indirect_vreg.gather [hbm4b:s30+s15], $0x80, v4, vm0, $0xb8;
	[tilespmem:$0x18500] =	vst v63  }
0xa5: {  	_ = 	snop  }
0xa6: {  	[tilespmem:s25], [sflag:$0x2] =	stream.indirect_vreg.gather [hbm4b:s2+s15], $0x80, v4, vm0, $0xb8;
	[tilespmem:$0x18500] =	vst v63  }
0xa7: {  	_ = 	snop  }
0xa8: {  	[tilespmem:s29], [sflag:$0x2] =	stream.indirect_vreg.gather [hbm4b:s3+s15], $0x80, v4, vm0, $0xb8;
	[tilespmem:$0x18500] =	vst v63  }
0xa9: {  	_ = 	snop  }
0xaa: {  	[tilespmem:s28], [sflag:$0x2] =	stream.indirect_vreg.gather [hbm4b:s4+s15], $0x80, v4, vm0, $0xb8;
	[tilespmem:$0x18500] =	vst v63  }
0xab: {  	v4 =	vld [tilespmem:$0x110];
	_ =	sdelay $0x4  }
0xac: {  	v5 =	vshll.u32 v4, $0x3  }
0xad: {  	v4 =	vand.u32 $0x7, v4;
	v5 =	vand.u32 $0xFFFFFFC0, v5  }
0xae: {  	v4 =	vor.u32 v4, v5  }
0xaf: {  	v5 =	vperm.xlane v4, v1;
	_ =	sdelay $0x1  }
0xb0: {  	v5 =	vadd.s32 v2, v5;
	_ =	sdelay $0x4  }
0xb1: {  	[tilespmem:s1], [sflag:$0x2] =	stream.indirect_vreg.gather [hbm4b:s30+s15], $0x80, v5, vm0, $0xb8;
	[tilespmem:$0x18500] =	vst v63  }
0xb2: {  	v4 =	vperm.xlane v4, v3  }
0xb3: {  	[tilespmem:s26], [sflag:$0x2] =	stream.indirect_vreg.gather [hbm4b:s2+s15], $0x80, v5, vm0, $0xb8;
	[tilespmem:$0x18500] =	vst v63  }
0xb4: {  	v4 =	vadd.s32 v2, v4  }
0xb5: {  	[tilespmem:s5], [sflag:$0x2] =	stream.indirect_vreg.gather [hbm4b:s3+s15], $0x80, v5, vm0, $0xb8;
	[tilespmem:$0x18500] =	vst v63  }
0xb6: {  	_ = 	snop  }
0xb7: {  	[tilespmem:s6], [sflag:$0x2] =	stream.indirect_vreg.gather [hbm4b:s4+s15], $0x80, v5, vm0, $0xb8;
	[tilespmem:$0x18500] =	vst v63  }
0xb8: {  	_ = 	snop  }
0xb9: {  	[tilespmem:s7], [sflag:$0x2] =	stream.indirect_vreg.gather [hbm4b:s30+s15], $0x80, v4, vm0, $0xb8;
	[tilespmem:$0x18500] =	vst v63  }
0xba: {  	_ = 	snop  }
0xbb: {  	[tilespmem:s8], [sflag:$0x2] =	stream.indirect_vreg.gather [hbm4b:s2+s15], $0x80, v4, vm0, $0xb8;
	[tilespmem:$0x18500] =	vst v63  }
0xbc: {  	_ = 	snop  }
0xbd: {  	[tilespmem:s9], [sflag:$0x2] =	stream.indirect_vreg.gather [hbm4b:s3+s15], $0x80, v4, vm0, $0xb8;
	[tilespmem:$0x18500] =	vst v63  }
0xbe: {  	_ = 	snop  }
0xbf: {  	[tilespmem:s10], [sflag:$0x2] =	stream.indirect_vreg.gather [hbm4b:s4+s15], $0x80, v4, vm0, $0xb8;
	[tilespmem:$0x18500] =	vst v63  }
0xc0: {  	_ =	swait.ge [sflag:s11], $0x8000  }
0xc1: {  	[sflag:s11] =	ssyncset.done $0x0  }
0xc2: {  	s16 =	simm.s32 $0x0;
	[sflag:s11] =	ssyncadd.s32 $0xFFFF8000  }
.LBB2_4:
0xc3: {  	s17 =	sshll.u32 s16, $0xA;
	s18 =	sshll.u32 s16, $0x7  }
0xc4: {  	s17 =	sand.u32 $0x6000, s17;
	s18 =	sand.u32 $0x380, s18  }
0xc5: {  	s23 =	sand.u32 $0x1C00, s15;
	s17 =	sor.u32 s17, s18  }
0xc6: {  	s19 =	sand.u32 $0x70, s15;
	s18 =	sor.u32 s23, s17  }
0xc7: {  	s18 =	sor.u32 s19, s18  }
0xc8: {  	v4 =	vld [tilespmem:s18+$0x400]  }
0xc9: {  	v5 =	vld [tilespmem:s18+$0x8400];
	_ =	sdelay $0x2  }
0xca: {  	s19 =	simm.s32 $0x80  }
0xcb: {  	s21 =	simm.s32 $0x10;
	s23 =	sand.u32 $0x1C00, s19  }
0xcc: {  	s22 =	sand.u32 $0x70, s21;
	s21 =	simm.s32 $0x20;
	s23 =	sor.u32 s23, s17;
	v4 =	vadd.f32 v4, v5  }
.LBB2_5:
0xcd: {  	p0 =	sne.s32 s21, $0x3F0;
	s22 =	sor.u32 s22, s23  }
0xce: {  	v5 =	vld [tilespmem:s22+$0x400];
	[tilespmem:s18+$0x8400] =	vst v4;
	s18 =	smov.u32 s22  }
0xcf: {  	v4 =	vld [tilespmem:s18+$0x8400]  }
.Ltmp1:
0xd0: {  	(pc) =	sbr.rel @p0 .LBB2_5-.Ltmp1, $4  }
0xd1: {  	_ = 	snop  }
0xd2: {  	s19 =	sadd.s32 $0x80, s19  }
0xd3: {  	s23 =	sand.u32 $0x1C00, s19  }
0xd4: {  	s22 =	sand.u32 $0x70, s21;
	s21 =	sadd.s32 $0x10, s21;
	s23 =	sor.u32 s23, s17;
	v4 =	vadd.f32 v5, v4  }
0xd5: {  	s17 =	sor.u32 s22, s23  }
0xd6: {  	v5 =	vld [tilespmem:s17+$0x400];
	[tilespmem:s18+$0x8400] =	vst v4  }
0xd7: {  	v4 =	vld [tilespmem:s17+$0x8400]  }
0xd8: {  	s16 =	sadd.s32 $0x1, s16  }
0xd9: {  	p0 =	sne.s32 s16, $0x20  }
.Ltmp2:
0xda: {  	_ = 	snop;
	(pc) =	sbr.rel @p0 .LBB2_4-.Ltmp2, $3  }
0xdb: {  	_ = 	snop  }
0xdc: {  	v4 =	vadd.f32 v5, v4;
	_ =	sdelay $0x1  }
0xdd: {  	[tilespmem:s17+$0x8400] =	vst v4  }
0xde: {  	s15 =	simm.s32 $0x0;
	s16 =	rddreg [dreg:$0x1f]  }
0xdf: {  	[hbm4b:s16+s15] =	stream.linear.scatter [tilespmem:s0], [sflag:$0x3], $0x8000, $0x38;
	[tilespmem:$0x18500] =	vst v63  }
0xe0: {  	_ =	swait.ge [sflag:s12], $0x8000  }
0xe1: {  	[sflag:s12] =	ssyncset.done $0x0  }
0xe2: {  	[sflag:s12] =	ssyncadd.s32 $0xFFFF8000  }
0xe3: {  	v4 =	vld [tilespmem:$0x200];
	_ =	sdelay $0x4  }
0xe4: {  	v5 =	vshll.u32 v4, $0x3  }
0xe5: {  	v4 =	vand.u32 $0x7, v4;
	v5 =	vand.u32 $0xFFFFFFC0, v5  }
0xe6: {  	v4 =	vor.u32 v4, v5  }
0xe7: {  	v5 =	vperm.xlane v4, v1;
	_ =	sdelay $0x1  }
0xe8: {  	v5 =	vadd.s32 v2, v5;
	_ =	sdelay $0x4  }
0xe9: {  	[tilespmem:s0], [sflag:$0x1] =	stream.indirect_vreg.gather [hbm4b:s30+s15], $0x80, v5, vm0, $0xb8;
	[tilespmem:$0x18500] =	vst v63  }
0xea: {  	s21 =	simm.s32 $0x8C00;
	v4 =	vperm.xlane v4, v3  }
0xeb: {  	[tilespmem:s21], [sflag:$0x1] =	stream.indirect_vreg.gather [hbm4b:s2+s15], $0x80, v5, vm0, $0xb8;
	[tilespmem:$0x18500] =	vst v63  }
0xec: {  	s22 =	simm.s32 $0x9400;
	v4 =	vadd.s32 v2, v4  }
0xed: {  	[tilespmem:s22], [sflag:$0x1] =	stream.indirect_vreg.gather [hbm4b:s3+s15], $0x80, v5, vm0, $0xb8;
	[tilespmem:$0x18500] =	vst v63  }
0xee: {  	s23 =	simm.s32 $0x9C00  }
0xef: {  	[tilespmem:s23], [sflag:$0x1] =	stream.indirect_vreg.gather [hbm4b:s4+s15], $0x80, v5, vm0, $0xb8;
	[tilespmem:$0x18500] =	vst v63  }
0xf0: {  	s17 =	simm.s32 $0xA400  }
0xf1: {  	[tilespmem:s17], [sflag:$0x1] =	stream.indirect_vreg.gather [hbm4b:s30+s15], $0x80, v4, vm0, $0xb8;
	[tilespmem:$0x18500] =	vst v63  }
0xf2: {  	s18 =	simm.s32 $0xAC00  }
0xf3: {  	[tilespmem:s18], [sflag:$0x1] =	stream.indirect_vreg.gather [hbm4b:s2+s15], $0x80, v4, vm0, $0xb8;
	[tilespmem:$0x18500] =	vst v63  }
0xf4: {  	s19 =	simm.s32 $0xB400  }
0xf5: {  	[tilespmem:s19], [sflag:$0x1] =	stream.indirect_vreg.gather [hbm4b:s3+s15], $0x80, v4, vm0, $0xb8;
	[tilespmem:$0x18500] =	vst v63  }
0xf6: {  	s21 =	simm.s32 $0xBC00  }
0xf7: {  	[tilespmem:s21], [sflag:$0x1] =	stream.indirect_vreg.gather [hbm4b:s4+s15], $0x80, v4, vm0, $0xb8;
	[tilespmem:$0x18500] =	vst v63  }
0xf8: {  	v4 =	vld [tilespmem:$0x210];
	_ =	sdelay $0x4  }
0xf9: {  	v5 =	vshll.u32 v4, $0x3  }
0xfa: {  	v4 =	vand.u32 $0x7, v4;
	v5 =	vand.u32 $0xFFFFFFC0, v5  }
0xfb: {  	v4 =	vor.u32 v4, v5  }
0xfc: {  	v5 =	vperm.xlane v4, v1;
	_ =	sdelay $0x1  }
0xfd: {  	v5 =	vadd.s32 v2, v5;
	_ =	sdelay $0x3  }
0xfe: {  	s22 =	simm.s32 $0xC400  }
0xff: {  	[tilespmem:s22], [sflag:$0x1] =	stream.indirect_vreg.gather [hbm4b:s30+s15], $0x80, v5, vm0, $0xb8;
	[tilespmem:$0x18500] =	vst v63  }
0x100: {  	s23 =	simm.s32 $0xCC00;
	v4 =	vperm.xlane v4, v3  }
0x101: {  	[tilespmem:s23], [sflag:$0x1] =	stream.indirect_vreg.gather [hbm4b:s2+s15], $0x80, v5, vm0, $0xb8;
	[tilespmem:$0x18500] =	vst v63  }
0x102: {  	s17 =	simm.s32 $0xD400;
	v4 =	vadd.s32 v2, v4  }
0x103: {  	[tilespmem:s17], [sflag:$0x1] =	stream.indirect_vreg.gather [hbm4b:s3+s15], $0x80, v5, vm0, $0xb8;
	[tilespmem:$0x18500] =	vst v63  }
0x104: {  	s18 =	simm.s32 $0xDC00  }
0x105: {  	[tilespmem:s18], [sflag:$0x1] =	stream.indirect_vreg.gather [hbm4b:s4+s15], $0x80, v5, vm0, $0xb8;
	[tilespmem:$0x18500] =	vst v63  }
0x106: {  	s19 =	simm.s32 $0xE400  }
0x107: {  	[tilespmem:s19], [sflag:$0x1] =	stream.indirect_vreg.gather [hbm4b:s30+s15], $0x80, v4, vm0, $0xb8;
	[tilespmem:$0x18500] =	vst v63  }
0x108: {  	s21 =	simm.s32 $0xEC00  }
0x109: {  	[tilespmem:s21], [sflag:$0x1] =	stream.indirect_vreg.gather [hbm4b:s2+s15], $0x80, v4, vm0, $0xb8;
	[tilespmem:$0x18500] =	vst v63  }
0x10a: {  	s22 =	simm.s32 $0xF400  }
0x10b: {  	[tilespmem:s22], [sflag:$0x1] =	stream.indirect_vreg.gather [hbm4b:s3+s15], $0x80, v4, vm0, $0xb8;
	[tilespmem:$0x18500] =	vst v63  }
0x10c: {  	s23 =	simm.s32 $0xFC00  }
0x10d: {  	[tilespmem:s23], [sflag:$0x1] =	stream.indirect_vreg.gather [hbm4b:s4+s15], $0x80, v4, vm0, $0xb8;
	[tilespmem:$0x18500] =	vst v63  }
0x10e: {  	_ =	swait.ge [sflag:s13], $0x8000  }
0x10f: {  	[sflag:s13] =	ssyncset.done $0x0  }
0x110: {  	s16 =	simm.s32 $0x0;
	[sflag:s13] =	ssyncadd.s32 $0xFFFF8000  }
.LBB2_8:
0x111: {  	s17 =	sshll.u32 s16, $0xA;
	s18 =	sshll.u32 s16, $0x7  }
0x112: {  	s17 =	sand.u32 $0x6000, s17;
	s18 =	sand.u32 $0x380, s18  }
0x113: {  	s23 =	sand.u32 $0x1C00, s15;
	s17 =	sor.u32 s17, s18  }
0x114: {  	s19 =	sand.u32 $0x70, s15;
	s18 =	sor.u32 s23, s17  }
0x115: {  	s18 =	sor.u32 s19, s18  }
0x116: {  	v4 =	vld [tilespmem:s18+$0x400]  }
0x117: {  	v5 =	vld [tilespmem:s18+$0x10400];
	_ =	sdelay $0x2  }
0x118: {  	s19 =	simm.s32 $0x80  }
0x119: {  	s21 =	simm.s32 $0x10;
	s23 =	sand.u32 $0x1C00, s19  }
0x11a: {  	s22 =	sand.u32 $0x70, s21;
	s21 =	simm.s32 $0x20;
	s23 =	sor.u32 s23, s17;
	v4 =	vadd.f32 v4, v5  }
.LBB2_9:
0x11b: {  	p0 =	sne.s32 s21, $0x3F0;
	s22 =	sor.u32 s22, s23  }
0x11c: {  	v5 =	vld [tilespmem:s22+$0x400];
	[tilespmem:s18+$0x10400] =	vst v4;
	s18 =	smov.u32 s22  }
0x11d: {  	v4 =	vld [tilespmem:s18+$0x10400]  }
.Ltmp3:
0x11e: {  	(pc) =	sbr.rel @p0 .LBB2_9-.Ltmp3, $4  }
0x11f: {  	_ = 	snop  }
0x120: {  	s19 =	sadd.s32 $0x80, s19  }
0x121: {  	s23 =	sand.u32 $0x1C00, s19  }
0x122: {  	s22 =	sand.u32 $0x70, s21;
	s21 =	sadd.s32 $0x10, s21;
	s23 =	sor.u32 s23, s17;
	v4 =	vadd.f32 v5, v4  }
0x123: {  	s17 =	sor.u32 s22, s23  }
0x124: {  	v5 =	vld [tilespmem:s17+$0x400];
	[tilespmem:s18+$0x10400] =	vst v4  }
0x125: {  	v4 =	vld [tilespmem:s17+$0x10400]  }
0x126: {  	s16 =	sadd.s32 $0x1, s16  }
0x127: {  	p0 =	sne.s32 s16, $0x20  }
.Ltmp4:
0x128: {  	_ = 	snop;
	(pc) =	sbr.rel @p0 .LBB2_8-.Ltmp4, $3  }
0x129: {  	_ = 	snop  }
0x12a: {  	v4 =	vadd.f32 v5, v4;
	_ =	sdelay $0x1  }
0x12b: {  	[tilespmem:s17+$0x10400] =	vst v4  }
0x12c: {  	s15 =	simm.s32 $0x0;
	s16 =	rddreg [dreg:$0xf]  }
0x12d: {  	[hbm4b:s16+s15] =	stream.linear.scatter [tilespmem:s20], [sflag:$0x4], $0x8000, $0x38;
	[tilespmem:$0x18500] =	vst v63  }
0x12e: {  	_ =	swait.ge [sflag:s14], $0x8000  }
0x12f: {  	[sflag:s14] =	ssyncset.done $0x0  }
0x130: {  	[sflag:s14] =	ssyncadd.s32 $0xFFFF8000  }
0x131: {  	v4 =	vld [tilespmem:$0x300];
	_ =	sdelay $0x4  }
0x132: {  	v5 =	vshll.u32 v4, $0x3  }
0x133: {  	v4 =	vand.u32 $0x7, v4;
	v5 =	vand.u32 $0xFFFFFFC0, v5  }
0x134: {  	v4 =	vor.u32 v4, v5  }
0x135: {  	v5 =	vperm.xlane v4, v1;
	_ =	sdelay $0x1  }
0x136: {  	v5 =	vadd.s32 v2, v5;
	_ =	sdelay $0x4  }
0x137: {  	[tilespmem:s20], [sflag:$0x2] =	stream.indirect_vreg.gather [hbm4b:s30+s15], $0x80, v5, vm0, $0xb8;
	[tilespmem:$0x18500] =	vst v63  }
0x138: {  	s21 =	simm.s32 $0x10C00;
	v4 =	vperm.xlane v4, v3  }
0x139: {  	[tilespmem:s21], [sflag:$0x2] =	stream.indirect_vreg.gather [hbm4b:s2+s15], $0x80, v5, vm0, $0xb8;
	[tilespmem:$0x18500] =	vst v63  }
0x13a: {  	s22 =	simm.s32 $0x11400;
	v4 =	vadd.s32 v2, v4  }
0x13b: {  	[tilespmem:s22], [sflag:$0x2] =	stream.indirect_vreg.gather [hbm4b:s3+s15], $0x80, v5, vm0, $0xb8;
	[tilespmem:$0x18500] =	vst v63  }
0x13c: {  	s23 =	simm.s32 $0x11C00  }
0x13d: {  	[tilespmem:s23], [sflag:$0x2] =	stream.indirect_vreg.gather [hbm4b:s4+s15], $0x80, v5, vm0, $0xb8;
	[tilespmem:$0x18500] =	vst v63  }
0x13e: {  	_ = 	snop  }
0x13f: {  	[tilespmem:s24], [sflag:$0x2] =	stream.indirect_vreg.gather [hbm4b:s30+s15], $0x80, v4, vm0, $0xb8;
	[tilespmem:$0x18500] =	vst v63  }
0x140: {  	_ = 	snop  }
0x141: {  	[tilespmem:s25], [sflag:$0x2] =	stream.indirect_vreg.gather [hbm4b:s2+s15], $0x80, v4, vm0, $0xb8;
	[tilespmem:$0x18500] =	vst v63  }
0x142: {  	_ = 	snop  }
0x143: {  	[tilespmem:s29], [sflag:$0x2] =	stream.indirect_vreg.gather [hbm4b:s3+s15], $0x80, v4, vm0, $0xb8;
	[tilespmem:$0x18500] =	vst v63  }
0x144: {  	_ = 	snop  }
0x145: {  	[tilespmem:s28], [sflag:$0x2] =	stream.indirect_vreg.gather [hbm4b:s4+s15], $0x80, v4, vm0, $0xb8;
	[tilespmem:$0x18500] =	vst v63  }
0x146: {  	v4 =	vld [tilespmem:$0x310];
	_ =	sdelay $0x4  }
0x147: {  	v5 =	vshll.u32 v4, $0x3  }
0x148: {  	v4 =	vand.u32 $0x7, v4;
	v5 =	vand.u32 $0xFFFFFFC0, v5  }
0x149: {  	v4 =	vor.u32 v4, v5  }
0x14a: {  	v5 =	vperm.xlane v4, v1;
	_ =	sdelay $0x1  }
0x14b: {  	v5 =	vadd.s32 v2, v5;
	_ =	sdelay $0x4  }
0x14c: {  	[tilespmem:s1], [sflag:$0x2] =	stream.indirect_vreg.gather [hbm4b:s30+s15], $0x80, v5, vm0, $0xb8;
	[tilespmem:$0x18500] =	vst v63  }
0x14d: {  	v4 =	vperm.xlane v4, v3  }
0x14e: {  	[tilespmem:s26], [sflag:$0x2] =	stream.indirect_vreg.gather [hbm4b:s2+s15], $0x80, v5, vm0, $0xb8;
	[tilespmem:$0x18500] =	vst v63  }
0x14f: {  	v4 =	vadd.s32 v2, v4  }
0x150: {  	[tilespmem:s5], [sflag:$0x2] =	stream.indirect_vreg.gather [hbm4b:s3+s15], $0x80, v5, vm0, $0xb8;
	[tilespmem:$0x18500] =	vst v63  }
0x151: {  	_ = 	snop  }
0x152: {  	[tilespmem:s6], [sflag:$0x2] =	stream.indirect_vreg.gather [hbm4b:s4+s15], $0x80, v5, vm0, $0xb8;
	[tilespmem:$0x18500] =	vst v63  }
0x153: {  	_ = 	snop  }
0x154: {  	[tilespmem:s7], [sflag:$0x2] =	stream.indirect_vreg.gather [hbm4b:s30+s15], $0x80, v4, vm0, $0xb8;
	[tilespmem:$0x18500] =	vst v63  }
0x155: {  	_ = 	snop  }
0x156: {  	[tilespmem:s8], [sflag:$0x2] =	stream.indirect_vreg.gather [hbm4b:s2+s15], $0x80, v4, vm0, $0xb8;
	[tilespmem:$0x18500] =	vst v63  }
0x157: {  	_ = 	snop  }
0x158: {  	[tilespmem:s9], [sflag:$0x2] =	stream.indirect_vreg.gather [hbm4b:s3+s15], $0x80, v4, vm0, $0xb8;
	[tilespmem:$0x18500] =	vst v63  }
0x159: {  	_ = 	snop  }
0x15a: {  	[tilespmem:s10], [sflag:$0x2] =	stream.indirect_vreg.gather [hbm4b:s4+s15], $0x80, v4, vm0, $0xb8;
	[tilespmem:$0x18500] =	vst v63  }
0x15b: {  	_ =	swait.ge [sflag:s11], $0x8000  }
0x15c: {  	[sflag:s11] =	ssyncset.done $0x0  }
0x15d: {  	s16 =	simm.s32 $0x0;
	[sflag:s11] =	ssyncadd.s32 $0xFFFF8000  }
.LBB2_12:
0x15e: {  	s17 =	sshll.u32 s16, $0xA;
	s18 =	sshll.u32 s16, $0x7  }
0x15f: {  	s17 =	sand.u32 $0x6000, s17;
	s18 =	sand.u32 $0x380, s18  }
0x160: {  	s23 =	sand.u32 $0x1C00, s15;
	s17 =	sor.u32 s17, s18  }
0x161: {  	s19 =	sand.u32 $0x70, s15;
	s18 =	sor.u32 s23, s17  }
0x162: {  	s18 =	sor.u32 s19, s18  }
0x163: {  	v4 =	vld [tilespmem:s18+$0x400]  }
0x164: {  	v5 =	vld [tilespmem:s18+$0x8400];
	_ =	sdelay $0x2  }
0x165: {  	s19 =	simm.s32 $0x80  }
0x166: {  	s21 =	simm.s32 $0x10;
	s23 =	sand.u32 $0x1C00, s19  }
0x167: {  	s22 =	sand.u32 $0x70, s21;
	s21 =	simm.s32 $0x20;
	s23 =	sor.u32 s23, s17;
	v4 =	vadd.f32 v4, v5  }
.LBB2_13:
0x168: {  	p0 =	sne.s32 s21, $0x3F0;
	s22 =	sor.u32 s22, s23  }
0x169: {  	v5 =	vld [tilespmem:s22+$0x400];
	[tilespmem:s18+$0x8400] =	vst v4;
	s18 =	smov.u32 s22  }
0x16a: {  	v4 =	vld [tilespmem:s18+$0x8400]  }
.Ltmp5:
0x16b: {  	(pc) =	sbr.rel @p0 .LBB2_13-.Ltmp5, $4  }
0x16c: {  	_ = 	snop  }
0x16d: {  	s19 =	sadd.s32 $0x80, s19  }
0x16e: {  	s23 =	sand.u32 $0x1C00, s19  }
0x16f: {  	s22 =	sand.u32 $0x70, s21;
	s21 =	sadd.s32 $0x10, s21;
	s23 =	sor.u32 s23, s17;
	v4 =	vadd.f32 v5, v4  }
0x170: {  	s17 =	sor.u32 s22, s23  }
0x171: {  	v5 =	vld [tilespmem:s17+$0x400];
	[tilespmem:s18+$0x8400] =	vst v4  }
0x172: {  	v4 =	vld [tilespmem:s17+$0x8400]  }
0x173: {  	s16 =	sadd.s32 $0x1, s16  }
0x174: {  	p0 =	sne.s32 s16, $0x20  }
.Ltmp6:
0x175: {  	_ = 	snop;
	(pc) =	sbr.rel @p0 .LBB2_12-.Ltmp6, $3  }
0x176: {  	_ = 	snop  }
0x177: {  	v4 =	vadd.f32 v5, v4;
	_ =	sdelay $0x1  }
0x178: {  	[tilespmem:s17+$0x8400] =	vst v4  }
0x179: {  	s15 =	simm.s32 $0x0;
	s16 =	rddreg [dreg:$0x10]  }
0x17a: {  	[hbm4b:s16+s15] =	stream.linear.scatter [tilespmem:s0], [sflag:$0x3], $0x8000, $0x38;
	[tilespmem:$0x18500] =	vst v63  }
0x17b: {  	_ =	swait.ge [sflag:s12], $0x8000  }
0x17c: {  	[sflag:s12] =	ssyncset.done $0x0  }
0x17d: {  	[sflag:s12] =	ssyncadd.s32 $0xFFFF8000  }
0x17e: {  	v4 =	vld [tilespmem:$0x20];
	_ =	sdelay $0x4  }
0x17f: {  	v5 =	vshll.u32 v4, $0x3  }
0x180: {  	v4 =	vand.u32 $0x7, v4;
	v5 =	vand.u32 $0xFFFFFFC0, v5  }
0x181: {  	v4 =	vor.u32 v4, v5  }
0x182: {  	v5 =	vperm.xlane v4, v1;
	_ =	sdelay $0x1  }
0x183: {  	v5 =	vadd.s32 v2, v5;
	_ =	sdelay $0x4  }
0x184: {  	[tilespmem:s0], [sflag:$0x1] =	stream.indirect_vreg.gather [hbm4b:s30+s15], $0x80, v5, vm0, $0xb8;
	[tilespmem:$0x18500] =	vst v63  }
0x185: {  	s21 =	simm.s32 $0x8C00;
	v4 =	vperm.xlane v4, v3  }
0x186: {  	[tilespmem:s21], [sflag:$0x1] =	stream.indirect_vreg.gather [hbm4b:s2+s15], $0x80, v5, vm0, $0xb8;
	[tilespmem:$0x18500] =	vst v63  }
0x187: {  	s22 =	simm.s32 $0x9400;
	v4 =	vadd.s32 v2, v4  }
0x188: {  	[tilespmem:s22], [sflag:$0x1] =	stream.indirect_vreg.gather [hbm4b:s3+s15], $0x80, v5, vm0, $0xb8;
	[tilespmem:$0x18500] =	vst v63  }
0x189: {  	s23 =	simm.s32 $0x9C00  }
0x18a: {  	[tilespmem:s23], [sflag:$0x1] =	stream.indirect_vreg.gather [hbm4b:s4+s15], $0x80, v5, vm0, $0xb8;
	[tilespmem:$0x18500] =	vst v63  }
0x18b: {  	s17 =	simm.s32 $0xA400  }
0x18c: {  	[tilespmem:s17], [sflag:$0x1] =	stream.indirect_vreg.gather [hbm4b:s30+s15], $0x80, v4, vm0, $0xb8;
	[tilespmem:$0x18500] =	vst v63  }
0x18d: {  	s18 =	simm.s32 $0xAC00  }
0x18e: {  	[tilespmem:s18], [sflag:$0x1] =	stream.indirect_vreg.gather [hbm4b:s2+s15], $0x80, v4, vm0, $0xb8;
	[tilespmem:$0x18500] =	vst v63  }
0x18f: {  	s19 =	simm.s32 $0xB400  }
0x190: {  	[tilespmem:s19], [sflag:$0x1] =	stream.indirect_vreg.gather [hbm4b:s3+s15], $0x80, v4, vm0, $0xb8;
	[tilespmem:$0x18500] =	vst v63  }
0x191: {  	s21 =	simm.s32 $0xBC00  }
0x192: {  	[tilespmem:s21], [sflag:$0x1] =	stream.indirect_vreg.gather [hbm4b:s4+s15], $0x80, v4, vm0, $0xb8;
	[tilespmem:$0x18500] =	vst v63  }
0x193: {  	v4 =	vld [tilespmem:$0x30];
	_ =	sdelay $0x4  }
0x194: {  	v5 =	vshll.u32 v4, $0x3  }
0x195: {  	v4 =	vand.u32 $0x7, v4;
	v5 =	vand.u32 $0xFFFFFFC0, v5  }
0x196: {  	v4 =	vor.u32 v4, v5  }
0x197: {  	v5 =	vperm.xlane v4, v1;
	_ =	sdelay $0x1  }
0x198: {  	v5 =	vadd.s32 v2, v5;
	_ =	sdelay $0x3  }
0x199: {  	s22 =	simm.s32 $0xC400  }
0x19a: {  	[tilespmem:s22], [sflag:$0x1] =	stream.indirect_vreg.gather [hbm4b:s30+s15], $0x80, v5, vm0, $0xb8;
	[tilespmem:$0x18500] =	vst v63  }
0x19b: {  	s23 =	simm.s32 $0xCC00;
	v4 =	vperm.xlane v4, v3  }
0x19c: {  	[tilespmem:s23], [sflag:$0x1] =	stream.indirect_vreg.gather [hbm4b:s2+s15], $0x80, v5, vm0, $0xb8;
	[tilespmem:$0x18500] =	vst v63  }
0x19d: {  	s17 =	simm.s32 $0xD400;
	v4 =	vadd.s32 v2, v4  }
0x19e: {  	[tilespmem:s17], [sflag:$0x1] =	stream.indirect_vreg.gather [hbm4b:s3+s15], $0x80, v5, vm0, $0xb8;
	[tilespmem:$0x18500] =	vst v63  }
0x19f: {  	s18 =	simm.s32 $0xDC00  }
0x1a0: {  	[tilespmem:s18], [sflag:$0x1] =	stream.indirect_vreg.gather [hbm4b:s4+s15], $0x80, v5, vm0, $0xb8;
	[tilespmem:$0x18500] =	vst v63  }
0x1a1: {  	s19 =	simm.s32 $0xE400  }
0x1a2: {  	[tilespmem:s19], [sflag:$0x1] =	stream.indirect_vreg.gather [hbm4b:s30+s15], $0x80, v4, vm0, $0xb8;
	[tilespmem:$0x18500] =	vst v63  }
0x1a3: {  	s21 =	simm.s32 $0xEC00  }
0x1a4: {  	[tilespmem:s21], [sflag:$0x1] =	stream.indirect_vreg.gather [hbm4b:s2+s15], $0x80, v4, vm0, $0xb8;
	[tilespmem:$0x18500] =	vst v63  }
0x1a5: {  	s22 =	simm.s32 $0xF400  }
0x1a6: {  	[tilespmem:s22], [sflag:$0x1] =	stream.indirect_vreg.gather [hbm4b:s3+s15], $0x80, v4, vm0, $0xb8;
	[tilespmem:$0x18500] =	vst v63  }
0x1a7: {  	s23 =	simm.s32 $0xFC00  }
0x1a8: {  	[tilespmem:s23], [sflag:$0x1] =	stream.indirect_vreg.gather [hbm4b:s4+s15], $0x80, v4, vm0, $0xb8;
	[tilespmem:$0x18500] =	vst v63  }
0x1a9: {  	_ =	swait.ge [sflag:s13], $0x8000  }
0x1aa: {  	[sflag:s13] =	ssyncset.done $0x0  }
0x1ab: {  	s16 =	simm.s32 $0x0;
	[sflag:s13] =	ssyncadd.s32 $0xFFFF8000  }
.LBB2_16:
0x1ac: {  	s17 =	sshll.u32 s16, $0xA;
	s18 =	sshll.u32 s16, $0x7  }
0x1ad: {  	s17 =	sand.u32 $0x6000, s17;
	s18 =	sand.u32 $0x380, s18  }
0x1ae: {  	s23 =	sand.u32 $0x1C00, s15;
	s17 =	sor.u32 s17, s18  }
0x1af: {  	s19 =	sand.u32 $0x70, s15;
	s18 =	sor.u32 s23, s17  }
0x1b0: {  	s18 =	sor.u32 s19, s18  }
0x1b1: {  	v4 =	vld [tilespmem:s18+$0x400]  }
0x1b2: {  	v5 =	vld [tilespmem:s18+$0x10400];
	_ =	sdelay $0x2  }
0x1b3: {  	s19 =	simm.s32 $0x80  }
0x1b4: {  	s21 =	simm.s32 $0x10;
	s23 =	sand.u32 $0x1C00, s19  }
0x1b5: {  	s22 =	sand.u32 $0x70, s21;
	s21 =	simm.s32 $0x20;
	s23 =	sor.u32 s23, s17;
	v4 =	vadd.f32 v4, v5  }
.LBB2_17:
0x1b6: {  	p0 =	sne.s32 s21, $0x3F0;
	s22 =	sor.u32 s22, s23  }
0x1b7: {  	v5 =	vld [tilespmem:s22+$0x400];
	[tilespmem:s18+$0x10400] =	vst v4;
	s18 =	smov.u32 s22  }
0x1b8: {  	v4 =	vld [tilespmem:s18+$0x10400]  }
.Ltmp7:
0x1b9: {  	(pc) =	sbr.rel @p0 .LBB2_17-.Ltmp7, $4  }
0x1ba: {  	_ = 	snop  }
0x1bb: {  	s19 =	sadd.s32 $0x80, s19  }
0x1bc: {  	s23 =	sand.u32 $0x1C00, s19  }
0x1bd: {  	s22 =	sand.u32 $0x70, s21;
	s21 =	sadd.s32 $0x10, s21;
	s23 =	sor.u32 s23, s17;
	v4 =	vadd.f32 v5, v4  }
0x1be: {  	s17 =	sor.u32 s22, s23  }
0x1bf: {  	v5 =	vld [tilespmem:s17+$0x400];
	[tilespmem:s18+$0x10400] =	vst v4  }
0x1c0: {  	v4 =	vld [tilespmem:s17+$0x10400]  }
0x1c1: {  	s16 =	sadd.s32 $0x1, s16  }
0x1c2: {  	p0 =	sne.s32 s16, $0x20  }
.Ltmp8:
0x1c3: {  	_ = 	snop;
	(pc) =	sbr.rel @p0 .LBB2_16-.Ltmp8, $3  }
0x1c4: {  	_ = 	snop  }
0x1c5: {  	v4 =	vadd.f32 v5, v4;
	_ =	sdelay $0x1  }
0x1c6: {  	[tilespmem:s17+$0x10400] =	vst v4  }
0x1c7: {  	s15 =	simm.s32 $0x0;
	s16 =	rddreg [dreg:$0x11]  }
0x1c8: {  	[hbm4b:s16+s15] =	stream.linear.scatter [tilespmem:s20], [sflag:$0x4], $0x8000, $0x38;
	[tilespmem:$0x18500] =	vst v63  }
0x1c9: {  	s19 =	rddreg [dreg:$0x12];
	s17 =	simm.s32 $0x400  }
0x1ca: {  	[tilespmem:s17], [sflag:$0x5] =	stream.linear.gather [hbm4b:s19+s15], $0x8000, $0x38;
	[tilespmem:$0x18500] =	vst v63  }
0x1cb: {  	_ =	swait.ge [sflag:s31], $0x8000  }
0x1cc: {  	[sflag:s31] =	ssyncset.done $0x0  }
0x1cd: {  	[sflag:s31] =	ssyncadd.s32 $0xFFFF8000  }
0x1ce: {  	_ =	swait.ge [sflag:s14], $0x8000  }
0x1cf: {  	[sflag:s14] =	ssyncset.done $0x0  }
0x1d0: {  	[sflag:s14] =	ssyncadd.s32 $0xFFFF8000  }
0x1d1: {  	v4 =	vld [tilespmem:$0x120];
	_ =	sdelay $0x4  }
0x1d2: {  	v5 =	vshll.u32 v4, $0x3  }
0x1d3: {  	v4 =	vand.u32 $0x7, v4;
	v5 =	vand.u32 $0xFFFFFFC0, v5  }
0x1d4: {  	v4 =	vor.u32 v4, v5  }
0x1d5: {  	v5 =	vperm.xlane v4, v1;
	_ =	sdelay $0x1  }
0x1d6: {  	v5 =	vadd.s32 v2, v5;
	_ =	sdelay $0x4  }
0x1d7: {  	[tilespmem:s20], [sflag:$0x2] =	stream.indirect_vreg.gather [hbm4b:s30+s15], $0x80, v5, vm0, $0xb8;
	[tilespmem:$0x18500] =	vst v63  }
0x1d8: {  	s21 =	simm.s32 $0x10C00;
	v4 =	vperm.xlane v4, v3  }
0x1d9: {  	[tilespmem:s21], [sflag:$0x2] =	stream.indirect_vreg.gather [hbm4b:s2+s15], $0x80, v5, vm0, $0xb8;
	[tilespmem:$0x18500] =	vst v63  }
0x1da: {  	s22 =	simm.s32 $0x11400;
	v4 =	vadd.s32 v2, v4  }
0x1db: {  	[tilespmem:s22], [sflag:$0x2] =	stream.indirect_vreg.gather [hbm4b:s3+s15], $0x80, v5, vm0, $0xb8;
	[tilespmem:$0x18500] =	vst v63  }
0x1dc: {  	s23 =	simm.s32 $0x11C00  }
0x1dd: {  	[tilespmem:s23], [sflag:$0x2] =	stream.indirect_vreg.gather [hbm4b:s4+s15], $0x80, v5, vm0, $0xb8;
	[tilespmem:$0x18500] =	vst v63  }
0x1de: {  	_ = 	snop  }
0x1df: {  	[tilespmem:s24], [sflag:$0x2] =	stream.indirect_vreg.gather [hbm4b:s30+s15], $0x80, v4, vm0, $0xb8;
	[tilespmem:$0x18500] =	vst v63  }
0x1e0: {  	_ = 	snop  }
0x1e1: {  	[tilespmem:s25], [sflag:$0x2] =	stream.indirect_vreg.gather [hbm4b:s2+s15], $0x80, v4, vm0, $0xb8;
	[tilespmem:$0x18500] =	vst v63  }
0x1e2: {  	_ = 	snop  }
0x1e3: {  	[tilespmem:s29], [sflag:$0x2] =	stream.indirect_vreg.gather [hbm4b:s3+s15], $0x80, v4, vm0, $0xb8;
	[tilespmem:$0x18500] =	vst v63  }
0x1e4: {  	_ = 	snop  }
0x1e5: {  	[tilespmem:s28], [sflag:$0x2] =	stream.indirect_vreg.gather [hbm4b:s4+s15], $0x80, v4, vm0, $0xb8;
	[tilespmem:$0x18500] =	vst v63  }
0x1e6: {  	v4 =	vld [tilespmem:$0x130];
	_ =	sdelay $0x4  }
0x1e7: {  	v5 =	vshll.u32 v4, $0x3  }
0x1e8: {  	v4 =	vand.u32 $0x7, v4;
	v5 =	vand.u32 $0xFFFFFFC0, v5  }
0x1e9: {  	v4 =	vor.u32 v4, v5  }
0x1ea: {  	v5 =	vperm.xlane v4, v1;
	_ =	sdelay $0x1  }
0x1eb: {  	v5 =	vadd.s32 v2, v5;
	_ =	sdelay $0x4  }
0x1ec: {  	[tilespmem:s1], [sflag:$0x2] =	stream.indirect_vreg.gather [hbm4b:s30+s15], $0x80, v5, vm0, $0xb8;
	[tilespmem:$0x18500] =	vst v63  }
0x1ed: {  	v4 =	vperm.xlane v4, v3  }
0x1ee: {  	[tilespmem:s26], [sflag:$0x2] =	stream.indirect_vreg.gather [hbm4b:s2+s15], $0x80, v5, vm0, $0xb8;
	[tilespmem:$0x18500] =	vst v63  }
0x1ef: {  	v4 =	vadd.s32 v2, v4  }
0x1f0: {  	[tilespmem:s5], [sflag:$0x2] =	stream.indirect_vreg.gather [hbm4b:s3+s15], $0x80, v5, vm0, $0xb8;
	[tilespmem:$0x18500] =	vst v63  }
0x1f1: {  	_ = 	snop  }
0x1f2: {  	[tilespmem:s6], [sflag:$0x2] =	stream.indirect_vreg.gather [hbm4b:s4+s15], $0x80, v5, vm0, $0xb8;
	[tilespmem:$0x18500] =	vst v63  }
0x1f3: {  	_ = 	snop  }
0x1f4: {  	[tilespmem:s7], [sflag:$0x2] =	stream.indirect_vreg.gather [hbm4b:s30+s15], $0x80, v4, vm0, $0xb8;
	[tilespmem:$0x18500] =	vst v63  }
0x1f5: {  	_ = 	snop  }
0x1f6: {  	[tilespmem:s8], [sflag:$0x2] =	stream.indirect_vreg.gather [hbm4b:s2+s15], $0x80, v4, vm0, $0xb8;
	[tilespmem:$0x18500] =	vst v63  }
0x1f7: {  	_ = 	snop  }
0x1f8: {  	[tilespmem:s9], [sflag:$0x2] =	stream.indirect_vreg.gather [hbm4b:s3+s15], $0x80, v4, vm0, $0xb8;
	[tilespmem:$0x18500] =	vst v63  }
0x1f9: {  	_ = 	snop  }
0x1fa: {  	[tilespmem:s10], [sflag:$0x2] =	stream.indirect_vreg.gather [hbm4b:s4+s15], $0x80, v4, vm0, $0xb8;
	[tilespmem:$0x18500] =	vst v63  }
0x1fb: {  	_ =	swait.ge [sflag:s11], $0x8000  }
0x1fc: {  	[sflag:s11] =	ssyncset.done $0x0  }
0x1fd: {  	s16 =	simm.s32 $0x0;
	[sflag:s11] =	ssyncadd.s32 $0xFFFF8000  }
.LBB2_20:
0x1fe: {  	s17 =	sshll.u32 s16, $0xA;
	s18 =	sshll.u32 s16, $0x7  }
0x1ff: {  	s17 =	sand.u32 $0x6000, s17;
	s18 =	sand.u32 $0x380, s18  }
0x200: {  	s23 =	sand.u32 $0x1C00, s15;
	s17 =	sor.u32 s17, s18  }
0x201: {  	s19 =	sand.u32 $0x70, s15;
	s18 =	sor.u32 s23, s17  }
0x202: {  	s18 =	sor.u32 s19, s18  }
0x203: {  	v4 =	vld [tilespmem:s18+$0x400]  }
0x204: {  	v5 =	vld [tilespmem:s18+$0x8400];
	_ =	sdelay $0x2  }
0x205: {  	s19 =	simm.s32 $0x80  }
0x206: {  	s21 =	simm.s32 $0x10;
	s23 =	sand.u32 $0x1C00, s19  }
0x207: {  	s22 =	sand.u32 $0x70, s21;
	s21 =	simm.s32 $0x20;
	s23 =	sor.u32 s23, s17;
	v4 =	vadd.f32 v4, v5  }
.LBB2_21:
0x208: {  	p0 =	sne.s32 s21, $0x3F0;
	s22 =	sor.u32 s22, s23  }
0x209: {  	v5 =	vld [tilespmem:s22+$0x400];
	[tilespmem:s18+$0x8400] =	vst v4;
	s18 =	smov.u32 s22  }
0x20a: {  	v4 =	vld [tilespmem:s18+$0x8400]  }
.Ltmp9:
0x20b: {  	(pc) =	sbr.rel @p0 .LBB2_21-.Ltmp9, $4  }
0x20c: {  	_ = 	snop  }
0x20d: {  	s19 =	sadd.s32 $0x80, s19  }
0x20e: {  	s23 =	sand.u32 $0x1C00, s19  }
0x20f: {  	s22 =	sand.u32 $0x70, s21;
	s21 =	sadd.s32 $0x10, s21;
	s23 =	sor.u32 s23, s17;
	v4 =	vadd.f32 v5, v4  }
0x210: {  	s17 =	sor.u32 s22, s23  }
0x211: {  	v5 =	vld [tilespmem:s17+$0x400];
	[tilespmem:s18+$0x8400] =	vst v4  }
0x212: {  	v4 =	vld [tilespmem:s17+$0x8400]  }
0x213: {  	s16 =	sadd.s32 $0x1, s16  }
0x214: {  	p0 =	sne.s32 s16, $0x20  }
.Ltmp10:
0x215: {  	_ = 	snop;
	(pc) =	sbr.rel @p0 .LBB2_20-.Ltmp10, $3  }
0x216: {  	_ = 	snop  }
0x217: {  	v4 =	vadd.f32 v5, v4;
	_ =	sdelay $0x1  }
0x218: {  	[tilespmem:s17+$0x8400] =	vst v4  }
0x219: {  	s15 =	simm.s32 $0x0;
	s16 =	rddreg [dreg:$0x13]  }
0x21a: {  	[hbm4b:s16+s15] =	stream.linear.scatter [tilespmem:s0], [sflag:$0x3], $0x8000, $0x38;
	[tilespmem:$0x18500] =	vst v63  }
0x21b: {  	_ =	swait.ge [sflag:s12], $0x8000  }
0x21c: {  	[sflag:s12] =	ssyncset.done $0x0  }
0x21d: {  	[sflag:s12] =	ssyncadd.s32 $0xFFFF8000  }
0x21e: {  	v4 =	vld [tilespmem:$0x220];
	_ =	sdelay $0x4  }
0x21f: {  	v5 =	vshll.u32 v4, $0x3  }
0x220: {  	v4 =	vand.u32 $0x7, v4;
	v5 =	vand.u32 $0xFFFFFFC0, v5  }
0x221: {  	v4 =	vor.u32 v4, v5  }
0x222: {  	v5 =	vperm.xlane v4, v1;
	_ =	sdelay $0x1  }
0x223: {  	v5 =	vadd.s32 v2, v5;
	_ =	sdelay $0x4  }
0x224: {  	[tilespmem:s0], [sflag:$0x1] =	stream.indirect_vreg.gather [hbm4b:s30+s15], $0x80, v5, vm0, $0xb8;
	[tilespmem:$0x18500] =	vst v63  }
0x225: {  	s21 =	simm.s32 $0x8C00;
	v4 =	vperm.xlane v4, v3  }
0x226: {  	[tilespmem:s21], [sflag:$0x1] =	stream.indirect_vreg.gather [hbm4b:s2+s15], $0x80, v5, vm0, $0xb8;
	[tilespmem:$0x18500] =	vst v63  }
0x227: {  	s22 =	simm.s32 $0x9400;
	v4 =	vadd.s32 v2, v4  }
0x228: {  	[tilespmem:s22], [sflag:$0x1] =	stream.indirect_vreg.gather [hbm4b:s3+s15], $0x80, v5, vm0, $0xb8;
	[tilespmem:$0x18500] =	vst v63  }
0x229: {  	s23 =	simm.s32 $0x9C00  }
0x22a: {  	[tilespmem:s23], [sflag:$0x1] =	stream.indirect_vreg.gather [hbm4b:s4+s15], $0x80, v5, vm0, $0xb8;
	[tilespmem:$0x18500] =	vst v63  }
0x22b: {  	s17 =	simm.s32 $0xA400  }
0x22c: {  	[tilespmem:s17], [sflag:$0x1] =	stream.indirect_vreg.gather [hbm4b:s30+s15], $0x80, v4, vm0, $0xb8;
	[tilespmem:$0x18500] =	vst v63  }
0x22d: {  	s18 =	simm.s32 $0xAC00  }
0x22e: {  	[tilespmem:s18], [sflag:$0x1] =	stream.indirect_vreg.gather [hbm4b:s2+s15], $0x80, v4, vm0, $0xb8;
	[tilespmem:$0x18500] =	vst v63  }
0x22f: {  	s19 =	simm.s32 $0xB400  }
0x230: {  	[tilespmem:s19], [sflag:$0x1] =	stream.indirect_vreg.gather [hbm4b:s3+s15], $0x80, v4, vm0, $0xb8;
	[tilespmem:$0x18500] =	vst v63  }
0x231: {  	s21 =	simm.s32 $0xBC00  }
0x232: {  	[tilespmem:s21], [sflag:$0x1] =	stream.indirect_vreg.gather [hbm4b:s4+s15], $0x80, v4, vm0, $0xb8;
	[tilespmem:$0x18500] =	vst v63  }
0x233: {  	v4 =	vld [tilespmem:$0x230];
	_ =	sdelay $0x4  }
0x234: {  	v5 =	vshll.u32 v4, $0x3  }
0x235: {  	v4 =	vand.u32 $0x7, v4;
	v5 =	vand.u32 $0xFFFFFFC0, v5  }
0x236: {  	v4 =	vor.u32 v4, v5  }
0x237: {  	v5 =	vperm.xlane v4, v1;
	_ =	sdelay $0x1  }
0x238: {  	v5 =	vadd.s32 v2, v5;
	_ =	sdelay $0x3  }
0x239: {  	s22 =	simm.s32 $0xC400  }
0x23a: {  	[tilespmem:s22], [sflag:$0x1] =	stream.indirect_vreg.gather [hbm4b:s30+s15], $0x80, v5, vm0, $0xb8;
	[tilespmem:$0x18500] =	vst v63  }
0x23b: {  	s23 =	simm.s32 $0xCC00;
	v4 =	vperm.xlane v4, v3  }
0x23c: {  	[tilespmem:s23], [sflag:$0x1] =	stream.indirect_vreg.gather [hbm4b:s2+s15], $0x80, v5, vm0, $0xb8;
	[tilespmem:$0x18500] =	vst v63  }
0x23d: {  	s17 =	simm.s32 $0xD400;
	v4 =	vadd.s32 v2, v4  }
0x23e: {  	[tilespmem:s17], [sflag:$0x1] =	stream.indirect_vreg.gather [hbm4b:s3+s15], $0x80, v5, vm0, $0xb8;
	[tilespmem:$0x18500] =	vst v63  }
0x23f: {  	s18 =	simm.s32 $0xDC00  }
0x240: {  	[tilespmem:s18], [sflag:$0x1] =	stream.indirect_vreg.gather [hbm4b:s4+s15], $0x80, v5, vm0, $0xb8;
	[tilespmem:$0x18500] =	vst v63  }
0x241: {  	s19 =	simm.s32 $0xE400  }
0x242: {  	[tilespmem:s19], [sflag:$0x1] =	stream.indirect_vreg.gather [hbm4b:s30+s15], $0x80, v4, vm0, $0xb8;
	[tilespmem:$0x18500] =	vst v63  }
0x243: {  	s21 =	simm.s32 $0xEC00  }
0x244: {  	[tilespmem:s21], [sflag:$0x1] =	stream.indirect_vreg.gather [hbm4b:s2+s15], $0x80, v4, vm0, $0xb8;
	[tilespmem:$0x18500] =	vst v63  }
0x245: {  	s22 =	simm.s32 $0xF400  }
0x246: {  	[tilespmem:s22], [sflag:$0x1] =	stream.indirect_vreg.gather [hbm4b:s3+s15], $0x80, v4, vm0, $0xb8;
	[tilespmem:$0x18500] =	vst v63  }
0x247: {  	s23 =	simm.s32 $0xFC00  }
0x248: {  	[tilespmem:s23], [sflag:$0x1] =	stream.indirect_vreg.gather [hbm4b:s4+s15], $0x80, v4, vm0, $0xb8;
	[tilespmem:$0x18500] =	vst v63  }
0x249: {  	_ =	swait.ge [sflag:s13], $0x8000  }
0x24a: {  	[sflag:s13] =	ssyncset.done $0x0  }
0x24b: {  	s16 =	simm.s32 $0x0;
	[sflag:s13] =	ssyncadd.s32 $0xFFFF8000  }
.LBB2_24:
0x24c: {  	s17 =	sshll.u32 s16, $0xA;
	s18 =	sshll.u32 s16, $0x7  }
0x24d: {  	s17 =	sand.u32 $0x6000, s17;
	s18 =	sand.u32 $0x380, s18  }
0x24e: {  	s23 =	sand.u32 $0x1C00, s15;
	s17 =	sor.u32 s17, s18  }
0x24f: {  	s19 =	sand.u32 $0x70, s15;
	s18 =	sor.u32 s23, s17  }
0x250: {  	s18 =	sor.u32 s19, s18  }
0x251: {  	v4 =	vld [tilespmem:s18+$0x400]  }
0x252: {  	v5 =	vld [tilespmem:s18+$0x10400];
	_ =	sdelay $0x2  }
0x253: {  	s19 =	simm.s32 $0x80  }
0x254: {  	s21 =	simm.s32 $0x10;
	s23 =	sand.u32 $0x1C00, s19  }
0x255: {  	s22 =	sand.u32 $0x70, s21;
	s21 =	simm.s32 $0x20;
	s23 =	sor.u32 s23, s17;
	v4 =	vadd.f32 v4, v5  }
.LBB2_25:
0x256: {  	p0 =	sne.s32 s21, $0x3F0;
	s22 =	sor.u32 s22, s23  }
0x257: {  	v5 =	vld [tilespmem:s22+$0x400];
	[tilespmem:s18+$0x10400] =	vst v4;
	s18 =	smov.u32 s22  }
0x258: {  	v4 =	vld [tilespmem:s18+$0x10400]  }
.Ltmp11:
0x259: {  	(pc) =	sbr.rel @p0 .LBB2_25-.Ltmp11, $4  }
0x25a: {  	_ = 	snop  }
0x25b: {  	s19 =	sadd.s32 $0x80, s19  }
0x25c: {  	s23 =	sand.u32 $0x1C00, s19  }
0x25d: {  	s22 =	sand.u32 $0x70, s21;
	s21 =	sadd.s32 $0x10, s21;
	s23 =	sor.u32 s23, s17;
	v4 =	vadd.f32 v5, v4  }
0x25e: {  	s17 =	sor.u32 s22, s23  }
0x25f: {  	v5 =	vld [tilespmem:s17+$0x400];
	[tilespmem:s18+$0x10400] =	vst v4  }
0x260: {  	v4 =	vld [tilespmem:s17+$0x10400]  }
0x261: {  	s16 =	sadd.s32 $0x1, s16  }
0x262: {  	p0 =	sne.s32 s16, $0x20  }
.Ltmp12:
0x263: {  	_ = 	snop;
	(pc) =	sbr.rel @p0 .LBB2_24-.Ltmp12, $3  }
0x264: {  	_ = 	snop  }
0x265: {  	v4 =	vadd.f32 v5, v4;
	_ =	sdelay $0x1  }
0x266: {  	[tilespmem:s17+$0x10400] =	vst v4  }
0x267: {  	s16 =	sld [smem:$0x7E9];
	_ =	sdelay $0x1  }
0x268: {  	s15 =	simm.s32 $0x0  }
0x269: {  	[hbm4b:s16+s15] =	stream.linear.scatter [tilespmem:s20], [sflag:$0x4], $0x8000, $0x38;
	[tilespmem:$0x18500] =	vst v63  }
0x26a: {  	_ =	swait.ge [sflag:s14], $0x8000  }
0x26b: {  	[sflag:s14] =	ssyncset.done $0x0  }
0x26c: {  	[sflag:s14] =	ssyncadd.s32 $0xFFFF8000  }
0x26d: {  	v4 =	vld [tilespmem:$0x320];
	_ =	sdelay $0x4  }
0x26e: {  	v5 =	vshll.u32 v4, $0x3  }
0x26f: {  	v4 =	vand.u32 $0x7, v4;
	v5 =	vand.u32 $0xFFFFFFC0, v5  }
0x270: {  	v4 =	vor.u32 v4, v5  }
0x271: {  	v5 =	vperm.xlane v4, v1;
	_ =	sdelay $0x1  }
0x272: {  	v5 =	vadd.s32 v2, v5;
	_ =	sdelay $0x4  }
0x273: {  	[tilespmem:s20], [sflag:$0x2] =	stream.indirect_vreg.gather [hbm4b:s30+s15], $0x80, v5, vm0, $0xb8;
	[tilespmem:$0x18500] =	vst v63  }
0x274: {  	s21 =	simm.s32 $0x10C00;
	v4 =	vperm.xlane v4, v3  }
0x275: {  	[tilespmem:s21], [sflag:$0x2] =	stream.indirect_vreg.gather [hbm4b:s2+s15], $0x80, v5, vm0, $0xb8;
	[tilespmem:$0x18500] =	vst v63  }
0x276: {  	s22 =	simm.s32 $0x11400;
	v4 =	vadd.s32 v2, v4  }
0x277: {  	[tilespmem:s22], [sflag:$0x2] =	stream.indirect_vreg.gather [hbm4b:s3+s15], $0x80, v5, vm0, $0xb8;
	[tilespmem:$0x18500] =	vst v63  }
0x278: {  	s23 =	simm.s32 $0x11C00  }
0x279: {  	[tilespmem:s23], [sflag:$0x2] =	stream.indirect_vreg.gather [hbm4b:s4+s15], $0x80, v5, vm0, $0xb8;
	[tilespmem:$0x18500] =	vst v63  }
0x27a: {  	_ = 	snop  }
0x27b: {  	[tilespmem:s24], [sflag:$0x2] =	stream.indirect_vreg.gather [hbm4b:s30+s15], $0x80, v4, vm0, $0xb8;
	[tilespmem:$0x18500] =	vst v63  }
0x27c: {  	_ = 	snop  }
0x27d: {  	[tilespmem:s25], [sflag:$0x2] =	stream.indirect_vreg.gather [hbm4b:s2+s15], $0x80, v4, vm0, $0xb8;
	[tilespmem:$0x18500] =	vst v63  }
0x27e: {  	_ = 	snop  }
0x27f: {  	[tilespmem:s29], [sflag:$0x2] =	stream.indirect_vreg.gather [hbm4b:s3+s15], $0x80, v4, vm0, $0xb8;
	[tilespmem:$0x18500] =	vst v63  }
0x280: {  	_ = 	snop  }
0x281: {  	[tilespmem:s28], [sflag:$0x2] =	stream.indirect_vreg.gather [hbm4b:s4+s15], $0x80, v4, vm0, $0xb8;
	[tilespmem:$0x18500] =	vst v63  }
0x282: {  	v4 =	vld [tilespmem:$0x330];
	_ =	sdelay $0x4  }
0x283: {  	v5 =	vshll.u32 v4, $0x3  }
0x284: {  	v4 =	vand.u32 $0x7, v4;
	v5 =	vand.u32 $0xFFFFFFC0, v5  }
0x285: {  	v4 =	vor.u32 v4, v5  }
0x286: {  	v5 =	vperm.xlane v4, v1;
	_ =	sdelay $0x1  }
0x287: {  	v5 =	vadd.s32 v2, v5;
	_ =	sdelay $0x4  }
0x288: {  	[tilespmem:s1], [sflag:$0x2] =	stream.indirect_vreg.gather [hbm4b:s30+s15], $0x80, v5, vm0, $0xb8;
	[tilespmem:$0x18500] =	vst v63  }
0x289: {  	v4 =	vperm.xlane v4, v3  }
0x28a: {  	[tilespmem:s26], [sflag:$0x2] =	stream.indirect_vreg.gather [hbm4b:s2+s15], $0x80, v5, vm0, $0xb8;
	[tilespmem:$0x18500] =	vst v63  }
0x28b: {  	v4 =	vadd.s32 v2, v4  }
0x28c: {  	[tilespmem:s5], [sflag:$0x2] =	stream.indirect_vreg.gather [hbm4b:s3+s15], $0x80, v5, vm0, $0xb8;
	[tilespmem:$0x18500] =	vst v63  }
0x28d: {  	_ = 	snop  }
0x28e: {  	[tilespmem:s6], [sflag:$0x2] =	stream.indirect_vreg.gather [hbm4b:s4+s15], $0x80, v5, vm0, $0xb8;
	[tilespmem:$0x18500] =	vst v63  }
0x28f: {  	_ = 	snop  }
0x290: {  	[tilespmem:s7], [sflag:$0x2] =	stream.indirect_vreg.gather [hbm4b:s30+s15], $0x80, v4, vm0, $0xb8;
	[tilespmem:$0x18500] =	vst v63  }
0x291: {  	_ = 	snop  }
0x292: {  	[tilespmem:s8], [sflag:$0x2] =	stream.indirect_vreg.gather [hbm4b:s2+s15], $0x80, v4, vm0, $0xb8;
	[tilespmem:$0x18500] =	vst v63  }
0x293: {  	_ = 	snop  }
0x294: {  	[tilespmem:s9], [sflag:$0x2] =	stream.indirect_vreg.gather [hbm4b:s3+s15], $0x80, v4, vm0, $0xb8;
	[tilespmem:$0x18500] =	vst v63  }
0x295: {  	_ = 	snop  }
0x296: {  	[tilespmem:s10], [sflag:$0x2] =	stream.indirect_vreg.gather [hbm4b:s4+s15], $0x80, v4, vm0, $0xb8;
	[tilespmem:$0x18500] =	vst v63  }
0x297: {  	_ =	swait.ge [sflag:s11], $0x8000  }
0x298: {  	[sflag:s11] =	ssyncset.done $0x0  }
0x299: {  	s16 =	simm.s32 $0x0;
	[sflag:s11] =	ssyncadd.s32 $0xFFFF8000  }
.LBB2_28:
0x29a: {  	s17 =	sshll.u32 s16, $0xA;
	s18 =	sshll.u32 s16, $0x7  }
0x29b: {  	s17 =	sand.u32 $0x6000, s17;
	s18 =	sand.u32 $0x380, s18  }
0x29c: {  	s23 =	sand.u32 $0x1C00, s15;
	s17 =	sor.u32 s17, s18  }
0x29d: {  	s19 =	sand.u32 $0x70, s15;
	s18 =	sor.u32 s23, s17  }
0x29e: {  	s18 =	sor.u32 s19, s18  }
0x29f: {  	v4 =	vld [tilespmem:s18+$0x400]  }
0x2a0: {  	v5 =	vld [tilespmem:s18+$0x8400];
	_ =	sdelay $0x2  }
0x2a1: {  	s19 =	simm.s32 $0x80  }
0x2a2: {  	s21 =	simm.s32 $0x10;
	s23 =	sand.u32 $0x1C00, s19  }
0x2a3: {  	s22 =	sand.u32 $0x70, s21;
	s21 =	simm.s32 $0x20;
	s23 =	sor.u32 s23, s17;
	v4 =	vadd.f32 v4, v5  }
.LBB2_29:
0x2a4: {  	p0 =	sne.s32 s21, $0x3F0;
	s22 =	sor.u32 s22, s23  }
0x2a5: {  	v5 =	vld [tilespmem:s22+$0x400];
	[tilespmem:s18+$0x8400] =	vst v4;
	s18 =	smov.u32 s22  }
0x2a6: {  	v4 =	vld [tilespmem:s18+$0x8400]  }
.Ltmp13:
0x2a7: {  	(pc) =	sbr.rel @p0 .LBB2_29-.Ltmp13, $4  }
0x2a8: {  	_ = 	snop  }
0x2a9: {  	s19 =	sadd.s32 $0x80, s19  }
0x2aa: {  	s23 =	sand.u32 $0x1C00, s19  }
0x2ab: {  	s22 =	sand.u32 $0x70, s21;
	s21 =	sadd.s32 $0x10, s21;
	s23 =	sor.u32 s23, s17;
	v4 =	vadd.f32 v5, v4  }
0x2ac: {  	s17 =	sor.u32 s22, s23  }
0x2ad: {  	v5 =	vld [tilespmem:s17+$0x400];
	[tilespmem:s18+$0x8400] =	vst v4  }
0x2ae: {  	v4 =	vld [tilespmem:s17+$0x8400]  }
0x2af: {  	s16 =	sadd.s32 $0x1, s16  }
0x2b0: {  	p0 =	sne.s32 s16, $0x20  }
.Ltmp14:
0x2b1: {  	_ = 	snop;
	(pc) =	sbr.rel @p0 .LBB2_28-.Ltmp14, $3  }
0x2b2: {  	_ = 	snop  }
0x2b3: {  	v4 =	vadd.f32 v5, v4;
	_ =	sdelay $0x1  }
0x2b4: {  	[tilespmem:s17+$0x8400] =	vst v4  }
0x2b5: {  	s16 =	sld [smem:$0x7EA];
	_ =	sdelay $0x1  }
0x2b6: {  	s15 =	simm.s32 $0x0  }
0x2b7: {  	[hbm4b:s16+s15] =	stream.linear.scatter [tilespmem:s0], [sflag:$0x3], $0x8000, $0x38;
	[tilespmem:$0x18500] =	vst v63  }
0x2b8: {  	_ =	swait.ge [sflag:s12], $0x8000  }
0x2b9: {  	[sflag:s12] =	ssyncset.done $0x0  }
0x2ba: {  	[sflag:s12] =	ssyncadd.s32 $0xFFFF8000  }
0x2bb: {  	v4 =	vld [tilespmem:$0x40];
	_ =	sdelay $0x4  }
0x2bc: {  	v5 =	vshll.u32 v4, $0x3  }
0x2bd: {  	v4 =	vand.u32 $0x7, v4;
	v5 =	vand.u32 $0xFFFFFFC0, v5  }
0x2be: {  	v4 =	vor.u32 v4, v5  }
0x2bf: {  	v5 =	vperm.xlane v4, v1;
	_ =	sdelay $0x1  }
0x2c0: {  	v5 =	vadd.s32 v2, v5;
	_ =	sdelay $0x4  }
0x2c1: {  	[tilespmem:s0], [sflag:$0x1] =	stream.indirect_vreg.gather [hbm4b:s30+s15], $0x80, v5, vm0, $0xb8;
	[tilespmem:$0x18500] =	vst v63  }
0x2c2: {  	s21 =	simm.s32 $0x8C00;
	v4 =	vperm.xlane v4, v3  }
0x2c3: {  	[tilespmem:s21], [sflag:$0x1] =	stream.indirect_vreg.gather [hbm4b:s2+s15], $0x80, v5, vm0, $0xb8;
	[tilespmem:$0x18500] =	vst v63  }
0x2c4: {  	s22 =	simm.s32 $0x9400;
	v4 =	vadd.s32 v2, v4  }
0x2c5: {  	[tilespmem:s22], [sflag:$0x1] =	stream.indirect_vreg.gather [hbm4b:s3+s15], $0x80, v5, vm0, $0xb8;
	[tilespmem:$0x18500] =	vst v63  }
0x2c6: {  	s23 =	simm.s32 $0x9C00  }
0x2c7: {  	[tilespmem:s23], [sflag:$0x1] =	stream.indirect_vreg.gather [hbm4b:s4+s15], $0x80, v5, vm0, $0xb8;
	[tilespmem:$0x18500] =	vst v63  }
0x2c8: {  	s17 =	simm.s32 $0xA400  }
0x2c9: {  	[tilespmem:s17], [sflag:$0x1] =	stream.indirect_vreg.gather [hbm4b:s30+s15], $0x80, v4, vm0, $0xb8;
	[tilespmem:$0x18500] =	vst v63  }
0x2ca: {  	s18 =	simm.s32 $0xAC00  }
0x2cb: {  	[tilespmem:s18], [sflag:$0x1] =	stream.indirect_vreg.gather [hbm4b:s2+s15], $0x80, v4, vm0, $0xb8;
	[tilespmem:$0x18500] =	vst v63  }
0x2cc: {  	s19 =	simm.s32 $0xB400  }
0x2cd: {  	[tilespmem:s19], [sflag:$0x1] =	stream.indirect_vreg.gather [hbm4b:s3+s15], $0x80, v4, vm0, $0xb8;
	[tilespmem:$0x18500] =	vst v63  }
0x2ce: {  	s21 =	simm.s32 $0xBC00  }
0x2cf: {  	[tilespmem:s21], [sflag:$0x1] =	stream.indirect_vreg.gather [hbm4b:s4+s15], $0x80, v4, vm0, $0xb8;
	[tilespmem:$0x18500] =	vst v63  }
0x2d0: {  	v4 =	vld [tilespmem:$0x50];
	_ =	sdelay $0x4  }
0x2d1: {  	v5 =	vshll.u32 v4, $0x3  }
0x2d2: {  	v4 =	vand.u32 $0x7, v4;
	v5 =	vand.u32 $0xFFFFFFC0, v5  }
0x2d3: {  	v4 =	vor.u32 v4, v5  }
0x2d4: {  	v5 =	vperm.xlane v4, v1;
	_ =	sdelay $0x1  }
0x2d5: {  	v5 =	vadd.s32 v2, v5;
	_ =	sdelay $0x3  }
0x2d6: {  	s22 =	simm.s32 $0xC400  }
0x2d7: {  	[tilespmem:s22], [sflag:$0x1] =	stream.indirect_vreg.gather [hbm4b:s30+s15], $0x80, v5, vm0, $0xb8;
	[tilespmem:$0x18500] =	vst v63  }
0x2d8: {  	s23 =	simm.s32 $0xCC00;
	v4 =	vperm.xlane v4, v3  }
0x2d9: {  	[tilespmem:s23], [sflag:$0x1] =	stream.indirect_vreg.gather [hbm4b:s2+s15], $0x80, v5, vm0, $0xb8;
	[tilespmem:$0x18500] =	vst v63  }
0x2da: {  	s17 =	simm.s32 $0xD400;
	v4 =	vadd.s32 v2, v4  }
0x2db: {  	[tilespmem:s17], [sflag:$0x1] =	stream.indirect_vreg.gather [hbm4b:s3+s15], $0x80, v5, vm0, $0xb8;
	[tilespmem:$0x18500] =	vst v63  }
0x2dc: {  	s18 =	simm.s32 $0xDC00  }
0x2dd: {  	[tilespmem:s18], [sflag:$0x1] =	stream.indirect_vreg.gather [hbm4b:s4+s15], $0x80, v5, vm0, $0xb8;
	[tilespmem:$0x18500] =	vst v63  }
0x2de: {  	s19 =	simm.s32 $0xE400  }
0x2df: {  	[tilespmem:s19], [sflag:$0x1] =	stream.indirect_vreg.gather [hbm4b:s30+s15], $0x80, v4, vm0, $0xb8;
	[tilespmem:$0x18500] =	vst v63  }
0x2e0: {  	s21 =	simm.s32 $0xEC00  }
0x2e1: {  	[tilespmem:s21], [sflag:$0x1] =	stream.indirect_vreg.gather [hbm4b:s2+s15], $0x80, v4, vm0, $0xb8;
	[tilespmem:$0x18500] =	vst v63  }
0x2e2: {  	s22 =	simm.s32 $0xF400  }
0x2e3: {  	[tilespmem:s22], [sflag:$0x1] =	stream.indirect_vreg.gather [hbm4b:s3+s15], $0x80, v4, vm0, $0xb8;
	[tilespmem:$0x18500] =	vst v63  }
0x2e4: {  	s23 =	simm.s32 $0xFC00  }
0x2e5: {  	[tilespmem:s23], [sflag:$0x1] =	stream.indirect_vreg.gather [hbm4b:s4+s15], $0x80, v4, vm0, $0xb8;
	[tilespmem:$0x18500] =	vst v63  }
0x2e6: {  	_ =	swait.ge [sflag:s13], $0x8000  }
0x2e7: {  	[sflag:s13] =	ssyncset.done $0x0  }
0x2e8: {  	s16 =	simm.s32 $0x0;
	[sflag:s13] =	ssyncadd.s32 $0xFFFF8000  }
.LBB2_32:
0x2e9: {  	s17 =	sshll.u32 s16, $0xA;
	s18 =	sshll.u32 s16, $0x7  }
0x2ea: {  	s17 =	sand.u32 $0x6000, s17;
	s18 =	sand.u32 $0x380, s18  }
0x2eb: {  	s23 =	sand.u32 $0x1C00, s15;
	s17 =	sor.u32 s17, s18  }
0x2ec: {  	s19 =	sand.u32 $0x70, s15;
	s18 =	sor.u32 s23, s17  }
0x2ed: {  	s18 =	sor.u32 s19, s18  }
0x2ee: {  	v4 =	vld [tilespmem:s18+$0x400]  }
0x2ef: {  	v5 =	vld [tilespmem:s18+$0x10400];
	_ =	sdelay $0x2  }
0x2f0: {  	s19 =	simm.s32 $0x80  }
0x2f1: {  	s21 =	simm.s32 $0x10;
	s23 =	sand.u32 $0x1C00, s19  }
0x2f2: {  	s22 =	sand.u32 $0x70, s21;
	s21 =	simm.s32 $0x20;
	s23 =	sor.u32 s23, s17;
	v4 =	vadd.f32 v4, v5  }
.LBB2_33:
0x2f3: {  	p0 =	sne.s32 s21, $0x3F0;
	s22 =	sor.u32 s22, s23  }
0x2f4: {  	v5 =	vld [tilespmem:s22+$0x400];
	[tilespmem:s18+$0x10400] =	vst v4;
	s18 =	smov.u32 s22  }
0x2f5: {  	v4 =	vld [tilespmem:s18+$0x10400]  }
.Ltmp15:
0x2f6: {  	(pc) =	sbr.rel @p0 .LBB2_33-.Ltmp15, $4  }
0x2f7: {  	_ = 	snop  }
0x2f8: {  	s19 =	sadd.s32 $0x80, s19  }
0x2f9: {  	s23 =	sand.u32 $0x1C00, s19  }
0x2fa: {  	s22 =	sand.u32 $0x70, s21;
	s21 =	sadd.s32 $0x10, s21;
	s23 =	sor.u32 s23, s17;
	v4 =	vadd.f32 v5, v4  }
0x2fb: {  	s17 =	sor.u32 s22, s23  }
0x2fc: {  	v5 =	vld [tilespmem:s17+$0x400];
	[tilespmem:s18+$0x10400] =	vst v4  }
0x2fd: {  	v4 =	vld [tilespmem:s17+$0x10400]  }
0x2fe: {  	s16 =	sadd.s32 $0x1, s16  }
0x2ff: {  	p0 =	sne.s32 s16, $0x20  }
.Ltmp16:
0x300: {  	_ = 	snop;
	(pc) =	sbr.rel @p0 .LBB2_32-.Ltmp16, $3  }
0x301: {  	_ = 	snop  }
0x302: {  	v4 =	vadd.f32 v5, v4;
	_ =	sdelay $0x1  }
0x303: {  	[tilespmem:s17+$0x10400] =	vst v4  }
0x304: {  	s16 =	sld [smem:$0x7EB];
	_ =	sdelay $0x1  }
0x305: {  	s15 =	simm.s32 $0x0  }
0x306: {  	[hbm4b:s16+s15] =	stream.linear.scatter [tilespmem:s20], [sflag:$0x4], $0x8000, $0x38;
	[tilespmem:$0x18500] =	vst v63  }
0x307: {  	s19 =	rddreg [dreg:$0x14];
	s17 =	simm.s32 $0x400  }
0x308: {  	[tilespmem:s17], [sflag:$0x5] =	stream.linear.gather [hbm4b:s19+s15], $0x8000, $0x38;
	[tilespmem:$0x18500] =	vst v63  }
0x309: {  	_ =	swait.ge [sflag:s31], $0x8000  }
0x30a: {  	[sflag:s31] =	ssyncset.done $0x0  }
0x30b: {  	[sflag:s31] =	ssyncadd.s32 $0xFFFF8000  }
0x30c: {  	_ =	swait.ge [sflag:s14], $0x8000  }
0x30d: {  	[sflag:s14] =	ssyncset.done $0x0  }
0x30e: {  	[sflag:s14] =	ssyncadd.s32 $0xFFFF8000  }
0x30f: {  	v4 =	vld [tilespmem:$0x140];
	_ =	sdelay $0x4  }
0x310: {  	v5 =	vshll.u32 v4, $0x3  }
0x311: {  	v4 =	vand.u32 $0x7, v4;
	v5 =	vand.u32 $0xFFFFFFC0, v5  }
0x312: {  	v4 =	vor.u32 v4, v5  }
0x313: {  	v5 =	vperm.xlane v4, v1;
	_ =	sdelay $0x1  }
0x314: {  	v5 =	vadd.s32 v2, v5;
	_ =	sdelay $0x4  }
0x315: {  	[tilespmem:s20], [sflag:$0x2] =	stream.indirect_vreg.gather [hbm4b:s30+s15], $0x80, v5, vm0, $0xb8;
	[tilespmem:$0x18500] =	vst v63  }
0x316: {  	s21 =	simm.s32 $0x10C00;
	v4 =	vperm.xlane v4, v3  }
0x317: {  	[tilespmem:s21], [sflag:$0x2] =	stream.indirect_vreg.gather [hbm4b:s2+s15], $0x80, v5, vm0, $0xb8;
	[tilespmem:$0x18500] =	vst v63  }
0x318: {  	s22 =	simm.s32 $0x11400;
	v4 =	vadd.s32 v2, v4  }
0x319: {  	[tilespmem:s22], [sflag:$0x2] =	stream.indirect_vreg.gather [hbm4b:s3+s15], $0x80, v5, vm0, $0xb8;
	[tilespmem:$0x18500] =	vst v63  }
0x31a: {  	s23 =	simm.s32 $0x11C00  }
0x31b: {  	[tilespmem:s23], [sflag:$0x2] =	stream.indirect_vreg.gather [hbm4b:s4+s15], $0x80, v5, vm0, $0xb8;
	[tilespmem:$0x18500] =	vst v63  }
0x31c: {  	_ = 	snop  }
0x31d: {  	[tilespmem:s24], [sflag:$0x2] =	stream.indirect_vreg.gather [hbm4b:s30+s15], $0x80, v4, vm0, $0xb8;
	[tilespmem:$0x18500] =	vst v63  }
0x31e: {  	_ = 	snop  }
0x31f: {  	[tilespmem:s25], [sflag:$0x2] =	stream.indirect_vreg.gather [hbm4b:s2+s15], $0x80, v4, vm0, $0xb8;
	[tilespmem:$0x18500] =	vst v63  }
0x320: {  	_ = 	snop  }
0x321: {  	[tilespmem:s29], [sflag:$0x2] =	stream.indirect_vreg.gather [hbm4b:s3+s15], $0x80, v4, vm0, $0xb8;
	[tilespmem:$0x18500] =	vst v63  }
0x322: {  	_ = 	snop  }
0x323: {  	[tilespmem:s28], [sflag:$0x2] =	stream.indirect_vreg.gather [hbm4b:s4+s15], $0x80, v4, vm0, $0xb8;
	[tilespmem:$0x18500] =	vst v63  }
0x324: {  	v4 =	vld [tilespmem:$0x150];
	_ =	sdelay $0x4  }
0x325: {  	v5 =	vshll.u32 v4, $0x3  }
0x326: {  	v4 =	vand.u32 $0x7, v4;
	v5 =	vand.u32 $0xFFFFFFC0, v5  }
0x327: {  	v4 =	vor.u32 v4, v5  }
0x328: {  	v5 =	vperm.xlane v4, v1;
	_ =	sdelay $0x1  }
0x329: {  	v5 =	vadd.s32 v2, v5;
	_ =	sdelay $0x4  }
0x32a: {  	[tilespmem:s1], [sflag:$0x2] =	stream.indirect_vreg.gather [hbm4b:s30+s15], $0x80, v5, vm0, $0xb8;
	[tilespmem:$0x18500] =	vst v63  }
0x32b: {  	v4 =	vperm.xlane v4, v3  }
0x32c: {  	[tilespmem:s26], [sflag:$0x2] =	stream.indirect_vreg.gather [hbm4b:s2+s15], $0x80, v5, vm0, $0xb8;
	[tilespmem:$0x18500] =	vst v63  }
0x32d: {  	v4 =	vadd.s32 v2, v4  }
0x32e: {  	[tilespmem:s5], [sflag:$0x2] =	stream.indirect_vreg.gather [hbm4b:s3+s15], $0x80, v5, vm0, $0xb8;
	[tilespmem:$0x18500] =	vst v63  }
0x32f: {  	_ = 	snop  }
0x330: {  	[tilespmem:s6], [sflag:$0x2] =	stream.indirect_vreg.gather [hbm4b:s4+s15], $0x80, v5, vm0, $0xb8;
	[tilespmem:$0x18500] =	vst v63  }
0x331: {  	_ = 	snop  }
0x332: {  	[tilespmem:s7], [sflag:$0x2] =	stream.indirect_vreg.gather [hbm4b:s30+s15], $0x80, v4, vm0, $0xb8;
	[tilespmem:$0x18500] =	vst v63  }
0x333: {  	_ = 	snop  }
0x334: {  	[tilespmem:s8], [sflag:$0x2] =	stream.indirect_vreg.gather [hbm4b:s2+s15], $0x80, v4, vm0, $0xb8;
	[tilespmem:$0x18500] =	vst v63  }
0x335: {  	_ = 	snop  }
0x336: {  	[tilespmem:s9], [sflag:$0x2] =	stream.indirect_vreg.gather [hbm4b:s3+s15], $0x80, v4, vm0, $0xb8;
	[tilespmem:$0x18500] =	vst v63  }
0x337: {  	_ = 	snop  }
0x338: {  	[tilespmem:s10], [sflag:$0x2] =	stream.indirect_vreg.gather [hbm4b:s4+s15], $0x80, v4, vm0, $0xb8;
	[tilespmem:$0x18500] =	vst v63  }
0x339: {  	_ =	swait.ge [sflag:s11], $0x8000  }
0x33a: {  	[sflag:s11] =	ssyncset.done $0x0  }
0x33b: {  	s16 =	simm.s32 $0x0;
	[sflag:s11] =	ssyncadd.s32 $0xFFFF8000  }
.LBB2_36:
0x33c: {  	s17 =	sshll.u32 s16, $0xA;
	s18 =	sshll.u32 s16, $0x7  }
0x33d: {  	s17 =	sand.u32 $0x6000, s17;
	s18 =	sand.u32 $0x380, s18  }
0x33e: {  	s23 =	sand.u32 $0x1C00, s15;
	s17 =	sor.u32 s17, s18  }
0x33f: {  	s19 =	sand.u32 $0x70, s15;
	s18 =	sor.u32 s23, s17  }
0x340: {  	s18 =	sor.u32 s19, s18  }
0x341: {  	v4 =	vld [tilespmem:s18+$0x400]  }
0x342: {  	v5 =	vld [tilespmem:s18+$0x8400];
	_ =	sdelay $0x2  }
0x343: {  	s19 =	simm.s32 $0x80  }
0x344: {  	s21 =	simm.s32 $0x10;
	s23 =	sand.u32 $0x1C00, s19  }
0x345: {  	s22 =	sand.u32 $0x70, s21;
	s21 =	simm.s32 $0x20;
	s23 =	sor.u32 s23, s17;
	v4 =	vadd.f32 v4, v5  }
.LBB2_37:
0x346: {  	p0 =	sne.s32 s21, $0x3F0;
	s22 =	sor.u32 s22, s23  }
0x347: {  	v5 =	vld [tilespmem:s22+$0x400];
	[tilespmem:s18+$0x8400] =	vst v4;
	s18 =	smov.u32 s22  }
0x348: {  	v4 =	vld [tilespmem:s18+$0x8400]  }
.Ltmp17:
0x349: {  	(pc) =	sbr.rel @p0 .LBB2_37-.Ltmp17, $4  }
0x34a: {  	_ = 	snop  }
0x34b: {  	s19 =	sadd.s32 $0x80, s19  }
0x34c: {  	s23 =	sand.u32 $0x1C00, s19  }
0x34d: {  	s22 =	sand.u32 $0x70, s21;
	s21 =	sadd.s32 $0x10, s21;
	s23 =	sor.u32 s23, s17;
	v4 =	vadd.f32 v5, v4  }
0x34e: {  	s17 =	sor.u32 s22, s23  }
0x34f: {  	v5 =	vld [tilespmem:s17+$0x400];
	[tilespmem:s18+$0x8400] =	vst v4  }
0x350: {  	v4 =	vld [tilespmem:s17+$0x8400]  }
0x351: {  	s16 =	sadd.s32 $0x1, s16  }
0x352: {  	p0 =	sne.s32 s16, $0x20  }
.Ltmp18:
0x353: {  	_ = 	snop;
	(pc) =	sbr.rel @p0 .LBB2_36-.Ltmp18, $3  }
0x354: {  	_ = 	snop  }
0x355: {  	v4 =	vadd.f32 v5, v4;
	_ =	sdelay $0x1  }
0x356: {  	[tilespmem:s17+$0x8400] =	vst v4  }
0x357: {  	s15 =	simm.s32 $0x0;
	s16 =	rddreg [dreg:$0x15]  }
0x358: {  	[hbm4b:s16+s15] =	stream.linear.scatter [tilespmem:s0], [sflag:$0x3], $0x8000, $0x38;
	[tilespmem:$0x18500] =	vst v63  }
0x359: {  	_ =	swait.ge [sflag:s12], $0x8000  }
0x35a: {  	[sflag:s12] =	ssyncset.done $0x0  }
0x35b: {  	[sflag:s12] =	ssyncadd.s32 $0xFFFF8000  }
0x35c: {  	v4 =	vld [tilespmem:$0x240];
	_ =	sdelay $0x4  }
0x35d: {  	v5 =	vshll.u32 v4, $0x3  }
0x35e: {  	v4 =	vand.u32 $0x7, v4;
	v5 =	vand.u32 $0xFFFFFFC0, v5  }
0x35f: {  	v4 =	vor.u32 v4, v5  }
0x360: {  	v5 =	vperm.xlane v4, v1;
	_ =	sdelay $0x1  }
0x361: {  	v5 =	vadd.s32 v2, v5;
	_ =	sdelay $0x4  }
0x362: {  	[tilespmem:s0], [sflag:$0x1] =	stream.indirect_vreg.gather [hbm4b:s30+s15], $0x80, v5, vm0, $0xb8;
	[tilespmem:$0x18500] =	vst v63  }
0x363: {  	s21 =	simm.s32 $0x8C00;
	v4 =	vperm.xlane v4, v3  }
0x364: {  	[tilespmem:s21], [sflag:$0x1] =	stream.indirect_vreg.gather [hbm4b:s2+s15], $0x80, v5, vm0, $0xb8;
	[tilespmem:$0x18500] =	vst v63  }
0x365: {  	s22 =	simm.s32 $0x9400;
	v4 =	vadd.s32 v2, v4  }
0x366: {  	[tilespmem:s22], [sflag:$0x1] =	stream.indirect_vreg.gather [hbm4b:s3+s15], $0x80, v5, vm0, $0xb8;
	[tilespmem:$0x18500] =	vst v63  }
0x367: {  	s23 =	simm.s32 $0x9C00  }
0x368: {  	[tilespmem:s23], [sflag:$0x1] =	stream.indirect_vreg.gather [hbm4b:s4+s15], $0x80, v5, vm0, $0xb8;
	[tilespmem:$0x18500] =	vst v63  }
0x369: {  	s17 =	simm.s32 $0xA400  }
0x36a: {  	[tilespmem:s17], [sflag:$0x1] =	stream.indirect_vreg.gather [hbm4b:s30+s15], $0x80, v4, vm0, $0xb8;
	[tilespmem:$0x18500] =	vst v63  }
0x36b: {  	s18 =	simm.s32 $0xAC00  }
0x36c: {  	[tilespmem:s18], [sflag:$0x1] =	stream.indirect_vreg.gather [hbm4b:s2+s15], $0x80, v4, vm0, $0xb8;
	[tilespmem:$0x18500] =	vst v63  }
0x36d: {  	s19 =	simm.s32 $0xB400  }
0x36e: {  	[tilespmem:s19], [sflag:$0x1] =	stream.indirect_vreg.gather [hbm4b:s3+s15], $0x80, v4, vm0, $0xb8;
	[tilespmem:$0x18500] =	vst v63  }
0x36f: {  	s21 =	simm.s32 $0xBC00  }
0x370: {  	[tilespmem:s21], [sflag:$0x1] =	stream.indirect_vreg.gather [hbm4b:s4+s15], $0x80, v4, vm0, $0xb8;
	[tilespmem:$0x18500] =	vst v63  }
0x371: {  	v4 =	vld [tilespmem:$0x250];
	_ =	sdelay $0x4  }
0x372: {  	v5 =	vshll.u32 v4, $0x3  }
0x373: {  	v4 =	vand.u32 $0x7, v4;
	v5 =	vand.u32 $0xFFFFFFC0, v5  }
0x374: {  	v4 =	vor.u32 v4, v5  }
0x375: {  	v5 =	vperm.xlane v4, v1;
	_ =	sdelay $0x1  }
0x376: {  	v5 =	vadd.s32 v2, v5;
	_ =	sdelay $0x3  }
0x377: {  	s22 =	simm.s32 $0xC400  }
0x378: {  	[tilespmem:s22], [sflag:$0x1] =	stream.indirect_vreg.gather [hbm4b:s30+s15], $0x80, v5, vm0, $0xb8;
	[tilespmem:$0x18500] =	vst v63  }
0x379: {  	s23 =	simm.s32 $0xCC00;
	v4 =	vperm.xlane v4, v3  }
0x37a: {  	[tilespmem:s23], [sflag:$0x1] =	stream.indirect_vreg.gather [hbm4b:s2+s15], $0x80, v5, vm0, $0xb8;
	[tilespmem:$0x18500] =	vst v63  }
0x37b: {  	s17 =	simm.s32 $0xD400;
	v4 =	vadd.s32 v2, v4  }
0x37c: {  	[tilespmem:s17], [sflag:$0x1] =	stream.indirect_vreg.gather [hbm4b:s3+s15], $0x80, v5, vm0, $0xb8;
	[tilespmem:$0x18500] =	vst v63  }
0x37d: {  	s18 =	simm.s32 $0xDC00  }
0x37e: {  	[tilespmem:s18], [sflag:$0x1] =	stream.indirect_vreg.gather [hbm4b:s4+s15], $0x80, v5, vm0, $0xb8;
	[tilespmem:$0x18500] =	vst v63  }
0x37f: {  	s19 =	simm.s32 $0xE400  }
0x380: {  	[tilespmem:s19], [sflag:$0x1] =	stream.indirect_vreg.gather [hbm4b:s30+s15], $0x80, v4, vm0, $0xb8;
	[tilespmem:$0x18500] =	vst v63  }
0x381: {  	s21 =	simm.s32 $0xEC00  }
0x382: {  	[tilespmem:s21], [sflag:$0x1] =	stream.indirect_vreg.gather [hbm4b:s2+s15], $0x80, v4, vm0, $0xb8;
	[tilespmem:$0x18500] =	vst v63  }
0x383: {  	s22 =	simm.s32 $0xF400  }
0x384: {  	[tilespmem:s22], [sflag:$0x1] =	stream.indirect_vreg.gather [hbm4b:s3+s15], $0x80, v4, vm0, $0xb8;
	[tilespmem:$0x18500] =	vst v63  }
0x385: {  	s23 =	simm.s32 $0xFC00  }
0x386: {  	[tilespmem:s23], [sflag:$0x1] =	stream.indirect_vreg.gather [hbm4b:s4+s15], $0x80, v4, vm0, $0xb8;
	[tilespmem:$0x18500] =	vst v63  }
0x387: {  	_ =	swait.ge [sflag:s13], $0x8000  }
0x388: {  	[sflag:s13] =	ssyncset.done $0x0  }
0x389: {  	s16 =	simm.s32 $0x0;
	[sflag:s13] =	ssyncadd.s32 $0xFFFF8000  }
.LBB2_40:
0x38a: {  	s17 =	sshll.u32 s16, $0xA;
	s18 =	sshll.u32 s16, $0x7  }
0x38b: {  	s17 =	sand.u32 $0x6000, s17;
	s18 =	sand.u32 $0x380, s18  }
0x38c: {  	s23 =	sand.u32 $0x1C00, s15;
	s17 =	sor.u32 s17, s18  }
0x38d: {  	s19 =	sand.u32 $0x70, s15;
	s18 =	sor.u32 s23, s17  }
0x38e: {  	s18 =	sor.u32 s19, s18  }
0x38f: {  	v4 =	vld [tilespmem:s18+$0x400]  }
0x390: {  	v5 =	vld [tilespmem:s18+$0x10400];
	_ =	sdelay $0x2  }
0x391: {  	s19 =	simm.s32 $0x80  }
0x392: {  	s21 =	simm.s32 $0x10;
	s23 =	sand.u32 $0x1C00, s19  }
0x393: {  	s22 =	sand.u32 $0x70, s21;
	s21 =	simm.s32 $0x20;
	s23 =	sor.u32 s23, s17;
	v4 =	vadd.f32 v4, v5  }
.LBB2_41:
0x394: {  	p0 =	sne.s32 s21, $0x3F0;
	s22 =	sor.u32 s22, s23  }
0x395: {  	v5 =	vld [tilespmem:s22+$0x400];
	[tilespmem:s18+$0x10400] =	vst v4;
	s18 =	smov.u32 s22  }
0x396: {  	v4 =	vld [tilespmem:s18+$0x10400]  }
.Ltmp19:
0x397: {  	(pc) =	sbr.rel @p0 .LBB2_41-.Ltmp19, $4  }
0x398: {  	_ = 	snop  }
0x399: {  	s19 =	sadd.s32 $0x80, s19  }
0x39a: {  	s23 =	sand.u32 $0x1C00, s19  }
0x39b: {  	s22 =	sand.u32 $0x70, s21;
	s21 =	sadd.s32 $0x10, s21;
	s23 =	sor.u32 s23, s17;
	v4 =	vadd.f32 v5, v4  }
0x39c: {  	s17 =	sor.u32 s22, s23  }
0x39d: {  	v5 =	vld [tilespmem:s17+$0x400];
	[tilespmem:s18+$0x10400] =	vst v4  }
0x39e: {  	v4 =	vld [tilespmem:s17+$0x10400]  }
0x39f: {  	s16 =	sadd.s32 $0x1, s16  }
0x3a0: {  	p0 =	sne.s32 s16, $0x20  }
.Ltmp20:
0x3a1: {  	_ = 	snop;
	(pc) =	sbr.rel @p0 .LBB2_40-.Ltmp20, $3  }
0x3a2: {  	_ = 	snop  }
0x3a3: {  	v4 =	vadd.f32 v5, v4;
	_ =	sdelay $0x1  }
0x3a4: {  	[tilespmem:s17+$0x10400] =	vst v4  }
0x3a5: {  	s16 =	sld [smem:$0x7EC];
	_ =	sdelay $0x1  }
0x3a6: {  	s15 =	simm.s32 $0x0  }
0x3a7: {  	[hbm4b:s16+s15] =	stream.linear.scatter [tilespmem:s20], [sflag:$0x4], $0x8000, $0x38;
	[tilespmem:$0x18500] =	vst v63  }
0x3a8: {  	_ =	swait.ge [sflag:s14], $0x8000  }
0x3a9: {  	[sflag:s14] =	ssyncset.done $0x0  }
0x3aa: {  	[sflag:s14] =	ssyncadd.s32 $0xFFFF8000  }
0x3ab: {  	v4 =	vld [tilespmem:$0x340];
	_ =	sdelay $0x4  }
0x3ac: {  	v5 =	vshll.u32 v4, $0x3  }
0x3ad: {  	v4 =	vand.u32 $0x7, v4;
	v5 =	vand.u32 $0xFFFFFFC0, v5  }
0x3ae: {  	v4 =	vor.u32 v4, v5  }
0x3af: {  	v5 =	vperm.xlane v4, v1;
	_ =	sdelay $0x1  }
0x3b0: {  	v5 =	vadd.s32 v2, v5;
	_ =	sdelay $0x4  }
0x3b1: {  	[tilespmem:s20], [sflag:$0x2] =	stream.indirect_vreg.gather [hbm4b:s30+s15], $0x80, v5, vm0, $0xb8;
	[tilespmem:$0x18500] =	vst v63  }
0x3b2: {  	s21 =	simm.s32 $0x10C00;
	v4 =	vperm.xlane v4, v3  }
0x3b3: {  	[tilespmem:s21], [sflag:$0x2] =	stream.indirect_vreg.gather [hbm4b:s2+s15], $0x80, v5, vm0, $0xb8;
	[tilespmem:$0x18500] =	vst v63  }
0x3b4: {  	s22 =	simm.s32 $0x11400;
	v4 =	vadd.s32 v2, v4  }
0x3b5: {  	[tilespmem:s22], [sflag:$0x2] =	stream.indirect_vreg.gather [hbm4b:s3+s15], $0x80, v5, vm0, $0xb8;
	[tilespmem:$0x18500] =	vst v63  }
0x3b6: {  	s23 =	simm.s32 $0x11C00  }
0x3b7: {  	[tilespmem:s23], [sflag:$0x2] =	stream.indirect_vreg.gather [hbm4b:s4+s15], $0x80, v5, vm0, $0xb8;
	[tilespmem:$0x18500] =	vst v63  }
0x3b8: {  	_ = 	snop  }
0x3b9: {  	[tilespmem:s24], [sflag:$0x2] =	stream.indirect_vreg.gather [hbm4b:s30+s15], $0x80, v4, vm0, $0xb8;
	[tilespmem:$0x18500] =	vst v63  }
0x3ba: {  	_ = 	snop  }
0x3bb: {  	[tilespmem:s25], [sflag:$0x2] =	stream.indirect_vreg.gather [hbm4b:s2+s15], $0x80, v4, vm0, $0xb8;
	[tilespmem:$0x18500] =	vst v63  }
0x3bc: {  	_ = 	snop  }
0x3bd: {  	[tilespmem:s29], [sflag:$0x2] =	stream.indirect_vreg.gather [hbm4b:s3+s15], $0x80, v4, vm0, $0xb8;
	[tilespmem:$0x18500] =	vst v63  }
0x3be: {  	_ = 	snop  }
0x3bf: {  	[tilespmem:s28], [sflag:$0x2] =	stream.indirect_vreg.gather [hbm4b:s4+s15], $0x80, v4, vm0, $0xb8;
	[tilespmem:$0x18500] =	vst v63  }
0x3c0: {  	v4 =	vld [tilespmem:$0x350];
	_ =	sdelay $0x4  }
0x3c1: {  	v5 =	vshll.u32 v4, $0x3  }
0x3c2: {  	v4 =	vand.u32 $0x7, v4;
	v5 =	vand.u32 $0xFFFFFFC0, v5  }
0x3c3: {  	v4 =	vor.u32 v4, v5  }
0x3c4: {  	v5 =	vperm.xlane v4, v1;
	_ =	sdelay $0x1  }
0x3c5: {  	v5 =	vadd.s32 v2, v5;
	_ =	sdelay $0x4  }
0x3c6: {  	[tilespmem:s1], [sflag:$0x2] =	stream.indirect_vreg.gather [hbm4b:s30+s15], $0x80, v5, vm0, $0xb8;
	[tilespmem:$0x18500] =	vst v63  }
0x3c7: {  	v4 =	vperm.xlane v4, v3  }
0x3c8: {  	[tilespmem:s26], [sflag:$0x2] =	stream.indirect_vreg.gather [hbm4b:s2+s15], $0x80, v5, vm0, $0xb8;
	[tilespmem:$0x18500] =	vst v63  }
0x3c9: {  	v4 =	vadd.s32 v2, v4  }
0x3ca: {  	[tilespmem:s5], [sflag:$0x2] =	stream.indirect_vreg.gather [hbm4b:s3+s15], $0x80, v5, vm0, $0xb8;
	[tilespmem:$0x18500] =	vst v63  }
0x3cb: {  	_ = 	snop  }
0x3cc: {  	[tilespmem:s6], [sflag:$0x2] =	stream.indirect_vreg.gather [hbm4b:s4+s15], $0x80, v5, vm0, $0xb8;
	[tilespmem:$0x18500] =	vst v63  }
0x3cd: {  	_ = 	snop  }
0x3ce: {  	[tilespmem:s7], [sflag:$0x2] =	stream.indirect_vreg.gather [hbm4b:s30+s15], $0x80, v4, vm0, $0xb8;
	[tilespmem:$0x18500] =	vst v63  }
0x3cf: {  	_ = 	snop  }
0x3d0: {  	[tilespmem:s8], [sflag:$0x2] =	stream.indirect_vreg.gather [hbm4b:s2+s15], $0x80, v4, vm0, $0xb8;
	[tilespmem:$0x18500] =	vst v63  }
0x3d1: {  	_ = 	snop  }
0x3d2: {  	[tilespmem:s9], [sflag:$0x2] =	stream.indirect_vreg.gather [hbm4b:s3+s15], $0x80, v4, vm0, $0xb8;
	[tilespmem:$0x18500] =	vst v63  }
0x3d3: {  	_ = 	snop  }
0x3d4: {  	[tilespmem:s10], [sflag:$0x2] =	stream.indirect_vreg.gather [hbm4b:s4+s15], $0x80, v4, vm0, $0xb8;
	[tilespmem:$0x18500] =	vst v63  }
0x3d5: {  	_ =	swait.ge [sflag:s11], $0x8000  }
0x3d6: {  	[sflag:s11] =	ssyncset.done $0x0  }
0x3d7: {  	s16 =	simm.s32 $0x0;
	[sflag:s11] =	ssyncadd.s32 $0xFFFF8000  }
.LBB2_44:
0x3d8: {  	s17 =	sshll.u32 s16, $0xA;
	s18 =	sshll.u32 s16, $0x7  }
0x3d9: {  	s17 =	sand.u32 $0x6000, s17;
	s18 =	sand.u32 $0x380, s18  }
0x3da: {  	s23 =	sand.u32 $0x1C00, s15;
	s17 =	sor.u32 s17, s18  }
0x3db: {  	s19 =	sand.u32 $0x70, s15;
	s18 =	sor.u32 s23, s17  }
0x3dc: {  	s18 =	sor.u32 s19, s18  }
0x3dd: {  	v4 =	vld [tilespmem:s18+$0x400]  }
0x3de: {  	v5 =	vld [tilespmem:s18+$0x8400];
	_ =	sdelay $0x2  }
0x3df: {  	s19 =	simm.s32 $0x80  }
0x3e0: {  	s21 =	simm.s32 $0x10;
	s23 =	sand.u32 $0x1C00, s19  }
0x3e1: {  	s22 =	sand.u32 $0x70, s21;
	s21 =	simm.s32 $0x20;
	s23 =	sor.u32 s23, s17;
	v4 =	vadd.f32 v4, v5  }
.LBB2_45:
0x3e2: {  	p0 =	sne.s32 s21, $0x3F0;
	s22 =	sor.u32 s22, s23  }
0x3e3: {  	v5 =	vld [tilespmem:s22+$0x400];
	[tilespmem:s18+$0x8400] =	vst v4;
	s18 =	smov.u32 s22  }
0x3e4: {  	v4 =	vld [tilespmem:s18+$0x8400]  }
.Ltmp21:
0x3e5: {  	(pc) =	sbr.rel @p0 .LBB2_45-.Ltmp21, $4  }
0x3e6: {  	_ = 	snop  }
0x3e7: {  	s19 =	sadd.s32 $0x80, s19  }
0x3e8: {  	s23 =	sand.u32 $0x1C00, s19  }
0x3e9: {  	s22 =	sand.u32 $0x70, s21;
	s21 =	sadd.s32 $0x10, s21;
	s23 =	sor.u32 s23, s17;
	v4 =	vadd.f32 v5, v4  }
0x3ea: {  	s17 =	sor.u32 s22, s23  }
0x3eb: {  	v5 =	vld [tilespmem:s17+$0x400];
	[tilespmem:s18+$0x8400] =	vst v4  }
0x3ec: {  	v4 =	vld [tilespmem:s17+$0x8400]  }
0x3ed: {  	s16 =	sadd.s32 $0x1, s16  }
0x3ee: {  	p0 =	sne.s32 s16, $0x20  }
.Ltmp22:
0x3ef: {  	_ = 	snop;
	(pc) =	sbr.rel @p0 .LBB2_44-.Ltmp22, $3  }
0x3f0: {  	_ = 	snop  }
0x3f1: {  	v4 =	vadd.f32 v5, v4;
	_ =	sdelay $0x1  }
0x3f2: {  	[tilespmem:s17+$0x8400] =	vst v4  }
0x3f3: {  	s16 =	sld [smem:$0x7ED];
	_ =	sdelay $0x1  }
0x3f4: {  	s15 =	simm.s32 $0x0  }
0x3f5: {  	[hbm4b:s16+s15] =	stream.linear.scatter [tilespmem:s0], [sflag:$0x3], $0x8000, $0x38;
	[tilespmem:$0x18500] =	vst v63  }
0x3f6: {  	_ =	swait.ge [sflag:s12], $0x8000  }
0x3f7: {  	[sflag:s12] =	ssyncset.done $0x0  }
0x3f8: {  	[sflag:s12] =	ssyncadd.s32 $0xFFFF8000  }
0x3f9: {  	v4 =	vld [tilespmem:$0x60];
	_ =	sdelay $0x4  }
0x3fa: {  	v5 =	vshll.u32 v4, $0x3  }
0x3fb: {  	v4 =	vand.u32 $0x7, v4;
	v5 =	vand.u32 $0xFFFFFFC0, v5  }
0x3fc: {  	v4 =	vor.u32 v4, v5  }
0x3fd: {  	v5 =	vperm.xlane v4, v1;
	_ =	sdelay $0x1  }
0x3fe: {  	v5 =	vadd.s32 v2, v5;
	_ =	sdelay $0x4  }
0x3ff: {  	[tilespmem:s0], [sflag:$0x1] =	stream.indirect_vreg.gather [hbm4b:s30+s15], $0x80, v5, vm0, $0xb8;
	[tilespmem:$0x18500] =	vst v63  }
0x400: {  	s21 =	simm.s32 $0x8C00;
	v4 =	vperm.xlane v4, v3  }
0x401: {  	[tilespmem:s21], [sflag:$0x1] =	stream.indirect_vreg.gather [hbm4b:s2+s15], $0x80, v5, vm0, $0xb8;
	[tilespmem:$0x18500] =	vst v63  }
0x402: {  	s22 =	simm.s32 $0x9400;
	v4 =	vadd.s32 v2, v4  }
0x403: {  	[tilespmem:s22], [sflag:$0x1] =	stream.indirect_vreg.gather [hbm4b:s3+s15], $0x80, v5, vm0, $0xb8;
	[tilespmem:$0x18500] =	vst v63  }
0x404: {  	s23 =	simm.s32 $0x9C00  }
0x405: {  	[tilespmem:s23], [sflag:$0x1] =	stream.indirect_vreg.gather [hbm4b:s4+s15], $0x80, v5, vm0, $0xb8;
	[tilespmem:$0x18500] =	vst v63  }
0x406: {  	s17 =	simm.s32 $0xA400  }
0x407: {  	[tilespmem:s17], [sflag:$0x1] =	stream.indirect_vreg.gather [hbm4b:s30+s15], $0x80, v4, vm0, $0xb8;
	[tilespmem:$0x18500] =	vst v63  }
0x408: {  	s18 =	simm.s32 $0xAC00  }
0x409: {  	[tilespmem:s18], [sflag:$0x1] =	stream.indirect_vreg.gather [hbm4b:s2+s15], $0x80, v4, vm0, $0xb8;
	[tilespmem:$0x18500] =	vst v63  }
0x40a: {  	s19 =	simm.s32 $0xB400  }
0x40b: {  	[tilespmem:s19], [sflag:$0x1] =	stream.indirect_vreg.gather [hbm4b:s3+s15], $0x80, v4, vm0, $0xb8;
	[tilespmem:$0x18500] =	vst v63  }
0x40c: {  	s21 =	simm.s32 $0xBC00  }
0x40d: {  	[tilespmem:s21], [sflag:$0x1] =	stream.indirect_vreg.gather [hbm4b:s4+s15], $0x80, v4, vm0, $0xb8;
	[tilespmem:$0x18500] =	vst v63  }
0x40e: {  	v4 =	vld [tilespmem:$0x70];
	_ =	sdelay $0x4  }
0x40f: {  	v5 =	vshll.u32 v4, $0x3  }
0x410: {  	v4 =	vand.u32 $0x7, v4;
	v5 =	vand.u32 $0xFFFFFFC0, v5  }
0x411: {  	v4 =	vor.u32 v4, v5  }
0x412: {  	v5 =	vperm.xlane v4, v1;
	_ =	sdelay $0x1  }
0x413: {  	v5 =	vadd.s32 v2, v5;
	_ =	sdelay $0x3  }
0x414: {  	s22 =	simm.s32 $0xC400  }
0x415: {  	[tilespmem:s22], [sflag:$0x1] =	stream.indirect_vreg.gather [hbm4b:s30+s15], $0x80, v5, vm0, $0xb8;
	[tilespmem:$0x18500] =	vst v63  }
0x416: {  	s23 =	simm.s32 $0xCC00;
	v4 =	vperm.xlane v4, v3  }
0x417: {  	[tilespmem:s23], [sflag:$0x1] =	stream.indirect_vreg.gather [hbm4b:s2+s15], $0x80, v5, vm0, $0xb8;
	[tilespmem:$0x18500] =	vst v63  }
0x418: {  	s17 =	simm.s32 $0xD400;
	v4 =	vadd.s32 v2, v4  }
0x419: {  	[tilespmem:s17], [sflag:$0x1] =	stream.indirect_vreg.gather [hbm4b:s3+s15], $0x80, v5, vm0, $0xb8;
	[tilespmem:$0x18500] =	vst v63  }
0x41a: {  	s18 =	simm.s32 $0xDC00  }
0x41b: {  	[tilespmem:s18], [sflag:$0x1] =	stream.indirect_vreg.gather [hbm4b:s4+s15], $0x80, v5, vm0, $0xb8;
	[tilespmem:$0x18500] =	vst v63  }
0x41c: {  	s19 =	simm.s32 $0xE400  }
0x41d: {  	[tilespmem:s19], [sflag:$0x1] =	stream.indirect_vreg.gather [hbm4b:s30+s15], $0x80, v4, vm0, $0xb8;
	[tilespmem:$0x18500] =	vst v63  }
0x41e: {  	s21 =	simm.s32 $0xEC00  }
0x41f: {  	[tilespmem:s21], [sflag:$0x1] =	stream.indirect_vreg.gather [hbm4b:s2+s15], $0x80, v4, vm0, $0xb8;
	[tilespmem:$0x18500] =	vst v63  }
0x420: {  	s22 =	simm.s32 $0xF400  }
0x421: {  	[tilespmem:s22], [sflag:$0x1] =	stream.indirect_vreg.gather [hbm4b:s3+s15], $0x80, v4, vm0, $0xb8;
	[tilespmem:$0x18500] =	vst v63  }
0x422: {  	s23 =	simm.s32 $0xFC00  }
0x423: {  	[tilespmem:s23], [sflag:$0x1] =	stream.indirect_vreg.gather [hbm4b:s4+s15], $0x80, v4, vm0, $0xb8;
	[tilespmem:$0x18500] =	vst v63  }
0x424: {  	_ =	swait.ge [sflag:s13], $0x8000  }
0x425: {  	[sflag:s13] =	ssyncset.done $0x0  }
0x426: {  	s16 =	simm.s32 $0x0;
	[sflag:s13] =	ssyncadd.s32 $0xFFFF8000  }
.LBB2_48:
0x427: {  	s17 =	sshll.u32 s16, $0xA;
	s18 =	sshll.u32 s16, $0x7  }
0x428: {  	s17 =	sand.u32 $0x6000, s17;
	s18 =	sand.u32 $0x380, s18  }
0x429: {  	s23 =	sand.u32 $0x1C00, s15;
	s17 =	sor.u32 s17, s18  }
0x42a: {  	s19 =	sand.u32 $0x70, s15;
	s18 =	sor.u32 s23, s17  }
0x42b: {  	s18 =	sor.u32 s19, s18  }
0x42c: {  	v4 =	vld [tilespmem:s18+$0x400]  }
0x42d: {  	v5 =	vld [tilespmem:s18+$0x10400];
	_ =	sdelay $0x2  }
0x42e: {  	s19 =	simm.s32 $0x80  }
0x42f: {  	s21 =	simm.s32 $0x10;
	s23 =	sand.u32 $0x1C00, s19  }
0x430: {  	s22 =	sand.u32 $0x70, s21;
	s21 =	simm.s32 $0x20;
	s23 =	sor.u32 s23, s17;
	v4 =	vadd.f32 v4, v5  }
.LBB2_49:
0x431: {  	p0 =	sne.s32 s21, $0x3F0;
	s22 =	sor.u32 s22, s23  }
0x432: {  	v5 =	vld [tilespmem:s22+$0x400];
	[tilespmem:s18+$0x10400] =	vst v4;
	s18 =	smov.u32 s22  }
0x433: {  	v4 =	vld [tilespmem:s18+$0x10400]  }
.Ltmp23:
0x434: {  	(pc) =	sbr.rel @p0 .LBB2_49-.Ltmp23, $4  }
0x435: {  	_ = 	snop  }
0x436: {  	s19 =	sadd.s32 $0x80, s19  }
0x437: {  	s23 =	sand.u32 $0x1C00, s19  }
0x438: {  	s22 =	sand.u32 $0x70, s21;
	s21 =	sadd.s32 $0x10, s21;
	s23 =	sor.u32 s23, s17;
	v4 =	vadd.f32 v5, v4  }
0x439: {  	s17 =	sor.u32 s22, s23  }
0x43a: {  	v5 =	vld [tilespmem:s17+$0x400];
	[tilespmem:s18+$0x10400] =	vst v4  }
0x43b: {  	v4 =	vld [tilespmem:s17+$0x10400]  }
0x43c: {  	s16 =	sadd.s32 $0x1, s16  }
0x43d: {  	p0 =	sne.s32 s16, $0x20  }
.Ltmp24:
0x43e: {  	_ = 	snop;
	(pc) =	sbr.rel @p0 .LBB2_48-.Ltmp24, $3  }
0x43f: {  	_ = 	snop  }
0x440: {  	v4 =	vadd.f32 v5, v4;
	_ =	sdelay $0x1  }
0x441: {  	[tilespmem:s17+$0x10400] =	vst v4  }
0x442: {  	s16 =	sld [smem:$0x7EE];
	_ =	sdelay $0x1  }
0x443: {  	s15 =	simm.s32 $0x0  }
0x444: {  	[hbm4b:s16+s15] =	stream.linear.scatter [tilespmem:s20], [sflag:$0x4], $0x8000, $0x38;
	[tilespmem:$0x18500] =	vst v63  }
0x445: {  	s19 =	rddreg [dreg:$0x16];
	s17 =	simm.s32 $0x400  }
0x446: {  	[tilespmem:s17], [sflag:$0x5] =	stream.linear.gather [hbm4b:s19+s15], $0x8000, $0x38;
	[tilespmem:$0x18500] =	vst v63  }
0x447: {  	_ =	swait.ge [sflag:s31], $0x8000  }
0x448: {  	[sflag:s31] =	ssyncset.done $0x0  }
0x449: {  	[sflag:s31] =	ssyncadd.s32 $0xFFFF8000  }
0x44a: {  	_ =	swait.ge [sflag:s14], $0x8000  }
0x44b: {  	[sflag:s14] =	ssyncset.done $0x0  }
0x44c: {  	[sflag:s14] =	ssyncadd.s32 $0xFFFF8000  }
0x44d: {  	v4 =	vld [tilespmem:$0x160];
	_ =	sdelay $0x4  }
0x44e: {  	v5 =	vshll.u32 v4, $0x3  }
0x44f: {  	v4 =	vand.u32 $0x7, v4;
	v5 =	vand.u32 $0xFFFFFFC0, v5  }
0x450: {  	v4 =	vor.u32 v4, v5  }
0x451: {  	v5 =	vperm.xlane v4, v1;
	_ =	sdelay $0x1  }
0x452: {  	v5 =	vadd.s32 v2, v5;
	_ =	sdelay $0x4  }
0x453: {  	[tilespmem:s20], [sflag:$0x2] =	stream.indirect_vreg.gather [hbm4b:s30+s15], $0x80, v5, vm0, $0xb8;
	[tilespmem:$0x18500] =	vst v63  }
0x454: {  	s21 =	simm.s32 $0x10C00;
	v4 =	vperm.xlane v4, v3  }
0x455: {  	[tilespmem:s21], [sflag:$0x2] =	stream.indirect_vreg.gather [hbm4b:s2+s15], $0x80, v5, vm0, $0xb8;
	[tilespmem:$0x18500] =	vst v63  }
0x456: {  	s22 =	simm.s32 $0x11400;
	v4 =	vadd.s32 v2, v4  }
0x457: {  	[tilespmem:s22], [sflag:$0x2] =	stream.indirect_vreg.gather [hbm4b:s3+s15], $0x80, v5, vm0, $0xb8;
	[tilespmem:$0x18500] =	vst v63  }
0x458: {  	s23 =	simm.s32 $0x11C00  }
0x459: {  	[tilespmem:s23], [sflag:$0x2] =	stream.indirect_vreg.gather [hbm4b:s4+s15], $0x80, v5, vm0, $0xb8;
	[tilespmem:$0x18500] =	vst v63  }
0x45a: {  	_ = 	snop  }
0x45b: {  	[tilespmem:s24], [sflag:$0x2] =	stream.indirect_vreg.gather [hbm4b:s30+s15], $0x80, v4, vm0, $0xb8;
	[tilespmem:$0x18500] =	vst v63  }
0x45c: {  	_ = 	snop  }
0x45d: {  	[tilespmem:s25], [sflag:$0x2] =	stream.indirect_vreg.gather [hbm4b:s2+s15], $0x80, v4, vm0, $0xb8;
	[tilespmem:$0x18500] =	vst v63  }
0x45e: {  	_ = 	snop  }
0x45f: {  	[tilespmem:s29], [sflag:$0x2] =	stream.indirect_vreg.gather [hbm4b:s3+s15], $0x80, v4, vm0, $0xb8;
	[tilespmem:$0x18500] =	vst v63  }
0x460: {  	_ = 	snop  }
0x461: {  	[tilespmem:s28], [sflag:$0x2] =	stream.indirect_vreg.gather [hbm4b:s4+s15], $0x80, v4, vm0, $0xb8;
	[tilespmem:$0x18500] =	vst v63  }
0x462: {  	v4 =	vld [tilespmem:$0x170];
	_ =	sdelay $0x4  }
0x463: {  	v5 =	vshll.u32 v4, $0x3  }
0x464: {  	v4 =	vand.u32 $0x7, v4;
	v5 =	vand.u32 $0xFFFFFFC0, v5  }
0x465: {  	v4 =	vor.u32 v4, v5  }
0x466: {  	v5 =	vperm.xlane v4, v1;
	_ =	sdelay $0x1  }
0x467: {  	v5 =	vadd.s32 v2, v5;
	_ =	sdelay $0x4  }
0x468: {  	[tilespmem:s1], [sflag:$0x2] =	stream.indirect_vreg.gather [hbm4b:s30+s15], $0x80, v5, vm0, $0xb8;
	[tilespmem:$0x18500] =	vst v63  }
0x469: {  	v4 =	vperm.xlane v4, v3  }
0x46a: {  	[tilespmem:s26], [sflag:$0x2] =	stream.indirect_vreg.gather [hbm4b:s2+s15], $0x80, v5, vm0, $0xb8;
	[tilespmem:$0x18500] =	vst v63  }
0x46b: {  	v4 =	vadd.s32 v2, v4  }
0x46c: {  	[tilespmem:s5], [sflag:$0x2] =	stream.indirect_vreg.gather [hbm4b:s3+s15], $0x80, v5, vm0, $0xb8;
	[tilespmem:$0x18500] =	vst v63  }
0x46d: {  	_ = 	snop  }
0x46e: {  	[tilespmem:s6], [sflag:$0x2] =	stream.indirect_vreg.gather [hbm4b:s4+s15], $0x80, v5, vm0, $0xb8;
	[tilespmem:$0x18500] =	vst v63  }
0x46f: {  	_ = 	snop  }
0x470: {  	[tilespmem:s7], [sflag:$0x2] =	stream.indirect_vreg.gather [hbm4b:s30+s15], $0x80, v4, vm0, $0xb8;
	[tilespmem:$0x18500] =	vst v63  }
0x471: {  	_ = 	snop  }
0x472: {  	[tilespmem:s8], [sflag:$0x2] =	stream.indirect_vreg.gather [hbm4b:s2+s15], $0x80, v4, vm0, $0xb8;
	[tilespmem:$0x18500] =	vst v63  }
0x473: {  	_ = 	snop  }
0x474: {  	[tilespmem:s9], [sflag:$0x2] =	stream.indirect_vreg.gather [hbm4b:s3+s15], $0x80, v4, vm0, $0xb8;
	[tilespmem:$0x18500] =	vst v63  }
0x475: {  	_ = 	snop  }
0x476: {  	[tilespmem:s10], [sflag:$0x2] =	stream.indirect_vreg.gather [hbm4b:s4+s15], $0x80, v4, vm0, $0xb8;
	[tilespmem:$0x18500] =	vst v63  }
0x477: {  	_ =	swait.ge [sflag:s11], $0x8000  }
0x478: {  	[sflag:s11] =	ssyncset.done $0x0  }
0x479: {  	s16 =	simm.s32 $0x0;
	[sflag:s11] =	ssyncadd.s32 $0xFFFF8000  }
.LBB2_52:
0x47a: {  	s17 =	sshll.u32 s16, $0xA;
	s18 =	sshll.u32 s16, $0x7  }
0x47b: {  	s17 =	sand.u32 $0x6000, s17;
	s18 =	sand.u32 $0x380, s18  }
0x47c: {  	s23 =	sand.u32 $0x1C00, s15;
	s17 =	sor.u32 s17, s18  }
0x47d: {  	s19 =	sand.u32 $0x70, s15;
	s18 =	sor.u32 s23, s17  }
0x47e: {  	s18 =	sor.u32 s19, s18  }
0x47f: {  	v4 =	vld [tilespmem:s18+$0x400]  }
0x480: {  	v5 =	vld [tilespmem:s18+$0x8400];
	_ =	sdelay $0x2  }
0x481: {  	s19 =	simm.s32 $0x80  }
0x482: {  	s21 =	simm.s32 $0x10;
	s23 =	sand.u32 $0x1C00, s19  }
0x483: {  	s22 =	sand.u32 $0x70, s21;
	s21 =	simm.s32 $0x20;
	s23 =	sor.u32 s23, s17;
	v4 =	vadd.f32 v4, v5  }
.LBB2_53:
0x484: {  	p0 =	sne.s32 s21, $0x3F0;
	s22 =	sor.u32 s22, s23  }
0x485: {  	v5 =	vld [tilespmem:s22+$0x400];
	[tilespmem:s18+$0x8400] =	vst v4;
	s18 =	smov.u32 s22  }
0x486: {  	v4 =	vld [tilespmem:s18+$0x8400]  }
.Ltmp25:
0x487: {  	(pc) =	sbr.rel @p0 .LBB2_53-.Ltmp25, $4  }
0x488: {  	_ = 	snop  }
0x489: {  	s19 =	sadd.s32 $0x80, s19  }
0x48a: {  	s23 =	sand.u32 $0x1C00, s19  }
0x48b: {  	s22 =	sand.u32 $0x70, s21;
	s21 =	sadd.s32 $0x10, s21;
	s23 =	sor.u32 s23, s17;
	v4 =	vadd.f32 v5, v4  }
0x48c: {  	s17 =	sor.u32 s22, s23  }
0x48d: {  	v5 =	vld [tilespmem:s17+$0x400];
	[tilespmem:s18+$0x8400] =	vst v4  }
0x48e: {  	v4 =	vld [tilespmem:s17+$0x8400]  }
0x48f: {  	s16 =	sadd.s32 $0x1, s16  }
0x490: {  	p0 =	sne.s32 s16, $0x20  }
.Ltmp26:
0x491: {  	_ = 	snop;
	(pc) =	sbr.rel @p0 .LBB2_52-.Ltmp26, $3  }
0x492: {  	_ = 	snop  }
0x493: {  	v4 =	vadd.f32 v5, v4;
	_ =	sdelay $0x1  }
0x494: {  	[tilespmem:s17+$0x8400] =	vst v4  }
0x495: {  	s15 =	simm.s32 $0x0;
	s16 =	rddreg [dreg:$0x17]  }
0x496: {  	[hbm4b:s16+s15] =	stream.linear.scatter [tilespmem:s0], [sflag:$0x3], $0x8000, $0x38;
	[tilespmem:$0x18500] =	vst v63  }
0x497: {  	_ =	swait.ge [sflag:s12], $0x8000  }
0x498: {  	[sflag:s12] =	ssyncset.done $0x0  }
0x499: {  	[sflag:s12] =	ssyncadd.s32 $0xFFFF8000  }
0x49a: {  	v4 =	vld [tilespmem:$0x260];
	_ =	sdelay $0x4  }
0x49b: {  	v5 =	vshll.u32 v4, $0x3  }
0x49c: {  	v4 =	vand.u32 $0x7, v4;
	v5 =	vand.u32 $0xFFFFFFC0, v5  }
0x49d: {  	v4 =	vor.u32 v4, v5  }
0x49e: {  	v5 =	vperm.xlane v4, v1;
	_ =	sdelay $0x1  }
0x49f: {  	v5 =	vadd.s32 v2, v5;
	_ =	sdelay $0x4  }
0x4a0: {  	[tilespmem:s0], [sflag:$0x1] =	stream.indirect_vreg.gather [hbm4b:s30+s15], $0x80, v5, vm0, $0xb8;
	[tilespmem:$0x18500] =	vst v63  }
0x4a1: {  	s21 =	simm.s32 $0x8C00;
	v4 =	vperm.xlane v4, v3  }
0x4a2: {  	[tilespmem:s21], [sflag:$0x1] =	stream.indirect_vreg.gather [hbm4b:s2+s15], $0x80, v5, vm0, $0xb8;
	[tilespmem:$0x18500] =	vst v63  }
0x4a3: {  	s22 =	simm.s32 $0x9400;
	v4 =	vadd.s32 v2, v4  }
0x4a4: {  	[tilespmem:s22], [sflag:$0x1] =	stream.indirect_vreg.gather [hbm4b:s3+s15], $0x80, v5, vm0, $0xb8;
	[tilespmem:$0x18500] =	vst v63  }
0x4a5: {  	s23 =	simm.s32 $0x9C00  }
0x4a6: {  	[tilespmem:s23], [sflag:$0x1] =	stream.indirect_vreg.gather [hbm4b:s4+s15], $0x80, v5, vm0, $0xb8;
	[tilespmem:$0x18500] =	vst v63  }
0x4a7: {  	s17 =	simm.s32 $0xA400  }
0x4a8: {  	[tilespmem:s17], [sflag:$0x1] =	stream.indirect_vreg.gather [hbm4b:s30+s15], $0x80, v4, vm0, $0xb8;
	[tilespmem:$0x18500] =	vst v63  }
0x4a9: {  	s18 =	simm.s32 $0xAC00  }
0x4aa: {  	[tilespmem:s18], [sflag:$0x1] =	stream.indirect_vreg.gather [hbm4b:s2+s15], $0x80, v4, vm0, $0xb8;
	[tilespmem:$0x18500] =	vst v63  }
0x4ab: {  	s19 =	simm.s32 $0xB400  }
0x4ac: {  	[tilespmem:s19], [sflag:$0x1] =	stream.indirect_vreg.gather [hbm4b:s3+s15], $0x80, v4, vm0, $0xb8;
	[tilespmem:$0x18500] =	vst v63  }
0x4ad: {  	s21 =	simm.s32 $0xBC00  }
0x4ae: {  	[tilespmem:s21], [sflag:$0x1] =	stream.indirect_vreg.gather [hbm4b:s4+s15], $0x80, v4, vm0, $0xb8;
	[tilespmem:$0x18500] =	vst v63  }
0x4af: {  	v4 =	vld [tilespmem:$0x270];
	_ =	sdelay $0x4  }
0x4b0: {  	v5 =	vshll.u32 v4, $0x3  }
0x4b1: {  	v4 =	vand.u32 $0x7, v4;
	v5 =	vand.u32 $0xFFFFFFC0, v5  }
0x4b2: {  	v4 =	vor.u32 v4, v5  }
0x4b3: {  	v5 =	vperm.xlane v4, v1;
	_ =	sdelay $0x1  }
0x4b4: {  	v5 =	vadd.s32 v2, v5;
	_ =	sdelay $0x3  }
0x4b5: {  	s22 =	simm.s32 $0xC400  }
0x4b6: {  	[tilespmem:s22], [sflag:$0x1] =	stream.indirect_vreg.gather [hbm4b:s30+s15], $0x80, v5, vm0, $0xb8;
	[tilespmem:$0x18500] =	vst v63  }
0x4b7: {  	s23 =	simm.s32 $0xCC00;
	v4 =	vperm.xlane v4, v3  }
0x4b8: {  	[tilespmem:s23], [sflag:$0x1] =	stream.indirect_vreg.gather [hbm4b:s2+s15], $0x80, v5, vm0, $0xb8;
	[tilespmem:$0x18500] =	vst v63  }
0x4b9: {  	s17 =	simm.s32 $0xD400;
	v4 =	vadd.s32 v2, v4  }
0x4ba: {  	[tilespmem:s17], [sflag:$0x1] =	stream.indirect_vreg.gather [hbm4b:s3+s15], $0x80, v5, vm0, $0xb8;
	[tilespmem:$0x18500] =	vst v63  }
0x4bb: {  	s18 =	simm.s32 $0xDC00  }
0x4bc: {  	[tilespmem:s18], [sflag:$0x1] =	stream.indirect_vreg.gather [hbm4b:s4+s15], $0x80, v5, vm0, $0xb8;
	[tilespmem:$0x18500] =	vst v63  }
0x4bd: {  	s19 =	simm.s32 $0xE400  }
0x4be: {  	[tilespmem:s19], [sflag:$0x1] =	stream.indirect_vreg.gather [hbm4b:s30+s15], $0x80, v4, vm0, $0xb8;
	[tilespmem:$0x18500] =	vst v63  }
0x4bf: {  	s21 =	simm.s32 $0xEC00  }
0x4c0: {  	[tilespmem:s21], [sflag:$0x1] =	stream.indirect_vreg.gather [hbm4b:s2+s15], $0x80, v4, vm0, $0xb8;
	[tilespmem:$0x18500] =	vst v63  }
0x4c1: {  	s22 =	simm.s32 $0xF400  }
0x4c2: {  	[tilespmem:s22], [sflag:$0x1] =	stream.indirect_vreg.gather [hbm4b:s3+s15], $0x80, v4, vm0, $0xb8;
	[tilespmem:$0x18500] =	vst v63  }
0x4c3: {  	s23 =	simm.s32 $0xFC00  }
0x4c4: {  	[tilespmem:s23], [sflag:$0x1] =	stream.indirect_vreg.gather [hbm4b:s4+s15], $0x80, v4, vm0, $0xb8;
	[tilespmem:$0x18500] =	vst v63  }
0x4c5: {  	_ =	swait.ge [sflag:s13], $0x8000  }
0x4c6: {  	[sflag:s13] =	ssyncset.done $0x0  }
0x4c7: {  	s16 =	simm.s32 $0x0;
	[sflag:s13] =	ssyncadd.s32 $0xFFFF8000  }
.LBB2_56:
0x4c8: {  	s17 =	sshll.u32 s16, $0xA;
	s18 =	sshll.u32 s16, $0x7  }
0x4c9: {  	s17 =	sand.u32 $0x6000, s17;
	s18 =	sand.u32 $0x380, s18  }
0x4ca: {  	s23 =	sand.u32 $0x1C00, s15;
	s17 =	sor.u32 s17, s18  }
0x4cb: {  	s19 =	sand.u32 $0x70, s15;
	s18 =	sor.u32 s23, s17  }
0x4cc: {  	s18 =	sor.u32 s19, s18  }
0x4cd: {  	v4 =	vld [tilespmem:s18+$0x400]  }
0x4ce: {  	v5 =	vld [tilespmem:s18+$0x10400];
	_ =	sdelay $0x2  }
0x4cf: {  	s19 =	simm.s32 $0x80  }
0x4d0: {  	s21 =	simm.s32 $0x10;
	s23 =	sand.u32 $0x1C00, s19  }
0x4d1: {  	s22 =	sand.u32 $0x70, s21;
	s21 =	simm.s32 $0x20;
	s23 =	sor.u32 s23, s17;
	v4 =	vadd.f32 v4, v5  }
.LBB2_57:
0x4d2: {  	p0 =	sne.s32 s21, $0x3F0;
	s22 =	sor.u32 s22, s23  }
0x4d3: {  	v5 =	vld [tilespmem:s22+$0x400];
	[tilespmem:s18+$0x10400] =	vst v4;
	s18 =	smov.u32 s22  }
0x4d4: {  	v4 =	vld [tilespmem:s18+$0x10400]  }
.Ltmp27:
0x4d5: {  	(pc) =	sbr.rel @p0 .LBB2_57-.Ltmp27, $4  }
0x4d6: {  	_ = 	snop  }
0x4d7: {  	s19 =	sadd.s32 $0x80, s19  }
0x4d8: {  	s23 =	sand.u32 $0x1C00, s19  }
0x4d9: {  	s22 =	sand.u32 $0x70, s21;
	s21 =	sadd.s32 $0x10, s21;
	s23 =	sor.u32 s23, s17;
	v4 =	vadd.f32 v5, v4  }
0x4da: {  	s17 =	sor.u32 s22, s23  }
0x4db: {  	v5 =	vld [tilespmem:s17+$0x400];
	[tilespmem:s18+$0x10400] =	vst v4  }
0x4dc: {  	v4 =	vld [tilespmem:s17+$0x10400]  }
0x4dd: {  	s16 =	sadd.s32 $0x1, s16  }
0x4de: {  	p0 =	sne.s32 s16, $0x20  }
.Ltmp28:
0x4df: {  	_ = 	snop;
	(pc) =	sbr.rel @p0 .LBB2_56-.Ltmp28, $3  }
0x4e0: {  	_ = 	snop  }
0x4e1: {  	v4 =	vadd.f32 v5, v4;
	_ =	sdelay $0x1  }
0x4e2: {  	[tilespmem:s17+$0x10400] =	vst v4  }
0x4e3: {  	s16 =	sld [smem:$0x7EF];
	_ =	sdelay $0x1  }
0x4e4: {  	s15 =	simm.s32 $0x0  }
0x4e5: {  	[hbm4b:s16+s15] =	stream.linear.scatter [tilespmem:s20], [sflag:$0x4], $0x8000, $0x38;
	[tilespmem:$0x18500] =	vst v63  }
0x4e6: {  	_ =	swait.ge [sflag:s14], $0x8000  }
0x4e7: {  	[sflag:s14] =	ssyncset.done $0x0  }
0x4e8: {  	[sflag:s14] =	ssyncadd.s32 $0xFFFF8000  }
0x4e9: {  	v4 =	vld [tilespmem:$0x360];
	_ =	sdelay $0x4  }
0x4ea: {  	v5 =	vshll.u32 v4, $0x3  }
0x4eb: {  	v4 =	vand.u32 $0x7, v4;
	v5 =	vand.u32 $0xFFFFFFC0, v5  }
0x4ec: {  	v4 =	vor.u32 v4, v5  }
0x4ed: {  	v5 =	vperm.xlane v4, v1;
	_ =	sdelay $0x1  }
0x4ee: {  	v5 =	vadd.s32 v2, v5;
	_ =	sdelay $0x4  }
0x4ef: {  	[tilespmem:s20], [sflag:$0x2] =	stream.indirect_vreg.gather [hbm4b:s30+s15], $0x80, v5, vm0, $0xb8;
	[tilespmem:$0x18500] =	vst v63  }
0x4f0: {  	s21 =	simm.s32 $0x10C00;
	v4 =	vperm.xlane v4, v3  }
0x4f1: {  	[tilespmem:s21], [sflag:$0x2] =	stream.indirect_vreg.gather [hbm4b:s2+s15], $0x80, v5, vm0, $0xb8;
	[tilespmem:$0x18500] =	vst v63  }
0x4f2: {  	s22 =	simm.s32 $0x11400;
	v4 =	vadd.s32 v2, v4  }
0x4f3: {  	[tilespmem:s22], [sflag:$0x2] =	stream.indirect_vreg.gather [hbm4b:s3+s15], $0x80, v5, vm0, $0xb8;
	[tilespmem:$0x18500] =	vst v63  }
0x4f4: {  	s23 =	simm.s32 $0x11C00  }
0x4f5: {  	[tilespmem:s23], [sflag:$0x2] =	stream.indirect_vreg.gather [hbm4b:s4+s15], $0x80, v5, vm0, $0xb8;
	[tilespmem:$0x18500] =	vst v63  }
0x4f6: {  	_ = 	snop  }
0x4f7: {  	[tilespmem:s24], [sflag:$0x2] =	stream.indirect_vreg.gather [hbm4b:s30+s15], $0x80, v4, vm0, $0xb8;
	[tilespmem:$0x18500] =	vst v63  }
0x4f8: {  	_ = 	snop  }
0x4f9: {  	[tilespmem:s25], [sflag:$0x2] =	stream.indirect_vreg.gather [hbm4b:s2+s15], $0x80, v4, vm0, $0xb8;
	[tilespmem:$0x18500] =	vst v63  }
0x4fa: {  	_ = 	snop  }
0x4fb: {  	[tilespmem:s29], [sflag:$0x2] =	stream.indirect_vreg.gather [hbm4b:s3+s15], $0x80, v4, vm0, $0xb8;
	[tilespmem:$0x18500] =	vst v63  }
0x4fc: {  	_ = 	snop  }
0x4fd: {  	[tilespmem:s28], [sflag:$0x2] =	stream.indirect_vreg.gather [hbm4b:s4+s15], $0x80, v4, vm0, $0xb8;
	[tilespmem:$0x18500] =	vst v63  }
0x4fe: {  	v4 =	vld [tilespmem:$0x370];
	_ =	sdelay $0x4  }
0x4ff: {  	v5 =	vshll.u32 v4, $0x3  }
0x500: {  	v4 =	vand.u32 $0x7, v4;
	v5 =	vand.u32 $0xFFFFFFC0, v5  }
0x501: {  	v4 =	vor.u32 v4, v5  }
0x502: {  	v5 =	vperm.xlane v4, v1;
	_ =	sdelay $0x1  }
0x503: {  	v5 =	vadd.s32 v2, v5;
	_ =	sdelay $0x4  }
0x504: {  	[tilespmem:s1], [sflag:$0x2] =	stream.indirect_vreg.gather [hbm4b:s30+s15], $0x80, v5, vm0, $0xb8;
	[tilespmem:$0x18500] =	vst v63  }
0x505: {  	v4 =	vperm.xlane v4, v3  }
0x506: {  	[tilespmem:s26], [sflag:$0x2] =	stream.indirect_vreg.gather [hbm4b:s2+s15], $0x80, v5, vm0, $0xb8;
	[tilespmem:$0x18500] =	vst v63  }
0x507: {  	v4 =	vadd.s32 v2, v4  }
0x508: {  	[tilespmem:s5], [sflag:$0x2] =	stream.indirect_vreg.gather [hbm4b:s3+s15], $0x80, v5, vm0, $0xb8;
	[tilespmem:$0x18500] =	vst v63  }
0x509: {  	_ = 	snop  }
0x50a: {  	[tilespmem:s6], [sflag:$0x2] =	stream.indirect_vreg.gather [hbm4b:s4+s15], $0x80, v5, vm0, $0xb8;
	[tilespmem:$0x18500] =	vst v63  }
0x50b: {  	_ = 	snop  }
0x50c: {  	[tilespmem:s7], [sflag:$0x2] =	stream.indirect_vreg.gather [hbm4b:s30+s15], $0x80, v4, vm0, $0xb8;
	[tilespmem:$0x18500] =	vst v63  }
0x50d: {  	_ = 	snop  }
0x50e: {  	[tilespmem:s8], [sflag:$0x2] =	stream.indirect_vreg.gather [hbm4b:s2+s15], $0x80, v4, vm0, $0xb8;
	[tilespmem:$0x18500] =	vst v63  }
0x50f: {  	_ = 	snop  }
0x510: {  	[tilespmem:s9], [sflag:$0x2] =	stream.indirect_vreg.gather [hbm4b:s3+s15], $0x80, v4, vm0, $0xb8;
	[tilespmem:$0x18500] =	vst v63  }
0x511: {  	_ = 	snop  }
0x512: {  	[tilespmem:s10], [sflag:$0x2] =	stream.indirect_vreg.gather [hbm4b:s4+s15], $0x80, v4, vm0, $0xb8;
	[tilespmem:$0x18500] =	vst v63  }
0x513: {  	_ =	swait.ge [sflag:s11], $0x8000  }
0x514: {  	[sflag:s11] =	ssyncset.done $0x0  }
0x515: {  	s16 =	simm.s32 $0x0;
	[sflag:s11] =	ssyncadd.s32 $0xFFFF8000  }
.LBB2_60:
0x516: {  	s17 =	sshll.u32 s16, $0xA;
	s18 =	sshll.u32 s16, $0x7  }
0x517: {  	s17 =	sand.u32 $0x6000, s17;
	s18 =	sand.u32 $0x380, s18  }
0x518: {  	s23 =	sand.u32 $0x1C00, s15;
	s17 =	sor.u32 s17, s18  }
0x519: {  	s19 =	sand.u32 $0x70, s15;
	s18 =	sor.u32 s23, s17  }
0x51a: {  	s18 =	sor.u32 s19, s18  }
0x51b: {  	v4 =	vld [tilespmem:s18+$0x400]  }
0x51c: {  	v5 =	vld [tilespmem:s18+$0x8400];
	_ =	sdelay $0x2  }
0x51d: {  	s19 =	simm.s32 $0x80  }
0x51e: {  	s21 =	simm.s32 $0x10;
	s23 =	sand.u32 $0x1C00, s19  }
0x51f: {  	s22 =	sand.u32 $0x70, s21;
	s21 =	simm.s32 $0x20;
	s23 =	sor.u32 s23, s17;
	v4 =	vadd.f32 v4, v5  }
.LBB2_61:
0x520: {  	p0 =	sne.s32 s21, $0x3F0;
	s22 =	sor.u32 s22, s23  }
0x521: {  	v5 =	vld [tilespmem:s22+$0x400];
	[tilespmem:s18+$0x8400] =	vst v4;
	s18 =	smov.u32 s22  }
0x522: {  	v4 =	vld [tilespmem:s18+$0x8400]  }
.Ltmp29:
0x523: {  	(pc) =	sbr.rel @p0 .LBB2_61-.Ltmp29, $4  }
0x524: {  	_ = 	snop  }
0x525: {  	s19 =	sadd.s32 $0x80, s19  }
0x526: {  	s23 =	sand.u32 $0x1C00, s19  }
0x527: {  	s22 =	sand.u32 $0x70, s21;
	s21 =	sadd.s32 $0x10, s21;
	s23 =	sor.u32 s23, s17;
	v4 =	vadd.f32 v5, v4  }
0x528: {  	s17 =	sor.u32 s22, s23  }
0x529: {  	v5 =	vld [tilespmem:s17+$0x400];
	[tilespmem:s18+$0x8400] =	vst v4  }
0x52a: {  	v4 =	vld [tilespmem:s17+$0x8400]  }
0x52b: {  	s16 =	sadd.s32 $0x1, s16  }
0x52c: {  	p0 =	sne.s32 s16, $0x20  }
.Ltmp30:
0x52d: {  	_ = 	snop;
	(pc) =	sbr.rel @p0 .LBB2_60-.Ltmp30, $3  }
0x52e: {  	_ = 	snop  }
0x52f: {  	v4 =	vadd.f32 v5, v4;
	_ =	sdelay $0x1  }
0x530: {  	[tilespmem:s17+$0x8400] =	vst v4  }
0x531: {  	s16 =	sld [smem:$0x7F0];
	_ =	sdelay $0x1  }
0x532: {  	s15 =	simm.s32 $0x0  }
0x533: {  	[hbm4b:s16+s15] =	stream.linear.scatter [tilespmem:s0], [sflag:$0x3], $0x8000, $0x38;
	[tilespmem:$0x18500] =	vst v63  }
0x534: {  	_ =	swait.ge [sflag:s12], $0x8000  }
0x535: {  	[sflag:s12] =	ssyncset.done $0x0  }
0x536: {  	[sflag:s12] =	ssyncadd.s32 $0xFFFF8000  }
0x537: {  	v4 =	vld [tilespmem:$0x80];
	_ =	sdelay $0x4  }
0x538: {  	v5 =	vshll.u32 v4, $0x3  }
0x539: {  	v4 =	vand.u32 $0x7, v4;
	v5 =	vand.u32 $0xFFFFFFC0, v5  }
0x53a: {  	v4 =	vor.u32 v4, v5  }
0x53b: {  	v5 =	vperm.xlane v4, v1;
	_ =	sdelay $0x1  }
0x53c: {  	v5 =	vadd.s32 v2, v5;
	_ =	sdelay $0x4  }
0x53d: {  	[tilespmem:s0], [sflag:$0x1] =	stream.indirect_vreg.gather [hbm4b:s30+s15], $0x80, v5, vm0, $0xb8;
	[tilespmem:$0x18500] =	vst v63  }
0x53e: {  	s21 =	simm.s32 $0x8C00;
	v4 =	vperm.xlane v4, v3  }
0x53f: {  	[tilespmem:s21], [sflag:$0x1] =	stream.indirect_vreg.gather [hbm4b:s2+s15], $0x80, v5, vm0, $0xb8;
	[tilespmem:$0x18500] =	vst v63  }
0x540: {  	s22 =	simm.s32 $0x9400;
	v4 =	vadd.s32 v2, v4  }
0x541: {  	[tilespmem:s22], [sflag:$0x1] =	stream.indirect_vreg.gather [hbm4b:s3+s15], $0x80, v5, vm0, $0xb8;
	[tilespmem:$0x18500] =	vst v63  }
0x542: {  	s23 =	simm.s32 $0x9C00  }
0x543: {  	[tilespmem:s23], [sflag:$0x1] =	stream.indirect_vreg.gather [hbm4b:s4+s15], $0x80, v5, vm0, $0xb8;
	[tilespmem:$0x18500] =	vst v63  }
0x544: {  	s17 =	simm.s32 $0xA400  }
0x545: {  	[tilespmem:s17], [sflag:$0x1] =	stream.indirect_vreg.gather [hbm4b:s30+s15], $0x80, v4, vm0, $0xb8;
	[tilespmem:$0x18500] =	vst v63  }
0x546: {  	s18 =	simm.s32 $0xAC00  }
0x547: {  	[tilespmem:s18], [sflag:$0x1] =	stream.indirect_vreg.gather [hbm4b:s2+s15], $0x80, v4, vm0, $0xb8;
	[tilespmem:$0x18500] =	vst v63  }
0x548: {  	s19 =	simm.s32 $0xB400  }
0x549: {  	[tilespmem:s19], [sflag:$0x1] =	stream.indirect_vreg.gather [hbm4b:s3+s15], $0x80, v4, vm0, $0xb8;
	[tilespmem:$0x18500] =	vst v63  }
0x54a: {  	s21 =	simm.s32 $0xBC00  }
0x54b: {  	[tilespmem:s21], [sflag:$0x1] =	stream.indirect_vreg.gather [hbm4b:s4+s15], $0x80, v4, vm0, $0xb8;
	[tilespmem:$0x18500] =	vst v63  }
0x54c: {  	v4 =	vld [tilespmem:$0x90];
	_ =	sdelay $0x4  }
0x54d: {  	v5 =	vshll.u32 v4, $0x3  }
0x54e: {  	v4 =	vand.u32 $0x7, v4;
	v5 =	vand.u32 $0xFFFFFFC0, v5  }
0x54f: {  	v4 =	vor.u32 v4, v5  }
0x550: {  	v5 =	vperm.xlane v4, v1;
	_ =	sdelay $0x1  }
0x551: {  	v5 =	vadd.s32 v2, v5;
	_ =	sdelay $0x3  }
0x552: {  	s22 =	simm.s32 $0xC400  }
0x553: {  	[tilespmem:s22], [sflag:$0x1] =	stream.indirect_vreg.gather [hbm4b:s30+s15], $0x80, v5, vm0, $0xb8;
	[tilespmem:$0x18500] =	vst v63  }
0x554: {  	s23 =	simm.s32 $0xCC00;
	v4 =	vperm.xlane v4, v3  }
0x555: {  	[tilespmem:s23], [sflag:$0x1] =	stream.indirect_vreg.gather [hbm4b:s2+s15], $0x80, v5, vm0, $0xb8;
	[tilespmem:$0x18500] =	vst v63  }
0x556: {  	s17 =	simm.s32 $0xD400;
	v4 =	vadd.s32 v2, v4  }
0x557: {  	[tilespmem:s17], [sflag:$0x1] =	stream.indirect_vreg.gather [hbm4b:s3+s15], $0x80, v5, vm0, $0xb8;
	[tilespmem:$0x18500] =	vst v63  }
0x558: {  	s18 =	simm.s32 $0xDC00  }
0x559: {  	[tilespmem:s18], [sflag:$0x1] =	stream.indirect_vreg.gather [hbm4b:s4+s15], $0x80, v5, vm0, $0xb8;
	[tilespmem:$0x18500] =	vst v63  }
0x55a: {  	s19 =	simm.s32 $0xE400  }
0x55b: {  	[tilespmem:s19], [sflag:$0x1] =	stream.indirect_vreg.gather [hbm4b:s30+s15], $0x80, v4, vm0, $0xb8;
	[tilespmem:$0x18500] =	vst v63  }
0x55c: {  	s21 =	simm.s32 $0xEC00  }
0x55d: {  	[tilespmem:s21], [sflag:$0x1] =	stream.indirect_vreg.gather [hbm4b:s2+s15], $0x80, v4, vm0, $0xb8;
	[tilespmem:$0x18500] =	vst v63  }
0x55e: {  	s22 =	simm.s32 $0xF400  }
0x55f: {  	[tilespmem:s22], [sflag:$0x1] =	stream.indirect_vreg.gather [hbm4b:s3+s15], $0x80, v4, vm0, $0xb8;
	[tilespmem:$0x18500] =	vst v63  }
0x560: {  	s23 =	simm.s32 $0xFC00  }
0x561: {  	[tilespmem:s23], [sflag:$0x1] =	stream.indirect_vreg.gather [hbm4b:s4+s15], $0x80, v4, vm0, $0xb8;
	[tilespmem:$0x18500] =	vst v63  }
0x562: {  	_ =	swait.ge [sflag:s13], $0x8000  }
0x563: {  	[sflag:s13] =	ssyncset.done $0x0  }
0x564: {  	s16 =	simm.s32 $0x0;
	[sflag:s13] =	ssyncadd.s32 $0xFFFF8000  }
.LBB2_64:
0x565: {  	s17 =	sshll.u32 s16, $0xA;
	s18 =	sshll.u32 s16, $0x7  }
0x566: {  	s17 =	sand.u32 $0x6000, s17;
	s18 =	sand.u32 $0x380, s18  }
0x567: {  	s23 =	sand.u32 $0x1C00, s15;
	s17 =	sor.u32 s17, s18  }
0x568: {  	s19 =	sand.u32 $0x70, s15;
	s18 =	sor.u32 s23, s17  }
0x569: {  	s18 =	sor.u32 s19, s18  }
0x56a: {  	v4 =	vld [tilespmem:s18+$0x400]  }
0x56b: {  	v5 =	vld [tilespmem:s18+$0x10400];
	_ =	sdelay $0x2  }
0x56c: {  	s19 =	simm.s32 $0x80  }
0x56d: {  	s21 =	simm.s32 $0x10;
	s23 =	sand.u32 $0x1C00, s19  }
0x56e: {  	s22 =	sand.u32 $0x70, s21;
	s21 =	simm.s32 $0x20;
	s23 =	sor.u32 s23, s17;
	v4 =	vadd.f32 v4, v5  }
.LBB2_65:
0x56f: {  	p0 =	sne.s32 s21, $0x3F0;
	s22 =	sor.u32 s22, s23  }
0x570: {  	v5 =	vld [tilespmem:s22+$0x400];
	[tilespmem:s18+$0x10400] =	vst v4;
	s18 =	smov.u32 s22  }
0x571: {  	v4 =	vld [tilespmem:s18+$0x10400]  }
.Ltmp31:
0x572: {  	(pc) =	sbr.rel @p0 .LBB2_65-.Ltmp31, $4  }
0x573: {  	_ = 	snop  }
0x574: {  	s19 =	sadd.s32 $0x80, s19  }
0x575: {  	s23 =	sand.u32 $0x1C00, s19  }
0x576: {  	s22 =	sand.u32 $0x70, s21;
	s21 =	sadd.s32 $0x10, s21;
	s23 =	sor.u32 s23, s17;
	v4 =	vadd.f32 v5, v4  }
0x577: {  	s17 =	sor.u32 s22, s23  }
0x578: {  	v5 =	vld [tilespmem:s17+$0x400];
	[tilespmem:s18+$0x10400] =	vst v4  }
0x579: {  	v4 =	vld [tilespmem:s17+$0x10400]  }
0x57a: {  	s16 =	sadd.s32 $0x1, s16  }
0x57b: {  	p0 =	sne.s32 s16, $0x20  }
.Ltmp32:
0x57c: {  	_ = 	snop;
	(pc) =	sbr.rel @p0 .LBB2_64-.Ltmp32, $3  }
0x57d: {  	_ = 	snop  }
0x57e: {  	v4 =	vadd.f32 v5, v4;
	_ =	sdelay $0x1  }
0x57f: {  	[tilespmem:s17+$0x10400] =	vst v4  }
0x580: {  	s16 =	sld [smem:$0x7F1];
	_ =	sdelay $0x1  }
0x581: {  	s15 =	simm.s32 $0x0  }
0x582: {  	[hbm4b:s16+s15] =	stream.linear.scatter [tilespmem:s20], [sflag:$0x4], $0x8000, $0x38;
	[tilespmem:$0x18500] =	vst v63  }
0x583: {  	s19 =	rddreg [dreg:$0x18];
	s17 =	simm.s32 $0x400  }
0x584: {  	[tilespmem:s17], [sflag:$0x5] =	stream.linear.gather [hbm4b:s19+s15], $0x8000, $0x38;
	[tilespmem:$0x18500] =	vst v63  }
0x585: {  	_ =	swait.ge [sflag:s31], $0x8000  }
0x586: {  	[sflag:s31] =	ssyncset.done $0x0  }
0x587: {  	[sflag:s31] =	ssyncadd.s32 $0xFFFF8000  }
0x588: {  	_ =	swait.ge [sflag:s14], $0x8000  }
0x589: {  	[sflag:s14] =	ssyncset.done $0x0  }
0x58a: {  	[sflag:s14] =	ssyncadd.s32 $0xFFFF8000  }
0x58b: {  	v4 =	vld [tilespmem:$0x180];
	_ =	sdelay $0x4  }
0x58c: {  	v5 =	vshll.u32 v4, $0x3  }
0x58d: {  	v4 =	vand.u32 $0x7, v4;
	v5 =	vand.u32 $0xFFFFFFC0, v5  }
0x58e: {  	v4 =	vor.u32 v4, v5  }
0x58f: {  	v5 =	vperm.xlane v4, v1;
	_ =	sdelay $0x1  }
0x590: {  	v5 =	vadd.s32 v2, v5;
	_ =	sdelay $0x4  }
0x591: {  	[tilespmem:s20], [sflag:$0x2] =	stream.indirect_vreg.gather [hbm4b:s30+s15], $0x80, v5, vm0, $0xb8;
	[tilespmem:$0x18500] =	vst v63  }
0x592: {  	s21 =	simm.s32 $0x10C00;
	v4 =	vperm.xlane v4, v3  }
0x593: {  	[tilespmem:s21], [sflag:$0x2] =	stream.indirect_vreg.gather [hbm4b:s2+s15], $0x80, v5, vm0, $0xb8;
	[tilespmem:$0x18500] =	vst v63  }
0x594: {  	s22 =	simm.s32 $0x11400;
	v4 =	vadd.s32 v2, v4  }
0x595: {  	[tilespmem:s22], [sflag:$0x2] =	stream.indirect_vreg.gather [hbm4b:s3+s15], $0x80, v5, vm0, $0xb8;
	[tilespmem:$0x18500] =	vst v63  }
0x596: {  	s23 =	simm.s32 $0x11C00  }
0x597: {  	[tilespmem:s23], [sflag:$0x2] =	stream.indirect_vreg.gather [hbm4b:s4+s15], $0x80, v5, vm0, $0xb8;
	[tilespmem:$0x18500] =	vst v63  }
0x598: {  	_ = 	snop  }
0x599: {  	[tilespmem:s24], [sflag:$0x2] =	stream.indirect_vreg.gather [hbm4b:s30+s15], $0x80, v4, vm0, $0xb8;
	[tilespmem:$0x18500] =	vst v63  }
0x59a: {  	_ = 	snop  }
0x59b: {  	[tilespmem:s25], [sflag:$0x2] =	stream.indirect_vreg.gather [hbm4b:s2+s15], $0x80, v4, vm0, $0xb8;
	[tilespmem:$0x18500] =	vst v63  }
0x59c: {  	_ = 	snop  }
0x59d: {  	[tilespmem:s29], [sflag:$0x2] =	stream.indirect_vreg.gather [hbm4b:s3+s15], $0x80, v4, vm0, $0xb8;
	[tilespmem:$0x18500] =	vst v63  }
0x59e: {  	_ = 	snop  }
0x59f: {  	[tilespmem:s28], [sflag:$0x2] =	stream.indirect_vreg.gather [hbm4b:s4+s15], $0x80, v4, vm0, $0xb8;
	[tilespmem:$0x18500] =	vst v63  }
0x5a0: {  	v4 =	vld [tilespmem:$0x190];
	_ =	sdelay $0x4  }
0x5a1: {  	v5 =	vshll.u32 v4, $0x3  }
0x5a2: {  	v4 =	vand.u32 $0x7, v4;
	v5 =	vand.u32 $0xFFFFFFC0, v5  }
0x5a3: {  	v4 =	vor.u32 v4, v5  }
0x5a4: {  	v5 =	vperm.xlane v4, v1;
	_ =	sdelay $0x1  }
0x5a5: {  	v5 =	vadd.s32 v2, v5;
	_ =	sdelay $0x4  }
0x5a6: {  	[tilespmem:s1], [sflag:$0x2] =	stream.indirect_vreg.gather [hbm4b:s30+s15], $0x80, v5, vm0, $0xb8;
	[tilespmem:$0x18500] =	vst v63  }
0x5a7: {  	v4 =	vperm.xlane v4, v3  }
0x5a8: {  	[tilespmem:s26], [sflag:$0x2] =	stream.indirect_vreg.gather [hbm4b:s2+s15], $0x80, v5, vm0, $0xb8;
	[tilespmem:$0x18500] =	vst v63  }
0x5a9: {  	v4 =	vadd.s32 v2, v4  }
0x5aa: {  	[tilespmem:s5], [sflag:$0x2] =	stream.indirect_vreg.gather [hbm4b:s3+s15], $0x80, v5, vm0, $0xb8;
	[tilespmem:$0x18500] =	vst v63  }
0x5ab: {  	_ = 	snop  }
0x5ac: {  	[tilespmem:s6], [sflag:$0x2] =	stream.indirect_vreg.gather [hbm4b:s4+s15], $0x80, v5, vm0, $0xb8;
	[tilespmem:$0x18500] =	vst v63  }
0x5ad: {  	_ = 	snop  }
0x5ae: {  	[tilespmem:s7], [sflag:$0x2] =	stream.indirect_vreg.gather [hbm4b:s30+s15], $0x80, v4, vm0, $0xb8;
	[tilespmem:$0x18500] =	vst v63  }
0x5af: {  	_ = 	snop  }
0x5b0: {  	[tilespmem:s8], [sflag:$0x2] =	stream.indirect_vreg.gather [hbm4b:s2+s15], $0x80, v4, vm0, $0xb8;
	[tilespmem:$0x18500] =	vst v63  }
0x5b1: {  	_ = 	snop  }
0x5b2: {  	[tilespmem:s9], [sflag:$0x2] =	stream.indirect_vreg.gather [hbm4b:s3+s15], $0x80, v4, vm0, $0xb8;
	[tilespmem:$0x18500] =	vst v63  }
0x5b3: {  	_ = 	snop  }
0x5b4: {  	[tilespmem:s10], [sflag:$0x2] =	stream.indirect_vreg.gather [hbm4b:s4+s15], $0x80, v4, vm0, $0xb8;
	[tilespmem:$0x18500] =	vst v63  }
0x5b5: {  	_ =	swait.ge [sflag:s11], $0x8000  }
0x5b6: {  	[sflag:s11] =	ssyncset.done $0x0  }
0x5b7: {  	s16 =	simm.s32 $0x0;
	[sflag:s11] =	ssyncadd.s32 $0xFFFF8000  }
.LBB2_68:
0x5b8: {  	s17 =	sshll.u32 s16, $0xA;
	s18 =	sshll.u32 s16, $0x7  }
0x5b9: {  	s17 =	sand.u32 $0x6000, s17;
	s18 =	sand.u32 $0x380, s18  }
0x5ba: {  	s23 =	sand.u32 $0x1C00, s15;
	s17 =	sor.u32 s17, s18  }
0x5bb: {  	s19 =	sand.u32 $0x70, s15;
	s18 =	sor.u32 s23, s17  }
0x5bc: {  	s18 =	sor.u32 s19, s18  }
0x5bd: {  	v4 =	vld [tilespmem:s18+$0x400]  }
0x5be: {  	v5 =	vld [tilespmem:s18+$0x8400];
	_ =	sdelay $0x2  }
0x5bf: {  	s19 =	simm.s32 $0x80  }
0x5c0: {  	s21 =	simm.s32 $0x10;
	s23 =	sand.u32 $0x1C00, s19  }
0x5c1: {  	s22 =	sand.u32 $0x70, s21;
	s21 =	simm.s32 $0x20;
	s23 =	sor.u32 s23, s17;
	v4 =	vadd.f32 v4, v5  }
.LBB2_69:
0x5c2: {  	p0 =	sne.s32 s21, $0x3F0;
	s22 =	sor.u32 s22, s23  }
0x5c3: {  	v5 =	vld [tilespmem:s22+$0x400];
	[tilespmem:s18+$0x8400] =	vst v4;
	s18 =	smov.u32 s22  }
0x5c4: {  	v4 =	vld [tilespmem:s18+$0x8400]  }
.Ltmp33:
0x5c5: {  	(pc) =	sbr.rel @p0 .LBB2_69-.Ltmp33, $4  }
0x5c6: {  	_ = 	snop  }
0x5c7: {  	s19 =	sadd.s32 $0x80, s19  }
0x5c8: {  	s23 =	sand.u32 $0x1C00, s19  }
0x5c9: {  	s22 =	sand.u32 $0x70, s21;
	s21 =	sadd.s32 $0x10, s21;
	s23 =	sor.u32 s23, s17;
	v4 =	vadd.f32 v5, v4  }
0x5ca: {  	s17 =	sor.u32 s22, s23  }
0x5cb: {  	v5 =	vld [tilespmem:s17+$0x400];
	[tilespmem:s18+$0x8400] =	vst v4  }
0x5cc: {  	v4 =	vld [tilespmem:s17+$0x8400]  }
0x5cd: {  	s16 =	sadd.s32 $0x1, s16  }
0x5ce: {  	p0 =	sne.s32 s16, $0x20  }
.Ltmp34:
0x5cf: {  	_ = 	snop;
	(pc) =	sbr.rel @p0 .LBB2_68-.Ltmp34, $3  }
0x5d0: {  	_ = 	snop  }
0x5d1: {  	v4 =	vadd.f32 v5, v4;
	_ =	sdelay $0x1  }
0x5d2: {  	[tilespmem:s17+$0x8400] =	vst v4  }
0x5d3: {  	s15 =	simm.s32 $0x0;
	s16 =	rddreg [dreg:$0x19]  }
0x5d4: {  	[hbm4b:s16+s15] =	stream.linear.scatter [tilespmem:s0], [sflag:$0x3], $0x8000, $0x38;
	[tilespmem:$0x18500] =	vst v63  }
0x5d5: {  	_ =	swait.ge [sflag:s12], $0x8000  }
0x5d6: {  	[sflag:s12] =	ssyncset.done $0x0  }
0x5d7: {  	[sflag:s12] =	ssyncadd.s32 $0xFFFF8000  }
0x5d8: {  	v4 =	vld [tilespmem:$0x280];
	_ =	sdelay $0x4  }
0x5d9: {  	v5 =	vshll.u32 v4, $0x3  }
0x5da: {  	v4 =	vand.u32 $0x7, v4;
	v5 =	vand.u32 $0xFFFFFFC0, v5  }
0x5db: {  	v4 =	vor.u32 v4, v5  }
0x5dc: {  	v5 =	vperm.xlane v4, v1;
	_ =	sdelay $0x1  }
0x5dd: {  	v5 =	vadd.s32 v2, v5;
	_ =	sdelay $0x4  }
0x5de: {  	[tilespmem:s0], [sflag:$0x1] =	stream.indirect_vreg.gather [hbm4b:s30+s15], $0x80, v5, vm0, $0xb8;
	[tilespmem:$0x18500] =	vst v63  }
0x5df: {  	s21 =	simm.s32 $0x8C00;
	v4 =	vperm.xlane v4, v3  }
0x5e0: {  	[tilespmem:s21], [sflag:$0x1] =	stream.indirect_vreg.gather [hbm4b:s2+s15], $0x80, v5, vm0, $0xb8;
	[tilespmem:$0x18500] =	vst v63  }
0x5e1: {  	s22 =	simm.s32 $0x9400;
	v4 =	vadd.s32 v2, v4  }
0x5e2: {  	[tilespmem:s22], [sflag:$0x1] =	stream.indirect_vreg.gather [hbm4b:s3+s15], $0x80, v5, vm0, $0xb8;
	[tilespmem:$0x18500] =	vst v63  }
0x5e3: {  	s23 =	simm.s32 $0x9C00  }
0x5e4: {  	[tilespmem:s23], [sflag:$0x1] =	stream.indirect_vreg.gather [hbm4b:s4+s15], $0x80, v5, vm0, $0xb8;
	[tilespmem:$0x18500] =	vst v63  }
0x5e5: {  	s17 =	simm.s32 $0xA400  }
0x5e6: {  	[tilespmem:s17], [sflag:$0x1] =	stream.indirect_vreg.gather [hbm4b:s30+s15], $0x80, v4, vm0, $0xb8;
	[tilespmem:$0x18500] =	vst v63  }
0x5e7: {  	s18 =	simm.s32 $0xAC00  }
0x5e8: {  	[tilespmem:s18], [sflag:$0x1] =	stream.indirect_vreg.gather [hbm4b:s2+s15], $0x80, v4, vm0, $0xb8;
	[tilespmem:$0x18500] =	vst v63  }
0x5e9: {  	s19 =	simm.s32 $0xB400  }
0x5ea: {  	[tilespmem:s19], [sflag:$0x1] =	stream.indirect_vreg.gather [hbm4b:s3+s15], $0x80, v4, vm0, $0xb8;
	[tilespmem:$0x18500] =	vst v63  }
0x5eb: {  	s21 =	simm.s32 $0xBC00  }
0x5ec: {  	[tilespmem:s21], [sflag:$0x1] =	stream.indirect_vreg.gather [hbm4b:s4+s15], $0x80, v4, vm0, $0xb8;
	[tilespmem:$0x18500] =	vst v63  }
0x5ed: {  	v4 =	vld [tilespmem:$0x290];
	_ =	sdelay $0x4  }
0x5ee: {  	v5 =	vshll.u32 v4, $0x3  }
0x5ef: {  	v4 =	vand.u32 $0x7, v4;
	v5 =	vand.u32 $0xFFFFFFC0, v5  }
0x5f0: {  	v4 =	vor.u32 v4, v5  }
0x5f1: {  	v5 =	vperm.xlane v4, v1;
	_ =	sdelay $0x1  }
0x5f2: {  	v5 =	vadd.s32 v2, v5;
	_ =	sdelay $0x3  }
0x5f3: {  	s22 =	simm.s32 $0xC400  }
0x5f4: {  	[tilespmem:s22], [sflag:$0x1] =	stream.indirect_vreg.gather [hbm4b:s30+s15], $0x80, v5, vm0, $0xb8;
	[tilespmem:$0x18500] =	vst v63  }
0x5f5: {  	s23 =	simm.s32 $0xCC00;
	v4 =	vperm.xlane v4, v3  }
0x5f6: {  	[tilespmem:s23], [sflag:$0x1] =	stream.indirect_vreg.gather [hbm4b:s2+s15], $0x80, v5, vm0, $0xb8;
	[tilespmem:$0x18500] =	vst v63  }
0x5f7: {  	s17 =	simm.s32 $0xD400;
	v4 =	vadd.s32 v2, v4  }
0x5f8: {  	[tilespmem:s17], [sflag:$0x1] =	stream.indirect_vreg.gather [hbm4b:s3+s15], $0x80, v5, vm0, $0xb8;
	[tilespmem:$0x18500] =	vst v63  }
0x5f9: {  	s18 =	simm.s32 $0xDC00  }
0x5fa: {  	[tilespmem:s18], [sflag:$0x1] =	stream.indirect_vreg.gather [hbm4b:s4+s15], $0x80, v5, vm0, $0xb8;
	[tilespmem:$0x18500] =	vst v63  }
0x5fb: {  	s19 =	simm.s32 $0xE400  }
0x5fc: {  	[tilespmem:s19], [sflag:$0x1] =	stream.indirect_vreg.gather [hbm4b:s30+s15], $0x80, v4, vm0, $0xb8;
	[tilespmem:$0x18500] =	vst v63  }
0x5fd: {  	s21 =	simm.s32 $0xEC00  }
0x5fe: {  	[tilespmem:s21], [sflag:$0x1] =	stream.indirect_vreg.gather [hbm4b:s2+s15], $0x80, v4, vm0, $0xb8;
	[tilespmem:$0x18500] =	vst v63  }
0x5ff: {  	s22 =	simm.s32 $0xF400  }
0x600: {  	[tilespmem:s22], [sflag:$0x1] =	stream.indirect_vreg.gather [hbm4b:s3+s15], $0x80, v4, vm0, $0xb8;
	[tilespmem:$0x18500] =	vst v63  }
0x601: {  	s23 =	simm.s32 $0xFC00  }
0x602: {  	[tilespmem:s23], [sflag:$0x1] =	stream.indirect_vreg.gather [hbm4b:s4+s15], $0x80, v4, vm0, $0xb8;
	[tilespmem:$0x18500] =	vst v63  }
0x603: {  	_ =	swait.ge [sflag:s13], $0x8000  }
0x604: {  	[sflag:s13] =	ssyncset.done $0x0  }
0x605: {  	s16 =	simm.s32 $0x0;
	[sflag:s13] =	ssyncadd.s32 $0xFFFF8000  }
.LBB2_72:
0x606: {  	s17 =	sshll.u32 s16, $0xA;
	s18 =	sshll.u32 s16, $0x7  }
0x607: {  	s17 =	sand.u32 $0x6000, s17;
	s18 =	sand.u32 $0x380, s18  }
0x608: {  	s23 =	sand.u32 $0x1C00, s15;
	s17 =	sor.u32 s17, s18  }
0x609: {  	s19 =	sand.u32 $0x70, s15;
	s18 =	sor.u32 s23, s17  }
0x60a: {  	s18 =	sor.u32 s19, s18  }
0x60b: {  	v4 =	vld [tilespmem:s18+$0x400]  }
0x60c: {  	v5 =	vld [tilespmem:s18+$0x10400];
	_ =	sdelay $0x2  }
0x60d: {  	s19 =	simm.s32 $0x80  }
0x60e: {  	s21 =	simm.s32 $0x10;
	s23 =	sand.u32 $0x1C00, s19  }
0x60f: {  	s22 =	sand.u32 $0x70, s21;
	s21 =	simm.s32 $0x20;
	s23 =	sor.u32 s23, s17;
	v4 =	vadd.f32 v4, v5  }
.LBB2_73:
0x610: {  	p0 =	sne.s32 s21, $0x3F0;
	s22 =	sor.u32 s22, s23  }
0x611: {  	v5 =	vld [tilespmem:s22+$0x400];
	[tilespmem:s18+$0x10400] =	vst v4;
	s18 =	smov.u32 s22  }
0x612: {  	v4 =	vld [tilespmem:s18+$0x10400]  }
.Ltmp35:
0x613: {  	(pc) =	sbr.rel @p0 .LBB2_73-.Ltmp35, $4  }
0x614: {  	_ = 	snop  }
0x615: {  	s19 =	sadd.s32 $0x80, s19  }
0x616: {  	s23 =	sand.u32 $0x1C00, s19  }
0x617: {  	s22 =	sand.u32 $0x70, s21;
	s21 =	sadd.s32 $0x10, s21;
	s23 =	sor.u32 s23, s17;
	v4 =	vadd.f32 v5, v4  }
0x618: {  	s17 =	sor.u32 s22, s23  }
0x619: {  	v5 =	vld [tilespmem:s17+$0x400];
	[tilespmem:s18+$0x10400] =	vst v4  }
0x61a: {  	v4 =	vld [tilespmem:s17+$0x10400]  }
0x61b: {  	s16 =	sadd.s32 $0x1, s16  }
0x61c: {  	p0 =	sne.s32 s16, $0x20  }
.Ltmp36:
0x61d: {  	_ = 	snop;
	(pc) =	sbr.rel @p0 .LBB2_72-.Ltmp36, $3  }
0x61e: {  	_ = 	snop  }
0x61f: {  	v4 =	vadd.f32 v5, v4;
	_ =	sdelay $0x1  }
0x620: {  	[tilespmem:s17+$0x10400] =	vst v4  }
0x621: {  	s16 =	sld [smem:$0x7F2];
	_ =	sdelay $0x1  }
0x622: {  	s15 =	simm.s32 $0x0  }
0x623: {  	[hbm4b:s16+s15] =	stream.linear.scatter [tilespmem:s20], [sflag:$0x4], $0x8000, $0x38;
	[tilespmem:$0x18500] =	vst v63  }
0x624: {  	_ =	swait.ge [sflag:s14], $0x8000  }
0x625: {  	[sflag:s14] =	ssyncset.done $0x0  }
0x626: {  	[sflag:s14] =	ssyncadd.s32 $0xFFFF8000  }
0x627: {  	v4 =	vld [tilespmem:$0x380];
	_ =	sdelay $0x4  }
0x628: {  	v5 =	vshll.u32 v4, $0x3  }
0x629: {  	v4 =	vand.u32 $0x7, v4;
	v5 =	vand.u32 $0xFFFFFFC0, v5  }
0x62a: {  	v4 =	vor.u32 v4, v5  }
0x62b: {  	v5 =	vperm.xlane v4, v1;
	_ =	sdelay $0x1  }
0x62c: {  	v5 =	vadd.s32 v2, v5;
	_ =	sdelay $0x4  }
0x62d: {  	[tilespmem:s20], [sflag:$0x2] =	stream.indirect_vreg.gather [hbm4b:s30+s15], $0x80, v5, vm0, $0xb8;
	[tilespmem:$0x18500] =	vst v63  }
0x62e: {  	s21 =	simm.s32 $0x10C00;
	v4 =	vperm.xlane v4, v3  }
0x62f: {  	[tilespmem:s21], [sflag:$0x2] =	stream.indirect_vreg.gather [hbm4b:s2+s15], $0x80, v5, vm0, $0xb8;
	[tilespmem:$0x18500] =	vst v63  }
0x630: {  	s22 =	simm.s32 $0x11400;
	v4 =	vadd.s32 v2, v4  }
0x631: {  	[tilespmem:s22], [sflag:$0x2] =	stream.indirect_vreg.gather [hbm4b:s3+s15], $0x80, v5, vm0, $0xb8;
	[tilespmem:$0x18500] =	vst v63  }
0x632: {  	s23 =	simm.s32 $0x11C00  }
0x633: {  	[tilespmem:s23], [sflag:$0x2] =	stream.indirect_vreg.gather [hbm4b:s4+s15], $0x80, v5, vm0, $0xb8;
	[tilespmem:$0x18500] =	vst v63  }
0x634: {  	_ = 	snop  }
0x635: {  	[tilespmem:s24], [sflag:$0x2] =	stream.indirect_vreg.gather [hbm4b:s30+s15], $0x80, v4, vm0, $0xb8;
	[tilespmem:$0x18500] =	vst v63  }
0x636: {  	_ = 	snop  }
0x637: {  	[tilespmem:s25], [sflag:$0x2] =	stream.indirect_vreg.gather [hbm4b:s2+s15], $0x80, v4, vm0, $0xb8;
	[tilespmem:$0x18500] =	vst v63  }
0x638: {  	_ = 	snop  }
0x639: {  	[tilespmem:s29], [sflag:$0x2] =	stream.indirect_vreg.gather [hbm4b:s3+s15], $0x80, v4, vm0, $0xb8;
	[tilespmem:$0x18500] =	vst v63  }
0x63a: {  	_ = 	snop  }
0x63b: {  	[tilespmem:s28], [sflag:$0x2] =	stream.indirect_vreg.gather [hbm4b:s4+s15], $0x80, v4, vm0, $0xb8;
	[tilespmem:$0x18500] =	vst v63  }
0x63c: {  	v4 =	vld [tilespmem:$0x390];
	_ =	sdelay $0x4  }
0x63d: {  	v5 =	vshll.u32 v4, $0x3  }
0x63e: {  	v4 =	vand.u32 $0x7, v4;
	v5 =	vand.u32 $0xFFFFFFC0, v5  }
0x63f: {  	v4 =	vor.u32 v4, v5  }
0x640: {  	v5 =	vperm.xlane v4, v1;
	_ =	sdelay $0x1  }
0x641: {  	v5 =	vadd.s32 v2, v5;
	_ =	sdelay $0x4  }
0x642: {  	[tilespmem:s1], [sflag:$0x2] =	stream.indirect_vreg.gather [hbm4b:s30+s15], $0x80, v5, vm0, $0xb8;
	[tilespmem:$0x18500] =	vst v63  }
0x643: {  	v4 =	vperm.xlane v4, v3  }
0x644: {  	[tilespmem:s26], [sflag:$0x2] =	stream.indirect_vreg.gather [hbm4b:s2+s15], $0x80, v5, vm0, $0xb8;
	[tilespmem:$0x18500] =	vst v63  }
0x645: {  	v4 =	vadd.s32 v2, v4  }
0x646: {  	[tilespmem:s5], [sflag:$0x2] =	stream.indirect_vreg.gather [hbm4b:s3+s15], $0x80, v5, vm0, $0xb8;
	[tilespmem:$0x18500] =	vst v63  }
0x647: {  	_ = 	snop  }
0x648: {  	[tilespmem:s6], [sflag:$0x2] =	stream.indirect_vreg.gather [hbm4b:s4+s15], $0x80, v5, vm0, $0xb8;
	[tilespmem:$0x18500] =	vst v63  }
0x649: {  	_ = 	snop  }
0x64a: {  	[tilespmem:s7], [sflag:$0x2] =	stream.indirect_vreg.gather [hbm4b:s30+s15], $0x80, v4, vm0, $0xb8;
	[tilespmem:$0x18500] =	vst v63  }
0x64b: {  	_ = 	snop  }
0x64c: {  	[tilespmem:s8], [sflag:$0x2] =	stream.indirect_vreg.gather [hbm4b:s2+s15], $0x80, v4, vm0, $0xb8;
	[tilespmem:$0x18500] =	vst v63  }
0x64d: {  	_ = 	snop  }
0x64e: {  	[tilespmem:s9], [sflag:$0x2] =	stream.indirect_vreg.gather [hbm4b:s3+s15], $0x80, v4, vm0, $0xb8;
	[tilespmem:$0x18500] =	vst v63  }
0x64f: {  	_ = 	snop  }
0x650: {  	[tilespmem:s10], [sflag:$0x2] =	stream.indirect_vreg.gather [hbm4b:s4+s15], $0x80, v4, vm0, $0xb8;
	[tilespmem:$0x18500] =	vst v63  }
0x651: {  	_ =	swait.ge [sflag:s11], $0x8000  }
0x652: {  	[sflag:s11] =	ssyncset.done $0x0  }
0x653: {  	s16 =	simm.s32 $0x0;
	[sflag:s11] =	ssyncadd.s32 $0xFFFF8000  }
.LBB2_76:
0x654: {  	s17 =	sshll.u32 s16, $0xA;
	s18 =	sshll.u32 s16, $0x7  }
0x655: {  	s17 =	sand.u32 $0x6000, s17;
	s18 =	sand.u32 $0x380, s18  }
0x656: {  	s23 =	sand.u32 $0x1C00, s15;
	s17 =	sor.u32 s17, s18  }
0x657: {  	s19 =	sand.u32 $0x70, s15;
	s18 =	sor.u32 s23, s17  }
0x658: {  	s18 =	sor.u32 s19, s18  }
0x659: {  	v4 =	vld [tilespmem:s18+$0x400]  }
0x65a: {  	v5 =	vld [tilespmem:s18+$0x8400];
	_ =	sdelay $0x2  }
0x65b: {  	s19 =	simm.s32 $0x80  }
0x65c: {  	s21 =	simm.s32 $0x10;
	s23 =	sand.u32 $0x1C00, s19  }
0x65d: {  	s22 =	sand.u32 $0x70, s21;
	s21 =	simm.s32 $0x20;
	s23 =	sor.u32 s23, s17;
	v4 =	vadd.f32 v4, v5  }
.LBB2_77:
0x65e: {  	p0 =	sne.s32 s21, $0x3F0;
	s22 =	sor.u32 s22, s23  }
0x65f: {  	v5 =	vld [tilespmem:s22+$0x400];
	[tilespmem:s18+$0x8400] =	vst v4;
	s18 =	smov.u32 s22  }
0x660: {  	v4 =	vld [tilespmem:s18+$0x8400]  }
.Ltmp37:
0x661: {  	(pc) =	sbr.rel @p0 .LBB2_77-.Ltmp37, $4  }
0x662: {  	_ = 	snop  }
0x663: {  	s19 =	sadd.s32 $0x80, s19  }
0x664: {  	s23 =	sand.u32 $0x1C00, s19  }
0x665: {  	s22 =	sand.u32 $0x70, s21;
	s21 =	sadd.s32 $0x10, s21;
	s23 =	sor.u32 s23, s17;
	v4 =	vadd.f32 v5, v4  }
0x666: {  	s17 =	sor.u32 s22, s23  }
0x667: {  	v5 =	vld [tilespmem:s17+$0x400];
	[tilespmem:s18+$0x8400] =	vst v4  }
0x668: {  	v4 =	vld [tilespmem:s17+$0x8400]  }
0x669: {  	s16 =	sadd.s32 $0x1, s16  }
0x66a: {  	p0 =	sne.s32 s16, $0x20  }
.Ltmp38:
0x66b: {  	_ = 	snop;
	(pc) =	sbr.rel @p0 .LBB2_76-.Ltmp38, $3  }
0x66c: {  	_ = 	snop  }
0x66d: {  	v4 =	vadd.f32 v5, v4;
	_ =	sdelay $0x1  }
0x66e: {  	[tilespmem:s17+$0x8400] =	vst v4  }
0x66f: {  	s16 =	sld [smem:$0x7F3];
	_ =	sdelay $0x1  }
0x670: {  	s15 =	simm.s32 $0x0  }
0x671: {  	[hbm4b:s16+s15] =	stream.linear.scatter [tilespmem:s0], [sflag:$0x3], $0x8000, $0x38;
	[tilespmem:$0x18500] =	vst v63  }
0x672: {  	_ =	swait.ge [sflag:s12], $0x8000  }
0x673: {  	[sflag:s12] =	ssyncset.done $0x0  }
0x674: {  	[sflag:s12] =	ssyncadd.s32 $0xFFFF8000  }
0x675: {  	v4 =	vld [tilespmem:$0xA0];
	_ =	sdelay $0x4  }
0x676: {  	v5 =	vshll.u32 v4, $0x3  }
0x677: {  	v4 =	vand.u32 $0x7, v4;
	v5 =	vand.u32 $0xFFFFFFC0, v5  }
0x678: {  	v4 =	vor.u32 v4, v5  }
0x679: {  	v5 =	vperm.xlane v4, v1;
	_ =	sdelay $0x1  }
0x67a: {  	v5 =	vadd.s32 v2, v5;
	_ =	sdelay $0x4  }
0x67b: {  	[tilespmem:s0], [sflag:$0x1] =	stream.indirect_vreg.gather [hbm4b:s30+s15], $0x80, v5, vm0, $0xb8;
	[tilespmem:$0x18500] =	vst v63  }
0x67c: {  	s21 =	simm.s32 $0x8C00;
	v4 =	vperm.xlane v4, v3  }
0x67d: {  	[tilespmem:s21], [sflag:$0x1] =	stream.indirect_vreg.gather [hbm4b:s2+s15], $0x80, v5, vm0, $0xb8;
	[tilespmem:$0x18500] =	vst v63  }
0x67e: {  	s22 =	simm.s32 $0x9400;
	v4 =	vadd.s32 v2, v4  }
0x67f: {  	[tilespmem:s22], [sflag:$0x1] =	stream.indirect_vreg.gather [hbm4b:s3+s15], $0x80, v5, vm0, $0xb8;
	[tilespmem:$0x18500] =	vst v63  }
0x680: {  	s23 =	simm.s32 $0x9C00  }
0x681: {  	[tilespmem:s23], [sflag:$0x1] =	stream.indirect_vreg.gather [hbm4b:s4+s15], $0x80, v5, vm0, $0xb8;
	[tilespmem:$0x18500] =	vst v63  }
0x682: {  	s17 =	simm.s32 $0xA400  }
0x683: {  	[tilespmem:s17], [sflag:$0x1] =	stream.indirect_vreg.gather [hbm4b:s30+s15], $0x80, v4, vm0, $0xb8;
	[tilespmem:$0x18500] =	vst v63  }
0x684: {  	s18 =	simm.s32 $0xAC00  }
0x685: {  	[tilespmem:s18], [sflag:$0x1] =	stream.indirect_vreg.gather [hbm4b:s2+s15], $0x80, v4, vm0, $0xb8;
	[tilespmem:$0x18500] =	vst v63  }
0x686: {  	s19 =	simm.s32 $0xB400  }
0x687: {  	[tilespmem:s19], [sflag:$0x1] =	stream.indirect_vreg.gather [hbm4b:s3+s15], $0x80, v4, vm0, $0xb8;
	[tilespmem:$0x18500] =	vst v63  }
0x688: {  	s21 =	simm.s32 $0xBC00  }
0x689: {  	[tilespmem:s21], [sflag:$0x1] =	stream.indirect_vreg.gather [hbm4b:s4+s15], $0x80, v4, vm0, $0xb8;
	[tilespmem:$0x18500] =	vst v63  }
0x68a: {  	v4 =	vld [tilespmem:$0xB0];
	_ =	sdelay $0x4  }
0x68b: {  	v5 =	vshll.u32 v4, $0x3  }
0x68c: {  	v4 =	vand.u32 $0x7, v4;
	v5 =	vand.u32 $0xFFFFFFC0, v5  }
0x68d: {  	v4 =	vor.u32 v4, v5  }
0x68e: {  	v5 =	vperm.xlane v4, v1;
	_ =	sdelay $0x1  }
0x68f: {  	v5 =	vadd.s32 v2, v5;
	_ =	sdelay $0x3  }
0x690: {  	s22 =	simm.s32 $0xC400  }
0x691: {  	[tilespmem:s22], [sflag:$0x1] =	stream.indirect_vreg.gather [hbm4b:s30+s15], $0x80, v5, vm0, $0xb8;
	[tilespmem:$0x18500] =	vst v63  }
0x692: {  	s23 =	simm.s32 $0xCC00;
	v4 =	vperm.xlane v4, v3  }
0x693: {  	[tilespmem:s23], [sflag:$0x1] =	stream.indirect_vreg.gather [hbm4b:s2+s15], $0x80, v5, vm0, $0xb8;
	[tilespmem:$0x18500] =	vst v63  }
0x694: {  	s17 =	simm.s32 $0xD400;
	v4 =	vadd.s32 v2, v4  }
0x695: {  	[tilespmem:s17], [sflag:$0x1] =	stream.indirect_vreg.gather [hbm4b:s3+s15], $0x80, v5, vm0, $0xb8;
	[tilespmem:$0x18500] =	vst v63  }
0x696: {  	s18 =	simm.s32 $0xDC00  }
0x697: {  	[tilespmem:s18], [sflag:$0x1] =	stream.indirect_vreg.gather [hbm4b:s4+s15], $0x80, v5, vm0, $0xb8;
	[tilespmem:$0x18500] =	vst v63  }
0x698: {  	s19 =	simm.s32 $0xE400  }
0x699: {  	[tilespmem:s19], [sflag:$0x1] =	stream.indirect_vreg.gather [hbm4b:s30+s15], $0x80, v4, vm0, $0xb8;
	[tilespmem:$0x18500] =	vst v63  }
0x69a: {  	s21 =	simm.s32 $0xEC00  }
0x69b: {  	[tilespmem:s21], [sflag:$0x1] =	stream.indirect_vreg.gather [hbm4b:s2+s15], $0x80, v4, vm0, $0xb8;
	[tilespmem:$0x18500] =	vst v63  }
0x69c: {  	s22 =	simm.s32 $0xF400  }
0x69d: {  	[tilespmem:s22], [sflag:$0x1] =	stream.indirect_vreg.gather [hbm4b:s3+s15], $0x80, v4, vm0, $0xb8;
	[tilespmem:$0x18500] =	vst v63  }
0x69e: {  	s23 =	simm.s32 $0xFC00  }
0x69f: {  	[tilespmem:s23], [sflag:$0x1] =	stream.indirect_vreg.gather [hbm4b:s4+s15], $0x80, v4, vm0, $0xb8;
	[tilespmem:$0x18500] =	vst v63  }
0x6a0: {  	_ =	swait.ge [sflag:s13], $0x8000  }
0x6a1: {  	[sflag:s13] =	ssyncset.done $0x0  }
0x6a2: {  	s16 =	simm.s32 $0x0;
	[sflag:s13] =	ssyncadd.s32 $0xFFFF8000  }
.LBB2_80:
0x6a3: {  	s17 =	sshll.u32 s16, $0xA;
	s18 =	sshll.u32 s16, $0x7  }
0x6a4: {  	s17 =	sand.u32 $0x6000, s17;
	s18 =	sand.u32 $0x380, s18  }
0x6a5: {  	s23 =	sand.u32 $0x1C00, s15;
	s17 =	sor.u32 s17, s18  }
0x6a6: {  	s19 =	sand.u32 $0x70, s15;
	s18 =	sor.u32 s23, s17  }
0x6a7: {  	s18 =	sor.u32 s19, s18  }
0x6a8: {  	v4 =	vld [tilespmem:s18+$0x400]  }
0x6a9: {  	v5 =	vld [tilespmem:s18+$0x10400];
	_ =	sdelay $0x2  }
0x6aa: {  	s19 =	simm.s32 $0x80  }
0x6ab: {  	s21 =	simm.s32 $0x10;
	s23 =	sand.u32 $0x1C00, s19  }
0x6ac: {  	s22 =	sand.u32 $0x70, s21;
	s21 =	simm.s32 $0x20;
	s23 =	sor.u32 s23, s17;
	v4 =	vadd.f32 v4, v5  }
.LBB2_81:
0x6ad: {  	p0 =	sne.s32 s21, $0x3F0;
	s22 =	sor.u32 s22, s23  }
0x6ae: {  	v5 =	vld [tilespmem:s22+$0x400];
	[tilespmem:s18+$0x10400] =	vst v4;
	s18 =	smov.u32 s22  }
0x6af: {  	v4 =	vld [tilespmem:s18+$0x10400]  }
.Ltmp39:
0x6b0: {  	(pc) =	sbr.rel @p0 .LBB2_81-.Ltmp39, $4  }
0x6b1: {  	_ = 	snop  }
0x6b2: {  	s19 =	sadd.s32 $0x80, s19  }
0x6b3: {  	s23 =	sand.u32 $0x1C00, s19  }
0x6b4: {  	s22 =	sand.u32 $0x70, s21;
	s21 =	sadd.s32 $0x10, s21;
	s23 =	sor.u32 s23, s17;
	v4 =	vadd.f32 v5, v4  }
0x6b5: {  	s17 =	sor.u32 s22, s23  }
0x6b6: {  	v5 =	vld [tilespmem:s17+$0x400];
	[tilespmem:s18+$0x10400] =	vst v4  }
0x6b7: {  	v4 =	vld [tilespmem:s17+$0x10400]  }
0x6b8: {  	s16 =	sadd.s32 $0x1, s16  }
0x6b9: {  	p0 =	sne.s32 s16, $0x20  }
.Ltmp40:
0x6ba: {  	_ = 	snop;
	(pc) =	sbr.rel @p0 .LBB2_80-.Ltmp40, $3  }
0x6bb: {  	_ = 	snop  }
0x6bc: {  	v4 =	vadd.f32 v5, v4;
	_ =	sdelay $0x1  }
0x6bd: {  	[tilespmem:s17+$0x10400] =	vst v4  }
0x6be: {  	s16 =	sld [smem:$0x7F4];
	_ =	sdelay $0x1  }
0x6bf: {  	s15 =	simm.s32 $0x0  }
0x6c0: {  	[hbm4b:s16+s15] =	stream.linear.scatter [tilespmem:s20], [sflag:$0x4], $0x8000, $0x38;
	[tilespmem:$0x18500] =	vst v63  }
0x6c1: {  	s19 =	rddreg [dreg:$0x1a];
	s17 =	simm.s32 $0x400  }
0x6c2: {  	[tilespmem:s17], [sflag:$0x5] =	stream.linear.gather [hbm4b:s19+s15], $0x8000, $0x38;
	[tilespmem:$0x18500] =	vst v63  }
0x6c3: {  	_ =	swait.ge [sflag:s31], $0x8000  }
0x6c4: {  	[sflag:s31] =	ssyncset.done $0x0  }
0x6c5: {  	[sflag:s31] =	ssyncadd.s32 $0xFFFF8000  }
0x6c6: {  	_ =	swait.ge [sflag:s14], $0x8000  }
0x6c7: {  	[sflag:s14] =	ssyncset.done $0x0  }
0x6c8: {  	[sflag:s14] =	ssyncadd.s32 $0xFFFF8000  }
0x6c9: {  	v4 =	vld [tilespmem:$0x1A0];
	_ =	sdelay $0x4  }
0x6ca: {  	v5 =	vshll.u32 v4, $0x3  }
0x6cb: {  	v4 =	vand.u32 $0x7, v4;
	v5 =	vand.u32 $0xFFFFFFC0, v5  }
0x6cc: {  	v4 =	vor.u32 v4, v5  }
0x6cd: {  	v5 =	vperm.xlane v4, v1;
	_ =	sdelay $0x1  }
0x6ce: {  	v5 =	vadd.s32 v2, v5;
	_ =	sdelay $0x4  }
0x6cf: {  	[tilespmem:s20], [sflag:$0x2] =	stream.indirect_vreg.gather [hbm4b:s30+s15], $0x80, v5, vm0, $0xb8;
	[tilespmem:$0x18500] =	vst v63  }
0x6d0: {  	s21 =	simm.s32 $0x10C00;
	v4 =	vperm.xlane v4, v3  }
0x6d1: {  	[tilespmem:s21], [sflag:$0x2] =	stream.indirect_vreg.gather [hbm4b:s2+s15], $0x80, v5, vm0, $0xb8;
	[tilespmem:$0x18500] =	vst v63  }
0x6d2: {  	s22 =	simm.s32 $0x11400;
	v4 =	vadd.s32 v2, v4  }
0x6d3: {  	[tilespmem:s22], [sflag:$0x2] =	stream.indirect_vreg.gather [hbm4b:s3+s15], $0x80, v5, vm0, $0xb8;
	[tilespmem:$0x18500] =	vst v63  }
0x6d4: {  	s23 =	simm.s32 $0x11C00  }
0x6d5: {  	[tilespmem:s23], [sflag:$0x2] =	stream.indirect_vreg.gather [hbm4b:s4+s15], $0x80, v5, vm0, $0xb8;
	[tilespmem:$0x18500] =	vst v63  }
0x6d6: {  	_ = 	snop  }
0x6d7: {  	[tilespmem:s24], [sflag:$0x2] =	stream.indirect_vreg.gather [hbm4b:s30+s15], $0x80, v4, vm0, $0xb8;
	[tilespmem:$0x18500] =	vst v63  }
0x6d8: {  	_ = 	snop  }
0x6d9: {  	[tilespmem:s25], [sflag:$0x2] =	stream.indirect_vreg.gather [hbm4b:s2+s15], $0x80, v4, vm0, $0xb8;
	[tilespmem:$0x18500] =	vst v63  }
0x6da: {  	_ = 	snop  }
0x6db: {  	[tilespmem:s29], [sflag:$0x2] =	stream.indirect_vreg.gather [hbm4b:s3+s15], $0x80, v4, vm0, $0xb8;
	[tilespmem:$0x18500] =	vst v63  }
0x6dc: {  	_ = 	snop  }
0x6dd: {  	[tilespmem:s28], [sflag:$0x2] =	stream.indirect_vreg.gather [hbm4b:s4+s15], $0x80, v4, vm0, $0xb8;
	[tilespmem:$0x18500] =	vst v63  }
0x6de: {  	v4 =	vld [tilespmem:$0x1B0];
	_ =	sdelay $0x4  }
0x6df: {  	v5 =	vshll.u32 v4, $0x3  }
0x6e0: {  	v4 =	vand.u32 $0x7, v4;
	v5 =	vand.u32 $0xFFFFFFC0, v5  }
0x6e1: {  	v4 =	vor.u32 v4, v5  }
0x6e2: {  	v5 =	vperm.xlane v4, v1;
	_ =	sdelay $0x1  }
0x6e3: {  	v5 =	vadd.s32 v2, v5;
	_ =	sdelay $0x4  }
0x6e4: {  	[tilespmem:s1], [sflag:$0x2] =	stream.indirect_vreg.gather [hbm4b:s30+s15], $0x80, v5, vm0, $0xb8;
	[tilespmem:$0x18500] =	vst v63  }
0x6e5: {  	v4 =	vperm.xlane v4, v3  }
0x6e6: {  	[tilespmem:s26], [sflag:$0x2] =	stream.indirect_vreg.gather [hbm4b:s2+s15], $0x80, v5, vm0, $0xb8;
	[tilespmem:$0x18500] =	vst v63  }
0x6e7: {  	v4 =	vadd.s32 v2, v4  }
0x6e8: {  	[tilespmem:s5], [sflag:$0x2] =	stream.indirect_vreg.gather [hbm4b:s3+s15], $0x80, v5, vm0, $0xb8;
	[tilespmem:$0x18500] =	vst v63  }
0x6e9: {  	_ = 	snop  }
0x6ea: {  	[tilespmem:s6], [sflag:$0x2] =	stream.indirect_vreg.gather [hbm4b:s4+s15], $0x80, v5, vm0, $0xb8;
	[tilespmem:$0x18500] =	vst v63  }
0x6eb: {  	_ = 	snop  }
0x6ec: {  	[tilespmem:s7], [sflag:$0x2] =	stream.indirect_vreg.gather [hbm4b:s30+s15], $0x80, v4, vm0, $0xb8;
	[tilespmem:$0x18500] =	vst v63  }
0x6ed: {  	_ = 	snop  }
0x6ee: {  	[tilespmem:s8], [sflag:$0x2] =	stream.indirect_vreg.gather [hbm4b:s2+s15], $0x80, v4, vm0, $0xb8;
	[tilespmem:$0x18500] =	vst v63  }
0x6ef: {  	_ = 	snop  }
0x6f0: {  	[tilespmem:s9], [sflag:$0x2] =	stream.indirect_vreg.gather [hbm4b:s3+s15], $0x80, v4, vm0, $0xb8;
	[tilespmem:$0x18500] =	vst v63  }
0x6f1: {  	_ = 	snop  }
0x6f2: {  	[tilespmem:s10], [sflag:$0x2] =	stream.indirect_vreg.gather [hbm4b:s4+s15], $0x80, v4, vm0, $0xb8;
	[tilespmem:$0x18500] =	vst v63  }
0x6f3: {  	_ =	swait.ge [sflag:s11], $0x8000  }
0x6f4: {  	[sflag:s11] =	ssyncset.done $0x0  }
0x6f5: {  	s16 =	simm.s32 $0x0;
	[sflag:s11] =	ssyncadd.s32 $0xFFFF8000  }
.LBB2_84:
0x6f6: {  	s17 =	sshll.u32 s16, $0xA;
	s18 =	sshll.u32 s16, $0x7  }
0x6f7: {  	s17 =	sand.u32 $0x6000, s17;
	s18 =	sand.u32 $0x380, s18  }
0x6f8: {  	s23 =	sand.u32 $0x1C00, s15;
	s17 =	sor.u32 s17, s18  }
0x6f9: {  	s19 =	sand.u32 $0x70, s15;
	s18 =	sor.u32 s23, s17  }
0x6fa: {  	s18 =	sor.u32 s19, s18  }
0x6fb: {  	v4 =	vld [tilespmem:s18+$0x400]  }
0x6fc: {  	v5 =	vld [tilespmem:s18+$0x8400];
	_ =	sdelay $0x2  }
0x6fd: {  	s19 =	simm.s32 $0x80  }
0x6fe: {  	s21 =	simm.s32 $0x10;
	s23 =	sand.u32 $0x1C00, s19  }
0x6ff: {  	s22 =	sand.u32 $0x70, s21;
	s21 =	simm.s32 $0x20;
	s23 =	sor.u32 s23, s17;
	v4 =	vadd.f32 v4, v5  }
.LBB2_85:
0x700: {  	p0 =	sne.s32 s21, $0x3F0;
	s22 =	sor.u32 s22, s23  }
0x701: {  	v5 =	vld [tilespmem:s22+$0x400];
	[tilespmem:s18+$0x8400] =	vst v4;
	s18 =	smov.u32 s22  }
0x702: {  	v4 =	vld [tilespmem:s18+$0x8400]  }
.Ltmp41:
0x703: {  	(pc) =	sbr.rel @p0 .LBB2_85-.Ltmp41, $4  }
0x704: {  	_ = 	snop  }
0x705: {  	s19 =	sadd.s32 $0x80, s19  }
0x706: {  	s23 =	sand.u32 $0x1C00, s19  }
0x707: {  	s22 =	sand.u32 $0x70, s21;
	s21 =	sadd.s32 $0x10, s21;
	s23 =	sor.u32 s23, s17;
	v4 =	vadd.f32 v5, v4  }
0x708: {  	s17 =	sor.u32 s22, s23  }
0x709: {  	v5 =	vld [tilespmem:s17+$0x400];
	[tilespmem:s18+$0x8400] =	vst v4  }
0x70a: {  	v4 =	vld [tilespmem:s17+$0x8400]  }
0x70b: {  	s16 =	sadd.s32 $0x1, s16  }
0x70c: {  	p0 =	sne.s32 s16, $0x20  }
.Ltmp42:
0x70d: {  	_ = 	snop;
	(pc) =	sbr.rel @p0 .LBB2_84-.Ltmp42, $3  }
0x70e: {  	_ = 	snop  }
0x70f: {  	v4 =	vadd.f32 v5, v4;
	_ =	sdelay $0x1  }
0x710: {  	[tilespmem:s17+$0x8400] =	vst v4  }
0x711: {  	s15 =	simm.s32 $0x0;
	s16 =	rddreg [dreg:$0x1b]  }
0x712: {  	[hbm4b:s16+s15] =	stream.linear.scatter [tilespmem:s0], [sflag:$0x3], $0x8000, $0x38;
	[tilespmem:$0x18500] =	vst v63  }
0x713: {  	_ =	swait.ge [sflag:s12], $0x8000  }
0x714: {  	[sflag:s12] =	ssyncset.done $0x0  }
0x715: {  	[sflag:s12] =	ssyncadd.s32 $0xFFFF8000  }
0x716: {  	v4 =	vld [tilespmem:$0x2A0];
	_ =	sdelay $0x4  }
0x717: {  	v5 =	vshll.u32 v4, $0x3  }
0x718: {  	v4 =	vand.u32 $0x7, v4;
	v5 =	vand.u32 $0xFFFFFFC0, v5  }
0x719: {  	v4 =	vor.u32 v4, v5  }
0x71a: {  	v5 =	vperm.xlane v4, v1;
	_ =	sdelay $0x1  }
0x71b: {  	v5 =	vadd.s32 v2, v5;
	_ =	sdelay $0x4  }
0x71c: {  	[tilespmem:s0], [sflag:$0x1] =	stream.indirect_vreg.gather [hbm4b:s30+s15], $0x80, v5, vm0, $0xb8;
	[tilespmem:$0x18500] =	vst v63  }
0x71d: {  	s21 =	simm.s32 $0x8C00;
	v4 =	vperm.xlane v4, v3  }
0x71e: {  	[tilespmem:s21], [sflag:$0x1] =	stream.indirect_vreg.gather [hbm4b:s2+s15], $0x80, v5, vm0, $0xb8;
	[tilespmem:$0x18500] =	vst v63  }
0x71f: {  	s22 =	simm.s32 $0x9400;
	v4 =	vadd.s32 v2, v4  }
0x720: {  	[tilespmem:s22], [sflag:$0x1] =	stream.indirect_vreg.gather [hbm4b:s3+s15], $0x80, v5, vm0, $0xb8;
	[tilespmem:$0x18500] =	vst v63  }
0x721: {  	s23 =	simm.s32 $0x9C00  }
0x722: {  	[tilespmem:s23], [sflag:$0x1] =	stream.indirect_vreg.gather [hbm4b:s4+s15], $0x80, v5, vm0, $0xb8;
	[tilespmem:$0x18500] =	vst v63  }
0x723: {  	s17 =	simm.s32 $0xA400  }
0x724: {  	[tilespmem:s17], [sflag:$0x1] =	stream.indirect_vreg.gather [hbm4b:s30+s15], $0x80, v4, vm0, $0xb8;
	[tilespmem:$0x18500] =	vst v63  }
0x725: {  	s18 =	simm.s32 $0xAC00  }
0x726: {  	[tilespmem:s18], [sflag:$0x1] =	stream.indirect_vreg.gather [hbm4b:s2+s15], $0x80, v4, vm0, $0xb8;
	[tilespmem:$0x18500] =	vst v63  }
0x727: {  	s19 =	simm.s32 $0xB400  }
0x728: {  	[tilespmem:s19], [sflag:$0x1] =	stream.indirect_vreg.gather [hbm4b:s3+s15], $0x80, v4, vm0, $0xb8;
	[tilespmem:$0x18500] =	vst v63  }
0x729: {  	s21 =	simm.s32 $0xBC00  }
0x72a: {  	[tilespmem:s21], [sflag:$0x1] =	stream.indirect_vreg.gather [hbm4b:s4+s15], $0x80, v4, vm0, $0xb8;
	[tilespmem:$0x18500] =	vst v63  }
0x72b: {  	v4 =	vld [tilespmem:$0x2B0];
	_ =	sdelay $0x4  }
0x72c: {  	v5 =	vshll.u32 v4, $0x3  }
0x72d: {  	v4 =	vand.u32 $0x7, v4;
	v5 =	vand.u32 $0xFFFFFFC0, v5  }
0x72e: {  	v4 =	vor.u32 v4, v5  }
0x72f: {  	v5 =	vperm.xlane v4, v1;
	_ =	sdelay $0x1  }
0x730: {  	v5 =	vadd.s32 v2, v5;
	_ =	sdelay $0x3  }
0x731: {  	s22 =	simm.s32 $0xC400  }
0x732: {  	[tilespmem:s22], [sflag:$0x1] =	stream.indirect_vreg.gather [hbm4b:s30+s15], $0x80, v5, vm0, $0xb8;
	[tilespmem:$0x18500] =	vst v63  }
0x733: {  	s23 =	simm.s32 $0xCC00;
	v4 =	vperm.xlane v4, v3  }
0x734: {  	[tilespmem:s23], [sflag:$0x1] =	stream.indirect_vreg.gather [hbm4b:s2+s15], $0x80, v5, vm0, $0xb8;
	[tilespmem:$0x18500] =	vst v63  }
0x735: {  	s17 =	simm.s32 $0xD400;
	v4 =	vadd.s32 v2, v4  }
0x736: {  	[tilespmem:s17], [sflag:$0x1] =	stream.indirect_vreg.gather [hbm4b:s3+s15], $0x80, v5, vm0, $0xb8;
	[tilespmem:$0x18500] =	vst v63  }
0x737: {  	s18 =	simm.s32 $0xDC00  }
0x738: {  	[tilespmem:s18], [sflag:$0x1] =	stream.indirect_vreg.gather [hbm4b:s4+s15], $0x80, v5, vm0, $0xb8;
	[tilespmem:$0x18500] =	vst v63  }
0x739: {  	s19 =	simm.s32 $0xE400  }
0x73a: {  	[tilespmem:s19], [sflag:$0x1] =	stream.indirect_vreg.gather [hbm4b:s30+s15], $0x80, v4, vm0, $0xb8;
	[tilespmem:$0x18500] =	vst v63  }
0x73b: {  	s21 =	simm.s32 $0xEC00  }
0x73c: {  	[tilespmem:s21], [sflag:$0x1] =	stream.indirect_vreg.gather [hbm4b:s2+s15], $0x80, v4, vm0, $0xb8;
	[tilespmem:$0x18500] =	vst v63  }
0x73d: {  	s22 =	simm.s32 $0xF400  }
0x73e: {  	[tilespmem:s22], [sflag:$0x1] =	stream.indirect_vreg.gather [hbm4b:s3+s15], $0x80, v4, vm0, $0xb8;
	[tilespmem:$0x18500] =	vst v63  }
0x73f: {  	s23 =	simm.s32 $0xFC00  }
0x740: {  	[tilespmem:s23], [sflag:$0x1] =	stream.indirect_vreg.gather [hbm4b:s4+s15], $0x80, v4, vm0, $0xb8;
	[tilespmem:$0x18500] =	vst v63  }
0x741: {  	_ =	swait.ge [sflag:s13], $0x8000  }
0x742: {  	[sflag:s13] =	ssyncset.done $0x0  }
0x743: {  	s16 =	simm.s32 $0x0;
	[sflag:s13] =	ssyncadd.s32 $0xFFFF8000  }
.LBB2_88:
0x744: {  	s17 =	sshll.u32 s16, $0xA;
	s18 =	sshll.u32 s16, $0x7  }
0x745: {  	s17 =	sand.u32 $0x6000, s17;
	s18 =	sand.u32 $0x380, s18  }
0x746: {  	s23 =	sand.u32 $0x1C00, s15;
	s17 =	sor.u32 s17, s18  }
0x747: {  	s19 =	sand.u32 $0x70, s15;
	s18 =	sor.u32 s23, s17  }
0x748: {  	s18 =	sor.u32 s19, s18  }
0x749: {  	v4 =	vld [tilespmem:s18+$0x400]  }
0x74a: {  	v5 =	vld [tilespmem:s18+$0x10400];
	_ =	sdelay $0x2  }
0x74b: {  	s19 =	simm.s32 $0x80  }
0x74c: {  	s21 =	simm.s32 $0x10;
	s23 =	sand.u32 $0x1C00, s19  }
0x74d: {  	s22 =	sand.u32 $0x70, s21;
	s21 =	simm.s32 $0x20;
	s23 =	sor.u32 s23, s17;
	v4 =	vadd.f32 v4, v5  }
.LBB2_89:
0x74e: {  	p0 =	sne.s32 s21, $0x3F0;
	s22 =	sor.u32 s22, s23  }
0x74f: {  	v5 =	vld [tilespmem:s22+$0x400];
	[tilespmem:s18+$0x10400] =	vst v4;
	s18 =	smov.u32 s22  }
0x750: {  	v4 =	vld [tilespmem:s18+$0x10400]  }
.Ltmp43:
0x751: {  	(pc) =	sbr.rel @p0 .LBB2_89-.Ltmp43, $4  }
0x752: {  	_ = 	snop  }
0x753: {  	s19 =	sadd.s32 $0x80, s19  }
0x754: {  	s23 =	sand.u32 $0x1C00, s19  }
0x755: {  	s22 =	sand.u32 $0x70, s21;
	s21 =	sadd.s32 $0x10, s21;
	s23 =	sor.u32 s23, s17;
	v4 =	vadd.f32 v5, v4  }
0x756: {  	s17 =	sor.u32 s22, s23  }
0x757: {  	v5 =	vld [tilespmem:s17+$0x400];
	[tilespmem:s18+$0x10400] =	vst v4  }
0x758: {  	v4 =	vld [tilespmem:s17+$0x10400]  }
0x759: {  	s16 =	sadd.s32 $0x1, s16  }
0x75a: {  	p0 =	sne.s32 s16, $0x20  }
.Ltmp44:
0x75b: {  	_ = 	snop;
	(pc) =	sbr.rel @p0 .LBB2_88-.Ltmp44, $3  }
0x75c: {  	_ = 	snop  }
0x75d: {  	v4 =	vadd.f32 v5, v4;
	_ =	sdelay $0x1  }
0x75e: {  	[tilespmem:s17+$0x10400] =	vst v4  }
0x75f: {  	s16 =	sld [smem:$0x7F5];
	_ =	sdelay $0x1  }
0x760: {  	s15 =	simm.s32 $0x0  }
0x761: {  	[hbm4b:s16+s15] =	stream.linear.scatter [tilespmem:s20], [sflag:$0x4], $0x8000, $0x38;
	[tilespmem:$0x18500] =	vst v63  }
0x762: {  	_ =	swait.ge [sflag:s14], $0x8000  }
0x763: {  	[sflag:s14] =	ssyncset.done $0x0  }
0x764: {  	[sflag:s14] =	ssyncadd.s32 $0xFFFF8000  }
0x765: {  	v4 =	vld [tilespmem:$0x3A0];
	_ =	sdelay $0x4  }
0x766: {  	v5 =	vshll.u32 v4, $0x3  }
0x767: {  	v4 =	vand.u32 $0x7, v4;
	v5 =	vand.u32 $0xFFFFFFC0, v5  }
0x768: {  	v4 =	vor.u32 v4, v5  }
0x769: {  	v5 =	vperm.xlane v4, v1;
	_ =	sdelay $0x1  }
0x76a: {  	v5 =	vadd.s32 v2, v5;
	_ =	sdelay $0x4  }
0x76b: {  	[tilespmem:s20], [sflag:$0x2] =	stream.indirect_vreg.gather [hbm4b:s30+s15], $0x80, v5, vm0, $0xb8;
	[tilespmem:$0x18500] =	vst v63  }
0x76c: {  	s21 =	simm.s32 $0x10C00;
	v4 =	vperm.xlane v4, v3  }
0x76d: {  	[tilespmem:s21], [sflag:$0x2] =	stream.indirect_vreg.gather [hbm4b:s2+s15], $0x80, v5, vm0, $0xb8;
	[tilespmem:$0x18500] =	vst v63  }
0x76e: {  	s22 =	simm.s32 $0x11400;
	v4 =	vadd.s32 v2, v4  }
0x76f: {  	[tilespmem:s22], [sflag:$0x2] =	stream.indirect_vreg.gather [hbm4b:s3+s15], $0x80, v5, vm0, $0xb8;
	[tilespmem:$0x18500] =	vst v63  }
0x770: {  	s23 =	simm.s32 $0x11C00  }
0x771: {  	[tilespmem:s23], [sflag:$0x2] =	stream.indirect_vreg.gather [hbm4b:s4+s15], $0x80, v5, vm0, $0xb8;
	[tilespmem:$0x18500] =	vst v63  }
0x772: {  	_ = 	snop  }
0x773: {  	[tilespmem:s24], [sflag:$0x2] =	stream.indirect_vreg.gather [hbm4b:s30+s15], $0x80, v4, vm0, $0xb8;
	[tilespmem:$0x18500] =	vst v63  }
0x774: {  	_ = 	snop  }
0x775: {  	[tilespmem:s25], [sflag:$0x2] =	stream.indirect_vreg.gather [hbm4b:s2+s15], $0x80, v4, vm0, $0xb8;
	[tilespmem:$0x18500] =	vst v63  }
0x776: {  	_ = 	snop  }
0x777: {  	[tilespmem:s29], [sflag:$0x2] =	stream.indirect_vreg.gather [hbm4b:s3+s15], $0x80, v4, vm0, $0xb8;
	[tilespmem:$0x18500] =	vst v63  }
0x778: {  	_ = 	snop  }
0x779: {  	[tilespmem:s28], [sflag:$0x2] =	stream.indirect_vreg.gather [hbm4b:s4+s15], $0x80, v4, vm0, $0xb8;
	[tilespmem:$0x18500] =	vst v63  }
0x77a: {  	v4 =	vld [tilespmem:$0x3B0];
	_ =	sdelay $0x4  }
0x77b: {  	v5 =	vshll.u32 v4, $0x3  }
0x77c: {  	v4 =	vand.u32 $0x7, v4;
	v5 =	vand.u32 $0xFFFFFFC0, v5  }
0x77d: {  	v4 =	vor.u32 v4, v5  }
0x77e: {  	v5 =	vperm.xlane v4, v1;
	_ =	sdelay $0x1  }
0x77f: {  	v5 =	vadd.s32 v2, v5;
	_ =	sdelay $0x4  }
0x780: {  	[tilespmem:s1], [sflag:$0x2] =	stream.indirect_vreg.gather [hbm4b:s30+s15], $0x80, v5, vm0, $0xb8;
	[tilespmem:$0x18500] =	vst v63  }
0x781: {  	v4 =	vperm.xlane v4, v3  }
0x782: {  	[tilespmem:s26], [sflag:$0x2] =	stream.indirect_vreg.gather [hbm4b:s2+s15], $0x80, v5, vm0, $0xb8;
	[tilespmem:$0x18500] =	vst v63  }
0x783: {  	v4 =	vadd.s32 v2, v4  }
0x784: {  	[tilespmem:s5], [sflag:$0x2] =	stream.indirect_vreg.gather [hbm4b:s3+s15], $0x80, v5, vm0, $0xb8;
	[tilespmem:$0x18500] =	vst v63  }
0x785: {  	_ = 	snop  }
0x786: {  	[tilespmem:s6], [sflag:$0x2] =	stream.indirect_vreg.gather [hbm4b:s4+s15], $0x80, v5, vm0, $0xb8;
	[tilespmem:$0x18500] =	vst v63  }
0x787: {  	_ = 	snop  }
0x788: {  	[tilespmem:s7], [sflag:$0x2] =	stream.indirect_vreg.gather [hbm4b:s30+s15], $0x80, v4, vm0, $0xb8;
	[tilespmem:$0x18500] =	vst v63  }
0x789: {  	_ = 	snop  }
0x78a: {  	[tilespmem:s8], [sflag:$0x2] =	stream.indirect_vreg.gather [hbm4b:s2+s15], $0x80, v4, vm0, $0xb8;
	[tilespmem:$0x18500] =	vst v63  }
0x78b: {  	_ = 	snop  }
0x78c: {  	[tilespmem:s9], [sflag:$0x2] =	stream.indirect_vreg.gather [hbm4b:s3+s15], $0x80, v4, vm0, $0xb8;
	[tilespmem:$0x18500] =	vst v63  }
0x78d: {  	_ = 	snop  }
0x78e: {  	[tilespmem:s10], [sflag:$0x2] =	stream.indirect_vreg.gather [hbm4b:s4+s15], $0x80, v4, vm0, $0xb8;
	[tilespmem:$0x18500] =	vst v63  }
0x78f: {  	_ =	swait.ge [sflag:s11], $0x8000  }
0x790: {  	[sflag:s11] =	ssyncset.done $0x0  }
0x791: {  	s16 =	simm.s32 $0x0;
	[sflag:s11] =	ssyncadd.s32 $0xFFFF8000  }
.LBB2_92:
0x792: {  	s17 =	sshll.u32 s16, $0xA;
	s18 =	sshll.u32 s16, $0x7  }
0x793: {  	s17 =	sand.u32 $0x6000, s17;
	s18 =	sand.u32 $0x380, s18  }
0x794: {  	s23 =	sand.u32 $0x1C00, s15;
	s17 =	sor.u32 s17, s18  }
0x795: {  	s19 =	sand.u32 $0x70, s15;
	s18 =	sor.u32 s23, s17  }
0x796: {  	s18 =	sor.u32 s19, s18  }
0x797: {  	v4 =	vld [tilespmem:s18+$0x400]  }
0x798: {  	v5 =	vld [tilespmem:s18+$0x8400];
	_ =	sdelay $0x2  }
0x799: {  	s19 =	simm.s32 $0x80  }
0x79a: {  	s21 =	simm.s32 $0x10;
	s23 =	sand.u32 $0x1C00, s19  }
0x79b: {  	s22 =	sand.u32 $0x70, s21;
	s21 =	simm.s32 $0x20;
	s23 =	sor.u32 s23, s17;
	v4 =	vadd.f32 v4, v5  }
.LBB2_93:
0x79c: {  	p0 =	sne.s32 s21, $0x3F0;
	s22 =	sor.u32 s22, s23  }
0x79d: {  	v5 =	vld [tilespmem:s22+$0x400];
	[tilespmem:s18+$0x8400] =	vst v4;
	s18 =	smov.u32 s22  }
0x79e: {  	v4 =	vld [tilespmem:s18+$0x8400]  }
.Ltmp45:
0x79f: {  	(pc) =	sbr.rel @p0 .LBB2_93-.Ltmp45, $4  }
0x7a0: {  	_ = 	snop  }
0x7a1: {  	s19 =	sadd.s32 $0x80, s19  }
0x7a2: {  	s23 =	sand.u32 $0x1C00, s19  }
0x7a3: {  	s22 =	sand.u32 $0x70, s21;
	s21 =	sadd.s32 $0x10, s21;
	s23 =	sor.u32 s23, s17;
	v4 =	vadd.f32 v5, v4  }
0x7a4: {  	s17 =	sor.u32 s22, s23  }
0x7a5: {  	v5 =	vld [tilespmem:s17+$0x400];
	[tilespmem:s18+$0x8400] =	vst v4  }
0x7a6: {  	v4 =	vld [tilespmem:s17+$0x8400]  }
0x7a7: {  	s16 =	sadd.s32 $0x1, s16  }
0x7a8: {  	p0 =	sne.s32 s16, $0x20  }
.Ltmp46:
0x7a9: {  	_ = 	snop;
	(pc) =	sbr.rel @p0 .LBB2_92-.Ltmp46, $3  }
0x7aa: {  	_ = 	snop  }
0x7ab: {  	v4 =	vadd.f32 v5, v4;
	_ =	sdelay $0x1  }
0x7ac: {  	[tilespmem:s17+$0x8400] =	vst v4  }
0x7ad: {  	s16 =	sld [smem:$0x7F6];
	_ =	sdelay $0x1  }
0x7ae: {  	s15 =	simm.s32 $0x0  }
0x7af: {  	[hbm4b:s16+s15] =	stream.linear.scatter [tilespmem:s0], [sflag:$0x3], $0x8000, $0x38;
	[tilespmem:$0x18500] =	vst v63  }
0x7b0: {  	_ =	swait.ge [sflag:s12], $0x8000  }
0x7b1: {  	[sflag:s12] =	ssyncset.done $0x0  }
0x7b2: {  	[sflag:s12] =	ssyncadd.s32 $0xFFFF8000  }
0x7b3: {  	v4 =	vld [tilespmem:$0xC0];
	_ =	sdelay $0x4  }
0x7b4: {  	v5 =	vshll.u32 v4, $0x3  }
0x7b5: {  	v4 =	vand.u32 $0x7, v4;
	v5 =	vand.u32 $0xFFFFFFC0, v5  }
0x7b6: {  	v4 =	vor.u32 v4, v5  }
0x7b7: {  	v5 =	vperm.xlane v4, v1;
	_ =	sdelay $0x1  }
0x7b8: {  	v5 =	vadd.s32 v2, v5;
	_ =	sdelay $0x4  }
0x7b9: {  	[tilespmem:s0], [sflag:$0x1] =	stream.indirect_vreg.gather [hbm4b:s30+s15], $0x80, v5, vm0, $0xb8;
	[tilespmem:$0x18500] =	vst v63  }
0x7ba: {  	s21 =	simm.s32 $0x8C00;
	v4 =	vperm.xlane v4, v3  }
0x7bb: {  	[tilespmem:s21], [sflag:$0x1] =	stream.indirect_vreg.gather [hbm4b:s2+s15], $0x80, v5, vm0, $0xb8;
	[tilespmem:$0x18500] =	vst v63  }
0x7bc: {  	s22 =	simm.s32 $0x9400;
	v4 =	vadd.s32 v2, v4  }
0x7bd: {  	[tilespmem:s22], [sflag:$0x1] =	stream.indirect_vreg.gather [hbm4b:s3+s15], $0x80, v5, vm0, $0xb8;
	[tilespmem:$0x18500] =	vst v63  }
0x7be: {  	s23 =	simm.s32 $0x9C00  }
0x7bf: {  	[tilespmem:s23], [sflag:$0x1] =	stream.indirect_vreg.gather [hbm4b:s4+s15], $0x80, v5, vm0, $0xb8;
	[tilespmem:$0x18500] =	vst v63  }
0x7c0: {  	s17 =	simm.s32 $0xA400  }
0x7c1: {  	[tilespmem:s17], [sflag:$0x1] =	stream.indirect_vreg.gather [hbm4b:s30+s15], $0x80, v4, vm0, $0xb8;
	[tilespmem:$0x18500] =	vst v63  }
0x7c2: {  	s18 =	simm.s32 $0xAC00  }
0x7c3: {  	[tilespmem:s18], [sflag:$0x1] =	stream.indirect_vreg.gather [hbm4b:s2+s15], $0x80, v4, vm0, $0xb8;
	[tilespmem:$0x18500] =	vst v63  }
0x7c4: {  	s19 =	simm.s32 $0xB400  }
0x7c5: {  	[tilespmem:s19], [sflag:$0x1] =	stream.indirect_vreg.gather [hbm4b:s3+s15], $0x80, v4, vm0, $0xb8;
	[tilespmem:$0x18500] =	vst v63  }
0x7c6: {  	s21 =	simm.s32 $0xBC00  }
0x7c7: {  	[tilespmem:s21], [sflag:$0x1] =	stream.indirect_vreg.gather [hbm4b:s4+s15], $0x80, v4, vm0, $0xb8;
	[tilespmem:$0x18500] =	vst v63  }
0x7c8: {  	v4 =	vld [tilespmem:$0xD0];
	_ =	sdelay $0x4  }
0x7c9: {  	v5 =	vshll.u32 v4, $0x3  }
0x7ca: {  	v4 =	vand.u32 $0x7, v4;
	v5 =	vand.u32 $0xFFFFFFC0, v5  }
0x7cb: {  	v4 =	vor.u32 v4, v5  }
0x7cc: {  	v5 =	vperm.xlane v4, v1;
	_ =	sdelay $0x1  }
0x7cd: {  	v5 =	vadd.s32 v2, v5;
	_ =	sdelay $0x3  }
0x7ce: {  	s22 =	simm.s32 $0xC400  }
0x7cf: {  	[tilespmem:s22], [sflag:$0x1] =	stream.indirect_vreg.gather [hbm4b:s30+s15], $0x80, v5, vm0, $0xb8;
	[tilespmem:$0x18500] =	vst v63  }
0x7d0: {  	s23 =	simm.s32 $0xCC00;
	v4 =	vperm.xlane v4, v3  }
0x7d1: {  	[tilespmem:s23], [sflag:$0x1] =	stream.indirect_vreg.gather [hbm4b:s2+s15], $0x80, v5, vm0, $0xb8;
	[tilespmem:$0x18500] =	vst v63  }
0x7d2: {  	s17 =	simm.s32 $0xD400;
	v4 =	vadd.s32 v2, v4  }
0x7d3: {  	[tilespmem:s17], [sflag:$0x1] =	stream.indirect_vreg.gather [hbm4b:s3+s15], $0x80, v5, vm0, $0xb8;
	[tilespmem:$0x18500] =	vst v63  }
0x7d4: {  	s18 =	simm.s32 $0xDC00  }
0x7d5: {  	[tilespmem:s18], [sflag:$0x1] =	stream.indirect_vreg.gather [hbm4b:s4+s15], $0x80, v5, vm0, $0xb8;
	[tilespmem:$0x18500] =	vst v63  }
0x7d6: {  	s19 =	simm.s32 $0xE400  }
0x7d7: {  	[tilespmem:s19], [sflag:$0x1] =	stream.indirect_vreg.gather [hbm4b:s30+s15], $0x80, v4, vm0, $0xb8;
	[tilespmem:$0x18500] =	vst v63  }
0x7d8: {  	s21 =	simm.s32 $0xEC00  }
0x7d9: {  	[tilespmem:s21], [sflag:$0x1] =	stream.indirect_vreg.gather [hbm4b:s2+s15], $0x80, v4, vm0, $0xb8;
	[tilespmem:$0x18500] =	vst v63  }
0x7da: {  	s22 =	simm.s32 $0xF400  }
0x7db: {  	[tilespmem:s22], [sflag:$0x1] =	stream.indirect_vreg.gather [hbm4b:s3+s15], $0x80, v4, vm0, $0xb8;
	[tilespmem:$0x18500] =	vst v63  }
0x7dc: {  	s23 =	simm.s32 $0xFC00  }
0x7dd: {  	[tilespmem:s23], [sflag:$0x1] =	stream.indirect_vreg.gather [hbm4b:s4+s15], $0x80, v4, vm0, $0xb8;
	[tilespmem:$0x18500] =	vst v63  }
0x7de: {  	_ =	swait.ge [sflag:s13], $0x8000  }
0x7df: {  	[sflag:s13] =	ssyncset.done $0x0  }
0x7e0: {  	s16 =	simm.s32 $0x0;
	[sflag:s13] =	ssyncadd.s32 $0xFFFF8000  }
.LBB2_96:
0x7e1: {  	s17 =	sshll.u32 s16, $0xA;
	s18 =	sshll.u32 s16, $0x7  }
0x7e2: {  	s17 =	sand.u32 $0x6000, s17;
	s18 =	sand.u32 $0x380, s18  }
0x7e3: {  	s23 =	sand.u32 $0x1C00, s15;
	s17 =	sor.u32 s17, s18  }
0x7e4: {  	s19 =	sand.u32 $0x70, s15;
	s18 =	sor.u32 s23, s17  }
0x7e5: {  	s18 =	sor.u32 s19, s18  }
0x7e6: {  	v4 =	vld [tilespmem:s18+$0x400]  }
0x7e7: {  	v5 =	vld [tilespmem:s18+$0x10400];
	_ =	sdelay $0x2  }
0x7e8: {  	s19 =	simm.s32 $0x80  }
0x7e9: {  	s21 =	simm.s32 $0x10;
	s23 =	sand.u32 $0x1C00, s19  }
0x7ea: {  	s22 =	sand.u32 $0x70, s21;
	s21 =	simm.s32 $0x20;
	s23 =	sor.u32 s23, s17;
	v4 =	vadd.f32 v4, v5  }
.LBB2_97:
0x7eb: {  	p0 =	sne.s32 s21, $0x3F0;
	s22 =	sor.u32 s22, s23  }
0x7ec: {  	v5 =	vld [tilespmem:s22+$0x400];
	[tilespmem:s18+$0x10400] =	vst v4;
	s18 =	smov.u32 s22  }
0x7ed: {  	v4 =	vld [tilespmem:s18+$0x10400]  }
.Ltmp47:
0x7ee: {  	(pc) =	sbr.rel @p0 .LBB2_97-.Ltmp47, $4  }
0x7ef: {  	_ = 	snop  }
0x7f0: {  	s19 =	sadd.s32 $0x80, s19  }
0x7f1: {  	s23 =	sand.u32 $0x1C00, s19  }
0x7f2: {  	s22 =	sand.u32 $0x70, s21;
	s21 =	sadd.s32 $0x10, s21;
	s23 =	sor.u32 s23, s17;
	v4 =	vadd.f32 v5, v4  }
0x7f3: {  	s17 =	sor.u32 s22, s23  }
0x7f4: {  	v5 =	vld [tilespmem:s17+$0x400];
	[tilespmem:s18+$0x10400] =	vst v4  }
0x7f5: {  	v4 =	vld [tilespmem:s17+$0x10400]  }
0x7f6: {  	s16 =	sadd.s32 $0x1, s16  }
0x7f7: {  	p0 =	sne.s32 s16, $0x20  }
.Ltmp48:
0x7f8: {  	_ = 	snop;
	(pc) =	sbr.rel @p0 .LBB2_96-.Ltmp48, $3  }
0x7f9: {  	_ = 	snop  }
0x7fa: {  	v4 =	vadd.f32 v5, v4;
	_ =	sdelay $0x1  }
0x7fb: {  	[tilespmem:s17+$0x10400] =	vst v4  }
0x7fc: {  	s16 =	sld [smem:$0x7F7];
	_ =	sdelay $0x1  }
0x7fd: {  	s15 =	simm.s32 $0x0  }
0x7fe: {  	[hbm4b:s16+s15] =	stream.linear.scatter [tilespmem:s20], [sflag:$0x4], $0x8000, $0x38;
	[tilespmem:$0x18500] =	vst v63  }
0x7ff: {  	s19 =	rddreg [dreg:$0x1c];
	s17 =	simm.s32 $0x400  }
0x800: {  	[tilespmem:s17], [sflag:$0x5] =	stream.linear.gather [hbm4b:s19+s15], $0x8000, $0x38;
	[tilespmem:$0x18500] =	vst v63  }
0x801: {  	_ =	swait.ge [sflag:s31], $0x8000  }
0x802: {  	[sflag:s31] =	ssyncset.done $0x0  }
0x803: {  	[sflag:s31] =	ssyncadd.s32 $0xFFFF8000  }
0x804: {  	_ =	swait.ge [sflag:s14], $0x8000  }
0x805: {  	[sflag:s14] =	ssyncset.done $0x0  }
0x806: {  	[sflag:s14] =	ssyncadd.s32 $0xFFFF8000  }
0x807: {  	v4 =	vld [tilespmem:$0x1C0];
	_ =	sdelay $0x4  }
0x808: {  	v5 =	vshll.u32 v4, $0x3  }
0x809: {  	v4 =	vand.u32 $0x7, v4;
	v5 =	vand.u32 $0xFFFFFFC0, v5  }
0x80a: {  	v4 =	vor.u32 v4, v5  }
0x80b: {  	v5 =	vperm.xlane v4, v1;
	_ =	sdelay $0x1  }
0x80c: {  	v5 =	vadd.s32 v2, v5;
	_ =	sdelay $0x4  }
0x80d: {  	[tilespmem:s20], [sflag:$0x2] =	stream.indirect_vreg.gather [hbm4b:s30+s15], $0x80, v5, vm0, $0xb8;
	[tilespmem:$0x18500] =	vst v63  }
0x80e: {  	s21 =	simm.s32 $0x10C00;
	v4 =	vperm.xlane v4, v3  }
0x80f: {  	[tilespmem:s21], [sflag:$0x2] =	stream.indirect_vreg.gather [hbm4b:s2+s15], $0x80, v5, vm0, $0xb8;
	[tilespmem:$0x18500] =	vst v63  }
0x810: {  	s22 =	simm.s32 $0x11400;
	v4 =	vadd.s32 v2, v4  }
0x811: {  	[tilespmem:s22], [sflag:$0x2] =	stream.indirect_vreg.gather [hbm4b:s3+s15], $0x80, v5, vm0, $0xb8;
	[tilespmem:$0x18500] =	vst v63  }
0x812: {  	s23 =	simm.s32 $0x11C00  }
0x813: {  	[tilespmem:s23], [sflag:$0x2] =	stream.indirect_vreg.gather [hbm4b:s4+s15], $0x80, v5, vm0, $0xb8;
	[tilespmem:$0x18500] =	vst v63  }
0x814: {  	_ = 	snop  }
0x815: {  	[tilespmem:s24], [sflag:$0x2] =	stream.indirect_vreg.gather [hbm4b:s30+s15], $0x80, v4, vm0, $0xb8;
	[tilespmem:$0x18500] =	vst v63  }
0x816: {  	_ = 	snop  }
0x817: {  	[tilespmem:s25], [sflag:$0x2] =	stream.indirect_vreg.gather [hbm4b:s2+s15], $0x80, v4, vm0, $0xb8;
	[tilespmem:$0x18500] =	vst v63  }
0x818: {  	_ = 	snop  }
0x819: {  	[tilespmem:s29], [sflag:$0x2] =	stream.indirect_vreg.gather [hbm4b:s3+s15], $0x80, v4, vm0, $0xb8;
	[tilespmem:$0x18500] =	vst v63  }
0x81a: {  	_ = 	snop  }
0x81b: {  	[tilespmem:s28], [sflag:$0x2] =	stream.indirect_vreg.gather [hbm4b:s4+s15], $0x80, v4, vm0, $0xb8;
	[tilespmem:$0x18500] =	vst v63  }
0x81c: {  	v4 =	vld [tilespmem:$0x1D0];
	_ =	sdelay $0x4  }
0x81d: {  	v5 =	vshll.u32 v4, $0x3  }
0x81e: {  	v4 =	vand.u32 $0x7, v4;
	v5 =	vand.u32 $0xFFFFFFC0, v5  }
0x81f: {  	v4 =	vor.u32 v4, v5  }
0x820: {  	v5 =	vperm.xlane v4, v1;
	_ =	sdelay $0x1  }
0x821: {  	v5 =	vadd.s32 v2, v5;
	_ =	sdelay $0x4  }
0x822: {  	[tilespmem:s1], [sflag:$0x2] =	stream.indirect_vreg.gather [hbm4b:s30+s15], $0x80, v5, vm0, $0xb8;
	[tilespmem:$0x18500] =	vst v63  }
0x823: {  	v4 =	vperm.xlane v4, v3  }
0x824: {  	[tilespmem:s26], [sflag:$0x2] =	stream.indirect_vreg.gather [hbm4b:s2+s15], $0x80, v5, vm0, $0xb8;
	[tilespmem:$0x18500] =	vst v63  }
0x825: {  	v4 =	vadd.s32 v2, v4  }
0x826: {  	[tilespmem:s5], [sflag:$0x2] =	stream.indirect_vreg.gather [hbm4b:s3+s15], $0x80, v5, vm0, $0xb8;
	[tilespmem:$0x18500] =	vst v63  }
0x827: {  	_ = 	snop  }
0x828: {  	[tilespmem:s6], [sflag:$0x2] =	stream.indirect_vreg.gather [hbm4b:s4+s15], $0x80, v5, vm0, $0xb8;
	[tilespmem:$0x18500] =	vst v63  }
0x829: {  	_ = 	snop  }
0x82a: {  	[tilespmem:s7], [sflag:$0x2] =	stream.indirect_vreg.gather [hbm4b:s30+s15], $0x80, v4, vm0, $0xb8;
	[tilespmem:$0x18500] =	vst v63  }
0x82b: {  	_ = 	snop  }
0x82c: {  	[tilespmem:s8], [sflag:$0x2] =	stream.indirect_vreg.gather [hbm4b:s2+s15], $0x80, v4, vm0, $0xb8;
	[tilespmem:$0x18500] =	vst v63  }
0x82d: {  	_ = 	snop  }
0x82e: {  	[tilespmem:s9], [sflag:$0x2] =	stream.indirect_vreg.gather [hbm4b:s3+s15], $0x80, v4, vm0, $0xb8;
	[tilespmem:$0x18500] =	vst v63  }
0x82f: {  	_ = 	snop  }
0x830: {  	[tilespmem:s10], [sflag:$0x2] =	stream.indirect_vreg.gather [hbm4b:s4+s15], $0x80, v4, vm0, $0xb8;
	[tilespmem:$0x18500] =	vst v63  }
0x831: {  	_ =	swait.ge [sflag:s11], $0x8000  }
0x832: {  	[sflag:s11] =	ssyncset.done $0x0  }
0x833: {  	s16 =	simm.s32 $0x0;
	[sflag:s11] =	ssyncadd.s32 $0xFFFF8000  }
.LBB2_100:
0x834: {  	s17 =	sshll.u32 s16, $0xA;
	s18 =	sshll.u32 s16, $0x7  }
0x835: {  	s17 =	sand.u32 $0x6000, s17;
	s18 =	sand.u32 $0x380, s18  }
0x836: {  	s23 =	sand.u32 $0x1C00, s15;
	s17 =	sor.u32 s17, s18  }
0x837: {  	s19 =	sand.u32 $0x70, s15;
	s18 =	sor.u32 s23, s17  }
0x838: {  	s18 =	sor.u32 s19, s18  }
0x839: {  	v4 =	vld [tilespmem:s18+$0x400]  }
0x83a: {  	v5 =	vld [tilespmem:s18+$0x8400];
	_ =	sdelay $0x2  }
0x83b: {  	s19 =	simm.s32 $0x80  }
0x83c: {  	s21 =	simm.s32 $0x10;
	s23 =	sand.u32 $0x1C00, s19  }
0x83d: {  	s22 =	sand.u32 $0x70, s21;
	s21 =	simm.s32 $0x20;
	s23 =	sor.u32 s23, s17;
	v4 =	vadd.f32 v4, v5  }
.LBB2_101:
0x83e: {  	p0 =	sne.s32 s21, $0x3F0;
	s22 =	sor.u32 s22, s23  }
0x83f: {  	v5 =	vld [tilespmem:s22+$0x400];
	[tilespmem:s18+$0x8400] =	vst v4;
	s18 =	smov.u32 s22  }
0x840: {  	v4 =	vld [tilespmem:s18+$0x8400]  }
.Ltmp49:
0x841: {  	(pc) =	sbr.rel @p0 .LBB2_101-.Ltmp49, $4  }
0x842: {  	_ = 	snop  }
0x843: {  	s19 =	sadd.s32 $0x80, s19  }
0x844: {  	s23 =	sand.u32 $0x1C00, s19  }
0x845: {  	s22 =	sand.u32 $0x70, s21;
	s21 =	sadd.s32 $0x10, s21;
	s23 =	sor.u32 s23, s17;
	v4 =	vadd.f32 v5, v4  }
0x846: {  	s17 =	sor.u32 s22, s23  }
0x847: {  	v5 =	vld [tilespmem:s17+$0x400];
	[tilespmem:s18+$0x8400] =	vst v4  }
0x848: {  	v4 =	vld [tilespmem:s17+$0x8400]  }
0x849: {  	s16 =	sadd.s32 $0x1, s16  }
0x84a: {  	p0 =	sne.s32 s16, $0x20  }
.Ltmp50:
0x84b: {  	_ = 	snop;
	(pc) =	sbr.rel @p0 .LBB2_100-.Ltmp50, $3  }
0x84c: {  	_ = 	snop  }
0x84d: {  	v4 =	vadd.f32 v5, v4;
	_ =	sdelay $0x1  }
0x84e: {  	[tilespmem:s17+$0x8400] =	vst v4  }
0x84f: {  	s15 =	simm.s32 $0x0;
	s16 =	rddreg [dreg:$0x1d]  }
0x850: {  	[hbm4b:s16+s15] =	stream.linear.scatter [tilespmem:s0], [sflag:$0x3], $0x8000, $0x38;
	[tilespmem:$0x18500] =	vst v63  }
0x851: {  	_ =	swait.ge [sflag:s12], $0x8000  }
0x852: {  	[sflag:s12] =	ssyncset.done $0x0  }
0x853: {  	[sflag:s12] =	ssyncadd.s32 $0xFFFF8000  }
0x854: {  	v4 =	vld [tilespmem:$0x2C0];
	_ =	sdelay $0x4  }
0x855: {  	v5 =	vshll.u32 v4, $0x3  }
0x856: {  	v4 =	vand.u32 $0x7, v4;
	v5 =	vand.u32 $0xFFFFFFC0, v5  }
0x857: {  	v4 =	vor.u32 v4, v5  }
0x858: {  	v5 =	vperm.xlane v4, v1;
	_ =	sdelay $0x1  }
0x859: {  	v5 =	vadd.s32 v2, v5;
	_ =	sdelay $0x4  }
0x85a: {  	[tilespmem:s0], [sflag:$0x1] =	stream.indirect_vreg.gather [hbm4b:s30+s15], $0x80, v5, vm0, $0xb8;
	[tilespmem:$0x18500] =	vst v63  }
0x85b: {  	s21 =	simm.s32 $0x8C00;
	v4 =	vperm.xlane v4, v3  }
0x85c: {  	[tilespmem:s21], [sflag:$0x1] =	stream.indirect_vreg.gather [hbm4b:s2+s15], $0x80, v5, vm0, $0xb8;
	[tilespmem:$0x18500] =	vst v63  }
0x85d: {  	s22 =	simm.s32 $0x9400;
	v4 =	vadd.s32 v2, v4  }
0x85e: {  	[tilespmem:s22], [sflag:$0x1] =	stream.indirect_vreg.gather [hbm4b:s3+s15], $0x80, v5, vm0, $0xb8;
	[tilespmem:$0x18500] =	vst v63  }
0x85f: {  	s23 =	simm.s32 $0x9C00  }
0x860: {  	[tilespmem:s23], [sflag:$0x1] =	stream.indirect_vreg.gather [hbm4b:s4+s15], $0x80, v5, vm0, $0xb8;
	[tilespmem:$0x18500] =	vst v63  }
0x861: {  	s17 =	simm.s32 $0xA400  }
0x862: {  	[tilespmem:s17], [sflag:$0x1] =	stream.indirect_vreg.gather [hbm4b:s30+s15], $0x80, v4, vm0, $0xb8;
	[tilespmem:$0x18500] =	vst v63  }
0x863: {  	s18 =	simm.s32 $0xAC00  }
0x864: {  	[tilespmem:s18], [sflag:$0x1] =	stream.indirect_vreg.gather [hbm4b:s2+s15], $0x80, v4, vm0, $0xb8;
	[tilespmem:$0x18500] =	vst v63  }
0x865: {  	s19 =	simm.s32 $0xB400  }
0x866: {  	[tilespmem:s19], [sflag:$0x1] =	stream.indirect_vreg.gather [hbm4b:s3+s15], $0x80, v4, vm0, $0xb8;
	[tilespmem:$0x18500] =	vst v63  }
0x867: {  	s21 =	simm.s32 $0xBC00  }
0x868: {  	[tilespmem:s21], [sflag:$0x1] =	stream.indirect_vreg.gather [hbm4b:s4+s15], $0x80, v4, vm0, $0xb8;
	[tilespmem:$0x18500] =	vst v63  }
0x869: {  	v4 =	vld [tilespmem:$0x2D0];
	_ =	sdelay $0x4  }
0x86a: {  	v5 =	vshll.u32 v4, $0x3  }
0x86b: {  	v4 =	vand.u32 $0x7, v4;
	v5 =	vand.u32 $0xFFFFFFC0, v5  }
0x86c: {  	v4 =	vor.u32 v4, v5  }
0x86d: {  	v5 =	vperm.xlane v4, v1;
	_ =	sdelay $0x1  }
0x86e: {  	v5 =	vadd.s32 v2, v5;
	_ =	sdelay $0x3  }
0x86f: {  	s22 =	simm.s32 $0xC400  }
0x870: {  	[tilespmem:s22], [sflag:$0x1] =	stream.indirect_vreg.gather [hbm4b:s30+s15], $0x80, v5, vm0, $0xb8;
	[tilespmem:$0x18500] =	vst v63  }
0x871: {  	s23 =	simm.s32 $0xCC00;
	v4 =	vperm.xlane v4, v3  }
0x872: {  	[tilespmem:s23], [sflag:$0x1] =	stream.indirect_vreg.gather [hbm4b:s2+s15], $0x80, v5, vm0, $0xb8;
	[tilespmem:$0x18500] =	vst v63  }
0x873: {  	s17 =	simm.s32 $0xD400;
	v4 =	vadd.s32 v2, v4  }
0x874: {  	[tilespmem:s17], [sflag:$0x1] =	stream.indirect_vreg.gather [hbm4b:s3+s15], $0x80, v5, vm0, $0xb8;
	[tilespmem:$0x18500] =	vst v63  }
0x875: {  	s18 =	simm.s32 $0xDC00  }
0x876: {  	[tilespmem:s18], [sflag:$0x1] =	stream.indirect_vreg.gather [hbm4b:s4+s15], $0x80, v5, vm0, $0xb8;
	[tilespmem:$0x18500] =	vst v63  }
0x877: {  	s19 =	simm.s32 $0xE400  }
0x878: {  	[tilespmem:s19], [sflag:$0x1] =	stream.indirect_vreg.gather [hbm4b:s30+s15], $0x80, v4, vm0, $0xb8;
	[tilespmem:$0x18500] =	vst v63  }
0x879: {  	s21 =	simm.s32 $0xEC00  }
0x87a: {  	[tilespmem:s21], [sflag:$0x1] =	stream.indirect_vreg.gather [hbm4b:s2+s15], $0x80, v4, vm0, $0xb8;
	[tilespmem:$0x18500] =	vst v63  }
0x87b: {  	s22 =	simm.s32 $0xF400  }
0x87c: {  	[tilespmem:s22], [sflag:$0x1] =	stream.indirect_vreg.gather [hbm4b:s3+s15], $0x80, v4, vm0, $0xb8;
	[tilespmem:$0x18500] =	vst v63  }
0x87d: {  	s23 =	simm.s32 $0xFC00  }
0x87e: {  	[tilespmem:s23], [sflag:$0x1] =	stream.indirect_vreg.gather [hbm4b:s4+s15], $0x80, v4, vm0, $0xb8;
	[tilespmem:$0x18500] =	vst v63  }
0x87f: {  	_ =	swait.ge [sflag:s13], $0x8000  }
0x880: {  	[sflag:s13] =	ssyncset.done $0x0  }
0x881: {  	s16 =	simm.s32 $0x0;
	[sflag:s13] =	ssyncadd.s32 $0xFFFF8000  }
.LBB2_104:
0x882: {  	s17 =	sshll.u32 s16, $0xA;
	s18 =	sshll.u32 s16, $0x7  }
0x883: {  	s17 =	sand.u32 $0x6000, s17;
	s18 =	sand.u32 $0x380, s18  }
0x884: {  	s23 =	sand.u32 $0x1C00, s15;
	s17 =	sor.u32 s17, s18  }
0x885: {  	s19 =	sand.u32 $0x70, s15;
	s18 =	sor.u32 s23, s17  }
0x886: {  	s18 =	sor.u32 s19, s18  }
0x887: {  	v4 =	vld [tilespmem:s18+$0x400]  }
0x888: {  	v5 =	vld [tilespmem:s18+$0x10400];
	_ =	sdelay $0x2  }
0x889: {  	s19 =	simm.s32 $0x80  }
0x88a: {  	s21 =	simm.s32 $0x10;
	s23 =	sand.u32 $0x1C00, s19  }
0x88b: {  	s22 =	sand.u32 $0x70, s21;
	s21 =	simm.s32 $0x20;
	s23 =	sor.u32 s23, s17;
	v4 =	vadd.f32 v4, v5  }
.LBB2_105:
0x88c: {  	p0 =	sne.s32 s21, $0x3F0;
	s22 =	sor.u32 s22, s23  }
0x88d: {  	v5 =	vld [tilespmem:s22+$0x400];
	[tilespmem:s18+$0x10400] =	vst v4;
	s18 =	smov.u32 s22  }
0x88e: {  	v4 =	vld [tilespmem:s18+$0x10400]  }
.Ltmp51:
0x88f: {  	(pc) =	sbr.rel @p0 .LBB2_105-.Ltmp51, $4  }
0x890: {  	_ = 	snop  }
0x891: {  	s19 =	sadd.s32 $0x80, s19  }
0x892: {  	s23 =	sand.u32 $0x1C00, s19  }
0x893: {  	s22 =	sand.u32 $0x70, s21;
	s21 =	sadd.s32 $0x10, s21;
	s23 =	sor.u32 s23, s17;
	v4 =	vadd.f32 v5, v4  }
0x894: {  	s17 =	sor.u32 s22, s23  }
0x895: {  	v5 =	vld [tilespmem:s17+$0x400];
	[tilespmem:s18+$0x10400] =	vst v4  }
0x896: {  	v4 =	vld [tilespmem:s17+$0x10400]  }
0x897: {  	s16 =	sadd.s32 $0x1, s16  }
0x898: {  	p0 =	sne.s32 s16, $0x20  }
.Ltmp52:
0x899: {  	_ = 	snop;
	(pc) =	sbr.rel @p0 .LBB2_104-.Ltmp52, $3  }
0x89a: {  	_ = 	snop  }
0x89b: {  	v4 =	vadd.f32 v5, v4;
	_ =	sdelay $0x1  }
0x89c: {  	[tilespmem:s17+$0x10400] =	vst v4  }
0x89d: {  	s16 =	sld [smem:$0x7F8];
	_ =	sdelay $0x1  }
0x89e: {  	s15 =	simm.s32 $0x0  }
0x89f: {  	[hbm4b:s16+s15] =	stream.linear.scatter [tilespmem:s20], [sflag:$0x4], $0x8000, $0x38;
	[tilespmem:$0x18500] =	vst v63  }
0x8a0: {  	_ =	swait.ge [sflag:s14], $0x8000  }
0x8a1: {  	[sflag:s14] =	ssyncset.done $0x0  }
0x8a2: {  	[sflag:s14] =	ssyncadd.s32 $0xFFFF8000  }
0x8a3: {  	v4 =	vld [tilespmem:$0x3C0];
	_ =	sdelay $0x4  }
0x8a4: {  	v5 =	vshll.u32 v4, $0x3  }
0x8a5: {  	v4 =	vand.u32 $0x7, v4;
	v5 =	vand.u32 $0xFFFFFFC0, v5  }
0x8a6: {  	v4 =	vor.u32 v4, v5  }
0x8a7: {  	v5 =	vperm.xlane v4, v1;
	_ =	sdelay $0x1  }
0x8a8: {  	v5 =	vadd.s32 v2, v5;
	_ =	sdelay $0x4  }
0x8a9: {  	[tilespmem:s20], [sflag:$0x2] =	stream.indirect_vreg.gather [hbm4b:s30+s15], $0x80, v5, vm0, $0xb8;
	[tilespmem:$0x18500] =	vst v63  }
0x8aa: {  	s21 =	simm.s32 $0x10C00;
	v4 =	vperm.xlane v4, v3  }
0x8ab: {  	[tilespmem:s21], [sflag:$0x2] =	stream.indirect_vreg.gather [hbm4b:s2+s15], $0x80, v5, vm0, $0xb8;
	[tilespmem:$0x18500] =	vst v63  }
0x8ac: {  	s22 =	simm.s32 $0x11400;
	v4 =	vadd.s32 v2, v4  }
0x8ad: {  	[tilespmem:s22], [sflag:$0x2] =	stream.indirect_vreg.gather [hbm4b:s3+s15], $0x80, v5, vm0, $0xb8;
	[tilespmem:$0x18500] =	vst v63  }
0x8ae: {  	s23 =	simm.s32 $0x11C00  }
0x8af: {  	[tilespmem:s23], [sflag:$0x2] =	stream.indirect_vreg.gather [hbm4b:s4+s15], $0x80, v5, vm0, $0xb8;
	[tilespmem:$0x18500] =	vst v63  }
0x8b0: {  	_ = 	snop  }
0x8b1: {  	[tilespmem:s24], [sflag:$0x2] =	stream.indirect_vreg.gather [hbm4b:s30+s15], $0x80, v4, vm0, $0xb8;
	[tilespmem:$0x18500] =	vst v63  }
0x8b2: {  	_ = 	snop  }
0x8b3: {  	[tilespmem:s25], [sflag:$0x2] =	stream.indirect_vreg.gather [hbm4b:s2+s15], $0x80, v4, vm0, $0xb8;
	[tilespmem:$0x18500] =	vst v63  }
0x8b4: {  	_ = 	snop  }
0x8b5: {  	[tilespmem:s29], [sflag:$0x2] =	stream.indirect_vreg.gather [hbm4b:s3+s15], $0x80, v4, vm0, $0xb8;
	[tilespmem:$0x18500] =	vst v63  }
0x8b6: {  	_ = 	snop  }
0x8b7: {  	[tilespmem:s28], [sflag:$0x2] =	stream.indirect_vreg.gather [hbm4b:s4+s15], $0x80, v4, vm0, $0xb8;
	[tilespmem:$0x18500] =	vst v63  }
0x8b8: {  	v4 =	vld [tilespmem:$0x3D0];
	_ =	sdelay $0x4  }
0x8b9: {  	v5 =	vshll.u32 v4, $0x3  }
0x8ba: {  	v4 =	vand.u32 $0x7, v4;
	v5 =	vand.u32 $0xFFFFFFC0, v5  }
0x8bb: {  	v4 =	vor.u32 v4, v5  }
0x8bc: {  	v5 =	vperm.xlane v4, v1;
	_ =	sdelay $0x1  }
0x8bd: {  	v5 =	vadd.s32 v2, v5;
	_ =	sdelay $0x4  }
0x8be: {  	[tilespmem:s1], [sflag:$0x2] =	stream.indirect_vreg.gather [hbm4b:s30+s15], $0x80, v5, vm0, $0xb8;
	[tilespmem:$0x18500] =	vst v63  }
0x8bf: {  	v4 =	vperm.xlane v4, v3  }
0x8c0: {  	[tilespmem:s26], [sflag:$0x2] =	stream.indirect_vreg.gather [hbm4b:s2+s15], $0x80, v5, vm0, $0xb8;
	[tilespmem:$0x18500] =	vst v63  }
0x8c1: {  	v4 =	vadd.s32 v2, v4  }
0x8c2: {  	[tilespmem:s5], [sflag:$0x2] =	stream.indirect_vreg.gather [hbm4b:s3+s15], $0x80, v5, vm0, $0xb8;
	[tilespmem:$0x18500] =	vst v63  }
0x8c3: {  	_ = 	snop  }
0x8c4: {  	[tilespmem:s6], [sflag:$0x2] =	stream.indirect_vreg.gather [hbm4b:s4+s15], $0x80, v5, vm0, $0xb8;
	[tilespmem:$0x18500] =	vst v63  }
0x8c5: {  	_ = 	snop  }
0x8c6: {  	[tilespmem:s7], [sflag:$0x2] =	stream.indirect_vreg.gather [hbm4b:s30+s15], $0x80, v4, vm0, $0xb8;
	[tilespmem:$0x18500] =	vst v63  }
0x8c7: {  	_ = 	snop  }
0x8c8: {  	[tilespmem:s8], [sflag:$0x2] =	stream.indirect_vreg.gather [hbm4b:s2+s15], $0x80, v4, vm0, $0xb8;
	[tilespmem:$0x18500] =	vst v63  }
0x8c9: {  	_ = 	snop  }
0x8ca: {  	[tilespmem:s9], [sflag:$0x2] =	stream.indirect_vreg.gather [hbm4b:s3+s15], $0x80, v4, vm0, $0xb8;
	[tilespmem:$0x18500] =	vst v63  }
0x8cb: {  	_ = 	snop  }
0x8cc: {  	[tilespmem:s10], [sflag:$0x2] =	stream.indirect_vreg.gather [hbm4b:s4+s15], $0x80, v4, vm0, $0xb8;
	[tilespmem:$0x18500] =	vst v63  }
0x8cd: {  	_ =	swait.ge [sflag:s11], $0x8000  }
0x8ce: {  	[sflag:s11] =	ssyncset.done $0x0  }
0x8cf: {  	s16 =	simm.s32 $0x0;
	[sflag:s11] =	ssyncadd.s32 $0xFFFF8000  }
.LBB2_108:
0x8d0: {  	s17 =	sshll.u32 s16, $0xA;
	s18 =	sshll.u32 s16, $0x7  }
0x8d1: {  	s17 =	sand.u32 $0x6000, s17;
	s18 =	sand.u32 $0x380, s18  }
0x8d2: {  	s23 =	sand.u32 $0x1C00, s15;
	s17 =	sor.u32 s17, s18  }
0x8d3: {  	s19 =	sand.u32 $0x70, s15;
	s18 =	sor.u32 s23, s17  }
0x8d4: {  	s18 =	sor.u32 s19, s18  }
0x8d5: {  	v4 =	vld [tilespmem:s18+$0x400]  }
0x8d6: {  	v5 =	vld [tilespmem:s18+$0x8400];
	_ =	sdelay $0x2  }
0x8d7: {  	s19 =	simm.s32 $0x80  }
0x8d8: {  	s21 =	simm.s32 $0x10;
	s23 =	sand.u32 $0x1C00, s19  }
0x8d9: {  	s22 =	sand.u32 $0x70, s21;
	s21 =	simm.s32 $0x20;
	s23 =	sor.u32 s23, s17;
	v4 =	vadd.f32 v4, v5  }
.LBB2_109:
0x8da: {  	p0 =	sne.s32 s21, $0x3F0;
	s22 =	sor.u32 s22, s23  }
0x8db: {  	v5 =	vld [tilespmem:s22+$0x400];
	[tilespmem:s18+$0x8400] =	vst v4;
	s18 =	smov.u32 s22  }
0x8dc: {  	v4 =	vld [tilespmem:s18+$0x8400]  }
.Ltmp53:
0x8dd: {  	(pc) =	sbr.rel @p0 .LBB2_109-.Ltmp53, $4  }
0x8de: {  	_ = 	snop  }
0x8df: {  	s19 =	sadd.s32 $0x80, s19  }
0x8e0: {  	s23 =	sand.u32 $0x1C00, s19  }
0x8e1: {  	s22 =	sand.u32 $0x70, s21;
	s21 =	sadd.s32 $0x10, s21;
	s23 =	sor.u32 s23, s17;
	v4 =	vadd.f32 v5, v4  }
0x8e2: {  	s17 =	sor.u32 s22, s23  }
0x8e3: {  	v5 =	vld [tilespmem:s17+$0x400];
	[tilespmem:s18+$0x8400] =	vst v4  }
0x8e4: {  	v4 =	vld [tilespmem:s17+$0x8400]  }
0x8e5: {  	s16 =	sadd.s32 $0x1, s16  }
0x8e6: {  	p0 =	sne.s32 s16, $0x20  }
.Ltmp54:
0x8e7: {  	_ = 	snop;
	(pc) =	sbr.rel @p0 .LBB2_108-.Ltmp54, $3  }
0x8e8: {  	_ = 	snop  }
0x8e9: {  	v4 =	vadd.f32 v5, v4;
	_ =	sdelay $0x1  }
0x8ea: {  	[tilespmem:s17+$0x8400] =	vst v4  }
0x8eb: {  	s16 =	sld [smem:$0x7F9];
	_ =	sdelay $0x1  }
0x8ec: {  	s15 =	simm.s32 $0x0  }
0x8ed: {  	[hbm4b:s16+s15] =	stream.linear.scatter [tilespmem:s0], [sflag:$0x3], $0x8000, $0x38;
	[tilespmem:$0x18500] =	vst v63  }
0x8ee: {  	_ =	swait.ge [sflag:s12], $0x8000  }
0x8ef: {  	[sflag:s12] =	ssyncset.done $0x0  }
0x8f0: {  	[sflag:s12] =	ssyncadd.s32 $0xFFFF8000  }
0x8f1: {  	v4 =	vld [tilespmem:$0xE0];
	_ =	sdelay $0x4  }
0x8f2: {  	v5 =	vshll.u32 v4, $0x3  }
0x8f3: {  	v4 =	vand.u32 $0x7, v4;
	v5 =	vand.u32 $0xFFFFFFC0, v5  }
0x8f4: {  	v4 =	vor.u32 v4, v5  }
0x8f5: {  	v5 =	vperm.xlane v4, v1;
	_ =	sdelay $0x1  }
0x8f6: {  	v5 =	vadd.s32 v2, v5;
	_ =	sdelay $0x4  }
0x8f7: {  	[tilespmem:s0], [sflag:$0x1] =	stream.indirect_vreg.gather [hbm4b:s30+s15], $0x80, v5, vm0, $0xb8;
	[tilespmem:$0x18500] =	vst v63  }
0x8f8: {  	s21 =	simm.s32 $0x8C00;
	v4 =	vperm.xlane v4, v3  }
0x8f9: {  	[tilespmem:s21], [sflag:$0x1] =	stream.indirect_vreg.gather [hbm4b:s2+s15], $0x80, v5, vm0, $0xb8;
	[tilespmem:$0x18500] =	vst v63  }
0x8fa: {  	s22 =	simm.s32 $0x9400;
	v4 =	vadd.s32 v2, v4  }
0x8fb: {  	[tilespmem:s22], [sflag:$0x1] =	stream.indirect_vreg.gather [hbm4b:s3+s15], $0x80, v5, vm0, $0xb8;
	[tilespmem:$0x18500] =	vst v63  }
0x8fc: {  	s23 =	simm.s32 $0x9C00  }
0x8fd: {  	[tilespmem:s23], [sflag:$0x1] =	stream.indirect_vreg.gather [hbm4b:s4+s15], $0x80, v5, vm0, $0xb8;
	[tilespmem:$0x18500] =	vst v63  }
0x8fe: {  	s17 =	simm.s32 $0xA400  }
0x8ff: {  	[tilespmem:s17], [sflag:$0x1] =	stream.indirect_vreg.gather [hbm4b:s30+s15], $0x80, v4, vm0, $0xb8;
	[tilespmem:$0x18500] =	vst v63  }
0x900: {  	s18 =	simm.s32 $0xAC00  }
0x901: {  	[tilespmem:s18], [sflag:$0x1] =	stream.indirect_vreg.gather [hbm4b:s2+s15], $0x80, v4, vm0, $0xb8;
	[tilespmem:$0x18500] =	vst v63  }
0x902: {  	s19 =	simm.s32 $0xB400  }
0x903: {  	[tilespmem:s19], [sflag:$0x1] =	stream.indirect_vreg.gather [hbm4b:s3+s15], $0x80, v4, vm0, $0xb8;
	[tilespmem:$0x18500] =	vst v63  }
0x904: {  	s21 =	simm.s32 $0xBC00  }
0x905: {  	[tilespmem:s21], [sflag:$0x1] =	stream.indirect_vreg.gather [hbm4b:s4+s15], $0x80, v4, vm0, $0xb8;
	[tilespmem:$0x18500] =	vst v63  }
0x906: {  	v4 =	vld [tilespmem:$0xF0];
	_ =	sdelay $0x4  }
0x907: {  	v5 =	vshll.u32 v4, $0x3  }
0x908: {  	v4 =	vand.u32 $0x7, v4;
	v5 =	vand.u32 $0xFFFFFFC0, v5  }
0x909: {  	v4 =	vor.u32 v4, v5  }
0x90a: {  	v5 =	vperm.xlane v4, v1;
	_ =	sdelay $0x1  }
0x90b: {  	v5 =	vadd.s32 v2, v5;
	_ =	sdelay $0x3  }
0x90c: {  	s22 =	simm.s32 $0xC400  }
0x90d: {  	[tilespmem:s22], [sflag:$0x1] =	stream.indirect_vreg.gather [hbm4b:s30+s15], $0x80, v5, vm0, $0xb8;
	[tilespmem:$0x18500] =	vst v63  }
0x90e: {  	s23 =	simm.s32 $0xCC00;
	v4 =	vperm.xlane v4, v3  }
0x90f: {  	[tilespmem:s23], [sflag:$0x1] =	stream.indirect_vreg.gather [hbm4b:s2+s15], $0x80, v5, vm0, $0xb8;
	[tilespmem:$0x18500] =	vst v63  }
0x910: {  	s17 =	simm.s32 $0xD400;
	v4 =	vadd.s32 v2, v4  }
0x911: {  	[tilespmem:s17], [sflag:$0x1] =	stream.indirect_vreg.gather [hbm4b:s3+s15], $0x80, v5, vm0, $0xb8;
	[tilespmem:$0x18500] =	vst v63  }
0x912: {  	s18 =	simm.s32 $0xDC00  }
0x913: {  	[tilespmem:s18], [sflag:$0x1] =	stream.indirect_vreg.gather [hbm4b:s4+s15], $0x80, v5, vm0, $0xb8;
	[tilespmem:$0x18500] =	vst v63  }
0x914: {  	s19 =	simm.s32 $0xE400  }
0x915: {  	[tilespmem:s19], [sflag:$0x1] =	stream.indirect_vreg.gather [hbm4b:s30+s15], $0x80, v4, vm0, $0xb8;
	[tilespmem:$0x18500] =	vst v63  }
0x916: {  	s21 =	simm.s32 $0xEC00  }
0x917: {  	[tilespmem:s21], [sflag:$0x1] =	stream.indirect_vreg.gather [hbm4b:s2+s15], $0x80, v4, vm0, $0xb8;
	[tilespmem:$0x18500] =	vst v63  }
0x918: {  	s22 =	simm.s32 $0xF400  }
0x919: {  	[tilespmem:s22], [sflag:$0x1] =	stream.indirect_vreg.gather [hbm4b:s3+s15], $0x80, v4, vm0, $0xb8;
	[tilespmem:$0x18500] =	vst v63  }
0x91a: {  	s23 =	simm.s32 $0xFC00  }
0x91b: {  	[tilespmem:s23], [sflag:$0x1] =	stream.indirect_vreg.gather [hbm4b:s4+s15], $0x80, v4, vm0, $0xb8;
	[tilespmem:$0x18500] =	vst v63  }
0x91c: {  	_ =	swait.ge [sflag:s13], $0x8000  }
0x91d: {  	[sflag:s13] =	ssyncset.done $0x0  }
0x91e: {  	s16 =	simm.s32 $0x0;
	[sflag:s13] =	ssyncadd.s32 $0xFFFF8000  }
.LBB2_112:
0x91f: {  	s17 =	sshll.u32 s16, $0xA;
	s18 =	sshll.u32 s16, $0x7  }
0x920: {  	s17 =	sand.u32 $0x6000, s17;
	s18 =	sand.u32 $0x380, s18  }
0x921: {  	s23 =	sand.u32 $0x1C00, s15;
	s17 =	sor.u32 s17, s18  }
0x922: {  	s19 =	sand.u32 $0x70, s15;
	s18 =	sor.u32 s23, s17  }
0x923: {  	s18 =	sor.u32 s19, s18  }
0x924: {  	v4 =	vld [tilespmem:s18+$0x400]  }
0x925: {  	v5 =	vld [tilespmem:s18+$0x10400];
	_ =	sdelay $0x2  }
0x926: {  	s19 =	simm.s32 $0x80  }
0x927: {  	s21 =	simm.s32 $0x10;
	s23 =	sand.u32 $0x1C00, s19  }
0x928: {  	s22 =	sand.u32 $0x70, s21;
	s21 =	simm.s32 $0x20;
	s23 =	sor.u32 s23, s17;
	v4 =	vadd.f32 v4, v5  }
.LBB2_113:
0x929: {  	p0 =	sne.s32 s21, $0x3F0;
	s22 =	sor.u32 s22, s23  }
0x92a: {  	v5 =	vld [tilespmem:s22+$0x400];
	[tilespmem:s18+$0x10400] =	vst v4;
	s18 =	smov.u32 s22  }
0x92b: {  	v4 =	vld [tilespmem:s18+$0x10400]  }
.Ltmp55:
0x92c: {  	(pc) =	sbr.rel @p0 .LBB2_113-.Ltmp55, $4  }
0x92d: {  	_ = 	snop  }
0x92e: {  	s19 =	sadd.s32 $0x80, s19  }
0x92f: {  	s23 =	sand.u32 $0x1C00, s19  }
0x930: {  	s22 =	sand.u32 $0x70, s21;
	s21 =	sadd.s32 $0x10, s21;
	s23 =	sor.u32 s23, s17;
	v4 =	vadd.f32 v5, v4  }
0x931: {  	s17 =	sor.u32 s22, s23  }
0x932: {  	v5 =	vld [tilespmem:s17+$0x400];
	[tilespmem:s18+$0x10400] =	vst v4  }
0x933: {  	v4 =	vld [tilespmem:s17+$0x10400]  }
0x934: {  	s16 =	sadd.s32 $0x1, s16  }
0x935: {  	p0 =	sne.s32 s16, $0x20  }
.Ltmp56:
0x936: {  	_ = 	snop;
	(pc) =	sbr.rel @p0 .LBB2_112-.Ltmp56, $3  }
0x937: {  	_ = 	snop  }
0x938: {  	v4 =	vadd.f32 v5, v4;
	_ =	sdelay $0x1  }
0x939: {  	[tilespmem:s17+$0x10400] =	vst v4  }
0x93a: {  	s16 =	sld [smem:$0x7FA];
	_ =	sdelay $0x1  }
0x93b: {  	s15 =	simm.s32 $0x0;
	s19 =	sld [smem:$0x7E6]  }
0x93c: {  	[hbm4b:s16+s15] =	stream.linear.scatter [tilespmem:s20], [sflag:$0x4], $0x8000, $0x38;
	[tilespmem:$0x18500] =	vst v63  }
0x93d: {  	s17 =	simm.s32 $0x400  }
0x93e: {  	[tilespmem:s17], [sflag:$0x5] =	stream.linear.gather [hbm4b:s19+s15], $0x8000, $0x38;
	[tilespmem:$0x18500] =	vst v63  }
0x93f: {  	_ =	swait.ge [sflag:s31], $0x8000  }
0x940: {  	[sflag:s31] =	ssyncset.done $0x0  }
0x941: {  	[sflag:s31] =	ssyncadd.s32 $0xFFFF8000  }
0x942: {  	_ =	swait.ge [sflag:s14], $0x8000  }
0x943: {  	[sflag:s14] =	ssyncset.done $0x0  }
0x944: {  	[sflag:s14] =	ssyncadd.s32 $0xFFFF8000  }
0x945: {  	v4 =	vld [tilespmem:$0x1E0];
	_ =	sdelay $0x4  }
0x946: {  	v5 =	vshll.u32 v4, $0x3  }
0x947: {  	v4 =	vand.u32 $0x7, v4;
	v5 =	vand.u32 $0xFFFFFFC0, v5  }
0x948: {  	v4 =	vor.u32 v4, v5  }
0x949: {  	v5 =	vperm.xlane v4, v1;
	_ =	sdelay $0x1  }
0x94a: {  	v5 =	vadd.s32 v2, v5;
	_ =	sdelay $0x4  }
0x94b: {  	[tilespmem:s20], [sflag:$0x2] =	stream.indirect_vreg.gather [hbm4b:s30+s15], $0x80, v5, vm0, $0xb8;
	[tilespmem:$0x18500] =	vst v63  }
0x94c: {  	s21 =	simm.s32 $0x10C00;
	v4 =	vperm.xlane v4, v3  }
0x94d: {  	[tilespmem:s21], [sflag:$0x2] =	stream.indirect_vreg.gather [hbm4b:s2+s15], $0x80, v5, vm0, $0xb8;
	[tilespmem:$0x18500] =	vst v63  }
0x94e: {  	s22 =	simm.s32 $0x11400;
	v4 =	vadd.s32 v2, v4  }
0x94f: {  	[tilespmem:s22], [sflag:$0x2] =	stream.indirect_vreg.gather [hbm4b:s3+s15], $0x80, v5, vm0, $0xb8;
	[tilespmem:$0x18500] =	vst v63  }
0x950: {  	s23 =	simm.s32 $0x11C00  }
0x951: {  	[tilespmem:s23], [sflag:$0x2] =	stream.indirect_vreg.gather [hbm4b:s4+s15], $0x80, v5, vm0, $0xb8;
	[tilespmem:$0x18500] =	vst v63  }
0x952: {  	_ = 	snop  }
0x953: {  	[tilespmem:s24], [sflag:$0x2] =	stream.indirect_vreg.gather [hbm4b:s30+s15], $0x80, v4, vm0, $0xb8;
	[tilespmem:$0x18500] =	vst v63  }
0x954: {  	_ = 	snop  }
0x955: {  	[tilespmem:s25], [sflag:$0x2] =	stream.indirect_vreg.gather [hbm4b:s2+s15], $0x80, v4, vm0, $0xb8;
	[tilespmem:$0x18500] =	vst v63  }
0x956: {  	_ = 	snop  }
0x957: {  	[tilespmem:s29], [sflag:$0x2] =	stream.indirect_vreg.gather [hbm4b:s3+s15], $0x80, v4, vm0, $0xb8;
	[tilespmem:$0x18500] =	vst v63  }
0x958: {  	_ = 	snop  }
0x959: {  	[tilespmem:s28], [sflag:$0x2] =	stream.indirect_vreg.gather [hbm4b:s4+s15], $0x80, v4, vm0, $0xb8;
	[tilespmem:$0x18500] =	vst v63  }
0x95a: {  	v4 =	vld [tilespmem:$0x1F0];
	_ =	sdelay $0x4  }
0x95b: {  	v5 =	vshll.u32 v4, $0x3  }
0x95c: {  	v4 =	vand.u32 $0x7, v4;
	v5 =	vand.u32 $0xFFFFFFC0, v5  }
0x95d: {  	v4 =	vor.u32 v4, v5  }
0x95e: {  	v5 =	vperm.xlane v4, v1;
	_ =	sdelay $0x1  }
0x95f: {  	v5 =	vadd.s32 v2, v5;
	_ =	sdelay $0x4  }
0x960: {  	[tilespmem:s1], [sflag:$0x2] =	stream.indirect_vreg.gather [hbm4b:s30+s15], $0x80, v5, vm0, $0xb8;
	[tilespmem:$0x18500] =	vst v63  }
0x961: {  	v4 =	vperm.xlane v4, v3  }
0x962: {  	[tilespmem:s26], [sflag:$0x2] =	stream.indirect_vreg.gather [hbm4b:s2+s15], $0x80, v5, vm0, $0xb8;
	[tilespmem:$0x18500] =	vst v63  }
0x963: {  	v4 =	vadd.s32 v2, v4  }
0x964: {  	[tilespmem:s5], [sflag:$0x2] =	stream.indirect_vreg.gather [hbm4b:s3+s15], $0x80, v5, vm0, $0xb8;
	[tilespmem:$0x18500] =	vst v63  }
0x965: {  	_ = 	snop  }
0x966: {  	[tilespmem:s6], [sflag:$0x2] =	stream.indirect_vreg.gather [hbm4b:s4+s15], $0x80, v5, vm0, $0xb8;
	[tilespmem:$0x18500] =	vst v63  }
0x967: {  	_ = 	snop  }
0x968: {  	[tilespmem:s7], [sflag:$0x2] =	stream.indirect_vreg.gather [hbm4b:s30+s15], $0x80, v4, vm0, $0xb8;
	[tilespmem:$0x18500] =	vst v63  }
0x969: {  	_ = 	snop  }
0x96a: {  	[tilespmem:s8], [sflag:$0x2] =	stream.indirect_vreg.gather [hbm4b:s2+s15], $0x80, v4, vm0, $0xb8;
	[tilespmem:$0x18500] =	vst v63  }
0x96b: {  	_ = 	snop  }
0x96c: {  	[tilespmem:s9], [sflag:$0x2] =	stream.indirect_vreg.gather [hbm4b:s3+s15], $0x80, v4, vm0, $0xb8;
	[tilespmem:$0x18500] =	vst v63  }
0x96d: {  	_ = 	snop  }
0x96e: {  	[tilespmem:s10], [sflag:$0x2] =	stream.indirect_vreg.gather [hbm4b:s4+s15], $0x80, v4, vm0, $0xb8;
	[tilespmem:$0x18500] =	vst v63  }
0x96f: {  	_ =	swait.ge [sflag:s11], $0x8000  }
0x970: {  	[sflag:s11] =	ssyncset.done $0x0  }
0x971: {  	s16 =	simm.s32 $0x0;
	[sflag:s11] =	ssyncadd.s32 $0xFFFF8000  }
.LBB2_116:
0x972: {  	s17 =	sshll.u32 s16, $0xA;
	s18 =	sshll.u32 s16, $0x7  }
0x973: {  	s17 =	sand.u32 $0x6000, s17;
	s18 =	sand.u32 $0x380, s18  }
0x974: {  	s23 =	sand.u32 $0x1C00, s15;
	s17 =	sor.u32 s17, s18  }
0x975: {  	s19 =	sand.u32 $0x70, s15;
	s18 =	sor.u32 s23, s17  }
0x976: {  	s18 =	sor.u32 s19, s18  }
0x977: {  	v4 =	vld [tilespmem:s18+$0x400]  }
0x978: {  	v5 =	vld [tilespmem:s18+$0x8400];
	_ =	sdelay $0x2  }
0x979: {  	s19 =	simm.s32 $0x80  }
0x97a: {  	s21 =	simm.s32 $0x10;
	s23 =	sand.u32 $0x1C00, s19  }
0x97b: {  	s22 =	sand.u32 $0x70, s21;
	s21 =	simm.s32 $0x20;
	s23 =	sor.u32 s23, s17;
	v4 =	vadd.f32 v4, v5  }
.LBB2_117:
0x97c: {  	p0 =	sne.s32 s21, $0x3F0;
	s22 =	sor.u32 s22, s23  }
0x97d: {  	v5 =	vld [tilespmem:s22+$0x400];
	[tilespmem:s18+$0x8400] =	vst v4;
	s18 =	smov.u32 s22  }
0x97e: {  	v4 =	vld [tilespmem:s18+$0x8400]  }
.Ltmp57:
0x97f: {  	(pc) =	sbr.rel @p0 .LBB2_117-.Ltmp57, $4  }
0x980: {  	_ = 	snop  }
0x981: {  	s19 =	sadd.s32 $0x80, s19  }
0x982: {  	s23 =	sand.u32 $0x1C00, s19  }
0x983: {  	s22 =	sand.u32 $0x70, s21;
	s21 =	sadd.s32 $0x10, s21;
	s23 =	sor.u32 s23, s17;
	v4 =	vadd.f32 v5, v4  }
0x984: {  	s17 =	sor.u32 s22, s23  }
0x985: {  	v5 =	vld [tilespmem:s17+$0x400];
	[tilespmem:s18+$0x8400] =	vst v4  }
0x986: {  	v4 =	vld [tilespmem:s17+$0x8400]  }
0x987: {  	s16 =	sadd.s32 $0x1, s16  }
0x988: {  	p0 =	sne.s32 s16, $0x20  }
.Ltmp58:
0x989: {  	_ = 	snop;
	(pc) =	sbr.rel @p0 .LBB2_116-.Ltmp58, $3  }
0x98a: {  	_ = 	snop  }
0x98b: {  	v4 =	vadd.f32 v5, v4;
	_ =	sdelay $0x1  }
0x98c: {  	[tilespmem:s17+$0x8400] =	vst v4  }
0x98d: {  	s16 =	sld [smem:$0x7E7];
	_ =	sdelay $0x1  }
0x98e: {  	s15 =	simm.s32 $0x0  }
0x98f: {  	[hbm4b:s16+s15] =	stream.linear.scatter [tilespmem:s0], [sflag:$0x3], $0x8000, $0x38;
	[tilespmem:$0x18500] =	vst v63  }
0x990: {  	_ =	swait.ge [sflag:s12], $0x8000  }
0x991: {  	[sflag:s12] =	ssyncset.done $0x0  }
0x992: {  	[sflag:s12] =	ssyncadd.s32 $0xFFFF8000  }
0x993: {  	v4 =	vld [tilespmem:$0x2E0];
	_ =	sdelay $0x4  }
0x994: {  	v5 =	vshll.u32 v4, $0x3  }
0x995: {  	v4 =	vand.u32 $0x7, v4;
	v5 =	vand.u32 $0xFFFFFFC0, v5  }
0x996: {  	v4 =	vor.u32 v4, v5  }
0x997: {  	v5 =	vperm.xlane v4, v1;
	_ =	sdelay $0x1  }
0x998: {  	v5 =	vadd.s32 v2, v5;
	_ =	sdelay $0x4  }
0x999: {  	[tilespmem:s0], [sflag:$0x1] =	stream.indirect_vreg.gather [hbm4b:s30+s15], $0x80, v5, vm0, $0xb8;
	[tilespmem:$0x18500] =	vst v63  }
0x99a: {  	s21 =	simm.s32 $0x8C00;
	v4 =	vperm.xlane v4, v3  }
0x99b: {  	[tilespmem:s21], [sflag:$0x1] =	stream.indirect_vreg.gather [hbm4b:s2+s15], $0x80, v5, vm0, $0xb8;
	[tilespmem:$0x18500] =	vst v63  }
0x99c: {  	s22 =	simm.s32 $0x9400;
	v4 =	vadd.s32 v2, v4  }
0x99d: {  	[tilespmem:s22], [sflag:$0x1] =	stream.indirect_vreg.gather [hbm4b:s3+s15], $0x80, v5, vm0, $0xb8;
	[tilespmem:$0x18500] =	vst v63  }
0x99e: {  	s23 =	simm.s32 $0x9C00  }
0x99f: {  	[tilespmem:s23], [sflag:$0x1] =	stream.indirect_vreg.gather [hbm4b:s4+s15], $0x80, v5, vm0, $0xb8;
	[tilespmem:$0x18500] =	vst v63  }
0x9a0: {  	s17 =	simm.s32 $0xA400  }
0x9a1: {  	[tilespmem:s17], [sflag:$0x1] =	stream.indirect_vreg.gather [hbm4b:s30+s15], $0x80, v4, vm0, $0xb8;
	[tilespmem:$0x18500] =	vst v63  }
0x9a2: {  	s18 =	simm.s32 $0xAC00  }
0x9a3: {  	[tilespmem:s18], [sflag:$0x1] =	stream.indirect_vreg.gather [hbm4b:s2+s15], $0x80, v4, vm0, $0xb8;
	[tilespmem:$0x18500] =	vst v63  }
0x9a4: {  	s19 =	simm.s32 $0xB400  }
0x9a5: {  	[tilespmem:s19], [sflag:$0x1] =	stream.indirect_vreg.gather [hbm4b:s3+s15], $0x80, v4, vm0, $0xb8;
	[tilespmem:$0x18500] =	vst v63  }
0x9a6: {  	s21 =	simm.s32 $0xBC00  }
0x9a7: {  	[tilespmem:s21], [sflag:$0x1] =	stream.indirect_vreg.gather [hbm4b:s4+s15], $0x80, v4, vm0, $0xb8;
	[tilespmem:$0x18500] =	vst v63  }
0x9a8: {  	v4 =	vld [tilespmem:$0x2F0];
	_ =	sdelay $0x4  }
0x9a9: {  	v5 =	vshll.u32 v4, $0x3  }
0x9aa: {  	v4 =	vand.u32 $0x7, v4;
	v5 =	vand.u32 $0xFFFFFFC0, v5  }
0x9ab: {  	v4 =	vor.u32 v4, v5  }
0x9ac: {  	v5 =	vperm.xlane v4, v1;
	_ =	sdelay $0x1  }
0x9ad: {  	v5 =	vadd.s32 v2, v5;
	_ =	sdelay $0x3  }
0x9ae: {  	s22 =	simm.s32 $0xC400  }
0x9af: {  	[tilespmem:s22], [sflag:$0x1] =	stream.indirect_vreg.gather [hbm4b:s30+s15], $0x80, v5, vm0, $0xb8;
	[tilespmem:$0x18500] =	vst v63  }
0x9b0: {  	s23 =	simm.s32 $0xCC00;
	v4 =	vperm.xlane v4, v3  }
0x9b1: {  	[tilespmem:s23], [sflag:$0x1] =	stream.indirect_vreg.gather [hbm4b:s2+s15], $0x80, v5, vm0, $0xb8;
	[tilespmem:$0x18500] =	vst v63  }
0x9b2: {  	s17 =	simm.s32 $0xD400;
	v4 =	vadd.s32 v2, v4  }
0x9b3: {  	[tilespmem:s17], [sflag:$0x1] =	stream.indirect_vreg.gather [hbm4b:s3+s15], $0x80, v5, vm0, $0xb8;
	[tilespmem:$0x18500] =	vst v63  }
0x9b4: {  	s18 =	simm.s32 $0xDC00  }
0x9b5: {  	[tilespmem:s18], [sflag:$0x1] =	stream.indirect_vreg.gather [hbm4b:s4+s15], $0x80, v5, vm0, $0xb8;
	[tilespmem:$0x18500] =	vst v63  }
0x9b6: {  	s19 =	simm.s32 $0xE400  }
0x9b7: {  	[tilespmem:s19], [sflag:$0x1] =	stream.indirect_vreg.gather [hbm4b:s30+s15], $0x80, v4, vm0, $0xb8;
	[tilespmem:$0x18500] =	vst v63  }
0x9b8: {  	s21 =	simm.s32 $0xEC00  }
0x9b9: {  	[tilespmem:s21], [sflag:$0x1] =	stream.indirect_vreg.gather [hbm4b:s2+s15], $0x80, v4, vm0, $0xb8;
	[tilespmem:$0x18500] =	vst v63  }
0x9ba: {  	s22 =	simm.s32 $0xF400  }
0x9bb: {  	[tilespmem:s22], [sflag:$0x1] =	stream.indirect_vreg.gather [hbm4b:s3+s15], $0x80, v4, vm0, $0xb8;
	[tilespmem:$0x18500] =	vst v63  }
0x9bc: {  	s23 =	simm.s32 $0xFC00  }
0x9bd: {  	[tilespmem:s23], [sflag:$0x1] =	stream.indirect_vreg.gather [hbm4b:s4+s15], $0x80, v4, vm0, $0xb8;
	[tilespmem:$0x18500] =	vst v63  }
0x9be: {  	_ =	swait.ge [sflag:s13], $0x8000  }
0x9bf: {  	[sflag:s13] =	ssyncset.done $0x0  }
0x9c0: {  	s16 =	simm.s32 $0x0;
	[sflag:s13] =	ssyncadd.s32 $0xFFFF8000  }
.LBB2_120:
0x9c1: {  	s17 =	sshll.u32 s16, $0xA;
	s18 =	sshll.u32 s16, $0x7  }
0x9c2: {  	s17 =	sand.u32 $0x6000, s17;
	s18 =	sand.u32 $0x380, s18  }
0x9c3: {  	s23 =	sand.u32 $0x1C00, s15;
	s17 =	sor.u32 s17, s18  }
0x9c4: {  	s19 =	sand.u32 $0x70, s15;
	s18 =	sor.u32 s23, s17  }
0x9c5: {  	s18 =	sor.u32 s19, s18  }
0x9c6: {  	v4 =	vld [tilespmem:s18+$0x400]  }
0x9c7: {  	v5 =	vld [tilespmem:s18+$0x10400];
	_ =	sdelay $0x2  }
0x9c8: {  	s19 =	simm.s32 $0x80  }
0x9c9: {  	s21 =	simm.s32 $0x10;
	s23 =	sand.u32 $0x1C00, s19  }
0x9ca: {  	s22 =	sand.u32 $0x70, s21;
	s21 =	simm.s32 $0x20;
	s23 =	sor.u32 s23, s17;
	v4 =	vadd.f32 v4, v5  }
.LBB2_121:
0x9cb: {  	p0 =	sne.s32 s21, $0x3F0;
	s22 =	sor.u32 s22, s23  }
0x9cc: {  	v5 =	vld [tilespmem:s22+$0x400];
	[tilespmem:s18+$0x10400] =	vst v4;
	s18 =	smov.u32 s22  }
0x9cd: {  	v4 =	vld [tilespmem:s18+$0x10400]  }
.Ltmp59:
0x9ce: {  	(pc) =	sbr.rel @p0 .LBB2_121-.Ltmp59, $4  }
0x9cf: {  	_ = 	snop  }
0x9d0: {  	s19 =	sadd.s32 $0x80, s19  }
0x9d1: {  	s23 =	sand.u32 $0x1C00, s19  }
0x9d2: {  	s22 =	sand.u32 $0x70, s21;
	s21 =	sadd.s32 $0x10, s21;
	s23 =	sor.u32 s23, s17;
	v4 =	vadd.f32 v5, v4  }
0x9d3: {  	s17 =	sor.u32 s22, s23  }
0x9d4: {  	v5 =	vld [tilespmem:s17+$0x400];
	[tilespmem:s18+$0x10400] =	vst v4  }
0x9d5: {  	v4 =	vld [tilespmem:s17+$0x10400]  }
0x9d6: {  	s16 =	sadd.s32 $0x1, s16  }
0x9d7: {  	p0 =	sne.s32 s16, $0x20  }
.Ltmp60:
0x9d8: {  	_ = 	snop;
	(pc) =	sbr.rel @p0 .LBB2_120-.Ltmp60, $3  }
0x9d9: {  	_ = 	snop  }
0x9da: {  	v4 =	vadd.f32 v5, v4;
	_ =	sdelay $0x1  }
0x9db: {  	[tilespmem:s17+$0x10400] =	vst v4  }
0x9dc: {  	s16 =	sld [smem:$0x7FB];
	_ =	sdelay $0x1  }
0x9dd: {  	s15 =	simm.s32 $0x0  }
0x9de: {  	[hbm4b:s16+s15] =	stream.linear.scatter [tilespmem:s20], [sflag:$0x4], $0x8000, $0x38;
	[tilespmem:$0x18500] =	vst v63  }
0x9df: {  	_ =	swait.ge [sflag:s14], $0x8000  }
0x9e0: {  	[sflag:s14] =	ssyncset.done $0x0  }
0x9e1: {  	[sflag:s14] =	ssyncadd.s32 $0xFFFF8000  }
0x9e2: {  	v4 =	vld [tilespmem:$0x3E0];
	_ =	sdelay $0x4  }
0x9e3: {  	v5 =	vshll.u32 v4, $0x3  }
0x9e4: {  	v4 =	vand.u32 $0x7, v4;
	v5 =	vand.u32 $0xFFFFFFC0, v5  }
0x9e5: {  	v4 =	vor.u32 v4, v5  }
0x9e6: {  	v5 =	vperm.xlane v4, v1;
	_ =	sdelay $0x1  }
0x9e7: {  	v5 =	vadd.s32 v2, v5;
	_ =	sdelay $0x4  }
0x9e8: {  	[tilespmem:s20], [sflag:$0x2] =	stream.indirect_vreg.gather [hbm4b:s30+s15], $0x80, v5, vm0, $0xb8;
	[tilespmem:$0x18500] =	vst v63  }
0x9e9: {  	s21 =	simm.s32 $0x10C00;
	v4 =	vperm.xlane v4, v3  }
0x9ea: {  	[tilespmem:s21], [sflag:$0x2] =	stream.indirect_vreg.gather [hbm4b:s2+s15], $0x80, v5, vm0, $0xb8;
	[tilespmem:$0x18500] =	vst v63  }
0x9eb: {  	s22 =	simm.s32 $0x11400;
	v4 =	vadd.s32 v2, v4  }
0x9ec: {  	[tilespmem:s22], [sflag:$0x2] =	stream.indirect_vreg.gather [hbm4b:s3+s15], $0x80, v5, vm0, $0xb8;
	[tilespmem:$0x18500] =	vst v63  }
0x9ed: {  	s23 =	simm.s32 $0x11C00  }
0x9ee: {  	[tilespmem:s23], [sflag:$0x2] =	stream.indirect_vreg.gather [hbm4b:s4+s15], $0x80, v5, vm0, $0xb8;
	[tilespmem:$0x18500] =	vst v63  }
0x9ef: {  	_ = 	snop  }
0x9f0: {  	[tilespmem:s24], [sflag:$0x2] =	stream.indirect_vreg.gather [hbm4b:s30+s15], $0x80, v4, vm0, $0xb8;
	[tilespmem:$0x18500] =	vst v63  }
0x9f1: {  	_ = 	snop  }
0x9f2: {  	[tilespmem:s25], [sflag:$0x2] =	stream.indirect_vreg.gather [hbm4b:s2+s15], $0x80, v4, vm0, $0xb8;
	[tilespmem:$0x18500] =	vst v63  }
0x9f3: {  	_ = 	snop  }
0x9f4: {  	[tilespmem:s29], [sflag:$0x2] =	stream.indirect_vreg.gather [hbm4b:s3+s15], $0x80, v4, vm0, $0xb8;
	[tilespmem:$0x18500] =	vst v63  }
0x9f5: {  	_ = 	snop  }
0x9f6: {  	[tilespmem:s28], [sflag:$0x2] =	stream.indirect_vreg.gather [hbm4b:s4+s15], $0x80, v4, vm0, $0xb8;
	[tilespmem:$0x18500] =	vst v63  }
0x9f7: {  	v4 =	vld [tilespmem:$0x3F0];
	_ =	sdelay $0x4  }
0x9f8: {  	v5 =	vshll.u32 v4, $0x3  }
0x9f9: {  	v4 =	vand.u32 $0x7, v4;
	v5 =	vand.u32 $0xFFFFFFC0, v5  }
0x9fa: {  	v4 =	vor.u32 v4, v5  }
0x9fb: {  	v5 =	vperm.xlane v4, v1;
	_ =	sdelay $0x1  }
0x9fc: {  	v5 =	vadd.s32 v2, v5;
	_ =	sdelay $0x4  }
0x9fd: {  	[tilespmem:s1], [sflag:$0x2] =	stream.indirect_vreg.gather [hbm4b:s30+s15], $0x80, v5, vm0, $0xb8;
	[tilespmem:$0x18500] =	vst v63  }
0x9fe: {  	v4 =	vperm.xlane v4, v3  }
0x9ff: {  	[tilespmem:s26], [sflag:$0x2] =	stream.indirect_vreg.gather [hbm4b:s2+s15], $0x80, v5, vm0, $0xb8;
	[tilespmem:$0x18500] =	vst v63  }
0xa00: {  	v4 =	vadd.s32 v2, v4  }
0xa01: {  	[tilespmem:s5], [sflag:$0x2] =	stream.indirect_vreg.gather [hbm4b:s3+s15], $0x80, v5, vm0, $0xb8;
	[tilespmem:$0x18500] =	vst v63  }
0xa02: {  	_ = 	snop  }
0xa03: {  	[tilespmem:s6], [sflag:$0x2] =	stream.indirect_vreg.gather [hbm4b:s4+s15], $0x80, v5, vm0, $0xb8;
	[tilespmem:$0x18500] =	vst v63  }
0xa04: {  	_ = 	snop  }
0xa05: {  	[tilespmem:s7], [sflag:$0x2] =	stream.indirect_vreg.gather [hbm4b:s30+s15], $0x80, v4, vm0, $0xb8;
	[tilespmem:$0x18500] =	vst v63  }
0xa06: {  	_ = 	snop  }
0xa07: {  	[tilespmem:s8], [sflag:$0x2] =	stream.indirect_vreg.gather [hbm4b:s2+s15], $0x80, v4, vm0, $0xb8;
	[tilespmem:$0x18500] =	vst v63  }
0xa08: {  	_ = 	snop  }
0xa09: {  	[tilespmem:s9], [sflag:$0x2] =	stream.indirect_vreg.gather [hbm4b:s3+s15], $0x80, v4, vm0, $0xb8;
	[tilespmem:$0x18500] =	vst v63  }
0xa0a: {  	_ = 	snop  }
0xa0b: {  	[tilespmem:s10], [sflag:$0x2] =	stream.indirect_vreg.gather [hbm4b:s4+s15], $0x80, v4, vm0, $0xb8;
	[tilespmem:$0x18500] =	vst v63  }
0xa0c: {  	_ =	swait.ge [sflag:s11], $0x8000  }
0xa0d: {  	[sflag:s11] =	ssyncset.done $0x0  }
0xa0e: {  	s16 =	simm.s32 $0x0;
	[sflag:s11] =	ssyncadd.s32 $0xFFFF8000  }
.LBB2_124:
0xa0f: {  	s17 =	sshll.u32 s16, $0xA;
	s18 =	sshll.u32 s16, $0x7  }
0xa10: {  	s17 =	sand.u32 $0x6000, s17;
	s18 =	sand.u32 $0x380, s18  }
0xa11: {  	s23 =	sand.u32 $0x1C00, s15;
	s17 =	sor.u32 s17, s18  }
0xa12: {  	s19 =	sand.u32 $0x70, s15;
	s18 =	sor.u32 s23, s17  }
0xa13: {  	s18 =	sor.u32 s19, s18  }
0xa14: {  	v4 =	vld [tilespmem:s18+$0x400]  }
0xa15: {  	v5 =	vld [tilespmem:s18+$0x8400];
	_ =	sdelay $0x2  }
0xa16: {  	s19 =	simm.s32 $0x80  }
0xa17: {  	s21 =	simm.s32 $0x10;
	s23 =	sand.u32 $0x1C00, s19  }
0xa18: {  	s22 =	sand.u32 $0x70, s21;
	s21 =	simm.s32 $0x20;
	s23 =	sor.u32 s23, s17;
	v4 =	vadd.f32 v4, v5  }
.LBB2_125:
0xa19: {  	p0 =	sne.s32 s21, $0x3F0;
	s22 =	sor.u32 s22, s23  }
0xa1a: {  	v5 =	vld [tilespmem:s22+$0x400];
	[tilespmem:s18+$0x8400] =	vst v4;
	s18 =	smov.u32 s22  }
0xa1b: {  	v4 =	vld [tilespmem:s18+$0x8400]  }
.Ltmp61:
0xa1c: {  	(pc) =	sbr.rel @p0 .LBB2_125-.Ltmp61, $4  }
0xa1d: {  	_ = 	snop  }
0xa1e: {  	s19 =	sadd.s32 $0x80, s19  }
0xa1f: {  	s23 =	sand.u32 $0x1C00, s19  }
0xa20: {  	s22 =	sand.u32 $0x70, s21;
	s21 =	sadd.s32 $0x10, s21;
	s23 =	sor.u32 s23, s17;
	v4 =	vadd.f32 v5, v4  }
0xa21: {  	s17 =	sor.u32 s22, s23  }
0xa22: {  	v5 =	vld [tilespmem:s17+$0x400];
	[tilespmem:s18+$0x8400] =	vst v4  }
0xa23: {  	v4 =	vld [tilespmem:s17+$0x8400]  }
0xa24: {  	s16 =	sadd.s32 $0x1, s16  }
0xa25: {  	p0 =	sne.s32 s16, $0x20  }
.Ltmp62:
0xa26: {  	_ = 	snop;
	(pc) =	sbr.rel @p0 .LBB2_124-.Ltmp62, $3  }
0xa27: {  	_ = 	snop  }
0xa28: {  	v4 =	vadd.f32 v5, v4;
	_ =	sdelay $0x1  }
0xa29: {  	[tilespmem:s17+$0x8400] =	vst v4  }
0xa2a: {  	s16 =	sld [smem:$0x7FC];
	_ =	sdelay $0x1  }
0xa2b: {  	s15 =	simm.s32 $0x0  }
0xa2c: {  	[hbm4b:s16+s15] =	stream.linear.scatter [tilespmem:s0], [sflag:$0x3], $0x8000, $0x38;
	[tilespmem:$0x18500] =	vst v63  }
0xa2d: {  	_ =	swait.ge [sflag:s13], $0x8000  }
0xa2e: {  	[sflag:s13] =	ssyncset.done $0x0  }
0xa2f: {  	s16 =	simm.s32 $0x0;
	[sflag:s13] =	ssyncadd.s32 $0xFFFF8000  }
.LBB2_128:
0xa30: {  	s17 =	sshll.u32 s16, $0xA;
	s18 =	sshll.u32 s16, $0x7  }
0xa31: {  	s17 =	sand.u32 $0x6000, s17;
	s18 =	sand.u32 $0x380, s18  }
0xa32: {  	s23 =	sand.u32 $0x1C00, s15;
	s17 =	sor.u32 s17, s18  }
0xa33: {  	s19 =	sand.u32 $0x70, s15;
	s18 =	sor.u32 s23, s17  }
0xa34: {  	s18 =	sor.u32 s19, s18  }
0xa35: {  	v4 =	vld [tilespmem:s18+$0x400]  }
0xa36: {  	v5 =	vld [tilespmem:s18+$0x10400];
	_ =	sdelay $0x2  }
0xa37: {  	s19 =	simm.s32 $0x80  }
0xa38: {  	s21 =	simm.s32 $0x10;
	s23 =	sand.u32 $0x1C00, s19  }
0xa39: {  	s22 =	sand.u32 $0x70, s21;
	s21 =	simm.s32 $0x20;
	s23 =	sor.u32 s23, s17;
	v4 =	vadd.f32 v4, v5  }
.LBB2_129:
0xa3a: {  	p0 =	sne.s32 s21, $0x3F0;
	s22 =	sor.u32 s22, s23  }
0xa3b: {  	v5 =	vld [tilespmem:s22+$0x400];
	[tilespmem:s18+$0x10400] =	vst v4;
	s18 =	smov.u32 s22  }
0xa3c: {  	v4 =	vld [tilespmem:s18+$0x10400]  }
.Ltmp63:
0xa3d: {  	(pc) =	sbr.rel @p0 .LBB2_129-.Ltmp63, $4  }
0xa3e: {  	_ = 	snop  }
0xa3f: {  	s19 =	sadd.s32 $0x80, s19  }
0xa40: {  	s23 =	sand.u32 $0x1C00, s19  }
0xa41: {  	s22 =	sand.u32 $0x70, s21;
	s21 =	sadd.s32 $0x10, s21;
	s23 =	sor.u32 s23, s17;
	v4 =	vadd.f32 v5, v4  }
0xa42: {  	s17 =	sor.u32 s22, s23  }
0xa43: {  	v5 =	vld [tilespmem:s17+$0x400];
	[tilespmem:s18+$0x10400] =	vst v4  }
0xa44: {  	v4 =	vld [tilespmem:s17+$0x10400]  }
0xa45: {  	s16 =	sadd.s32 $0x1, s16  }
0xa46: {  	p0 =	sne.s32 s16, $0x20  }
.Ltmp64:
0xa47: {  	_ = 	snop;
	(pc) =	sbr.rel @p0 .LBB2_128-.Ltmp64, $3  }
0xa48: {  	_ = 	snop  }
0xa49: {  	v4 =	vadd.f32 v5, v4;
	_ =	sdelay $0x1  }
0xa4a: {  	[tilespmem:s17+$0x10400] =	vst v4  }
0xa4b: {  	s16 =	sld [smem:$0x7FD];
	_ =	sdelay $0x1  }
0xa4c: {  	s15 =	simm.s32 $0x0  }
0xa4d: {  	[hbm4b:s16+s15] =	stream.linear.scatter [tilespmem:s20], [sflag:$0x4], $0x8000, $0x38;
	[tilespmem:$0x18500] =	vst v63  }
0xa4e: {  	_ =	swait.ge [sflag:s12], $0x8000  }
0xa4f: {  	[sflag:s12] =	ssyncset.done $0x0  }
0xa50: {  	[sflag:s12] =	ssyncadd.s32 $0xFFFF8000  }
0xa51: {  	_ =	swait.ge [sflag:s14], $0x8000  }
0xa52: {  	s22 =	sld [smem:$0x7E5]  }
0xa53: {  	s23 =	sld [smem:$0x7E8];
	_ =	sdelay $0x1  }
0xa54: {  	s16 =	sadd.s32 $0x1, s22  }
0xa55: {  	p0 =	sne.s32 s16, s23  }
.Ltmp65:
0xa56: {  	_ = 	snop;
	(pc) =	sbr.rel @p0 .LBB2_1-.Ltmp65, $3  }
0xa57: {  	_ =	sdelay $0x1  }
0xa58: {  	[sflag:s14] =	ssyncset.done $0x0  }
0xa59: {  	[sflag:s14] =	ssyncadd.s32 $0xFFFF8000  }
0xa5a: {  	_ =	sfence.sel $0x180000  }
0xa5b: {  	[bflag:$0x0] =	sbarrier.arrive $0xFFFF  }
0xa5c: {  	_ =	strace $0x90000047  }
0xa5d: {  	s0 =	stileid.u32;
	[bflag:$0x2] =	sbarrier.arrive $0xFFFF  }
0xa5e: {  	p0 =	sne.s32 s0, $0x0;
	s0 =	rddreg [dreg:$0x5]  }
0xa5f: {  	s0 =	sadd.s32 @!p0 $0x100000, s0  }
0xa60: {  	[sflag:s0] =	ssyncadd.tile.s32 @!p0 $0x1;
	_ =	shalt  }
.Lfunc_end2:
_tile_overlayer_lowered:
.L_overlay_start_2:
0xa61: {  	(tag) =	ssettag $0x2  }
0xa62: {  	s0 =	rddreg [dreg:$0x0];
	s2 =	stileid.u32  }
0xa63: {  	s1 =	rddreg [dreg:$0x1];
	p0 =	sne.s32 s2, $0x0  }
0xa64: {  	s3 =	rddreg [dreg:$0x2];
	[bflag:$0x3] =	sbarrier.arrive $0xFFFF;
	s2 =	simm.s32 @!p0 $0x1C05  }
0xa65: {  	[timem:s3], [sflag:s2] =	dma.local @!p0 [hbm:s0], s1  }
0xa66: {  	s0 =	simm.s32 @!p0 $0x5  }
0xa67: {  	_ =	swait.ge @!p0 [sflag:s0], s1  }
0xa68: {  	s1 =	ssub.s32 @!p0 $0x0, s1;
	[sflag:s0] =	ssyncset.done @!p0 $0x0  }
0xa69: {  	[sflag:s0] =	ssyncadd.s32 @!p0 s1  }
0xa6a: {  	[bflag:$0x3] =	sbarrier.arrive $0xFFFF  }
0xa6b: {  	_ =	shalt  }

</sc_bundles>
